<compile_context>
chip_gen: v7x
topology: tpu7x:2x2x1
jax: 0.10.2.dev20260603
libtpu: 0.0.44.dev20260713+nightly
codegen_flags: <defaults>
</compile_context>

<pallas_src>
import functools

import jax
import jax.numpy as jnp
from jax import lax
from jax.experimental import pallas as pl
from jax.experimental.pallas import tpu as pltpu
from jax.experimental.pallas import tpu_sc as plsc

_N = 10000
_H = 128
_E = 320000
_NET = 4
_NSTEPS = 3
_NCLS = 16

_NC = 2
_NS = 16
_NW = _NC * _NS
_K = 128
_NCHUNK = 79
_CHA = 105
_CHB = 53
_CHMAX = 105
_EPW = _NCHUNK * _K
_EPAD = _NW * _EPW
_NACC = 10112
_ZROW = _NACC // _NS
_OROW = _NACC // _NS

_CH = 4
_BN = 1000
_NB = _N // _BN



def _etyp_body(h_ref, wt_ref, b_ref, t_ref):
    t_ref[0] = (
        jnp.dot(h_ref[...], wt_ref[0], preferred_element_type=jnp.float32)
        + b_ref[0]
    )


def _etype_linear(h, wt, b3):
    return pl.pallas_call(
        _etyp_body,
        grid=(_NET, _NB),
        in_specs=[
            pl.BlockSpec((_BN, _H), lambda e, i: (i, 0)),
            pl.BlockSpec((1, _H, _H), lambda e, i: (e, 0, 0)),
            pl.BlockSpec((1, 1, _H), lambda e, i: (e, 0, 0)),
        ],
        out_specs=pl.BlockSpec((1, _BN, _H), lambda e, i: (e, i, 0)),
        out_shape=jax.ShapeDtypeStruct((_NET, _N, _H), jnp.float32),
    )(h, wt, b3)


def _gru_core(ap_ref, h_ref, wih_ref, whh_ref, bih_ref, bhh_ref):
    a = ap_ref[0] + ap_ref[1]
    h = h_ref[...]
    gi = jnp.dot(a, wih_ref[...], preferred_element_type=jnp.float32) + bih_ref[...]
    gh = jnp.dot(h, whh_ref[...], preferred_element_type=jnp.float32) + bhh_ref[...]
    r = jax.nn.sigmoid(gi[:, :_H] + gh[:, :_H])
    z = jax.nn.sigmoid(gi[:, _H:2 * _H] + gh[:, _H:2 * _H])
    n = jnp.tanh(gi[:, 2 * _H:] + r * gh[:, 2 * _H:])
    return (1.0 - z) * n + z * h


def _gru_body(ap_ref, h_ref, wih_ref, whh_ref, bih_ref, bhh_ref, o_ref):
    o_ref[...] = _gru_core(ap_ref, h_ref, wih_ref, whh_ref, bih_ref, bhh_ref)


def _gru(ap, h, wiht, whht, bih2, bhh2):
    return pl.pallas_call(
        _gru_body,
        grid=(_NB,),
        in_specs=[
            pl.BlockSpec((_NC, _BN, _H), lambda i: (0, i, 0)),
            pl.BlockSpec((_BN, _H), lambda i: (i, 0)),
            pl.BlockSpec((_H, 3 * _H), lambda i: (0, 0)),
            pl.BlockSpec((_H, 3 * _H), lambda i: (0, 0)),
            pl.BlockSpec((1, 3 * _H), lambda i: (0, 0)),
            pl.BlockSpec((1, 3 * _H), lambda i: (0, 0)),
        ],
        out_specs=pl.BlockSpec((_BN, _H), lambda i: (i, 0)),
        out_shape=jax.ShapeDtypeStruct((_N, _H), jnp.float32),
    )(ap, h, wiht, whht, bih2, bhh2)


def _gru_fused_body(ap_ref, h_ref, wih_ref, whh_ref, bih_ref, bhh_ref,
                    wt_ref, b_ref, o_ref, t_ref):
    hn = _gru_core(ap_ref, h_ref, wih_ref, whh_ref, bih_ref, bhh_ref)
    o_ref[...] = hn
    for e in range(_NET):
        t_ref[e] = (
            jnp.dot(hn, wt_ref[e], preferred_element_type=jnp.float32)
            + b_ref[e]
        )


def _gru_fused(ap, h, wiht, whht, bih2, bhh2, wt, b3):
    return pl.pallas_call(
        _gru_fused_body,
        grid=(_NB,),
        in_specs=[
            pl.BlockSpec((_NC, _BN, _H), lambda i: (0, i, 0)),
            pl.BlockSpec((_BN, _H), lambda i: (i, 0)),
            pl.BlockSpec((_H, 3 * _H), lambda i: (0, 0)),
            pl.BlockSpec((_H, 3 * _H), lambda i: (0, 0)),
            pl.BlockSpec((1, 3 * _H), lambda i: (0, 0)),
            pl.BlockSpec((1, 3 * _H), lambda i: (0, 0)),
            pl.BlockSpec((_NET, _H, _H), lambda i: (0, 0, 0)),
            pl.BlockSpec((_NET, 1, _H), lambda i: (0, 0, 0)),
        ],
        out_specs=(
            pl.BlockSpec((_BN, _H), lambda i: (i, 0)),
            pl.BlockSpec((_NET, _BN, _H), lambda i: (0, i, 0)),
        ),
        out_shape=(
            jax.ShapeDtypeStruct((_N, _H), jnp.float32),
            jax.ShapeDtypeStruct((_NET, _N, _H), jnp.float32),
        ),
    )(ap, h, wiht, whht, bih2, bhh2, wt, b3)


def _pool_body(h_ref, w_ref, b_ref, o_ref):
    pooled = jnp.mean(h_ref[...], axis=0, keepdims=True)
    o_ref[...] = (
        jnp.dot(pooled, w_ref[...], preferred_element_type=jnp.float32)
        + b_ref[...]
    )


def _pool_fc(h, fcwt, fcb2):
    return pl.pallas_call(
        _pool_body,
        out_shape=jax.ShapeDtypeStruct((1, _NCLS), jnp.float32),
    )(h, fcwt, fcb2)



@functools.cache
def _sc_message_pass_fn():
    mesh = plsc.VectorSubcoreMesh(core_axis_name="c", subcore_axis_name="s")

    @functools.partial(
        pl.kernel,
        mesh=mesh,
        out_type=jax.ShapeDtypeStruct((_NC, _NACC, _H), jnp.float32),
        scratch_types=[
            pltpu.VMEM((_K,), jnp.int32),
            pltpu.VMEM((_K,), jnp.int32),
            pltpu.VMEM((_K,), jnp.int32),
            pltpu.VMEM((_K,), jnp.int32),
            pltpu.VMEM((_K, _H), jnp.float32),
            pltpu.VMEM((_K, _H), jnp.float32),
            pltpu.VMEM_SHARED((_NACC, _H), jnp.float32),
            pltpu.VMEM_SHARED((_NS, _CHMAX * _K), jnp.int32),
            pltpu.SemaphoreType.DMA,
            pltpu.SemaphoreType.DMA,
            pltpu.SemaphoreType.DMA,
            pltpu.SemaphoreType.DMA,
        ],
    )
    def _sc_message_pass(t_hbm, gidx_hbm, didx_hbm, zeros_hbm, out_hbm,
                         gv, dv, gv1, dv1, rows, rows1, acc, idxsh,
                         semg0, semg1, sems0, sems1):
        c = lax.axis_index("c")
        s = lax.axis_index("s")
        wid = s * _NC + c
        pltpu.sync_copy(zeros_hbm.at[pl.ds(s * _ZROW, _ZROW)],
                        acc.at[pl.ds(s * _ZROW, _ZROW)])
        nch = jnp.where(c == 0, _CHA, _CHB)
        base = jnp.where(c == 0, s * _CHA, _NS * _CHA + s * _CHB) * _K
        pltpu.sync_copy(gidx_hbm.at[pl.ds(base, _CHMAX * _K)], idxsh.at[s])
        plsc.subcore_barrier()

        def chunk(j, gvb, dvb, rowsb, semg, sems, first):
            pltpu.sync_copy(idxsh.at[s, pl.ds(j * _K, _K)], gvb)
            if not first:
                pltpu.make_async_copy(rowsb, acc.at[dvb], sems).wait()
            cp = pltpu.async_copy(t_hbm.at[gvb], rowsb, semg)
            pltpu.sync_copy(didx_hbm.at[pl.ds(base + j * _K, _K)], dvb)
            cp.wait()
            pltpu.async_copy(rowsb, acc.at[dvb], sems, add=True)

        chunk(0, gv, dv, rows, semg0, sems0, True)
        chunk(1, gv1, dv1, rows1, semg1, sems1, True)

        def body(p, carry):
            chunk(2 * p, gv, dv, rows, semg0, sems0, False)
            chunk(2 * p + 1, gv1, dv1, rows1, semg1, sems1, False)
            return carry

        lax.fori_loop(1, nch // 2, body, 0)
        chunk(nch - 1, gv, dv, rows, semg0, sems0, False)
        pltpu.make_async_copy(rows, acc.at[dv], sems0).wait()
        pltpu.make_async_copy(rows1, acc.at[dv1], sems1).wait()
        plsc.subcore_barrier()
        pltpu.sync_copy(acc.at[pl.ds(s * _OROW, _OROW)],
                        out_hbm.at[c, pl.ds(s * _OROW, _OROW)])

    return _sc_message_pass



def kernel(node_features, edge_index, etypes, W0, b0, Wih0, Whh0, bih0, bhh0,
           W1, b1, Wih1, Whh1, bih1, bhh1, fcW, fcb):
    src = edge_index[0]
    dst = edge_index[1]
    gidx = etypes * _N + src
    pad = _EPAD - _E
    gidx = jnp.concatenate([gidx, jnp.zeros((pad,), jnp.int32)])
    didx = jnp.concatenate([dst, jnp.full((pad,), _N, jnp.int32)])
    zeros = jnp.zeros((_NACC, _H), jnp.float32)

    h = node_features
    layers = []
    for (W, b, Wih, Whh, bih, bhh) in (
        (W0, b0, Wih0, Whh0, bih0, bhh0),
        (W1, b1, Wih1, Whh1, bih1, bhh1),
    ):
        layers.append((jnp.transpose(W, (0, 2, 1)), b[:, None, :], Wih.T,
                       Whh.T, bih[None, :], bhh[None, :]))

    nsteps = 2 * _NSTEPS
    t = _etype_linear(h, layers[0][0], layers[0][1])
    for k in range(nsteps):
        wt, b3, wiht, whht, bih2, bhh2 = layers[k // _NSTEPS]
        ap = _sc_message_pass_fn()(t.reshape(_NET * _N, _H), gidx, didx, zeros)
        if k < nsteps - 1:
            nwt, nb3 = layers[(k + 1) // _NSTEPS][:2]
            h, t = _gru_fused(ap, h, wiht, whht, bih2, bhh2, nwt, nb3)
        else:
            h = _gru(ap, h, wiht, whht, bih2, bhh2)

    return _pool_fc(h, fcW.T, fcb[None, :])

# --- scband reference (transcript-rebuilt; emitter-appended) ---
"""Pipeline reference for scband-ggnn-fcmodel-79001628442641 (READ-ONLY COPY).

The authoritative reference and input builder live on the scoring server;
editing this copy changes nothing except your own understanding.
"""

import jax, jax.numpy as jnp
import numpy as np

N = 10000
E = 320000
H = 128
NETYPES = 4
NSTEPS = 3
NLAYERS = 2
NCLASSES = 16


def setup_inputs(seed: int = 0) -> dict:
    key = jax.random.key(seed)
    ks = jax.random.split(key, 32)
    inp = {}
    inp["node_features"] = jax.random.normal(ks[0], (N, H), dtype=jnp.float32)
    inp["edge_index"] = jax.random.randint(ks[1], (2, E), 0, N, dtype=jnp.int32)
    inp["etypes"] = jax.random.randint(ks[2], (E,), 0, NETYPES, dtype=jnp.int32)
    s = 1.0 / np.sqrt(H)
    ki = 3
    for l in range(NLAYERS):
        inp[f"W{l}"] = jax.random.uniform(ks[ki + 0], (NETYPES, H, H), minval=-s, maxval=s, dtype=jnp.float32)
        inp[f"b{l}"] = jax.random.uniform(ks[ki + 1], (NETYPES, H), minval=-s, maxval=s, dtype=jnp.float32)
        inp[f"Wih{l}"] = jax.random.uniform(ks[ki + 2], (3 * H, H), minval=-s, maxval=s, dtype=jnp.float32)
        inp[f"Whh{l}"] = jax.random.uniform(ks[ki + 3], (3 * H, H), minval=-s, maxval=s, dtype=jnp.float32)
        inp[f"bih{l}"] = jax.random.uniform(ks[ki + 4], (3 * H,), minval=-s, maxval=s, dtype=jnp.float32)
        inp[f"bhh{l}"] = jax.random.uniform(ks[ki + 5], (3 * H,), minval=-s, maxval=s, dtype=jnp.float32)
        ki += 6
    inp["fcW"] = jax.random.uniform(ks[ki + 0], (NCLASSES, H), minval=-s, maxval=s, dtype=jnp.float32)
    inp["fcb"] = jax.random.uniform(ks[ki + 1], (NCLASSES,), minval=-s, maxval=s, dtype=jnp.float32)
    return inp


def _gated_graph_conv(h, src, dst, etypes, W, b, Wih, Whh, bih, bhh):
    # DGL GatedGraphConv: n_steps of (per-etype linear + scatter-add message passing + GRUCell)
    Nn = h.shape[0]
    for _ in range(NSTEPS):
        a = jnp.zeros((Nn, H), dtype=h.dtype)
        for e in range(NETYPES):
            t = h @ W[e].T + b[e]
            mask = (etypes == e).astype(h.dtype)[:, None]
            msg = t[src] * mask
            a = a.at[dst].add(msg)
        # GRUCell (torch convention): gates split as [r; z; n]
        gi = a @ Wih.T + bih
        gh = h @ Whh.T + bhh
        i_r, i_z, i_n = jnp.split(gi, 3, axis=1)
        h_r, h_z, h_n = jnp.split(gh, 3, axis=1)
        r = jax.nn.sigmoid(i_r + h_r)
        z = jax.nn.sigmoid(i_z + h_z)
        n = jnp.tanh(i_n + r * h_n)
        h = (1.0 - z) * n + z * h
    return h


def reference(node_features, edge_index, etypes, W0, b0, Wih0, Whh0, bih0, bhh0, W1, b1, Wih1, Whh1, bih1, bhh1, fcW, fcb):
    src = edge_index[0]
    dst = edge_index[1]
    h = _gated_graph_conv(node_features, src, dst, etypes, W0, b0, Wih0, Whh0, bih0, bhh0)
    h = _gated_graph_conv(h, src, dst, etypes, W1, b1, Wih1, Whh1, bih1, bhh1)
    pooled = jnp.mean(h, axis=0, keepdims=True)
    logits = pooled @ fcW.T + fcb
    return logits

if __name__ == "__main__":
    import jax
    _d = setup_inputs()
    print(jax.jit(kernel)(*tuple(_d.values())))

</pallas_src>

<mosaic_0001>
#map = affine_map<(d0, d1) -> (0, 0)>
#map1 = affine_map<(d0, d1) -> (0)>
#map2 = affine_map<(d0, d1) -> (0, 0, 0)>
module attributes {stable_mosaic.version = 14 : i64} {
  func.func @_sc_message_pass(%arg0: i32, %arg1: i32, %arg2: memref<40000x128xf32, #tpu.memory_space<hbm>>, %arg3: memref<323584xi32, #tpu.memory_space<hbm>>, %arg4: memref<323584xi32, #tpu.memory_space<hbm>>, %arg5: memref<10112x128xf32, #tpu.memory_space<hbm>>, %arg6: memref<2x10112x128xf32, #tpu.memory_space<hbm>>, %arg7: memref<128xi32, #tpu.memory_space<vmem>>, %arg8: memref<128xi32, #tpu.memory_space<vmem>>, %arg9: memref<128xi32, #tpu.memory_space<vmem>>, %arg10: memref<128xi32, #tpu.memory_space<vmem>>, %arg11: memref<128x128xf32, #tpu.memory_space<vmem>>, %arg12: memref<128x128xf32, #tpu.memory_space<vmem>>, %arg13: memref<10112x128xf32, #tpu.memory_space<vmem_shared>>, %arg14: memref<16x13440xi32, #tpu.memory_space<vmem_shared>>, %arg15: memref<!tpu.dma_semaphore, #tpu.memory_space<semaphore_mem>>, %arg16: memref<!tpu.dma_semaphore, #tpu.memory_space<semaphore_mem>>, %arg17: memref<!tpu.dma_semaphore, #tpu.memory_space<semaphore_mem>>, %arg18: memref<!tpu.dma_semaphore, #tpu.memory_space<semaphore_mem>>) attributes {dimension_semantics = [#tpu.dimension_semantics<core_parallel>, #tpu.dimension_semantics<subcore_parallel>], iteration_bounds = array<i64: 2, 16>, scalar_prefetch = 0 : i64, scratch_operands = 12 : i64, tpu.core_type = #tpu.core_type<sc_vector_subcore>, window_params = [{transform_indices = #map}, {transform_indices = #map1}, {transform_indices = #map1}, {transform_indices = #map}, {transform_indices = #map2}]} {
    %mul3A = arith.constant 2 : i32
    %mul3A_0 = arith.muli %arg1, %mul3A : i32
    %add3A = arith.addi %mul3A_0, %arg0 : i32
    %mul3A_1 = arith.constant 632 : i32
    %mul3A_2 = arith.muli %arg1, %mul3A_1 : i32
    %mul3A_3 = arith.constant 632 : i32
    %mul3A_4 = arith.muli %arg1, %mul3A_3 : i32
    "tpu.region"() ({
      %run_scoped3A = tpu.sem_alloc : memref<!tpu.dma_semaphore, #tpu.memory_space<semaphore_mem>>
      %dma_start3A_95 = arith.constant 0 : i32
      %dma_start3A_96 = tpu.memref_slice %arg13[%mul3A_4, %dma_start3A_95] : memref<10112x128xf32, #tpu.memory_space<vmem_shared>> -> memref<632x128xf32, #tpu.memory_space<vmem_shared>>
      %dma_start3A_97 = arith.constant 0 : i32
      %dma_start3A_98 = tpu.memref_slice %arg5[%mul3A_2, %dma_start3A_97] : memref<10112x128xf32, #tpu.memory_space<hbm>> -> memref<632x128xf32, #tpu.memory_space<hbm>>
      tpu.enqueue_dma source(%dma_start3A_98 : memref<632x128xf32, #tpu.memory_space<hbm>>) target(%dma_start3A_96 : memref<632x128xf32, #tpu.memory_space<vmem_shared>>) target_semaphore(%run_scoped3A : memref<!tpu.dma_semaphore, #tpu.memory_space<semaphore_mem>>)
      %dma_wait3A_99 = arith.constant 0 : i32
      %dma_wait3A_100 = tpu.memref_slice %arg13[%mul3A_4, %dma_wait3A_99] : memref<10112x128xf32, #tpu.memory_space<vmem_shared>> -> memref<632x128xf32, #tpu.memory_space<vmem_shared>>
      %dma_wait3A_101 = arith.constant 0 : i32
      %dma_wait3A_102 = tpu.memref_slice %arg5[%mul3A_2, %dma_wait3A_101] : memref<10112x128xf32, #tpu.memory_space<hbm>> -> memref<632x128xf32, #tpu.memory_space<hbm>>
      tpu.wait_dma2 semaphore(%run_scoped3A : memref<!tpu.dma_semaphore, #tpu.memory_space<semaphore_mem>>) src(%dma_wait3A_102 : memref<632x128xf32, #tpu.memory_space<hbm>>) dst(%dma_wait3A_100 : memref<632x128xf32, #tpu.memory_space<vmem_shared>>)
      tpu.yield
    }) : () -> ()
    %eq3A = arith.constant 0 : i32
    %eq3A_5 = arith.cmpi eq, %arg0, %eq3A : i32
    %jit3A = arith.constant 105 : i32
    %jit3A_6 = arith.constant 53 : i32
    %select_n3A = arith.select %eq3A_5, %jit3A, %jit3A_6 : i32
    %eq3A_7 = arith.constant 0 : i32
    %eq3A_8 = arith.cmpi eq, %arg0, %eq3A_7 : i32
    %mul3A_9 = arith.constant 105 : i32
    %mul3A_10 = arith.muli %arg1, %mul3A_9 : i32
    %mul3A_11 = arith.constant 53 : i32
    %mul3A_12 = arith.muli %arg1, %mul3A_11 : i32
    %add3A_13 = arith.constant 1680 : i32
    %add3A_14 = arith.addi %add3A_13, %mul3A_12 : i32
    %select_n3A_15 = arith.select %eq3A_8, %mul3A_10, %add3A_14 : i32
    %mul3A_16 = arith.constant 128 : i32
    %mul3A_17 = arith.muli %select_n3A_15, %mul3A_16 : i32
    "tpu.region"() ({
      %run_scoped3A = tpu.sem_alloc : memref<!tpu.dma_semaphore, #tpu.memory_space<semaphore_mem>>
      %dma_start3A_95 = arith.constant 0 : i32
      %dma_start3A_96 = tpu.memref_slice %arg14[%arg1, %dma_start3A_95] : memref<16x13440xi32, #tpu.memory_space<vmem_shared>> -> memref<1x13440xi32, #tpu.memory_space<vmem_shared>>
      %dma_start3A_97 = tpu.memref_squeeze %dma_start3A_96 : memref<1x13440xi32, #tpu.memory_space<vmem_shared>> -> memref<13440xi32, #tpu.memory_space<vmem_shared>>
      %dma_start3A_98 = tpu.memref_slice %arg3[%mul3A_17] : memref<323584xi32, #tpu.memory_space<hbm>> -> memref<13440xi32, #tpu.memory_space<hbm>>
      tpu.enqueue_dma source(%dma_start3A_98 : memref<13440xi32, #tpu.memory_space<hbm>>) target(%dma_start3A_97 : memref<13440xi32, #tpu.memory_space<vmem_shared>>) target_semaphore(%run_scoped3A : memref<!tpu.dma_semaphore, #tpu.memory_space<semaphore_mem>>)
      %dma_wait3A_99 = arith.constant 0 : i32
      %dma_wait3A_100 = tpu.memref_slice %arg14[%arg1, %dma_wait3A_99] : memref<16x13440xi32, #tpu.memory_space<vmem_shared>> -> memref<1x13440xi32, #tpu.memory_space<vmem_shared>>
      %dma_wait3A_101 = tpu.memref_squeeze %dma_wait3A_100 : memref<1x13440xi32, #tpu.memory_space<vmem_shared>> -> memref<13440xi32, #tpu.memory_space<vmem_shared>>
      %dma_wait3A_102 = tpu.memref_slice %arg3[%mul3A_17] : memref<323584xi32, #tpu.memory_space<hbm>> -> memref<13440xi32, #tpu.memory_space<hbm>>
      tpu.wait_dma2 semaphore(%run_scoped3A : memref<!tpu.dma_semaphore, #tpu.memory_space<semaphore_mem>>) src(%dma_wait3A_102 : memref<13440xi32, #tpu.memory_space<hbm>>) dst(%dma_wait3A_101 : memref<13440xi32, #tpu.memory_space<vmem_shared>>)
      tpu.yield
    }) : () -> ()
    %barrier3A = arith.constant 0 : index
    tpu.barrier barrier_id(%barrier3A)
    "tpu.region"() ({
      %run_scoped3A = tpu.sem_alloc : memref<!tpu.dma_semaphore, #tpu.memory_space<semaphore_mem>>
      %dma_start3A_95 = arith.constant 0 : i32
      %dma_start3A_96 = tpu.memref_slice %arg14[%arg1, %dma_start3A_95] : memref<16x13440xi32, #tpu.memory_space<vmem_shared>> -> memref<1x128xi32, #tpu.memory_space<vmem_shared>>
      %dma_start3A_97 = tpu.memref_squeeze %dma_start3A_96 : memref<1x128xi32, #tpu.memory_space<vmem_shared>> -> memref<128xi32, #tpu.memory_space<vmem_shared>>
      %dma_start3A_98 = arith.constant 0 : i32
      %dma_start3A_99 = tpu.memref_slice %arg14[%arg1, %dma_start3A_98] : memref<16x13440xi32, #tpu.memory_space<vmem_shared>> -> memref<1x128xi32, #tpu.memory_space<vmem_shared>>
      %dma_start3A_100 = tpu.memref_squeeze %dma_start3A_99 : memref<1x128xi32, #tpu.memory_space<vmem_shared>> -> memref<128xi32, #tpu.memory_space<vmem_shared>>
      tpu.enqueue_dma source(%dma_start3A_100 : memref<128xi32, #tpu.memory_space<vmem_shared>>) target(%arg7 : memref<128xi32, #tpu.memory_space<vmem>>) target_semaphore(%run_scoped3A : memref<!tpu.dma_semaphore, #tpu.memory_space<semaphore_mem>>)
      %dma_wait3A_101 = arith.constant 0 : i32
      %dma_wait3A_102 = tpu.memref_slice %arg14[%arg1, %dma_wait3A_101] : memref<16x13440xi32, #tpu.memory_space<vmem_shared>> -> memref<1x128xi32, #tpu.memory_space<vmem_shared>>
      %dma_wait3A_103 = tpu.memref_squeeze %dma_wait3A_102 : memref<1x128xi32, #tpu.memory_space<vmem_shared>> -> memref<128xi32, #tpu.memory_space<vmem_shared>>
      %dma_wait3A_104 = arith.constant 0 : i32
      %dma_wait3A_105 = tpu.memref_slice %arg14[%arg1, %dma_wait3A_104] : memref<16x13440xi32, #tpu.memory_space<vmem_shared>> -> memref<1x128xi32, #tpu.memory_space<vmem_shared>>
      %dma_wait3A_106 = tpu.memref_squeeze %dma_wait3A_105 : memref<1x128xi32, #tpu.memory_space<vmem_shared>> -> memref<128xi32, #tpu.memory_space<vmem_shared>>
      tpu.wait_dma2 semaphore(%run_scoped3A : memref<!tpu.dma_semaphore, #tpu.memory_space<semaphore_mem>>) src(%dma_wait3A_106 : memref<128xi32, #tpu.memory_space<vmem_shared>>) dst(%arg7 : memref<128xi32, #tpu.memory_space<vmem>>)
      tpu.yield
    }) : () -> ()
    %dma_start3A = arith.constant 0 : i32
    %dma_start3A_18 = arith.constant 0 : i32
    %dma_start3A_19 = tpu.memref_slice %arg2[%dma_start3A, %dma_start3A_18] : memref<40000x128xf32, #tpu.memory_space<hbm>> -> memref<40000x128xf32, #tpu.memory_space<hbm>>
    tpu.enqueue_indirect_dma source(%dma_start3A_19 : memref<40000x128xf32, #tpu.memory_space<hbm>>) target(%arg11 : memref<128x128xf32, #tpu.memory_space<vmem>>) offsets(%arg7 : memref<128xi32, #tpu.memory_space<vmem>>) semaphore(%arg15 : memref<!tpu.dma_semaphore, #tpu.memory_space<semaphore_mem>>)
    %add3A_20 = arith.constant 0 : i32
    %add3A_21 = arith.addi %mul3A_17, %add3A_20 : i32
    "tpu.region"() ({
      %run_scoped3A = tpu.sem_alloc : memref<!tpu.dma_semaphore, #tpu.memory_space<semaphore_mem>>
      %dma_start3A_95 = tpu.memref_slice %arg4[%add3A_21] : memref<323584xi32, #tpu.memory_space<hbm>> -> memref<128xi32, #tpu.memory_space<hbm>>
      %dma_start3A_96 = tpu.memref_slice %arg4[%add3A_21] : memref<323584xi32, #tpu.memory_space<hbm>> -> memref<128xi32, #tpu.memory_space<hbm>>
      tpu.enqueue_dma source(%dma_start3A_96 : memref<128xi32, #tpu.memory_space<hbm>>) target(%arg8 : memref<128xi32, #tpu.memory_space<vmem>>) target_semaphore(%run_scoped3A : memref<!tpu.dma_semaphore, #tpu.memory_space<semaphore_mem>>)
      %dma_wait3A_97 = tpu.memref_slice %arg4[%add3A_21] : memref<323584xi32, #tpu.memory_space<hbm>> -> memref<128xi32, #tpu.memory_space<hbm>>
      %dma_wait3A_98 = tpu.memref_slice %arg4[%add3A_21] : memref<323584xi32, #tpu.memory_space<hbm>> -> memref<128xi32, #tpu.memory_space<hbm>>
      tpu.wait_dma2 semaphore(%run_scoped3A : memref<!tpu.dma_semaphore, #tpu.memory_space<semaphore_mem>>) src(%dma_wait3A_98 : memref<128xi32, #tpu.memory_space<hbm>>) dst(%arg8 : memref<128xi32, #tpu.memory_space<vmem>>)
      tpu.yield
    }) : () -> ()
    %dma_wait3A = arith.constant 0 : i32
    %dma_wait3A_22 = arith.constant 0 : i32
    %dma_wait3A_23 = tpu.memref_slice %arg2[%dma_wait3A, %dma_wait3A_22] : memref<40000x128xf32, #tpu.memory_space<hbm>> -> memref<40000x128xf32, #tpu.memory_space<hbm>>
    tpu.wait_indirect_dma semaphore(%arg15 : memref<!tpu.dma_semaphore, #tpu.memory_space<semaphore_mem>>) src(%dma_wait3A_23 : memref<40000x128xf32, #tpu.memory_space<hbm>>) dst(%arg11 : memref<128x128xf32, #tpu.memory_space<vmem>>)
    %dma_start3A_24 = arith.constant 0 : i32
    %dma_start3A_25 = arith.constant 0 : i32
    %dma_start3A_26 = tpu.memref_slice %arg13[%dma_start3A_24, %dma_start3A_25] : memref<10112x128xf32, #tpu.memory_space<vmem_shared>> -> memref<10112x128xf32, #tpu.memory_space<vmem_shared>>
    tpu.enqueue_indirect_dma source(%arg11 : memref<128x128xf32, #tpu.memory_space<vmem>>) target(%dma_start3A_26 : memref<10112x128xf32, #tpu.memory_space<vmem_shared>>) offsets(%arg8 : memref<128xi32, #tpu.memory_space<vmem>>) semaphore(%arg17 : memref<!tpu.dma_semaphore, #tpu.memory_space<semaphore_mem>>) {add = true}
    "tpu.region"() ({
      %run_scoped3A = tpu.sem_alloc : memref<!tpu.dma_semaphore, #tpu.memory_space<semaphore_mem>>
      %dma_start3A_95 = arith.constant 128 : i32
      %dma_start3A_96 = tpu.memref_slice %arg14[%arg1, %dma_start3A_95] : memref<16x13440xi32, #tpu.memory_space<vmem_shared>> -> memref<1x128xi32, #tpu.memory_space<vmem_shared>>
      %dma_start3A_97 = tpu.memref_squeeze %dma_start3A_96 : memref<1x128xi32, #tpu.memory_space<vmem_shared>> -> memref<128xi32, #tpu.memory_space<vmem_shared>>
      %dma_start3A_98 = arith.constant 128 : i32
      %dma_start3A_99 = tpu.memref_slice %arg14[%arg1, %dma_start3A_98] : memref<16x13440xi32, #tpu.memory_space<vmem_shared>> -> memref<1x128xi32, #tpu.memory_space<vmem_shared>>
      %dma_start3A_100 = tpu.memref_squeeze %dma_start3A_99 : memref<1x128xi32, #tpu.memory_space<vmem_shared>> -> memref<128xi32, #tpu.memory_space<vmem_shared>>
      tpu.enqueue_dma source(%dma_start3A_100 : memref<128xi32, #tpu.memory_space<vmem_shared>>) target(%arg9 : memref<128xi32, #tpu.memory_space<vmem>>) target_semaphore(%run_scoped3A : memref<!tpu.dma_semaphore, #tpu.memory_space<semaphore_mem>>)
      %dma_wait3A_101 = arith.constant 128 : i32
      %dma_wait3A_102 = tpu.memref_slice %arg14[%arg1, %dma_wait3A_101] : memref<16x13440xi32, #tpu.memory_space<vmem_shared>> -> memref<1x128xi32, #tpu.memory_space<vmem_shared>>
      %dma_wait3A_103 = tpu.memref_squeeze %dma_wait3A_102 : memref<1x128xi32, #tpu.memory_space<vmem_shared>> -> memref<128xi32, #tpu.memory_space<vmem_shared>>
      %dma_wait3A_104 = arith.constant 128 : i32
      %dma_wait3A_105 = tpu.memref_slice %arg14[%arg1, %dma_wait3A_104] : memref<16x13440xi32, #tpu.memory_space<vmem_shared>> -> memref<1x128xi32, #tpu.memory_space<vmem_shared>>
      %dma_wait3A_106 = tpu.memref_squeeze %dma_wait3A_105 : memref<1x128xi32, #tpu.memory_space<vmem_shared>> -> memref<128xi32, #tpu.memory_space<vmem_shared>>
      tpu.wait_dma2 semaphore(%run_scoped3A : memref<!tpu.dma_semaphore, #tpu.memory_space<semaphore_mem>>) src(%dma_wait3A_106 : memref<128xi32, #tpu.memory_space<vmem_shared>>) dst(%arg9 : memref<128xi32, #tpu.memory_space<vmem>>)
      tpu.yield
    }) : () -> ()
    %dma_start3A_27 = arith.constant 0 : i32
    %dma_start3A_28 = arith.constant 0 : i32
    %dma_start3A_29 = tpu.memref_slice %arg2[%dma_start3A_27, %dma_start3A_28] : memref<40000x128xf32, #tpu.memory_space<hbm>> -> memref<40000x128xf32, #tpu.memory_space<hbm>>
    tpu.enqueue_indirect_dma source(%dma_start3A_29 : memref<40000x128xf32, #tpu.memory_space<hbm>>) target(%arg12 : memref<128x128xf32, #tpu.memory_space<vmem>>) offsets(%arg9 : memref<128xi32, #tpu.memory_space<vmem>>) semaphore(%arg16 : memref<!tpu.dma_semaphore, #tpu.memory_space<semaphore_mem>>)
    %add3A_30 = arith.constant 128 : i32
    %add3A_31 = arith.addi %mul3A_17, %add3A_30 : i32
    "tpu.region"() ({
      %run_scoped3A = tpu.sem_alloc : memref<!tpu.dma_semaphore, #tpu.memory_space<semaphore_mem>>
      %dma_start3A_95 = tpu.memref_slice %arg4[%add3A_31] : memref<323584xi32, #tpu.memory_space<hbm>> -> memref<128xi32, #tpu.memory_space<hbm>>
      %dma_start3A_96 = tpu.memref_slice %arg4[%add3A_31] : memref<323584xi32, #tpu.memory_space<hbm>> -> memref<128xi32, #tpu.memory_space<hbm>>
      tpu.enqueue_dma source(%dma_start3A_96 : memref<128xi32, #tpu.memory_space<hbm>>) target(%arg10 : memref<128xi32, #tpu.memory_space<vmem>>) target_semaphore(%run_scoped3A : memref<!tpu.dma_semaphore, #tpu.memory_space<semaphore_mem>>)
      %dma_wait3A_97 = tpu.memref_slice %arg4[%add3A_31] : memref<323584xi32, #tpu.memory_space<hbm>> -> memref<128xi32, #tpu.memory_space<hbm>>
      %dma_wait3A_98 = tpu.memref_slice %arg4[%add3A_31] : memref<323584xi32, #tpu.memory_space<hbm>> -> memref<128xi32, #tpu.memory_space<hbm>>
      tpu.wait_dma2 semaphore(%run_scoped3A : memref<!tpu.dma_semaphore, #tpu.memory_space<semaphore_mem>>) src(%dma_wait3A_98 : memref<128xi32, #tpu.memory_space<hbm>>) dst(%arg10 : memref<128xi32, #tpu.memory_space<vmem>>)
      tpu.yield
    }) : () -> ()
    %dma_wait3A_32 = arith.constant 0 : i32
    %dma_wait3A_33 = arith.constant 0 : i32
    %dma_wait3A_34 = tpu.memref_slice %arg2[%dma_wait3A_32, %dma_wait3A_33] : memref<40000x128xf32, #tpu.memory_space<hbm>> -> memref<40000x128xf32, #tpu.memory_space<hbm>>
    tpu.wait_indirect_dma semaphore(%arg16 : memref<!tpu.dma_semaphore, #tpu.memory_space<semaphore_mem>>) src(%dma_wait3A_34 : memref<40000x128xf32, #tpu.memory_space<hbm>>) dst(%arg12 : memref<128x128xf32, #tpu.memory_space<vmem>>)
    %dma_start3A_35 = arith.constant 0 : i32
    %dma_start3A_36 = arith.constant 0 : i32
    %dma_start3A_37 = tpu.memref_slice %arg13[%dma_start3A_35, %dma_start3A_36] : memref<10112x128xf32, #tpu.memory_space<vmem_shared>> -> memref<10112x128xf32, #tpu.memory_space<vmem_shared>>
    tpu.enqueue_indirect_dma source(%arg12 : memref<128x128xf32, #tpu.memory_space<vmem>>) target(%dma_start3A_37 : memref<10112x128xf32, #tpu.memory_space<vmem_shared>>) offsets(%arg10 : memref<128xi32, #tpu.memory_space<vmem>>) semaphore(%arg18 : memref<!tpu.dma_semaphore, #tpu.memory_space<semaphore_mem>>) {add = true}
    %jit3A_38 = arith.constant 2 : i32
    %div3A = arith.divsi %select_n3A, %jit3A_38 : i32
    %sign3A = arith.constant 0 : i32
    %sign3A_39 = arith.cmpi sgt, %select_n3A, %sign3A : i32
    %sign3A_40 = arith.extui %sign3A_39 : i1 to i32
    %sign3A_41 = arith.constant 0 : i32
    %sign3A_42 = arith.cmpi slt, %select_n3A, %sign3A_41 : i32
    %sign3A_43 = arith.extui %sign3A_42 : i1 to i32
    %sign3A_44 = arith.subi %sign3A_40, %sign3A_43 : i32
    %sign3A_45 = arith.constant 0 : i32
    %sign3A_46 = arith.cmpi sgt, %jit3A_38, %sign3A_45 : i32
    %sign3A_47 = arith.extui %sign3A_46 : i1 to i32
    %sign3A_48 = arith.constant 0 : i32
    %sign3A_49 = arith.cmpi slt, %jit3A_38, %sign3A_48 : i32
    %sign3A_50 = arith.extui %sign3A_49 : i1 to i32
    %sign3A_51 = arith.subi %sign3A_47, %sign3A_50 : i32
    %ne3A = arith.cmpi ne, %sign3A_44, %sign3A_51 : i32
    %rem3A = arith.remsi %select_n3A, %jit3A_38 : i32
    %ne3A_52 = arith.constant 0 : i32
    %ne3A_53 = arith.cmpi ne, %rem3A, %ne3A_52 : i32
    %and3A = arith.andi %ne3A, %ne3A_53 : i1
    %sub3A = arith.constant 1 : i32
    %sub3A_54 = arith.subi %div3A, %sub3A : i32
    %select_n3A_55 = arith.select %and3A, %sub3A_54, %div3A : i32
    %while3A = arith.constant 0 : i32
    %while3A_56 = arith.constant 1 : i32
    %while3A_57 = arith.subi %select_n3A_55, %while3A_56 : i32
    %while3A_58 = arith.addi %while3A_56, %while3A_57 : i32
    %while3A_59 = arith.constant 1 : i32
    %while3A_60 = arith.divsi %while3A_57, %while3A_59 : i32
    %while3A_61 = arith.muli %while3A_60, %while3A_59 : i32
    %while3A_62 = arith.addi %while3A_56, %while3A_61 : i32
    %while3A_63 = arith.constant 1 : i32
    scf.for %while3A_95 = %while3A_56 to %while3A_62 step %while3A_63  : i32 {
      %mul3A_96 = arith.constant 2 : i32
      %mul3A_97 = arith.muli %mul3A_96, %while3A_95 : i32
      %mul3A_98 = arith.constant 128 : i32
      %mul3A_99 = arith.muli %mul3A_97, %mul3A_98 : i32
      "tpu.region"() ({
        %run_scoped3A = tpu.sem_alloc : memref<!tpu.dma_semaphore, #tpu.memory_space<semaphore_mem>>
        %dma_start3A_136 = tpu.memref_slice %arg14[%arg1, %mul3A_99] : memref<16x13440xi32, #tpu.memory_space<vmem_shared>> -> memref<1x128xi32, #tpu.memory_space<vmem_shared>>
        %dma_start3A_137 = tpu.memref_squeeze %dma_start3A_136 : memref<1x128xi32, #tpu.memory_space<vmem_shared>> -> memref<128xi32, #tpu.memory_space<vmem_shared>>
        %dma_start3A_138 = tpu.memref_slice %arg14[%arg1, %mul3A_99] : memref<16x13440xi32, #tpu.memory_space<vmem_shared>> -> memref<1x128xi32, #tpu.memory_space<vmem_shared>>
        %dma_start3A_139 = tpu.memref_squeeze %dma_start3A_138 : memref<1x128xi32, #tpu.memory_space<vmem_shared>> -> memref<128xi32, #tpu.memory_space<vmem_shared>>
        tpu.enqueue_dma source(%dma_start3A_139 : memref<128xi32, #tpu.memory_space<vmem_shared>>) target(%arg7 : memref<128xi32, #tpu.memory_space<vmem>>) target_semaphore(%run_scoped3A : memref<!tpu.dma_semaphore, #tpu.memory_space<semaphore_mem>>)
        %dma_wait3A_140 = tpu.memref_slice %arg14[%arg1, %mul3A_99] : memref<16x13440xi32, #tpu.memory_space<vmem_shared>> -> memref<1x128xi32, #tpu.memory_space<vmem_shared>>
        %dma_wait3A_141 = tpu.memref_squeeze %dma_wait3A_140 : memref<1x128xi32, #tpu.memory_space<vmem_shared>> -> memref<128xi32, #tpu.memory_space<vmem_shared>>
        %dma_wait3A_142 = tpu.memref_slice %arg14[%arg1, %mul3A_99] : memref<16x13440xi32, #tpu.memory_space<vmem_shared>> -> memref<1x128xi32, #tpu.memory_space<vmem_shared>>
        %dma_wait3A_143 = tpu.memref_squeeze %dma_wait3A_142 : memref<1x128xi32, #tpu.memory_space<vmem_shared>> -> memref<128xi32, #tpu.memory_space<vmem_shared>>
        tpu.wait_dma2 semaphore(%run_scoped3A : memref<!tpu.dma_semaphore, #tpu.memory_space<semaphore_mem>>) src(%dma_wait3A_143 : memref<128xi32, #tpu.memory_space<vmem_shared>>) dst(%arg7 : memref<128xi32, #tpu.memory_space<vmem>>)
        tpu.yield
      }) : () -> ()
      %dma_wait3A_100 = arith.constant 0 : i32
      %dma_wait3A_101 = arith.constant 0 : i32
      %dma_wait3A_102 = tpu.memref_slice %arg13[%dma_wait3A_100, %dma_wait3A_101] : memref<10112x128xf32, #tpu.memory_space<vmem_shared>> -> memref<10112x128xf32, #tpu.memory_space<vmem_shared>>
      tpu.wait_indirect_dma semaphore(%arg17 : memref<!tpu.dma_semaphore, #tpu.memory_space<semaphore_mem>>) src(%arg11 : memref<128x128xf32, #tpu.memory_space<vmem>>) dst(%dma_wait3A_102 : memref<10112x128xf32, #tpu.memory_space<vmem_shared>>)
      %dma_start3A_103 = arith.constant 0 : i32
      %dma_start3A_104 = arith.constant 0 : i32
      %dma_start3A_105 = tpu.memref_slice %arg2[%dma_start3A_103, %dma_start3A_104] : memref<40000x128xf32, #tpu.memory_space<hbm>> -> memref<40000x128xf32, #tpu.memory_space<hbm>>
      tpu.enqueue_indirect_dma source(%dma_start3A_105 : memref<40000x128xf32, #tpu.memory_space<hbm>>) target(%arg11 : memref<128x128xf32, #tpu.memory_space<vmem>>) offsets(%arg7 : memref<128xi32, #tpu.memory_space<vmem>>) semaphore(%arg15 : memref<!tpu.dma_semaphore, #tpu.memory_space<semaphore_mem>>)
      %mul3A_106 = arith.constant 128 : i32
      %mul3A_107 = arith.muli %mul3A_97, %mul3A_106 : i32
      %add3A_108 = arith.addi %mul3A_17, %mul3A_107 : i32
      "tpu.region"() ({
        %run_scoped3A = tpu.sem_alloc : memref<!tpu.dma_semaphore, #tpu.memory_space<semaphore_mem>>
        %dma_start3A_136 = tpu.memref_slice %arg4[%add3A_108] : memref<323584xi32, #tpu.memory_space<hbm>> -> memref<128xi32, #tpu.memory_space<hbm>>
        %dma_start3A_137 = tpu.memref_slice %arg4[%add3A_108] : memref<323584xi32, #tpu.memory_space<hbm>> -> memref<128xi32, #tpu.memory_space<hbm>>
        tpu.enqueue_dma source(%dma_start3A_137 : memref<128xi32, #tpu.memory_space<hbm>>) target(%arg8 : memref<128xi32, #tpu.memory_space<vmem>>) target_semaphore(%run_scoped3A : memref<!tpu.dma_semaphore, #tpu.memory_space<semaphore_mem>>)
        %dma_wait3A_138 = tpu.memref_slice %arg4[%add3A_108] : memref<323584xi32, #tpu.memory_space<hbm>> -> memref<128xi32, #tpu.memory_space<hbm>>
        %dma_wait3A_139 = tpu.memref_slice %arg4[%add3A_108] : memref<323584xi32, #tpu.memory_space<hbm>> -> memref<128xi32, #tpu.memory_space<hbm>>
        tpu.wait_dma2 semaphore(%run_scoped3A : memref<!tpu.dma_semaphore, #tpu.memory_space<semaphore_mem>>) src(%dma_wait3A_139 : memref<128xi32, #tpu.memory_space<hbm>>) dst(%arg8 : memref<128xi32, #tpu.memory_space<vmem>>)
        tpu.yield
      }) : () -> ()
      %dma_wait3A_109 = arith.constant 0 : i32
      %dma_wait3A_110 = arith.constant 0 : i32
      %dma_wait3A_111 = tpu.memref_slice %arg2[%dma_wait3A_109, %dma_wait3A_110] : memref<40000x128xf32, #tpu.memory_space<hbm>> -> memref<40000x128xf32, #tpu.memory_space<hbm>>
      tpu.wait_indirect_dma semaphore(%arg15 : memref<!tpu.dma_semaphore, #tpu.memory_space<semaphore_mem>>) src(%dma_wait3A_111 : memref<40000x128xf32, #tpu.memory_space<hbm>>) dst(%arg11 : memref<128x128xf32, #tpu.memory_space<vmem>>)
      %dma_start3A_112 = arith.constant 0 : i32
      %dma_start3A_113 = arith.constant 0 : i32
      %dma_start3A_114 = tpu.memref_slice %arg13[%dma_start3A_112, %dma_start3A_113] : memref<10112x128xf32, #tpu.memory_space<vmem_shared>> -> memref<10112x128xf32, #tpu.memory_space<vmem_shared>>
      tpu.enqueue_indirect_dma source(%arg11 : memref<128x128xf32, #tpu.memory_space<vmem>>) target(%dma_start3A_114 : memref<10112x128xf32, #tpu.memory_space<vmem_shared>>) offsets(%arg8 : memref<128xi32, #tpu.memory_space<vmem>>) semaphore(%arg17 : memref<!tpu.dma_semaphore, #tpu.memory_space<semaphore_mem>>) {add = true}
      %mul3A_115 = arith.constant 2 : i32
      %mul3A_116 = arith.muli %mul3A_115, %while3A_95 : i32
      %add3A_117 = arith.constant 1 : i32
      %add3A_118 = arith.addi %mul3A_116, %add3A_117 : i32
      %mul3A_119 = arith.constant 128 : i32
      %mul3A_120 = arith.muli %add3A_118, %mul3A_119 : i32
      "tpu.region"() ({
        %run_scoped3A = tpu.sem_alloc : memref<!tpu.dma_semaphore, #tpu.memory_space<semaphore_mem>>
        %dma_start3A_136 = tpu.memref_slice %arg14[%arg1, %mul3A_120] : memref<16x13440xi32, #tpu.memory_space<vmem_shared>> -> memref<1x128xi32, #tpu.memory_space<vmem_shared>>
        %dma_start3A_137 = tpu.memref_squeeze %dma_start3A_136 : memref<1x128xi32, #tpu.memory_space<vmem_shared>> -> memref<128xi32, #tpu.memory_space<vmem_shared>>
        %dma_start3A_138 = tpu.memref_slice %arg14[%arg1, %mul3A_120] : memref<16x13440xi32, #tpu.memory_space<vmem_shared>> -> memref<1x128xi32, #tpu.memory_space<vmem_shared>>
        %dma_start3A_139 = tpu.memref_squeeze %dma_start3A_138 : memref<1x128xi32, #tpu.memory_space<vmem_shared>> -> memref<128xi32, #tpu.memory_space<vmem_shared>>
        tpu.enqueue_dma source(%dma_start3A_139 : memref<128xi32, #tpu.memory_space<vmem_shared>>) target(%arg9 : memref<128xi32, #tpu.memory_space<vmem>>) target_semaphore(%run_scoped3A : memref<!tpu.dma_semaphore, #tpu.memory_space<semaphore_mem>>)
        %dma_wait3A_140 = tpu.memref_slice %arg14[%arg1, %mul3A_120] : memref<16x13440xi32, #tpu.memory_space<vmem_shared>> -> memref<1x128xi32, #tpu.memory_space<vmem_shared>>
        %dma_wait3A_141 = tpu.memref_squeeze %dma_wait3A_140 : memref<1x128xi32, #tpu.memory_space<vmem_shared>> -> memref<128xi32, #tpu.memory_space<vmem_shared>>
        %dma_wait3A_142 = tpu.memref_slice %arg14[%arg1, %mul3A_120] : memref<16x13440xi32, #tpu.memory_space<vmem_shared>> -> memref<1x128xi32, #tpu.memory_space<vmem_shared>>
        %dma_wait3A_143 = tpu.memref_squeeze %dma_wait3A_142 : memref<1x128xi32, #tpu.memory_space<vmem_shared>> -> memref<128xi32, #tpu.memory_space<vmem_shared>>
        tpu.wait_dma2 semaphore(%run_scoped3A : memref<!tpu.dma_semaphore, #tpu.memory_space<semaphore_mem>>) src(%dma_wait3A_143 : memref<128xi32, #tpu.memory_space<vmem_shared>>) dst(%arg9 : memref<128xi32, #tpu.memory_space<vmem>>)
        tpu.yield
      }) : () -> ()
      %dma_wait3A_121 = arith.constant 0 : i32
      %dma_wait3A_122 = arith.constant 0 : i32
      %dma_wait3A_123 = tpu.memref_slice %arg13[%dma_wait3A_121, %dma_wait3A_122] : memref<10112x128xf32, #tpu.memory_space<vmem_shared>> -> memref<10112x128xf32, #tpu.memory_space<vmem_shared>>
      tpu.wait_indirect_dma semaphore(%arg18 : memref<!tpu.dma_semaphore, #tpu.memory_space<semaphore_mem>>) src(%arg12 : memref<128x128xf32, #tpu.memory_space<vmem>>) dst(%dma_wait3A_123 : memref<10112x128xf32, #tpu.memory_space<vmem_shared>>)
      %dma_start3A_124 = arith.constant 0 : i32
      %dma_start3A_125 = arith.constant 0 : i32
      %dma_start3A_126 = tpu.memref_slice %arg2[%dma_start3A_124, %dma_start3A_125] : memref<40000x128xf32, #tpu.memory_space<hbm>> -> memref<40000x128xf32, #tpu.memory_space<hbm>>
      tpu.enqueue_indirect_dma source(%dma_start3A_126 : memref<40000x128xf32, #tpu.memory_space<hbm>>) target(%arg12 : memref<128x128xf32, #tpu.memory_space<vmem>>) offsets(%arg9 : memref<128xi32, #tpu.memory_space<vmem>>) semaphore(%arg16 : memref<!tpu.dma_semaphore, #tpu.memory_space<semaphore_mem>>)
      %mul3A_127 = arith.constant 128 : i32
      %mul3A_128 = arith.muli %add3A_118, %mul3A_127 : i32
      %add3A_129 = arith.addi %mul3A_17, %mul3A_128 : i32
      "tpu.region"() ({
        %run_scoped3A = tpu.sem_alloc : memref<!tpu.dma_semaphore, #tpu.memory_space<semaphore_mem>>
        %dma_start3A_136 = tpu.memref_slice %arg4[%add3A_129] : memref<323584xi32, #tpu.memory_space<hbm>> -> memref<128xi32, #tpu.memory_space<hbm>>
        %dma_start3A_137 = tpu.memref_slice %arg4[%add3A_129] : memref<323584xi32, #tpu.memory_space<hbm>> -> memref<128xi32, #tpu.memory_space<hbm>>
        tpu.enqueue_dma source(%dma_start3A_137 : memref<128xi32, #tpu.memory_space<hbm>>) target(%arg10 : memref<128xi32, #tpu.memory_space<vmem>>) target_semaphore(%run_scoped3A : memref<!tpu.dma_semaphore, #tpu.memory_space<semaphore_mem>>)
        %dma_wait3A_138 = tpu.memref_slice %arg4[%add3A_129] : memref<323584xi32, #tpu.memory_space<hbm>> -> memref<128xi32, #tpu.memory_space<hbm>>
        %dma_wait3A_139 = tpu.memref_slice %arg4[%add3A_129] : memref<323584xi32, #tpu.memory_space<hbm>> -> memref<128xi32, #tpu.memory_space<hbm>>
        tpu.wait_dma2 semaphore(%run_scoped3A : memref<!tpu.dma_semaphore, #tpu.memory_space<semaphore_mem>>) src(%dma_wait3A_139 : memref<128xi32, #tpu.memory_space<hbm>>) dst(%arg10 : memref<128xi32, #tpu.memory_space<vmem>>)
        tpu.yield
      }) : () -> ()
      %dma_wait3A_130 = arith.constant 0 : i32
      %dma_wait3A_131 = arith.constant 0 : i32
      %dma_wait3A_132 = tpu.memref_slice %arg2[%dma_wait3A_130, %dma_wait3A_131] : memref<40000x128xf32, #tpu.memory_space<hbm>> -> memref<40000x128xf32, #tpu.memory_space<hbm>>
      tpu.wait_indirect_dma semaphore(%arg16 : memref<!tpu.dma_semaphore, #tpu.memory_space<semaphore_mem>>) src(%dma_wait3A_132 : memref<40000x128xf32, #tpu.memory_space<hbm>>) dst(%arg12 : memref<128x128xf32, #tpu.memory_space<vmem>>)
      %dma_start3A_133 = arith.constant 0 : i32
      %dma_start3A_134 = arith.constant 0 : i32
      %dma_start3A_135 = tpu.memref_slice %arg13[%dma_start3A_133, %dma_start3A_134] : memref<10112x128xf32, #tpu.memory_space<vmem_shared>> -> memref<10112x128xf32, #tpu.memory_space<vmem_shared>>
      tpu.enqueue_indirect_dma source(%arg12 : memref<128x128xf32, #tpu.memory_space<vmem>>) target(%dma_start3A_135 : memref<10112x128xf32, #tpu.memory_space<vmem_shared>>) offsets(%arg10 : memref<128xi32, #tpu.memory_space<vmem>>) semaphore(%arg18 : memref<!tpu.dma_semaphore, #tpu.memory_space<semaphore_mem>>) {add = true}
    }
    %while3A_64 = arith.constant 1 : i32
    scf.for %while3A_95 = %while3A_62 to %while3A_58 step %while3A_64  : i32 {
      %mul3A_96 = arith.constant 2 : i32
      %mul3A_97 = arith.muli %mul3A_96, %while3A_95 : i32
      %mul3A_98 = arith.constant 128 : i32
      %mul3A_99 = arith.muli %mul3A_97, %mul3A_98 : i32
      "tpu.region"() ({
        %run_scoped3A = tpu.sem_alloc : memref<!tpu.dma_semaphore, #tpu.memory_space<semaphore_mem>>
        %dma_start3A_136 = tpu.memref_slice %arg14[%arg1, %mul3A_99] : memref<16x13440xi32, #tpu.memory_space<vmem_shared>> -> memref<1x128xi32, #tpu.memory_space<vmem_shared>>
        %dma_start3A_137 = tpu.memref_squeeze %dma_start3A_136 : memref<1x128xi32, #tpu.memory_space<vmem_shared>> -> memref<128xi32, #tpu.memory_space<vmem_shared>>
        %dma_start3A_138 = tpu.memref_slice %arg14[%arg1, %mul3A_99] : memref<16x13440xi32, #tpu.memory_space<vmem_shared>> -> memref<1x128xi32, #tpu.memory_space<vmem_shared>>
        %dma_start3A_139 = tpu.memref_squeeze %dma_start3A_138 : memref<1x128xi32, #tpu.memory_space<vmem_shared>> -> memref<128xi32, #tpu.memory_space<vmem_shared>>
        tpu.enqueue_dma source(%dma_start3A_139 : memref<128xi32, #tpu.memory_space<vmem_shared>>) target(%arg7 : memref<128xi32, #tpu.memory_space<vmem>>) target_semaphore(%run_scoped3A : memref<!tpu.dma_semaphore, #tpu.memory_space<semaphore_mem>>)
        %dma_wait3A_140 = tpu.memref_slice %arg14[%arg1, %mul3A_99] : memref<16x13440xi32, #tpu.memory_space<vmem_shared>> -> memref<1x128xi32, #tpu.memory_space<vmem_shared>>
        %dma_wait3A_141 = tpu.memref_squeeze %dma_wait3A_140 : memref<1x128xi32, #tpu.memory_space<vmem_shared>> -> memref<128xi32, #tpu.memory_space<vmem_shared>>
        %dma_wait3A_142 = tpu.memref_slice %arg14[%arg1, %mul3A_99] : memref<16x13440xi32, #tpu.memory_space<vmem_shared>> -> memref<1x128xi32, #tpu.memory_space<vmem_shared>>
        %dma_wait3A_143 = tpu.memref_squeeze %dma_wait3A_142 : memref<1x128xi32, #tpu.memory_space<vmem_shared>> -> memref<128xi32, #tpu.memory_space<vmem_shared>>
        tpu.wait_dma2 semaphore(%run_scoped3A : memref<!tpu.dma_semaphore, #tpu.memory_space<semaphore_mem>>) src(%dma_wait3A_143 : memref<128xi32, #tpu.memory_space<vmem_shared>>) dst(%arg7 : memref<128xi32, #tpu.memory_space<vmem>>)
        tpu.yield
      }) : () -> ()
      %dma_wait3A_100 = arith.constant 0 : i32
      %dma_wait3A_101 = arith.constant 0 : i32
      %dma_wait3A_102 = tpu.memref_slice %arg13[%dma_wait3A_100, %dma_wait3A_101] : memref<10112x128xf32, #tpu.memory_space<vmem_shared>> -> memref<10112x128xf32, #tpu.memory_space<vmem_shared>>
      tpu.wait_indirect_dma semaphore(%arg17 : memref<!tpu.dma_semaphore, #tpu.memory_space<semaphore_mem>>) src(%arg11 : memref<128x128xf32, #tpu.memory_space<vmem>>) dst(%dma_wait3A_102 : memref<10112x128xf32, #tpu.memory_space<vmem_shared>>)
      %dma_start3A_103 = arith.constant 0 : i32
      %dma_start3A_104 = arith.constant 0 : i32
      %dma_start3A_105 = tpu.memref_slice %arg2[%dma_start3A_103, %dma_start3A_104] : memref<40000x128xf32, #tpu.memory_space<hbm>> -> memref<40000x128xf32, #tpu.memory_space<hbm>>
      tpu.enqueue_indirect_dma source(%dma_start3A_105 : memref<40000x128xf32, #tpu.memory_space<hbm>>) target(%arg11 : memref<128x128xf32, #tpu.memory_space<vmem>>) offsets(%arg7 : memref<128xi32, #tpu.memory_space<vmem>>) semaphore(%arg15 : memref<!tpu.dma_semaphore, #tpu.memory_space<semaphore_mem>>)
      %mul3A_106 = arith.constant 128 : i32
      %mul3A_107 = arith.muli %mul3A_97, %mul3A_106 : i32
      %add3A_108 = arith.addi %mul3A_17, %mul3A_107 : i32
      "tpu.region"() ({
        %run_scoped3A = tpu.sem_alloc : memref<!tpu.dma_semaphore, #tpu.memory_space<semaphore_mem>>
        %dma_start3A_136 = tpu.memref_slice %arg4[%add3A_108] : memref<323584xi32, #tpu.memory_space<hbm>> -> memref<128xi32, #tpu.memory_space<hbm>>
        %dma_start3A_137 = tpu.memref_slice %arg4[%add3A_108] : memref<323584xi32, #tpu.memory_space<hbm>> -> memref<128xi32, #tpu.memory_space<hbm>>
        tpu.enqueue_dma source(%dma_start3A_137 : memref<128xi32, #tpu.memory_space<hbm>>) target(%arg8 : memref<128xi32, #tpu.memory_space<vmem>>) target_semaphore(%run_scoped3A : memref<!tpu.dma_semaphore, #tpu.memory_space<semaphore_mem>>)
        %dma_wait3A_138 = tpu.memref_slice %arg4[%add3A_108] : memref<323584xi32, #tpu.memory_space<hbm>> -> memref<128xi32, #tpu.memory_space<hbm>>
        %dma_wait3A_139 = tpu.memref_slice %arg4[%add3A_108] : memref<323584xi32, #tpu.memory_space<hbm>> -> memref<128xi32, #tpu.memory_space<hbm>>
        tpu.wait_dma2 semaphore(%run_scoped3A : memref<!tpu.dma_semaphore, #tpu.memory_space<semaphore_mem>>) src(%dma_wait3A_139 : memref<128xi32, #tpu.memory_space<hbm>>) dst(%arg8 : memref<128xi32, #tpu.memory_space<vmem>>)
        tpu.yield
      }) : () -> ()
      %dma_wait3A_109 = arith.constant 0 : i32
      %dma_wait3A_110 = arith.constant 0 : i32
      %dma_wait3A_111 = tpu.memref_slice %arg2[%dma_wait3A_109, %dma_wait3A_110] : memref<40000x128xf32, #tpu.memory_space<hbm>> -> memref<40000x128xf32, #tpu.memory_space<hbm>>
      tpu.wait_indirect_dma semaphore(%arg15 : memref<!tpu.dma_semaphore, #tpu.memory_space<semaphore_mem>>) src(%dma_wait3A_111 : memref<40000x128xf32, #tpu.memory_space<hbm>>) dst(%arg11 : memref<128x128xf32, #tpu.memory_space<vmem>>)
      %dma_start3A_112 = arith.constant 0 : i32
      %dma_start3A_113 = arith.constant 0 : i32
      %dma_start3A_114 = tpu.memref_slice %arg13[%dma_start3A_112, %dma_start3A_113] : memref<10112x128xf32, #tpu.memory_space<vmem_shared>> -> memref<10112x128xf32, #tpu.memory_space<vmem_shared>>
      tpu.enqueue_indirect_dma source(%arg11 : memref<128x128xf32, #tpu.memory_space<vmem>>) target(%dma_start3A_114 : memref<10112x128xf32, #tpu.memory_space<vmem_shared>>) offsets(%arg8 : memref<128xi32, #tpu.memory_space<vmem>>) semaphore(%arg17 : memref<!tpu.dma_semaphore, #tpu.memory_space<semaphore_mem>>) {add = true}
      %mul3A_115 = arith.constant 2 : i32
      %mul3A_116 = arith.muli %mul3A_115, %while3A_95 : i32
      %add3A_117 = arith.constant 1 : i32
      %add3A_118 = arith.addi %mul3A_116, %add3A_117 : i32
      %mul3A_119 = arith.constant 128 : i32
      %mul3A_120 = arith.muli %add3A_118, %mul3A_119 : i32
      "tpu.region"() ({
        %run_scoped3A = tpu.sem_alloc : memref<!tpu.dma_semaphore, #tpu.memory_space<semaphore_mem>>
        %dma_start3A_136 = tpu.memref_slice %arg14[%arg1, %mul3A_120] : memref<16x13440xi32, #tpu.memory_space<vmem_shared>> -> memref<1x128xi32, #tpu.memory_space<vmem_shared>>
        %dma_start3A_137 = tpu.memref_squeeze %dma_start3A_136 : memref<1x128xi32, #tpu.memory_space<vmem_shared>> -> memref<128xi32, #tpu.memory_space<vmem_shared>>
        %dma_start3A_138 = tpu.memref_slice %arg14[%arg1, %mul3A_120] : memref<16x13440xi32, #tpu.memory_space<vmem_shared>> -> memref<1x128xi32, #tpu.memory_space<vmem_shared>>
        %dma_start3A_139 = tpu.memref_squeeze %dma_start3A_138 : memref<1x128xi32, #tpu.memory_space<vmem_shared>> -> memref<128xi32, #tpu.memory_space<vmem_shared>>
        tpu.enqueue_dma source(%dma_start3A_139 : memref<128xi32, #tpu.memory_space<vmem_shared>>) target(%arg9 : memref<128xi32, #tpu.memory_space<vmem>>) target_semaphore(%run_scoped3A : memref<!tpu.dma_semaphore, #tpu.memory_space<semaphore_mem>>)
        %dma_wait3A_140 = tpu.memref_slice %arg14[%arg1, %mul3A_120] : memref<16x13440xi32, #tpu.memory_space<vmem_shared>> -> memref<1x128xi32, #tpu.memory_space<vmem_shared>>
        %dma_wait3A_141 = tpu.memref_squeeze %dma_wait3A_140 : memref<1x128xi32, #tpu.memory_space<vmem_shared>> -> memref<128xi32, #tpu.memory_space<vmem_shared>>
        %dma_wait3A_142 = tpu.memref_slice %arg14[%arg1, %mul3A_120] : memref<16x13440xi32, #tpu.memory_space<vmem_shared>> -> memref<1x128xi32, #tpu.memory_space<vmem_shared>>
        %dma_wait3A_143 = tpu.memref_squeeze %dma_wait3A_142 : memref<1x128xi32, #tpu.memory_space<vmem_shared>> -> memref<128xi32, #tpu.memory_space<vmem_shared>>
        tpu.wait_dma2 semaphore(%run_scoped3A : memref<!tpu.dma_semaphore, #tpu.memory_space<semaphore_mem>>) src(%dma_wait3A_143 : memref<128xi32, #tpu.memory_space<vmem_shared>>) dst(%arg9 : memref<128xi32, #tpu.memory_space<vmem>>)
        tpu.yield
      }) : () -> ()
      %dma_wait3A_121 = arith.constant 0 : i32
      %dma_wait3A_122 = arith.constant 0 : i32
      %dma_wait3A_123 = tpu.memref_slice %arg13[%dma_wait3A_121, %dma_wait3A_122] : memref<10112x128xf32, #tpu.memory_space<vmem_shared>> -> memref<10112x128xf32, #tpu.memory_space<vmem_shared>>
      tpu.wait_indirect_dma semaphore(%arg18 : memref<!tpu.dma_semaphore, #tpu.memory_space<semaphore_mem>>) src(%arg12 : memref<128x128xf32, #tpu.memory_space<vmem>>) dst(%dma_wait3A_123 : memref<10112x128xf32, #tpu.memory_space<vmem_shared>>)
      %dma_start3A_124 = arith.constant 0 : i32
      %dma_start3A_125 = arith.constant 0 : i32
      %dma_start3A_126 = tpu.memref_slice %arg2[%dma_start3A_124, %dma_start3A_125] : memref<40000x128xf32, #tpu.memory_space<hbm>> -> memref<40000x128xf32, #tpu.memory_space<hbm>>
      tpu.enqueue_indirect_dma source(%dma_start3A_126 : memref<40000x128xf32, #tpu.memory_space<hbm>>) target(%arg12 : memref<128x128xf32, #tpu.memory_space<vmem>>) offsets(%arg9 : memref<128xi32, #tpu.memory_space<vmem>>) semaphore(%arg16 : memref<!tpu.dma_semaphore, #tpu.memory_space<semaphore_mem>>)
      %mul3A_127 = arith.constant 128 : i32
      %mul3A_128 = arith.muli %add3A_118, %mul3A_127 : i32
      %add3A_129 = arith.addi %mul3A_17, %mul3A_128 : i32
      "tpu.region"() ({
        %run_scoped3A = tpu.sem_alloc : memref<!tpu.dma_semaphore, #tpu.memory_space<semaphore_mem>>
        %dma_start3A_136 = tpu.memref_slice %arg4[%add3A_129] : memref<323584xi32, #tpu.memory_space<hbm>> -> memref<128xi32, #tpu.memory_space<hbm>>
        %dma_start3A_137 = tpu.memref_slice %arg4[%add3A_129] : memref<323584xi32, #tpu.memory_space<hbm>> -> memref<128xi32, #tpu.memory_space<hbm>>
        tpu.enqueue_dma source(%dma_start3A_137 : memref<128xi32, #tpu.memory_space<hbm>>) target(%arg10 : memref<128xi32, #tpu.memory_space<vmem>>) target_semaphore(%run_scoped3A : memref<!tpu.dma_semaphore, #tpu.memory_space<semaphore_mem>>)
        %dma_wait3A_138 = tpu.memref_slice %arg4[%add3A_129] : memref<323584xi32, #tpu.memory_space<hbm>> -> memref<128xi32, #tpu.memory_space<hbm>>
        %dma_wait3A_139 = tpu.memref_slice %arg4[%add3A_129] : memref<323584xi32, #tpu.memory_space<hbm>> -> memref<128xi32, #tpu.memory_space<hbm>>
        tpu.wait_dma2 semaphore(%run_scoped3A : memref<!tpu.dma_semaphore, #tpu.memory_space<semaphore_mem>>) src(%dma_wait3A_139 : memref<128xi32, #tpu.memory_space<hbm>>) dst(%arg10 : memref<128xi32, #tpu.memory_space<vmem>>)
        tpu.yield
      }) : () -> ()
      %dma_wait3A_130 = arith.constant 0 : i32
      %dma_wait3A_131 = arith.constant 0 : i32
      %dma_wait3A_132 = tpu.memref_slice %arg2[%dma_wait3A_130, %dma_wait3A_131] : memref<40000x128xf32, #tpu.memory_space<hbm>> -> memref<40000x128xf32, #tpu.memory_space<hbm>>
      tpu.wait_indirect_dma semaphore(%arg16 : memref<!tpu.dma_semaphore, #tpu.memory_space<semaphore_mem>>) src(%dma_wait3A_132 : memref<40000x128xf32, #tpu.memory_space<hbm>>) dst(%arg12 : memref<128x128xf32, #tpu.memory_space<vmem>>)
      %dma_start3A_133 = arith.constant 0 : i32
      %dma_start3A_134 = arith.constant 0 : i32
      %dma_start3A_135 = tpu.memref_slice %arg13[%dma_start3A_133, %dma_start3A_134] : memref<10112x128xf32, #tpu.memory_space<vmem_shared>> -> memref<10112x128xf32, #tpu.memory_space<vmem_shared>>
      tpu.enqueue_indirect_dma source(%arg12 : memref<128x128xf32, #tpu.memory_space<vmem>>) target(%dma_start3A_135 : memref<10112x128xf32, #tpu.memory_space<vmem_shared>>) offsets(%arg10 : memref<128xi32, #tpu.memory_space<vmem>>) semaphore(%arg18 : memref<!tpu.dma_semaphore, #tpu.memory_space<semaphore_mem>>) {add = true}
    }
    %sub3A_65 = arith.constant 1 : i32
    %sub3A_66 = arith.subi %select_n3A, %sub3A_65 : i32
    %mul3A_67 = arith.constant 128 : i32
    %mul3A_68 = arith.muli %sub3A_66, %mul3A_67 : i32
    "tpu.region"() ({
      %run_scoped3A = tpu.sem_alloc : memref<!tpu.dma_semaphore, #tpu.memory_space<semaphore_mem>>
      %dma_start3A_95 = tpu.memref_slice %arg14[%arg1, %mul3A_68] : memref<16x13440xi32, #tpu.memory_space<vmem_shared>> -> memref<1x128xi32, #tpu.memory_space<vmem_shared>>
      %dma_start3A_96 = tpu.memref_squeeze %dma_start3A_95 : memref<1x128xi32, #tpu.memory_space<vmem_shared>> -> memref<128xi32, #tpu.memory_space<vmem_shared>>
      %dma_start3A_97 = tpu.memref_slice %arg14[%arg1, %mul3A_68] : memref<16x13440xi32, #tpu.memory_space<vmem_shared>> -> memref<1x128xi32, #tpu.memory_space<vmem_shared>>
      %dma_start3A_98 = tpu.memref_squeeze %dma_start3A_97 : memref<1x128xi32, #tpu.memory_space<vmem_shared>> -> memref<128xi32, #tpu.memory_space<vmem_shared>>
      tpu.enqueue_dma source(%dma_start3A_98 : memref<128xi32, #tpu.memory_space<vmem_shared>>) target(%arg7 : memref<128xi32, #tpu.memory_space<vmem>>) target_semaphore(%run_scoped3A : memref<!tpu.dma_semaphore, #tpu.memory_space<semaphore_mem>>)
      %dma_wait3A_99 = tpu.memref_slice %arg14[%arg1, %mul3A_68] : memref<16x13440xi32, #tpu.memory_space<vmem_shared>> -> memref<1x128xi32, #tpu.memory_space<vmem_shared>>
      %dma_wait3A_100 = tpu.memref_squeeze %dma_wait3A_99 : memref<1x128xi32, #tpu.memory_space<vmem_shared>> -> memref<128xi32, #tpu.memory_space<vmem_shared>>
      %dma_wait3A_101 = tpu.memref_slice %arg14[%arg1, %mul3A_68] : memref<16x13440xi32, #tpu.memory_space<vmem_shared>> -> memref<1x128xi32, #tpu.memory_space<vmem_shared>>
      %dma_wait3A_102 = tpu.memref_squeeze %dma_wait3A_101 : memref<1x128xi32, #tpu.memory_space<vmem_shared>> -> memref<128xi32, #tpu.memory_space<vmem_shared>>
      tpu.wait_dma2 semaphore(%run_scoped3A : memref<!tpu.dma_semaphore, #tpu.memory_space<semaphore_mem>>) src(%dma_wait3A_102 : memref<128xi32, #tpu.memory_space<vmem_shared>>) dst(%arg7 : memref<128xi32, #tpu.memory_space<vmem>>)
      tpu.yield
    }) : () -> ()
    %dma_wait3A_69 = arith.constant 0 : i32
    %dma_wait3A_70 = arith.constant 0 : i32
    %dma_wait3A_71 = tpu.memref_slice %arg13[%dma_wait3A_69, %dma_wait3A_70] : memref<10112x128xf32, #tpu.memory_space<vmem_shared>> -> memref<10112x128xf32, #tpu.memory_space<vmem_shared>>
    tpu.wait_indirect_dma semaphore(%arg17 : memref<!tpu.dma_semaphore, #tpu.memory_space<semaphore_mem>>) src(%arg11 : memref<128x128xf32, #tpu.memory_space<vmem>>) dst(%dma_wait3A_71 : memref<10112x128xf32, #tpu.memory_space<vmem_shared>>)
    %dma_start3A_72 = arith.constant 0 : i32
    %dma_start3A_73 = arith.constant 0 : i32
    %dma_start3A_74 = tpu.memref_slice %arg2[%dma_start3A_72, %dma_start3A_73] : memref<40000x128xf32, #tpu.memory_space<hbm>> -> memref<40000x128xf32, #tpu.memory_space<hbm>>
    tpu.enqueue_indirect_dma source(%dma_start3A_74 : memref<40000x128xf32, #tpu.memory_space<hbm>>) target(%arg11 : memref<128x128xf32, #tpu.memory_space<vmem>>) offsets(%arg7 : memref<128xi32, #tpu.memory_space<vmem>>) semaphore(%arg15 : memref<!tpu.dma_semaphore, #tpu.memory_space<semaphore_mem>>)
    %mul3A_75 = arith.constant 128 : i32
    %mul3A_76 = arith.muli %sub3A_66, %mul3A_75 : i32
    %add3A_77 = arith.addi %mul3A_17, %mul3A_76 : i32
    "tpu.region"() ({
      %run_scoped3A = tpu.sem_alloc : memref<!tpu.dma_semaphore, #tpu.memory_space<semaphore_mem>>
      %dma_start3A_95 = tpu.memref_slice %arg4[%add3A_77] : memref<323584xi32, #tpu.memory_space<hbm>> -> memref<128xi32, #tpu.memory_space<hbm>>
      %dma_start3A_96 = tpu.memref_slice %arg4[%add3A_77] : memref<323584xi32, #tpu.memory_space<hbm>> -> memref<128xi32, #tpu.memory_space<hbm>>
      tpu.enqueue_dma source(%dma_start3A_96 : memref<128xi32, #tpu.memory_space<hbm>>) target(%arg8 : memref<128xi32, #tpu.memory_space<vmem>>) target_semaphore(%run_scoped3A : memref<!tpu.dma_semaphore, #tpu.memory_space<semaphore_mem>>)
      %dma_wait3A_97 = tpu.memref_slice %arg4[%add3A_77] : memref<323584xi32, #tpu.memory_space<hbm>> -> memref<128xi32, #tpu.memory_space<hbm>>
      %dma_wait3A_98 = tpu.memref_slice %arg4[%add3A_77] : memref<323584xi32, #tpu.memory_space<hbm>> -> memref<128xi32, #tpu.memory_space<hbm>>
      tpu.wait_dma2 semaphore(%run_scoped3A : memref<!tpu.dma_semaphore, #tpu.memory_space<semaphore_mem>>) src(%dma_wait3A_98 : memref<128xi32, #tpu.memory_space<hbm>>) dst(%arg8 : memref<128xi32, #tpu.memory_space<vmem>>)
      tpu.yield
    }) : () -> ()
    %dma_wait3A_78 = arith.constant 0 : i32
    %dma_wait3A_79 = arith.constant 0 : i32
    %dma_wait3A_80 = tpu.memref_slice %arg2[%dma_wait3A_78, %dma_wait3A_79] : memref<40000x128xf32, #tpu.memory_space<hbm>> -> memref<40000x128xf32, #tpu.memory_space<hbm>>
    tpu.wait_indirect_dma semaphore(%arg15 : memref<!tpu.dma_semaphore, #tpu.memory_space<semaphore_mem>>) src(%dma_wait3A_80 : memref<40000x128xf32, #tpu.memory_space<hbm>>) dst(%arg11 : memref<128x128xf32, #tpu.memory_space<vmem>>)
    %dma_start3A_81 = arith.constant 0 : i32
    %dma_start3A_82 = arith.constant 0 : i32
    %dma_start3A_83 = tpu.memref_slice %arg13[%dma_start3A_81, %dma_start3A_82] : memref<10112x128xf32, #tpu.memory_space<vmem_shared>> -> memref<10112x128xf32, #tpu.memory_space<vmem_shared>>
    tpu.enqueue_indirect_dma source(%arg11 : memref<128x128xf32, #tpu.memory_space<vmem>>) target(%dma_start3A_83 : memref<10112x128xf32, #tpu.memory_space<vmem_shared>>) offsets(%arg8 : memref<128xi32, #tpu.memory_space<vmem>>) semaphore(%arg17 : memref<!tpu.dma_semaphore, #tpu.memory_space<semaphore_mem>>) {add = true}
    %dma_wait3A_84 = arith.constant 0 : i32
    %dma_wait3A_85 = arith.constant 0 : i32
    %dma_wait3A_86 = tpu.memref_slice %arg13[%dma_wait3A_84, %dma_wait3A_85] : memref<10112x128xf32, #tpu.memory_space<vmem_shared>> -> memref<10112x128xf32, #tpu.memory_space<vmem_shared>>
    tpu.wait_indirect_dma semaphore(%arg17 : memref<!tpu.dma_semaphore, #tpu.memory_space<semaphore_mem>>) src(%arg11 : memref<128x128xf32, #tpu.memory_space<vmem>>) dst(%dma_wait3A_86 : memref<10112x128xf32, #tpu.memory_space<vmem_shared>>)
    %dma_wait3A_87 = arith.constant 0 : i32
    %dma_wait3A_88 = arith.constant 0 : i32
    %dma_wait3A_89 = tpu.memref_slice %arg13[%dma_wait3A_87, %dma_wait3A_88] : memref<10112x128xf32, #tpu.memory_space<vmem_shared>> -> memref<10112x128xf32, #tpu.memory_space<vmem_shared>>
    tpu.wait_indirect_dma semaphore(%arg18 : memref<!tpu.dma_semaphore, #tpu.memory_space<semaphore_mem>>) src(%arg12 : memref<128x128xf32, #tpu.memory_space<vmem>>) dst(%dma_wait3A_89 : memref<10112x128xf32, #tpu.memory_space<vmem_shared>>)
    %barrier3A_90 = arith.constant 0 : index
    tpu.barrier barrier_id(%barrier3A_90)
    %mul3A_91 = arith.constant 632 : i32
    %mul3A_92 = arith.muli %arg1, %mul3A_91 : i32
    %mul3A_93 = arith.constant 632 : i32
    %mul3A_94 = arith.muli %arg1, %mul3A_93 : i32
    "tpu.region"() ({
      %run_scoped3A = tpu.sem_alloc : memref<!tpu.dma_semaphore, #tpu.memory_space<semaphore_mem>>
      %dma_start3A_95 = arith.constant 0 : i32
      %dma_start3A_96 = tpu.memref_slice %arg6[%arg0, %mul3A_94, %dma_start3A_95] : memref<2x10112x128xf32, #tpu.memory_space<hbm>> -> memref<1x632x128xf32, #tpu.memory_space<hbm>>
      %dma_start3A_97 = tpu.memref_squeeze %dma_start3A_96 : memref<1x632x128xf32, #tpu.memory_space<hbm>> -> memref<632x128xf32, #tpu.memory_space<hbm>>
      %dma_start3A_98 = arith.constant 0 : i32
      %dma_start3A_99 = tpu.memref_slice %arg13[%mul3A_92, %dma_start3A_98] : memref<10112x128xf32, #tpu.memory_space<vmem_shared>> -> memref<632x128xf32, #tpu.memory_space<vmem_shared>>
      tpu.enqueue_dma source(%dma_start3A_99 : memref<632x128xf32, #tpu.memory_space<vmem_shared>>) target(%dma_start3A_97 : memref<632x128xf32, #tpu.memory_space<hbm>>) target_semaphore(%run_scoped3A : memref<!tpu.dma_semaphore, #tpu.memory_space<semaphore_mem>>)
      %dma_wait3A_100 = arith.constant 0 : i32
      %dma_wait3A_101 = tpu.memref_slice %arg6[%arg0, %mul3A_94, %dma_wait3A_100] : memref<2x10112x128xf32, #tpu.memory_space<hbm>> -> memref<1x632x128xf32, #tpu.memory_space<hbm>>
      %dma_wait3A_102 = tpu.memref_squeeze %dma_wait3A_101 : memref<1x632x128xf32, #tpu.memory_space<hbm>> -> memref<632x128xf32, #tpu.memory_space<hbm>>
      %dma_wait3A_103 = arith.constant 0 : i32
      %dma_wait3A_104 = tpu.memref_slice %arg13[%mul3A_92, %dma_wait3A_103] : memref<10112x128xf32, #tpu.memory_space<vmem_shared>> -> memref<632x128xf32, #tpu.memory_space<vmem_shared>>
      tpu.wait_dma2 semaphore(%run_scoped3A : memref<!tpu.dma_semaphore, #tpu.memory_space<semaphore_mem>>) src(%dma_wait3A_104 : memref<632x128xf32, #tpu.memory_space<vmem_shared>>) dst(%dma_wait3A_102 : memref<632x128xf32, #tpu.memory_space<hbm>>)
      tpu.yield
    }) : () -> ()
    return
  }
}

#map = affine_map<(d0, d1) -> (0, 0)>
#map1 = affine_map<(d0, d1) -> (0)>
#map2 = affine_map<(d0, d1) -> (0, 0, 0)>
module attributes {stable_mosaic.version = 14 : i64} {
  func.func @_sc_message_pass(%arg0: i32, %arg1: i32, %arg2: memref<40000x128xf32, #tpu.memory_space<hbm>>, %arg3: memref<323584xi32, #tpu.memory_space<hbm>>, %arg4: memref<323584xi32, #tpu.memory_space<hbm>>, %arg5: memref<10112x128xf32, #tpu.memory_space<hbm>>, %arg6: memref<2x10112x128xf32, #tpu.memory_space<hbm>>, %arg7: memref<128xi32, #tpu.memory_space<vmem>>, %arg8: memref<128xi32, #tpu.memory_space<vmem>>, %arg9: memref<128xi32, #tpu.memory_space<vmem>>, %arg10: memref<128xi32, #tpu.memory_space<vmem>>, %arg11: memref<128x128xf32, #tpu.memory_space<vmem>>, %arg12: memref<128x128xf32, #tpu.memory_space<vmem>>, %arg13: memref<10112x128xf32, #tpu.memory_space<vmem_shared>>, %arg14: memref<16x13440xi32, #tpu.memory_space<vmem_shared>>, %arg15: memref<!tpu.dma_semaphore, #tpu.memory_space<semaphore_mem>>, %arg16: memref<!tpu.dma_semaphore, #tpu.memory_space<semaphore_mem>>, %arg17: memref<!tpu.dma_semaphore, #tpu.memory_space<semaphore_mem>>, %arg18: memref<!tpu.dma_semaphore, #tpu.memory_space<semaphore_mem>>) attributes {dimension_semantics = [#tpu.dimension_semantics<core_parallel>, #tpu.dimension_semantics<subcore_parallel>], iteration_bounds = array<i64: 2, 16>, scalar_prefetch = 0 : i64, scratch_operands = 12 : i64, tpu.core_type = #tpu.core_type<sc_vector_subcore>, window_params = [{transform_indices = #map}, {transform_indices = #map1}, {transform_indices = #map1}, {transform_indices = #map}, {transform_indices = #map2}]} {
    %mul3A = arith.constant 2 : i32
    %mul3A_0 = arith.muli %arg1, %mul3A : i32
    %add3A = arith.addi %mul3A_0, %arg0 : i32
    %mul3A_1 = arith.constant 632 : i32
    %mul3A_2 = arith.muli %arg1, %mul3A_1 : i32
    %mul3A_3 = arith.constant 632 : i32
    %mul3A_4 = arith.muli %arg1, %mul3A_3 : i32
    "tpu.region"() ({
      %run_scoped3A = tpu.sem_alloc : memref<!tpu.dma_semaphore, #tpu.memory_space<semaphore_mem>>
      %dma_start3A_95 = arith.constant 0 : i32
      %dma_start3A_96 = tpu.memref_slice %arg13[%mul3A_4, %dma_start3A_95] : memref<10112x128xf32, #tpu.memory_space<vmem_shared>> -> memref<632x128xf32, #tpu.memory_space<vmem_shared>>
      %dma_start3A_97 = arith.constant 0 : i32
      %dma_start3A_98 = tpu.memref_slice %arg5[%mul3A_2, %dma_start3A_97] : memref<10112x128xf32, #tpu.memory_space<hbm>> -> memref<632x128xf32, #tpu.memory_space<hbm>>
      tpu.enqueue_dma source(%dma_start3A_98 : memref<632x128xf32, #tpu.memory_space<hbm>>) target(%dma_start3A_96 : memref<632x128xf32, #tpu.memory_space<vmem_shared>>) target_semaphore(%run_scoped3A : memref<!tpu.dma_semaphore, #tpu.memory_space<semaphore_mem>>)
      %dma_wait3A_99 = arith.constant 0 : i32
      %dma_wait3A_100 = tpu.memref_slice %arg13[%mul3A_4, %dma_wait3A_99] : memref<10112x128xf32, #tpu.memory_space<vmem_shared>> -> memref<632x128xf32, #tpu.memory_space<vmem_shared>>
      %dma_wait3A_101 = arith.constant 0 : i32
      %dma_wait3A_102 = tpu.memref_slice %arg5[%mul3A_2, %dma_wait3A_101] : memref<10112x128xf32, #tpu.memory_space<hbm>> -> memref<632x128xf32, #tpu.memory_space<hbm>>
      tpu.wait_dma2 semaphore(%run_scoped3A : memref<!tpu.dma_semaphore, #tpu.memory_space<semaphore_mem>>) src(%dma_wait3A_102 : memref<632x128xf32, #tpu.memory_space<hbm>>) dst(%dma_wait3A_100 : memref<632x128xf32, #tpu.memory_space<vmem_shared>>)
      tpu.yield
    }) : () -> ()
    %eq3A = arith.constant 0 : i32
    %eq3A_5 = arith.cmpi eq, %arg0, %eq3A : i32
    %jit3A = arith.constant 105 : i32
    %jit3A_6 = arith.constant 53 : i32
    %select_n3A = arith.select %eq3A_5, %jit3A, %jit3A_6 : i32
    %eq3A_7 = arith.constant 0 : i32
    %eq3A_8 = arith.cmpi eq, %arg0, %eq3A_7 : i32
    %mul3A_9 = arith.constant 105 : i32
    %mul3A_10 = arith.muli %arg1, %mul3A_9 : i32
    %mul3A_11 = arith.constant 53 : i32
    %mul3A_12 = arith.muli %arg1, %mul3A_11 : i32
    %add3A_13 = arith.constant 1680 : i32
    %add3A_14 = arith.addi %add3A_13, %mul3A_12 : i32
    %select_n3A_15 = arith.select %eq3A_8, %mul3A_10, %add3A_14 : i32
    %mul3A_16 = arith.constant 128 : i32
    %mul3A_17 = arith.muli %select_n3A_15, %mul3A_16 : i32
    "tpu.region"() ({
      %run_scoped3A = tpu.sem_alloc : memref<!tpu.dma_semaphore, #tpu.memory_space<semaphore_mem>>
      %dma_start3A_95 = arith.constant 0 : i32
      %dma_start3A_96 = tpu.memref_slice %arg14[%arg1, %dma_start3A_95] : memref<16x13440xi32, #tpu.memory_space<vmem_shared>> -> memref<1x13440xi32, #tpu.memory_space<vmem_shared>>
      %dma_start3A_97 = tpu.memref_squeeze %dma_start3A_96 : memref<1x13440xi32, #tpu.memory_space<vmem_shared>> -> memref<13440xi32, #tpu.memory_space<vmem_shared>>
      %dma_start3A_98 = tpu.memref_slice %arg3[%mul3A_17] : memref<323584xi32, #tpu.memory_space<hbm>> -> memref<13440xi32, #tpu.memory_space<hbm>>
      tpu.enqueue_dma source(%dma_start3A_98 : memref<13440xi32, #tpu.memory_space<hbm>>) target(%dma_start3A_97 : memref<13440xi32, #tpu.memory_space<vmem_shared>>) target_semaphore(%run_scoped3A : memref<!tpu.dma_semaphore, #tpu.memory_space<semaphore_mem>>)
      %dma_wait3A_99 = arith.constant 0 : i32
      %dma_wait3A_100 = tpu.memref_slice %arg14[%arg1, %dma_wait3A_99] : memref<16x13440xi32, #tpu.memory_space<vmem_shared>> -> memref<1x13440xi32, #tpu.memory_space<vmem_shared>>
      %dma_wait3A_101 = tpu.memref_squeeze %dma_wait3A_100 : memref<1x13440xi32, #tpu.memory_space<vmem_shared>> -> memref<13440xi32, #tpu.memory_space<vmem_shared>>
      %dma_wait3A_102 = tpu.memref_slice %arg3[%mul3A_17] : memref<323584xi32, #tpu.memory_space<hbm>> -> memref<13440xi32, #tpu.memory_space<hbm>>
      tpu.wait_dma2 semaphore(%run_scoped3A : memref<!tpu.dma_semaphore, #tpu.memory_space<semaphore_mem>>) src(%dma_wait3A_102 : memref<13440xi32, #tpu.memory_space<hbm>>) dst(%dma_wait3A_101 : memref<13440xi32, #tpu.memory_space<vmem_shared>>)
      tpu.yield
    }) : () -> ()
    %barrier3A = arith.constant 0 : index
    tpu.barrier barrier_id(%barrier3A)
    "tpu.region"() ({
      %run_scoped3A = tpu.sem_alloc : memref<!tpu.dma_semaphore, #tpu.memory_space<semaphore_mem>>
      %dma_start3A_95 = arith.constant 0 : i32
      %dma_start3A_96 = tpu.memref_slice %arg14[%arg1, %dma_start3A_95] : memref<16x13440xi32, #tpu.memory_space<vmem_shared>> -> memref<1x128xi32, #tpu.memory_space<vmem_shared>>
      %dma_start3A_97 = tpu.memref_squeeze %dma_start3A_96 : memref<1x128xi32, #tpu.memory_space<vmem_shared>> -> memref<128xi32, #tpu.memory_space<vmem_shared>>
      %dma_start3A_98 = arith.constant 0 : i32
      %dma_start3A_99 = tpu.memref_slice %arg14[%arg1, %dma_start3A_98] : memref<16x13440xi32, #tpu.memory_space<vmem_shared>> -> memref<1x128xi32, #tpu.memory_space<vmem_shared>>
      %dma_start3A_100 = tpu.memref_squeeze %dma_start3A_99 : memref<1x128xi32, #tpu.memory_space<vmem_shared>> -> memref<128xi32, #tpu.memory_space<vmem_shared>>
      tpu.enqueue_dma source(%dma_start3A_100 : memref<128xi32, #tpu.memory_space<vmem_shared>>) target(%arg7 : memref<128xi32, #tpu.memory_space<vmem>>) target_semaphore(%run_scoped3A : memref<!tpu.dma_semaphore, #tpu.memory_space<semaphore_mem>>)
      %dma_wait3A_101 = arith.constant 0 : i32
      %dma_wait3A_102 = tpu.memref_slice %arg14[%arg1, %dma_wait3A_101] : memref<16x13440xi32, #tpu.memory_space<vmem_shared>> -> memref<1x128xi32, #tpu.memory_space<vmem_shared>>
      %dma_wait3A_103 = tpu.memref_squeeze %dma_wait3A_102 : memref<1x128xi32, #tpu.memory_space<vmem_shared>> -> memref<128xi32, #tpu.memory_space<vmem_shared>>
      %dma_wait3A_104 = arith.constant 0 : i32
      %dma_wait3A_105 = tpu.memref_slice %arg14[%arg1, %dma_wait3A_104] : memref<16x13440xi32, #tpu.memory_space<vmem_shared>> -> memref<1x128xi32, #tpu.memory_space<vmem_shared>>
      %dma_wait3A_106 = tpu.memref_squeeze %dma_wait3A_105 : memref<1x128xi32, #tpu.memory_space<vmem_shared>> -> memref<128xi32, #tpu.memory_space<vmem_shared>>
      tpu.wait_dma2 semaphore(%run_scoped3A : memref<!tpu.dma_semaphore, #tpu.memory_space<semaphore_mem>>) src(%dma_wait3A_106 : memref<128xi32, #tpu.memory_space<vmem_shared>>) dst(%arg7 : memref<128xi32, #tpu.memory_space<vmem>>)
      tpu.yield
    }) : () -> ()
    %dma_start3A = arith.constant 0 : i32
    %dma_start3A_18 = arith.constant 0 : i32
    %dma_start3A_19 = tpu.memref_slice %arg2[%dma_start3A, %dma_start3A_18] : memref<40000x128xf32, #tpu.memory_space<hbm>> -> memref<40000x128xf32, #tpu.memory_space<hbm>>
    tpu.enqueue_indirect_dma source(%dma_start3A_19 : memref<40000x128xf32, #tpu.memory_space<hbm>>) target(%arg11 : memref<128x128xf32, #tpu.memory_space<vmem>>) offsets(%arg7 : memref<128xi32, #tpu.memory_space<vmem>>) semaphore(%arg15 : memref<!tpu.dma_semaphore, #tpu.memory_space<semaphore_mem>>)
    %add3A_20 = arith.constant 0 : i32
    %add3A_21 = arith.addi %mul3A_17, %add3A_20 : i32
    "tpu.region"() ({
      %run_scoped3A = tpu.sem_alloc : memref<!tpu.dma_semaphore, #tpu.memory_space<semaphore_mem>>
      %dma_start3A_95 = tpu.memref_slice %arg4[%add3A_21] : memref<323584xi32, #tpu.memory_space<hbm>> -> memref<128xi32, #tpu.memory_space<hbm>>
      %dma_start3A_96 = tpu.memref_slice %arg4[%add3A_21] : memref<323584xi32, #tpu.memory_space<hbm>> -> memref<128xi32, #tpu.memory_space<hbm>>
      tpu.enqueue_dma source(%dma_start3A_96 : memref<128xi32, #tpu.memory_space<hbm>>) target(%arg8 : memref<128xi32, #tpu.memory_space<vmem>>) target_semaphore(%run_scoped3A : memref<!tpu.dma_semaphore, #tpu.memory_space<semaphore_mem>>)
      %dma_wait3A_97 = tpu.memref_slice %arg4[%add3A_21] : memref<323584xi32, #tpu.memory_space<hbm>> -> memref<128xi32, #tpu.memory_space<hbm>>
      %dma_wait3A_98 = tpu.memref_slice %arg4[%add3A_21] : memref<323584xi32, #tpu.memory_space<hbm>> -> memref<128xi32, #tpu.memory_space<hbm>>
      tpu.wait_dma2 semaphore(%run_scoped3A : memref<!tpu.dma_semaphore, #tpu.memory_space<semaphore_mem>>) src(%dma_wait3A_98 : memref<128xi32, #tpu.memory_space<hbm>>) dst(%arg8 : memref<128xi32, #tpu.memory_space<vmem>>)
      tpu.yield
    }) : () -> ()
    %dma_wait3A = arith.constant 0 : i32
    %dma_wait3A_22 = arith.constant 0 : i32
    %dma_wait3A_23 = tpu.memref_slice %arg2[%dma_wait3A, %dma_wait3A_22] : memref<40000x128xf32, #tpu.memory_space<hbm>> -> memref<40000x128xf32, #tpu.memory_space<hbm>>
    tpu.wait_indirect_dma semaphore(%arg15 : memref<!tpu.dma_semaphore, #tpu.memory_space<semaphore_mem>>) src(%dma_wait3A_23 : memref<40000x128xf32, #tpu.memory_space<hbm>>) dst(%arg11 : memref<128x128xf32, #tpu.memory_space<vmem>>)
    %dma_start3A_24 = arith.constant 0 : i32
    %dma_start3A_25 = arith.constant 0 : i32
    %dma_start3A_26 = tpu.memref_slice %arg13[%dma_start3A_24, %dma_start3A_25] : memref<10112x128xf32, #tpu.memory_space<vmem_shared>> -> memref<10112x128xf32, #tpu.memory_space<vmem_shared>>
    tpu.enqueue_indirect_dma source(%arg11 : memref<128x128xf32, #tpu.memory_space<vmem>>) target(%dma_start3A_26 : memref<10112x128xf32, #tpu.memory_space<vmem_shared>>) offsets(%arg8 : memref<128xi32, #tpu.memory_space<vmem>>) semaphore(%arg17 : memref<!tpu.dma_semaphore, #tpu.memory_space<semaphore_mem>>) {add = true}
    "tpu.region"() ({
      %run_scoped3A = tpu.sem_alloc : memref<!tpu.dma_semaphore, #tpu.memory_space<semaphore_mem>>
      %dma_start3A_95 = arith.constant 128 : i32
      %dma_start3A_96 = tpu.memref_slice %arg14[%arg1, %dma_start3A_95] : memref<16x13440xi32, #tpu.memory_space<vmem_shared>> -> memref<1x128xi32, #tpu.memory_space<vmem_shared>>
      %dma_start3A_97 = tpu.memref_squeeze %dma_start3A_96 : memref<1x128xi32, #tpu.memory_space<vmem_shared>> -> memref<128xi32, #tpu.memory_space<vmem_shared>>
      %dma_start3A_98 = arith.constant 128 : i32
      %dma_start3A_99 = tpu.memref_slice %arg14[%arg1, %dma_start3A_98] : memref<16x13440xi32, #tpu.memory_space<vmem_shared>> -> memref<1x128xi32, #tpu.memory_space<vmem_shared>>
      %dma_start3A_100 = tpu.memref_squeeze %dma_start3A_99 : memref<1x128xi32, #tpu.memory_space<vmem_shared>> -> memref<128xi32, #tpu.memory_space<vmem_shared>>
      tpu.enqueue_dma source(%dma_start3A_100 : memref<128xi32, #tpu.memory_space<vmem_shared>>) target(%arg9 : memref<128xi32, #tpu.memory_space<vmem>>) target_semaphore(%run_scoped3A : memref<!tpu.dma_semaphore, #tpu.memory_space<semaphore_mem>>)
      %dma_wait3A_101 = arith.constant 128 : i32
      %dma_wait3A_102 = tpu.memref_slice %arg14[%arg1, %dma_wait3A_101] : memref<16x13440xi32, #tpu.memory_space<vmem_shared>> -> memref<1x128xi32, #tpu.memory_space<vmem_shared>>
      %dma_wait3A_103 = tpu.memref_squeeze %dma_wait3A_102 : memref<1x128xi32, #tpu.memory_space<vmem_shared>> -> memref<128xi32, #tpu.memory_space<vmem_shared>>
      %dma_wait3A_104 = arith.constant 128 : i32
      %dma_wait3A_105 = tpu.memref_slice %arg14[%arg1, %dma_wait3A_104] : memref<16x13440xi32, #tpu.memory_space<vmem_shared>> -> memref<1x128xi32, #tpu.memory_space<vmem_shared>>
      %dma_wait3A_106 = tpu.memref_squeeze %dma_wait3A_105 : memref<1x128xi32, #tpu.memory_space<vmem_shared>> -> memref<128xi32, #tpu.memory_space<vmem_shared>>
      tpu.wait_dma2 semaphore(%run_scoped3A : memref<!tpu.dma_semaphore, #tpu.memory_space<semaphore_mem>>) src(%dma_wait3A_106 : memref<128xi32, #tpu.memory_space<vmem_shared>>) dst(%arg9 : memref<128xi32, #tpu.memory_space<vmem>>)
      tpu.yield
    }) : () -> ()
    %dma_start3A_27 = arith.constant 0 : i32
    %dma_start3A_28 = arith.constant 0 : i32
    %dma_start3A_29 = tpu.memref_slice %arg2[%dma_start3A_27, %dma_start3A_28] : memref<40000x128xf32, #tpu.memory_space<hbm>> -> memref<40000x128xf32, #tpu.memory_space<hbm>>
    tpu.enqueue_indirect_dma source(%dma_start3A_29 : memref<40000x128xf32, #tpu.memory_space<hbm>>) target(%arg12 : memref<128x128xf32, #tpu.memory_space<vmem>>) offsets(%arg9 : memref<128xi32, #tpu.memory_space<vmem>>) semaphore(%arg16 : memref<!tpu.dma_semaphore, #tpu.memory_space<semaphore_mem>>)
    %add3A_30 = arith.constant 128 : i32
    %add3A_31 = arith.addi %mul3A_17, %add3A_30 : i32
    "tpu.region"() ({
      %run_scoped3A = tpu.sem_alloc : memref<!tpu.dma_semaphore, #tpu.memory_space<semaphore_mem>>
      %dma_start3A_95 = tpu.memref_slice %arg4[%add3A_31] : memref<323584xi32, #tpu.memory_space<hbm>> -> memref<128xi32, #tpu.memory_space<hbm>>
      %dma_start3A_96 = tpu.memref_slice %arg4[%add3A_31] : memref<323584xi32, #tpu.memory_space<hbm>> -> memref<128xi32, #tpu.memory_space<hbm>>
      tpu.enqueue_dma source(%dma_start3A_96 : memref<128xi32, #tpu.memory_space<hbm>>) target(%arg10 : memref<128xi32, #tpu.memory_space<vmem>>) target_semaphore(%run_scoped3A : memref<!tpu.dma_semaphore, #tpu.memory_space<semaphore_mem>>)
      %dma_wait3A_97 = tpu.memref_slice %arg4[%add3A_31] : memref<323584xi32, #tpu.memory_space<hbm>> -> memref<128xi32, #tpu.memory_space<hbm>>
      %dma_wait3A_98 = tpu.memref_slice %arg4[%add3A_31] : memref<323584xi32, #tpu.memory_space<hbm>> -> memref<128xi32, #tpu.memory_space<hbm>>
      tpu.wait_dma2 semaphore(%run_scoped3A : memref<!tpu.dma_semaphore, #tpu.memory_space<semaphore_mem>>) src(%dma_wait3A_98 : memref<128xi32, #tpu.memory_space<hbm>>) dst(%arg10 : memref<128xi32, #tpu.memory_space<vmem>>)
      tpu.yield
    }) : () -> ()
    %dma_wait3A_32 = arith.constant 0 : i32
    %dma_wait3A_33 = arith.constant 0 : i32
    %dma_wait3A_34 = tpu.memref_slice %arg2[%dma_wait3A_32, %dma_wait3A_33] : memref<40000x128xf32, #tpu.memory_space<hbm>> -> memref<40000x128xf32, #tpu.memory_space<hbm>>
    tpu.wait_indirect_dma semaphore(%arg16 : memref<!tpu.dma_semaphore, #tpu.memory_space<semaphore_mem>>) src(%dma_wait3A_34 : memref<40000x128xf32, #tpu.memory_space<hbm>>) dst(%arg12 : memref<128x128xf32, #tpu.memory_space<vmem>>)
    %dma_start3A_35 = arith.constant 0 : i32
    %dma_start3A_36 = arith.constant 0 : i32
    %dma_start3A_37 = tpu.memref_slice %arg13[%dma_start3A_35, %dma_start3A_36] : memref<10112x128xf32, #tpu.memory_space<vmem_shared>> -> memref<10112x128xf32, #tpu.memory_space<vmem_shared>>
    tpu.enqueue_indirect_dma source(%arg12 : memref<128x128xf32, #tpu.memory_space<vmem>>) target(%dma_start3A_37 : memref<10112x128xf32, #tpu.memory_space<vmem_shared>>) offsets(%arg10 : memref<128xi32, #tpu.memory_space<vmem>>) semaphore(%arg18 : memref<!tpu.dma_semaphore, #tpu.memory_space<semaphore_mem>>) {add = true}
    %jit3A_38 = arith.constant 2 : i32
    %div3A = arith.divsi %select_n3A, %jit3A_38 : i32
    %sign3A = arith.constant 0 : i32
    %sign3A_39 = arith.cmpi sgt, %select_n3A, %sign3A : i32
    %sign3A_40 = arith.extui %sign3A_39 : i1 to i32
    %sign3A_41 = arith.constant 0 : i32
    %sign3A_42 = arith.cmpi slt, %select_n3A, %sign3A_41 : i32
    %sign3A_43 = arith.extui %sign3A_42 : i1 to i32
    %sign3A_44 = arith.subi %sign3A_40, %sign3A_43 : i32
    %sign3A_45 = arith.constant 0 : i32
    %sign3A_46 = arith.cmpi sgt, %jit3A_38, %sign3A_45 : i32
    %sign3A_47 = arith.extui %sign3A_46 : i1 to i32
    %sign3A_48 = arith.constant 0 : i32
    %sign3A_49 = arith.cmpi slt, %jit3A_38, %sign3A_48 : i32
    %sign3A_50 = arith.extui %sign3A_49 : i1 to i32
    %sign3A_51 = arith.subi %sign3A_47, %sign3A_50 : i32
    %ne3A = arith.cmpi ne, %sign3A_44, %sign3A_51 : i32
    %rem3A = arith.remsi %select_n3A, %jit3A_38 : i32
    %ne3A_52 = arith.constant 0 : i32
    %ne3A_53 = arith.cmpi ne, %rem3A, %ne3A_52 : i32
    %and3A = arith.andi %ne3A, %ne3A_53 : i1
    %sub3A = arith.constant 1 : i32
    %sub3A_54 = arith.subi %div3A, %sub3A : i32
    %select_n3A_55 = arith.select %and3A, %sub3A_54, %div3A : i32
    %while3A = arith.constant 0 : i32
    %while3A_56 = arith.constant 1 : i32
    %while3A_57 = arith.subi %select_n3A_55, %while3A_56 : i32
    %while3A_58 = arith.addi %while3A_56, %while3A_57 : i32
    %while3A_59 = arith.constant 1 : i32
    %while3A_60 = arith.divsi %while3A_57, %while3A_59 : i32
    %while3A_61 = arith.muli %while3A_60, %while3A_59 : i32
    %while3A_62 = arith.addi %while3A_56, %while3A_61 : i32
    %while3A_63 = arith.constant 1 : i32
    scf.for %while3A_95 = %while3A_56 to %while3A_62 step %while3A_63  : i32 {
      %mul3A_96 = arith.constant 2 : i32
      %mul3A_97 = arith.muli %mul3A_96, %while3A_95 : i32
      %mul3A_98 = arith.constant 128 : i32
      %mul3A_99 = arith.muli %mul3A_97, %mul3A_98 : i32
      "tpu.region"() ({
        %run_scoped3A = tpu.sem_alloc : memref<!tpu.dma_semaphore, #tpu.memory_space<semaphore_mem>>
        %dma_start3A_136 = tpu.memref_slice %arg14[%arg1, %mul3A_99] : memref<16x13440xi32, #tpu.memory_space<vmem_shared>> -> memref<1x128xi32, #tpu.memory_space<vmem_shared>>
        %dma_start3A_137 = tpu.memref_squeeze %dma_start3A_136 : memref<1x128xi32, #tpu.memory_space<vmem_shared>> -> memref<128xi32, #tpu.memory_space<vmem_shared>>
        %dma_start3A_138 = tpu.memref_slice %arg14[%arg1, %mul3A_99] : memref<16x13440xi32, #tpu.memory_space<vmem_shared>> -> memref<1x128xi32, #tpu.memory_space<vmem_shared>>
        %dma_start3A_139 = tpu.memref_squeeze %dma_start3A_138 : memref<1x128xi32, #tpu.memory_space<vmem_shared>> -> memref<128xi32, #tpu.memory_space<vmem_shared>>
        tpu.enqueue_dma source(%dma_start3A_139 : memref<128xi32, #tpu.memory_space<vmem_shared>>) target(%arg7 : memref<128xi32, #tpu.memory_space<vmem>>) target_semaphore(%run_scoped3A : memref<!tpu.dma_semaphore, #tpu.memory_space<semaphore_mem>>)
        %dma_wait3A_140 = tpu.memref_slice %arg14[%arg1, %mul3A_99] : memref<16x13440xi32, #tpu.memory_space<vmem_shared>> -> memref<1x128xi32, #tpu.memory_space<vmem_shared>>
        %dma_wait3A_141 = tpu.memref_squeeze %dma_wait3A_140 : memref<1x128xi32, #tpu.memory_space<vmem_shared>> -> memref<128xi32, #tpu.memory_space<vmem_shared>>
        %dma_wait3A_142 = tpu.memref_slice %arg14[%arg1, %mul3A_99] : memref<16x13440xi32, #tpu.memory_space<vmem_shared>> -> memref<1x128xi32, #tpu.memory_space<vmem_shared>>
        %dma_wait3A_143 = tpu.memref_squeeze %dma_wait3A_142 : memref<1x128xi32, #tpu.memory_space<vmem_shared>> -> memref<128xi32, #tpu.memory_space<vmem_shared>>
        tpu.wait_dma2 semaphore(%run_scoped3A : memref<!tpu.dma_semaphore, #tpu.memory_space<semaphore_mem>>) src(%dma_wait3A_143 : memref<128xi32, #tpu.memory_space<vmem_shared>>) dst(%arg7 : memref<128xi32, #tpu.memory_space<vmem>>)
        tpu.yield
      }) : () -> ()
      %dma_wait3A_100 = arith.constant 0 : i32
      %dma_wait3A_101 = arith.constant 0 : i32
      %dma_wait3A_102 = tpu.memref_slice %arg13[%dma_wait3A_100, %dma_wait3A_101] : memref<10112x128xf32, #tpu.memory_space<vmem_shared>> -> memref<10112x128xf32, #tpu.memory_space<vmem_shared>>
      tpu.wait_indirect_dma semaphore(%arg17 : memref<!tpu.dma_semaphore, #tpu.memory_space<semaphore_mem>>) src(%arg11 : memref<128x128xf32, #tpu.memory_space<vmem>>) dst(%dma_wait3A_102 : memref<10112x128xf32, #tpu.memory_space<vmem_shared>>)
      %dma_start3A_103 = arith.constant 0 : i32
      %dma_start3A_104 = arith.constant 0 : i32
      %dma_start3A_105 = tpu.memref_slice %arg2[%dma_start3A_103, %dma_start3A_104] : memref<40000x128xf32, #tpu.memory_space<hbm>> -> memref<40000x128xf32, #tpu.memory_space<hbm>>
      tpu.enqueue_indirect_dma source(%dma_start3A_105 : memref<40000x128xf32, #tpu.memory_space<hbm>>) target(%arg11 : memref<128x128xf32, #tpu.memory_space<vmem>>) offsets(%arg7 : memref<128xi32, #tpu.memory_space<vmem>>) semaphore(%arg15 : memref<!tpu.dma_semaphore, #tpu.memory_space<semaphore_mem>>)
      %mul3A_106 = arith.constant 128 : i32
      %mul3A_107 = arith.muli %mul3A_97, %mul3A_106 : i32
      %add3A_108 = arith.addi %mul3A_17, %mul3A_107 : i32
      "tpu.region"() ({
        %run_scoped3A = tpu.sem_alloc : memref<!tpu.dma_semaphore, #tpu.memory_space<semaphore_mem>>
        %dma_start3A_136 = tpu.memref_slice %arg4[%add3A_108] : memref<323584xi32, #tpu.memory_space<hbm>> -> memref<128xi32, #tpu.memory_space<hbm>>
        %dma_start3A_137 = tpu.memref_slice %arg4[%add3A_108] : memref<323584xi32, #tpu.memory_space<hbm>> -> memref<128xi32, #tpu.memory_space<hbm>>
        tpu.enqueue_dma source(%dma_start3A_137 : memref<128xi32, #tpu.memory_space<hbm>>) target(%arg8 : memref<128xi32, #tpu.memory_space<vmem>>) target_semaphore(%run_scoped3A : memref<!tpu.dma_semaphore, #tpu.memory_space<semaphore_mem>>)
        %dma_wait3A_138 = tpu.memref_slice %arg4[%add3A_108] : memref<323584xi32, #tpu.memory_space<hbm>> -> memref<128xi32, #tpu.memory_space<hbm>>
        %dma_wait3A_139 = tpu.memref_slice %arg4[%add3A_108] : memref<323584xi32, #tpu.memory_space<hbm>> -> memref<128xi32, #tpu.memory_space<hbm>>
        tpu.wait_dma2 semaphore(%run_scoped3A : memref<!tpu.dma_semaphore, #tpu.memory_space<semaphore_mem>>) src(%dma_wait3A_139 : memref<128xi32, #tpu.memory_space<hbm>>) dst(%arg8 : memref<128xi32, #tpu.memory_space<vmem>>)
        tpu.yield
      }) : () -> ()
      %dma_wait3A_109 = arith.constant 0 : i32
      %dma_wait3A_110 = arith.constant 0 : i32
      %dma_wait3A_111 = tpu.memref_slice %arg2[%dma_wait3A_109, %dma_wait3A_110] : memref<40000x128xf32, #tpu.memory_space<hbm>> -> memref<40000x128xf32, #tpu.memory_space<hbm>>
      tpu.wait_indirect_dma semaphore(%arg15 : memref<!tpu.dma_semaphore, #tpu.memory_space<semaphore_mem>>) src(%dma_wait3A_111 : memref<40000x128xf32, #tpu.memory_space<hbm>>) dst(%arg11 : memref<128x128xf32, #tpu.memory_space<vmem>>)
      %dma_start3A_112 = arith.constant 0 : i32
      %dma_start3A_113 = arith.constant 0 : i32
      %dma_start3A_114 = tpu.memref_slice %arg13[%dma_start3A_112, %dma_start3A_113] : memref<10112x128xf32, #tpu.memory_space<vmem_shared>> -> memref<10112x128xf32, #tpu.memory_space<vmem_shared>>
      tpu.enqueue_indirect_dma source(%arg11 : memref<128x128xf32, #tpu.memory_space<vmem>>) target(%dma_start3A_114 : memref<10112x128xf32, #tpu.memory_space<vmem_shared>>) offsets(%arg8 : memref<128xi32, #tpu.memory_space<vmem>>) semaphore(%arg17 : memref<!tpu.dma_semaphore, #tpu.memory_space<semaphore_mem>>) {add = true}
      %mul3A_115 = arith.constant 2 : i32
      %mul3A_116 = arith.muli %mul3A_115, %while3A_95 : i32
      %add3A_117 = arith.constant 1 : i32
      %add3A_118 = arith.addi %mul3A_116, %add3A_117 : i32
      %mul3A_119 = arith.constant 128 : i32
      %mul3A_120 = arith.muli %add3A_118, %mul3A_119 : i32
      "tpu.region"() ({
        %run_scoped3A = tpu.sem_alloc : memref<!tpu.dma_semaphore, #tpu.memory_space<semaphore_mem>>
        %dma_start3A_136 = tpu.memref_slice %arg14[%arg1, %mul3A_120] : memref<16x13440xi32, #tpu.memory_space<vmem_shared>> -> memref<1x128xi32, #tpu.memory_space<vmem_shared>>
        %dma_start3A_137 = tpu.memref_squeeze %dma_start3A_136 : memref<1x128xi32, #tpu.memory_space<vmem_shared>> -> memref<128xi32, #tpu.memory_space<vmem_shared>>
        %dma_start3A_138 = tpu.memref_slice %arg14[%arg1, %mul3A_120] : memref<16x13440xi32, #tpu.memory_space<vmem_shared>> -> memref<1x128xi32, #tpu.memory_space<vmem_shared>>
        %dma_start3A_139 = tpu.memref_squeeze %dma_start3A_138 : memref<1x128xi32, #tpu.memory_space<vmem_shared>> -> memref<128xi32, #tpu.memory_space<vmem_shared>>
        tpu.enqueue_dma source(%dma_start3A_139 : memref<128xi32, #tpu.memory_space<vmem_shared>>) target(%arg9 : memref<128xi32, #tpu.memory_space<vmem>>) target_semaphore(%run_scoped3A : memref<!tpu.dma_semaphore, #tpu.memory_space<semaphore_mem>>)
        %dma_wait3A_140 = tpu.memref_slice %arg14[%arg1, %mul3A_120] : memref<16x13440xi32, #tpu.memory_space<vmem_shared>> -> memref<1x128xi32, #tpu.memory_space<vmem_shared>>
        %dma_wait3A_141 = tpu.memref_squeeze %dma_wait3A_140 : memref<1x128xi32, #tpu.memory_space<vmem_shared>> -> memref<128xi32, #tpu.memory_space<vmem_shared>>
        %dma_wait3A_142 = tpu.memref_slice %arg14[%arg1, %mul3A_120] : memref<16x13440xi32, #tpu.memory_space<vmem_shared>> -> memref<1x128xi32, #tpu.memory_space<vmem_shared>>
        %dma_wait3A_143 = tpu.memref_squeeze %dma_wait3A_142 : memref<1x128xi32, #tpu.memory_space<vmem_shared>> -> memref<128xi32, #tpu.memory_space<vmem_shared>>
        tpu.wait_dma2 semaphore(%run_scoped3A : memref<!tpu.dma_semaphore, #tpu.memory_space<semaphore_mem>>) src(%dma_wait3A_143 : memref<128xi32, #tpu.memory_space<vmem_shared>>) dst(%arg9 : memref<128xi32, #tpu.memory_space<vmem>>)
        tpu.yield
      }) : () -> ()
      %dma_wait3A_121 = arith.constant 0 : i32
      %dma_wait3A_122 = arith.constant 0 : i32
      %dma_wait3A_123 = tpu.memref_slice %arg13[%dma_wait3A_121, %dma_wait3A_122] : memref<10112x128xf32, #tpu.memory_space<vmem_shared>> -> memref<10112x128xf32, #tpu.memory_space<vmem_shared>>
      tpu.wait_indirect_dma semaphore(%arg18 : memref<!tpu.dma_semaphore, #tpu.memory_space<semaphore_mem>>) src(%arg12 : memref<128x128xf32, #tpu.memory_space<vmem>>) dst(%dma_wait3A_123 : memref<10112x128xf32, #tpu.memory_space<vmem_shared>>)
      %dma_start3A_124 = arith.constant 0 : i32
      %dma_start3A_125 = arith.constant 0 : i32
      %dma_start3A_126 = tpu.memref_slice %arg2[%dma_start3A_124, %dma_start3A_125] : memref<40000x128xf32, #tpu.memory_space<hbm>> -> memref<40000x128xf32, #tpu.memory_space<hbm>>
      tpu.enqueue_indirect_dma source(%dma_start3A_126 : memref<40000x128xf32, #tpu.memory_space<hbm>>) target(%arg12 : memref<128x128xf32, #tpu.memory_space<vmem>>) offsets(%arg9 : memref<128xi32, #tpu.memory_space<vmem>>) semaphore(%arg16 : memref<!tpu.dma_semaphore, #tpu.memory_space<semaphore_mem>>)
      %mul3A_127 = arith.constant 128 : i32
      %mul3A_128 = arith.muli %add3A_118, %mul3A_127 : i32
      %add3A_129 = arith.addi %mul3A_17, %mul3A_128 : i32
      "tpu.region"() ({
        %run_scoped3A = tpu.sem_alloc : memref<!tpu.dma_semaphore, #tpu.memory_space<semaphore_mem>>
        %dma_start3A_136 = tpu.memref_slice %arg4[%add3A_129] : memref<323584xi32, #tpu.memory_space<hbm>> -> memref<128xi32, #tpu.memory_space<hbm>>
        %dma_start3A_137 = tpu.memref_slice %arg4[%add3A_129] : memref<323584xi32, #tpu.memory_space<hbm>> -> memref<128xi32, #tpu.memory_space<hbm>>
        tpu.enqueue_dma source(%dma_start3A_137 : memref<128xi32, #tpu.memory_space<hbm>>) target(%arg10 : memref<128xi32, #tpu.memory_space<vmem>>) target_semaphore(%run_scoped3A : memref<!tpu.dma_semaphore, #tpu.memory_space<semaphore_mem>>)
        %dma_wait3A_138 = tpu.memref_slice %arg4[%add3A_129] : memref<323584xi32, #tpu.memory_space<hbm>> -> memref<128xi32, #tpu.memory_space<hbm>>
        %dma_wait3A_139 = tpu.memref_slice %arg4[%add3A_129] : memref<323584xi32, #tpu.memory_space<hbm>> -> memref<128xi32, #tpu.memory_space<hbm>>
        tpu.wait_dma2 semaphore(%run_scoped3A : memref<!tpu.dma_semaphore, #tpu.memory_space<semaphore_mem>>) src(%dma_wait3A_139 : memref<128xi32, #tpu.memory_space<hbm>>) dst(%arg10 : memref<128xi32, #tpu.memory_space<vmem>>)
        tpu.yield
      }) : () -> ()
      %dma_wait3A_130 = arith.constant 0 : i32
      %dma_wait3A_131 = arith.constant 0 : i32
      %dma_wait3A_132 = tpu.memref_slice %arg2[%dma_wait3A_130, %dma_wait3A_131] : memref<40000x128xf32, #tpu.memory_space<hbm>> -> memref<40000x128xf32, #tpu.memory_space<hbm>>
      tpu.wait_indirect_dma semaphore(%arg16 : memref<!tpu.dma_semaphore, #tpu.memory_space<semaphore_mem>>) src(%dma_wait3A_132 : memref<40000x128xf32, #tpu.memory_space<hbm>>) dst(%arg12 : memref<128x128xf32, #tpu.memory_space<vmem>>)
      %dma_start3A_133 = arith.constant 0 : i32
      %dma_start3A_134 = arith.constant 0 : i32
      %dma_start3A_135 = tpu.memref_slice %arg13[%dma_start3A_133, %dma_start3A_134] : memref<10112x128xf32, #tpu.memory_space<vmem_shared>> -> memref<10112x128xf32, #tpu.memory_space<vmem_shared>>
      tpu.enqueue_indirect_dma source(%arg12 : memref<128x128xf32, #tpu.memory_space<vmem>>) target(%dma_start3A_135 : memref<10112x128xf32, #tpu.memory_space<vmem_shared>>) offsets(%arg10 : memref<128xi32, #tpu.memory_space<vmem>>) semaphore(%arg18 : memref<!tpu.dma_semaphore, #tpu.memory_space<semaphore_mem>>) {add = true}
    }
    %while3A_64 = arith.constant 1 : i32
    scf.for %while3A_95 = %while3A_62 to %while3A_58 step %while3A_64  : i32 {
      %mul3A_96 = arith.constant 2 : i32
      %mul3A_97 = arith.muli %mul3A_96, %while3A_95 : i32
      %mul3A_98 = arith.constant 128 : i32
      %mul3A_99 = arith.muli %mul3A_97, %mul3A_98 : i32
      "tpu.region"() ({
        %run_scoped3A = tpu.sem_alloc : memref<!tpu.dma_semaphore, #tpu.memory_space<semaphore_mem>>
        %dma_start3A_136 = tpu.memref_slice %arg14[%arg1, %mul3A_99] : memref<16x13440xi32, #tpu.memory_space<vmem_shared>> -> memref<1x128xi32, #tpu.memory_space<vmem_shared>>
        %dma_start3A_137 = tpu.memref_squeeze %dma_start3A_136 : memref<1x128xi32, #tpu.memory_space<vmem_shared>> -> memref<128xi32, #tpu.memory_space<vmem_shared>>
        %dma_start3A_138 = tpu.memref_slice %arg14[%arg1, %mul3A_99] : memref<16x13440xi32, #tpu.memory_space<vmem_shared>> -> memref<1x128xi32, #tpu.memory_space<vmem_shared>>
        %dma_start3A_139 = tpu.memref_squeeze %dma_start3A_138 : memref<1x128xi32, #tpu.memory_space<vmem_shared>> -> memref<128xi32, #tpu.memory_space<vmem_shared>>
        tpu.enqueue_dma source(%dma_start3A_139 : memref<128xi32, #tpu.memory_space<vmem_shared>>) target(%arg7 : memref<128xi32, #tpu.memory_space<vmem>>) target_semaphore(%run_scoped3A : memref<!tpu.dma_semaphore, #tpu.memory_space<semaphore_mem>>)
        %dma_wait3A_140 = tpu.memref_slice %arg14[%arg1, %mul3A_99] : memref<16x13440xi32, #tpu.memory_space<vmem_shared>> -> memref<1x128xi32, #tpu.memory_space<vmem_shared>>
        %dma_wait3A_141 = tpu.memref_squeeze %dma_wait3A_140 : memref<1x128xi32, #tpu.memory_space<vmem_shared>> -> memref<128xi32, #tpu.memory_space<vmem_shared>>
        %dma_wait3A_142 = tpu.memref_slice %arg14[%arg1, %mul3A_99] : memref<16x13440xi32, #tpu.memory_space<vmem_shared>> -> memref<1x128xi32, #tpu.memory_space<vmem_shared>>
        %dma_wait3A_143 = tpu.memref_squeeze %dma_wait3A_142 : memref<1x128xi32, #tpu.memory_space<vmem_shared>> -> memref<128xi32, #tpu.memory_space<vmem_shared>>
        tpu.wait_dma2 semaphore(%run_scoped3A : memref<!tpu.dma_semaphore, #tpu.memory_space<semaphore_mem>>) src(%dma_wait3A_143 : memref<128xi32, #tpu.memory_space<vmem_shared>>) dst(%arg7 : memref<128xi32, #tpu.memory_space<vmem>>)
        tpu.yield
      }) : () -> ()
      %dma_wait3A_100 = arith.constant 0 : i32
      %dma_wait3A_101 = arith.constant 0 : i32
      %dma_wait3A_102 = tpu.memref_slice %arg13[%dma_wait3A_100, %dma_wait3A_101] : memref<10112x128xf32, #tpu.memory_space<vmem_shared>> -> memref<10112x128xf32, #tpu.memory_space<vmem_shared>>
      tpu.wait_indirect_dma semaphore(%arg17 : memref<!tpu.dma_semaphore, #tpu.memory_space<semaphore_mem>>) src(%arg11 : memref<128x128xf32, #tpu.memory_space<vmem>>) dst(%dma_wait3A_102 : memref<10112x128xf32, #tpu.memory_space<vmem_shared>>)
      %dma_start3A_103 = arith.constant 0 : i32
      %dma_start3A_104 = arith.constant 0 : i32
      %dma_start3A_105 = tpu.memref_slice %arg2[%dma_start3A_103, %dma_start3A_104] : memref<40000x128xf32, #tpu.memory_space<hbm>> -> memref<40000x128xf32, #tpu.memory_space<hbm>>
      tpu.enqueue_indirect_dma source(%dma_start3A_105 : memref<40000x128xf32, #tpu.memory_space<hbm>>) target(%arg11 : memref<128x128xf32, #tpu.memory_space<vmem>>) offsets(%arg7 : memref<128xi32, #tpu.memory_space<vmem>>) semaphore(%arg15 : memref<!tpu.dma_semaphore, #tpu.memory_space<semaphore_mem>>)
      %mul3A_106 = arith.constant 128 : i32
      %mul3A_107 = arith.muli %mul3A_97, %mul3A_106 : i32
      %add3A_108 = arith.addi %mul3A_17, %mul3A_107 : i32
      "tpu.region"() ({
        %run_scoped3A = tpu.sem_alloc : memref<!tpu.dma_semaphore, #tpu.memory_space<semaphore_mem>>
        %dma_start3A_136 = tpu.memref_slice %arg4[%add3A_108] : memref<323584xi32, #tpu.memory_space<hbm>> -> memref<128xi32, #tpu.memory_space<hbm>>
        %dma_start3A_137 = tpu.memref_slice %arg4[%add3A_108] : memref<323584xi32, #tpu.memory_space<hbm>> -> memref<128xi32, #tpu.memory_space<hbm>>
        tpu.enqueue_dma source(%dma_start3A_137 : memref<128xi32, #tpu.memory_space<hbm>>) target(%arg8 : memref<128xi32, #tpu.memory_space<vmem>>) target_semaphore(%run_scoped3A : memref<!tpu.dma_semaphore, #tpu.memory_space<semaphore_mem>>)
        %dma_wait3A_138 = tpu.memref_slice %arg4[%add3A_108] : memref<323584xi32, #tpu.memory_space<hbm>> -> memref<128xi32, #tpu.memory_space<hbm>>
        %dma_wait3A_139 = tpu.memref_slice %arg4[%add3A_108] : memref<323584xi32, #tpu.memory_space<hbm>> -> memref<128xi32, #tpu.memory_space<hbm>>
        tpu.wait_dma2 semaphore(%run_scoped3A : memref<!tpu.dma_semaphore, #tpu.memory_space<semaphore_mem>>) src(%dma_wait3A_139 : memref<128xi32, #tpu.memory_space<hbm>>) dst(%arg8 : memref<128xi32, #tpu.memory_space<vmem>>)
        tpu.yield
      }) : () -> ()
      %dma_wait3A_109 = arith.constant 0 : i32
      %dma_wait3A_110 = arith.constant 0 : i32
      %dma_wait3A_111 = tpu.memref_slice %arg2[%dma_wait3A_109, %dma_wait3A_110] : memref<40000x128xf32, #tpu.memory_space<hbm>> -> memref<40000x128xf32, #tpu.memory_space<hbm>>
      tpu.wait_indirect_dma semaphore(%arg15 : memref<!tpu.dma_semaphore, #tpu.memory_space<semaphore_mem>>) src(%dma_wait3A_111 : memref<40000x128xf32, #tpu.memory_space<hbm>>) dst(%arg11 : memref<128x128xf32, #tpu.memory_space<vmem>>)
      %dma_start3A_112 = arith.constant 0 : i32
      %dma_start3A_113 = arith.constant 0 : i32
      %dma_start3A_114 = tpu.memref_slice %arg13[%dma_start3A_112, %dma_start3A_113] : memref<10112x128xf32, #tpu.memory_space<vmem_shared>> -> memref<10112x128xf32, #tpu.memory_space<vmem_shared>>
      tpu.enqueue_indirect_dma source(%arg11 : memref<128x128xf32, #tpu.memory_space<vmem>>) target(%dma_start3A_114 : memref<10112x128xf32, #tpu.memory_space<vmem_shared>>) offsets(%arg8 : memref<128xi32, #tpu.memory_space<vmem>>) semaphore(%arg17 : memref<!tpu.dma_semaphore, #tpu.memory_space<semaphore_mem>>) {add = true}
      %mul3A_115 = arith.constant 2 : i32
      %mul3A_116 = arith.muli %mul3A_115, %while3A_95 : i32
      %add3A_117 = arith.constant 1 : i32
      %add3A_118 = arith.addi %mul3A_116, %add3A_117 : i32
      %mul3A_119 = arith.constant 128 : i32
      %mul3A_120 = arith.muli %add3A_118, %mul3A_119 : i32
      "tpu.region"() ({
        %run_scoped3A = tpu.sem_alloc : memref<!tpu.dma_semaphore, #tpu.memory_space<semaphore_mem>>
        %dma_start3A_136 = tpu.memref_slice %arg14[%arg1, %mul3A_120] : memref<16x13440xi32, #tpu.memory_space<vmem_shared>> -> memref<1x128xi32, #tpu.memory_space<vmem_shared>>
        %dma_start3A_137 = tpu.memref_squeeze %dma_start3A_136 : memref<1x128xi32, #tpu.memory_space<vmem_shared>> -> memref<128xi32, #tpu.memory_space<vmem_shared>>
        %dma_start3A_138 = tpu.memref_slice %arg14[%arg1, %mul3A_120] : memref<16x13440xi32, #tpu.memory_space<vmem_shared>> -> memref<1x128xi32, #tpu.memory_space<vmem_shared>>
        %dma_start3A_139 = tpu.memref_squeeze %dma_start3A_138 : memref<1x128xi32, #tpu.memory_space<vmem_shared>> -> memref<128xi32, #tpu.memory_space<vmem_shared>>
        tpu.enqueue_dma source(%dma_start3A_139 : memref<128xi32, #tpu.memory_space<vmem_shared>>) target(%arg9 : memref<128xi32, #tpu.memory_space<vmem>>) target_semaphore(%run_scoped3A : memref<!tpu.dma_semaphore, #tpu.memory_space<semaphore_mem>>)
        %dma_wait3A_140 = tpu.memref_slice %arg14[%arg1, %mul3A_120] : memref<16x13440xi32, #tpu.memory_space<vmem_shared>> -> memref<1x128xi32, #tpu.memory_space<vmem_shared>>
        %dma_wait3A_141 = tpu.memref_squeeze %dma_wait3A_140 : memref<1x128xi32, #tpu.memory_space<vmem_shared>> -> memref<128xi32, #tpu.memory_space<vmem_shared>>
        %dma_wait3A_142 = tpu.memref_slice %arg14[%arg1, %mul3A_120] : memref<16x13440xi32, #tpu.memory_space<vmem_shared>> -> memref<1x128xi32, #tpu.memory_space<vmem_shared>>
        %dma_wait3A_143 = tpu.memref_squeeze %dma_wait3A_142 : memref<1x128xi32, #tpu.memory_space<vmem_shared>> -> memref<128xi32, #tpu.memory_space<vmem_shared>>
        tpu.wait_dma2 semaphore(%run_scoped3A : memref<!tpu.dma_semaphore, #tpu.memory_space<semaphore_mem>>) src(%dma_wait3A_143 : memref<128xi32, #tpu.memory_space<vmem_shared>>) dst(%arg9 : memref<128xi32, #tpu.memory_space<vmem>>)
        tpu.yield
      }) : () -> ()
      %dma_wait3A_121 = arith.constant 0 : i32
      %dma_wait3A_122 = arith.constant 0 : i32
      %dma_wait3A_123 = tpu.memref_slice %arg13[%dma_wait3A_121, %dma_wait3A_122] : memref<10112x128xf32, #tpu.memory_space<vmem_shared>> -> memref<10112x128xf32, #tpu.memory_space<vmem_shared>>
      tpu.wait_indirect_dma semaphore(%arg18 : memref<!tpu.dma_semaphore, #tpu.memory_space<semaphore_mem>>) src(%arg12 : memref<128x128xf32, #tpu.memory_space<vmem>>) dst(%dma_wait3A_123 : memref<10112x128xf32, #tpu.memory_space<vmem_shared>>)
      %dma_start3A_124 = arith.constant 0 : i32
      %dma_start3A_125 = arith.constant 0 : i32
      %dma_start3A_126 = tpu.memref_slice %arg2[%dma_start3A_124, %dma_start3A_125] : memref<40000x128xf32, #tpu.memory_space<hbm>> -> memref<40000x128xf32, #tpu.memory_space<hbm>>
      tpu.enqueue_indirect_dma source(%dma_start3A_126 : memref<40000x128xf32, #tpu.memory_space<hbm>>) target(%arg12 : memref<128x128xf32, #tpu.memory_space<vmem>>) offsets(%arg9 : memref<128xi32, #tpu.memory_space<vmem>>) semaphore(%arg16 : memref<!tpu.dma_semaphore, #tpu.memory_space<semaphore_mem>>)
      %mul3A_127 = arith.constant 128 : i32
      %mul3A_128 = arith.muli %add3A_118, %mul3A_127 : i32
      %add3A_129 = arith.addi %mul3A_17, %mul3A_128 : i32
      "tpu.region"() ({
        %run_scoped3A = tpu.sem_alloc : memref<!tpu.dma_semaphore, #tpu.memory_space<semaphore_mem>>
        %dma_start3A_136 = tpu.memref_slice %arg4[%add3A_129] : memref<323584xi32, #tpu.memory_space<hbm>> -> memref<128xi32, #tpu.memory_space<hbm>>
        %dma_start3A_137 = tpu.memref_slice %arg4[%add3A_129] : memref<323584xi32, #tpu.memory_space<hbm>> -> memref<128xi32, #tpu.memory_space<hbm>>
        tpu.enqueue_dma source(%dma_start3A_137 : memref<128xi32, #tpu.memory_space<hbm>>) target(%arg10 : memref<128xi32, #tpu.memory_space<vmem>>) target_semaphore(%run_scoped3A : memref<!tpu.dma_semaphore, #tpu.memory_space<semaphore_mem>>)
        %dma_wait3A_138 = tpu.memref_slice %arg4[%add3A_129] : memref<323584xi32, #tpu.memory_space<hbm>> -> memref<128xi32, #tpu.memory_space<hbm>>
        %dma_wait3A_139 = tpu.memref_slice %arg4[%add3A_129] : memref<323584xi32, #tpu.memory_space<hbm>> -> memref<128xi32, #tpu.memory_space<hbm>>
        tpu.wait_dma2 semaphore(%run_scoped3A : memref<!tpu.dma_semaphore, #tpu.memory_space<semaphore_mem>>) src(%dma_wait3A_139 : memref<128xi32, #tpu.memory_space<hbm>>) dst(%arg10 : memref<128xi32, #tpu.memory_space<vmem>>)
        tpu.yield
      }) : () -> ()
      %dma_wait3A_130 = arith.constant 0 : i32
      %dma_wait3A_131 = arith.constant 0 : i32
      %dma_wait3A_132 = tpu.memref_slice %arg2[%dma_wait3A_130, %dma_wait3A_131] : memref<40000x128xf32, #tpu.memory_space<hbm>> -> memref<40000x128xf32, #tpu.memory_space<hbm>>
      tpu.wait_indirect_dma semaphore(%arg16 : memref<!tpu.dma_semaphore, #tpu.memory_space<semaphore_mem>>) src(%dma_wait3A_132 : memref<40000x128xf32, #tpu.memory_space<hbm>>) dst(%arg12 : memref<128x128xf32, #tpu.memory_space<vmem>>)
      %dma_start3A_133 = arith.constant 0 : i32
      %dma_start3A_134 = arith.constant 0 : i32
      %dma_start3A_135 = tpu.memref_slice %arg13[%dma_start3A_133, %dma_start3A_134] : memref<10112x128xf32, #tpu.memory_space<vmem_shared>> -> memref<10112x128xf32, #tpu.memory_space<vmem_shared>>
      tpu.enqueue_indirect_dma source(%arg12 : memref<128x128xf32, #tpu.memory_space<vmem>>) target(%dma_start3A_135 : memref<10112x128xf32, #tpu.memory_space<vmem_shared>>) offsets(%arg10 : memref<128xi32, #tpu.memory_space<vmem>>) semaphore(%arg18 : memref<!tpu.dma_semaphore, #tpu.memory_space<semaphore_mem>>) {add = true}
    }
    %sub3A_65 = arith.constant 1 : i32
    %sub3A_66 = arith.subi %select_n3A, %sub3A_65 : i32
    %mul3A_67 = arith.constant 128 : i32
    %mul3A_68 = arith.muli %sub3A_66, %mul3A_67 : i32
    "tpu.region"() ({
      %run_scoped3A = tpu.sem_alloc : memref<!tpu.dma_semaphore, #tpu.memory_space<semaphore_mem>>
      %dma_start3A_95 = tpu.memref_slice %arg14[%arg1, %mul3A_68] : memref<16x13440xi32, #tpu.memory_space<vmem_shared>> -> memref<1x128xi32, #tpu.memory_space<vmem_shared>>
      %dma_start3A_96 = tpu.memref_squeeze %dma_start3A_95 : memref<1x128xi32, #tpu.memory_space<vmem_shared>> -> memref<128xi32, #tpu.memory_space<vmem_shared>>
      %dma_start3A_97 = tpu.memref_slice %arg14[%arg1, %mul3A_68] : memref<16x13440xi32, #tpu.memory_space<vmem_shared>> -> memref<1x128xi32, #tpu.memory_space<vmem_shared>>
      %dma_start3A_98 = tpu.memref_squeeze %dma_start3A_97 : memref<1x128xi32, #tpu.memory_space<vmem_shared>> -> memref<128xi32, #tpu.memory_space<vmem_shared>>
      tpu.enqueue_dma source(%dma_start3A_98 : memref<128xi32, #tpu.memory_space<vmem_shared>>) target(%arg7 : memref<128xi32, #tpu.memory_space<vmem>>) target_semaphore(%run_scoped3A : memref<!tpu.dma_semaphore, #tpu.memory_space<semaphore_mem>>)
      %dma_wait3A_99 = tpu.memref_slice %arg14[%arg1, %mul3A_68] : memref<16x13440xi32, #tpu.memory_space<vmem_shared>> -> memref<1x128xi32, #tpu.memory_space<vmem_shared>>
      %dma_wait3A_100 = tpu.memref_squeeze %dma_wait3A_99 : memref<1x128xi32, #tpu.memory_space<vmem_shared>> -> memref<128xi32, #tpu.memory_space<vmem_shared>>
      %dma_wait3A_101 = tpu.memref_slice %arg14[%arg1, %mul3A_68] : memref<16x13440xi32, #tpu.memory_space<vmem_shared>> -> memref<1x128xi32, #tpu.memory_space<vmem_shared>>
      %dma_wait3A_102 = tpu.memref_squeeze %dma_wait3A_101 : memref<1x128xi32, #tpu.memory_space<vmem_shared>> -> memref<128xi32, #tpu.memory_space<vmem_shared>>
      tpu.wait_dma2 semaphore(%run_scoped3A : memref<!tpu.dma_semaphore, #tpu.memory_space<semaphore_mem>>) src(%dma_wait3A_102 : memref<128xi32, #tpu.memory_space<vmem_shared>>) dst(%arg7 : memref<128xi32, #tpu.memory_space<vmem>>)
      tpu.yield
    }) : () -> ()
    %dma_wait3A_69 = arith.constant 0 : i32
    %dma_wait3A_70 = arith.constant 0 : i32
    %dma_wait3A_71 = tpu.memref_slice %arg13[%dma_wait3A_69, %dma_wait3A_70] : memref<10112x128xf32, #tpu.memory_space<vmem_shared>> -> memref<10112x128xf32, #tpu.memory_space<vmem_shared>>
    tpu.wait_indirect_dma semaphore(%arg17 : memref<!tpu.dma_semaphore, #tpu.memory_space<semaphore_mem>>) src(%arg11 : memref<128x128xf32, #tpu.memory_space<vmem>>) dst(%dma_wait3A_71 : memref<10112x128xf32, #tpu.memory_space<vmem_shared>>)
    %dma_start3A_72 = arith.constant 0 : i32
    %dma_start3A_73 = arith.constant 0 : i32
    %dma_start3A_74 = tpu.memref_slice %arg2[%dma_start3A_72, %dma_start3A_73] : memref<40000x128xf32, #tpu.memory_space<hbm>> -> memref<40000x128xf32, #tpu.memory_space<hbm>>
    tpu.enqueue_indirect_dma source(%dma_start3A_74 : memref<40000x128xf32, #tpu.memory_space<hbm>>) target(%arg11 : memref<128x128xf32, #tpu.memory_space<vmem>>) offsets(%arg7 : memref<128xi32, #tpu.memory_space<vmem>>) semaphore(%arg15 : memref<!tpu.dma_semaphore, #tpu.memory_space<semaphore_mem>>)
    %mul3A_75 = arith.constant 128 : i32
    %mul3A_76 = arith.muli %sub3A_66, %mul3A_75 : i32
    %add3A_77 = arith.addi %mul3A_17, %mul3A_76 : i32
    "tpu.region"() ({
      %run_scoped3A = tpu.sem_alloc : memref<!tpu.dma_semaphore, #tpu.memory_space<semaphore_mem>>
      %dma_start3A_95 = tpu.memref_slice %arg4[%add3A_77] : memref<323584xi32, #tpu.memory_space<hbm>> -> memref<128xi32, #tpu.memory_space<hbm>>
      %dma_start3A_96 = tpu.memref_slice %arg4[%add3A_77] : memref<323584xi32, #tpu.memory_space<hbm>> -> memref<128xi32, #tpu.memory_space<hbm>>
      tpu.enqueue_dma source(%dma_start3A_96 : memref<128xi32, #tpu.memory_space<hbm>>) target(%arg8 : memref<128xi32, #tpu.memory_space<vmem>>) target_semaphore(%run_scoped3A : memref<!tpu.dma_semaphore, #tpu.memory_space<semaphore_mem>>)
      %dma_wait3A_97 = tpu.memref_slice %arg4[%add3A_77] : memref<323584xi32, #tpu.memory_space<hbm>> -> memref<128xi32, #tpu.memory_space<hbm>>
      %dma_wait3A_98 = tpu.memref_slice %arg4[%add3A_77] : memref<323584xi32, #tpu.memory_space<hbm>> -> memref<128xi32, #tpu.memory_space<hbm>>
      tpu.wait_dma2 semaphore(%run_scoped3A : memref<!tpu.dma_semaphore, #tpu.memory_space<semaphore_mem>>) src(%dma_wait3A_98 : memref<128xi32, #tpu.memory_space<hbm>>) dst(%arg8 : memref<128xi32, #tpu.memory_space<vmem>>)
      tpu.yield
    }) : () -> ()
    %dma_wait3A_78 = arith.constant 0 : i32
    %dma_wait3A_79 = arith.constant 0 : i32
    %dma_wait3A_80 = tpu.memref_slice %arg2[%dma_wait3A_78, %dma_wait3A_79] : memref<40000x128xf32, #tpu.memory_space<hbm>> -> memref<40000x128xf32, #tpu.memory_space<hbm>>
    tpu.wait_indirect_dma semaphore(%arg15 : memref<!tpu.dma_semaphore, #tpu.memory_space<semaphore_mem>>) src(%dma_wait3A_80 : memref<40000x128xf32, #tpu.memory_space<hbm>>) dst(%arg11 : memref<128x128xf32, #tpu.memory_space<vmem>>)
    %dma_start3A_81 = arith.constant 0 : i32
    %dma_start3A_82 = arith.constant 0 : i32
    %dma_start3A_83 = tpu.memref_slice %arg13[%dma_start3A_81, %dma_start3A_82] : memref<10112x128xf32, #tpu.memory_space<vmem_shared>> -> memref<10112x128xf32, #tpu.memory_space<vmem_shared>>
    tpu.enqueue_indirect_dma source(%arg11 : memref<128x128xf32, #tpu.memory_space<vmem>>) target(%dma_start3A_83 : memref<10112x128xf32, #tpu.memory_space<vmem_shared>>) offsets(%arg8 : memref<128xi32, #tpu.memory_space<vmem>>) semaphore(%arg17 : memref<!tpu.dma_semaphore, #tpu.memory_space<semaphore_mem>>) {add = true}
    %dma_wait3A_84 = arith.constant 0 : i32
    %dma_wait3A_85 = arith.constant 0 : i32
    %dma_wait3A_86 = tpu.memref_slice %arg13[%dma_wait3A_84, %dma_wait3A_85] : memref<10112x128xf32, #tpu.memory_space<vmem_shared>> -> memref<10112x128xf32, #tpu.memory_space<vmem_shared>>
    tpu.wait_indirect_dma semaphore(%arg17 : memref<!tpu.dma_semaphore, #tpu.memory_space<semaphore_mem>>) src(%arg11 : memref<128x128xf32, #tpu.memory_space<vmem>>) dst(%dma_wait3A_86 : memref<10112x128xf32, #tpu.memory_space<vmem_shared>>)
    %dma_wait3A_87 = arith.constant 0 : i32
    %dma_wait3A_88 = arith.constant 0 : i32
    %dma_wait3A_89 = tpu.memref_slice %arg13[%dma_wait3A_87, %dma_wait3A_88] : memref<10112x128xf32, #tpu.memory_space<vmem_shared>> -> memref<10112x128xf32, #tpu.memory_space<vmem_shared>>
    tpu.wait_indirect_dma semaphore(%arg18 : memref<!tpu.dma_semaphore, #tpu.memory_space<semaphore_mem>>) src(%arg12 : memref<128x128xf32, #tpu.memory_space<vmem>>) dst(%dma_wait3A_89 : memref<10112x128xf32, #tpu.memory_space<vmem_shared>>)
    %barrier3A_90 = arith.constant 0 : index
    tpu.barrier barrier_id(%barrier3A_90)
    %mul3A_91 = arith.constant 632 : i32
    %mul3A_92 = arith.muli %arg1, %mul3A_91 : i32
    %mul3A_93 = arith.constant 632 : i32
    %mul3A_94 = arith.muli %arg1, %mul3A_93 : i32
    "tpu.region"() ({
      %run_scoped3A = tpu.sem_alloc : memref<!tpu.dma_semaphore, #tpu.memory_space<semaphore_mem>>
      %dma_start3A_95 = arith.constant 0 : i32
      %dma_start3A_96 = tpu.memref_slice %arg6[%arg0, %mul3A_94, %dma_start3A_95] : memref<2x10112x128xf32, #tpu.memory_space<hbm>> -> memref<1x632x128xf32, #tpu.memory_space<hbm>>
      %dma_start3A_97 = tpu.memref_squeeze %dma_start3A_96 : memref<1x632x128xf32, #tpu.memory_space<hbm>> -> memref<632x128xf32, #tpu.memory_space<hbm>>
      %dma_start3A_98 = arith.constant 0 : i32
      %dma_start3A_99 = tpu.memref_slice %arg13[%mul3A_92, %dma_start3A_98] : memref<10112x128xf32, #tpu.memory_space<vmem_shared>> -> memref<632x128xf32, #tpu.memory_space<vmem_shared>>
      tpu.enqueue_dma source(%dma_start3A_99 : memref<632x128xf32, #tpu.memory_space<vmem_shared>>) target(%dma_start3A_97 : memref<632x128xf32, #tpu.memory_space<hbm>>) target_semaphore(%run_scoped3A : memref<!tpu.dma_semaphore, #tpu.memory_space<semaphore_mem>>)
      %dma_wait3A_100 = arith.constant 0 : i32
      %dma_wait3A_101 = tpu.memref_slice %arg6[%arg0, %mul3A_94, %dma_wait3A_100] : memref<2x10112x128xf32, #tpu.memory_space<hbm>> -> memref<1x632x128xf32, #tpu.memory_space<hbm>>
      %dma_wait3A_102 = tpu.memref_squeeze %dma_wait3A_101 : memref<1x632x128xf32, #tpu.memory_space<hbm>> -> memref<632x128xf32, #tpu.memory_space<hbm>>
      %dma_wait3A_103 = arith.constant 0 : i32
      %dma_wait3A_104 = tpu.memref_slice %arg13[%mul3A_92, %dma_wait3A_103] : memref<10112x128xf32, #tpu.memory_space<vmem_shared>> -> memref<632x128xf32, #tpu.memory_space<vmem_shared>>
      tpu.wait_dma2 semaphore(%run_scoped3A : memref<!tpu.dma_semaphore, #tpu.memory_space<semaphore_mem>>) src(%dma_wait3A_104 : memref<632x128xf32, #tpu.memory_space<vmem_shared>>) dst(%dma_wait3A_102 : memref<632x128xf32, #tpu.memory_space<hbm>>)
      tpu.yield
    }) : () -> ()
    return
  }
}

#map = affine_map<(d0, d1) -> (0, 0)>
#map1 = affine_map<(d0, d1) -> (0)>
#map2 = affine_map<(d0, d1) -> (0, 0, 0)>
module attributes {stable_mosaic.version = 14 : i64} {
  func.func @_sc_message_pass(%arg0: i32, %arg1: i32, %arg2: memref<40000x128xf32, #tpu.memory_space<hbm>>, %arg3: memref<323584xi32, #tpu.memory_space<hbm>>, %arg4: memref<323584xi32, #tpu.memory_space<hbm>>, %arg5: memref<10112x128xf32, #tpu.memory_space<hbm>>, %arg6: memref<2x10112x128xf32, #tpu.memory_space<hbm>>, %arg7: memref<128xi32, #tpu.memory_space<vmem>>, %arg8: memref<128xi32, #tpu.memory_space<vmem>>, %arg9: memref<128xi32, #tpu.memory_space<vmem>>, %arg10: memref<128xi32, #tpu.memory_space<vmem>>, %arg11: memref<128x128xf32, #tpu.memory_space<vmem>>, %arg12: memref<128x128xf32, #tpu.memory_space<vmem>>, %arg13: memref<10112x128xf32, #tpu.memory_space<vmem_shared>>, %arg14: memref<16x13440xi32, #tpu.memory_space<vmem_shared>>, %arg15: memref<!tpu.dma_semaphore, #tpu.memory_space<semaphore_mem>>, %arg16: memref<!tpu.dma_semaphore, #tpu.memory_space<semaphore_mem>>, %arg17: memref<!tpu.dma_semaphore, #tpu.memory_space<semaphore_mem>>, %arg18: memref<!tpu.dma_semaphore, #tpu.memory_space<semaphore_mem>>) attributes {dimension_semantics = [#tpu.dimension_semantics<core_parallel>, #tpu.dimension_semantics<subcore_parallel>], iteration_bounds = array<i64: 2, 16>, scalar_prefetch = 0 : i64, scratch_operands = 12 : i64, tpu.core_type = #tpu.core_type<sc_vector_subcore>, window_params = [{transform_indices = #map}, {transform_indices = #map1}, {transform_indices = #map1}, {transform_indices = #map}, {transform_indices = #map2}]} {
    %mul3A = arith.constant 2 : i32
    %mul3A_0 = arith.muli %arg1, %mul3A : i32
    %add3A = arith.addi %mul3A_0, %arg0 : i32
    %mul3A_1 = arith.constant 632 : i32
    %mul3A_2 = arith.muli %arg1, %mul3A_1 : i32
    %mul3A_3 = arith.constant 632 : i32
    %mul3A_4 = arith.muli %arg1, %mul3A_3 : i32
    "tpu.region"() ({
      %run_scoped3A = tpu.sem_alloc : memref<!tpu.dma_semaphore, #tpu.memory_space<semaphore_mem>>
      %dma_start3A_95 = arith.constant 0 : i32
      %dma_start3A_96 = tpu.memref_slice %arg13[%mul3A_4, %dma_start3A_95] : memref<10112x128xf32, #tpu.memory_space<vmem_shared>> -> memref<632x128xf32, #tpu.memory_space<vmem_shared>>
      %dma_start3A_97 = arith.constant 0 : i32
      %dma_start3A_98 = tpu.memref_slice %arg5[%mul3A_2, %dma_start3A_97] : memref<10112x128xf32, #tpu.memory_space<hbm>> -> memref<632x128xf32, #tpu.memory_space<hbm>>
      tpu.enqueue_dma source(%dma_start3A_98 : memref<632x128xf32, #tpu.memory_space<hbm>>) target(%dma_start3A_96 : memref<632x128xf32, #tpu.memory_space<vmem_shared>>) target_semaphore(%run_scoped3A : memref<!tpu.dma_semaphore, #tpu.memory_space<semaphore_mem>>)
      %dma_wait3A_99 = arith.constant 0 : i32
      %dma_wait3A_100 = tpu.memref_slice %arg13[%mul3A_4, %dma_wait3A_99] : memref<10112x128xf32, #tpu.memory_space<vmem_shared>> -> memref<632x128xf32, #tpu.memory_space<vmem_shared>>
      %dma_wait3A_101 = arith.constant 0 : i32
      %dma_wait3A_102 = tpu.memref_slice %arg5[%mul3A_2, %dma_wait3A_101] : memref<10112x128xf32, #tpu.memory_space<hbm>> -> memref<632x128xf32, #tpu.memory_space<hbm>>
      tpu.wait_dma2 semaphore(%run_scoped3A : memref<!tpu.dma_semaphore, #tpu.memory_space<semaphore_mem>>) src(%dma_wait3A_102 : memref<632x128xf32, #tpu.memory_space<hbm>>) dst(%dma_wait3A_100 : memref<632x128xf32, #tpu.memory_space<vmem_shared>>)
      tpu.yield
    }) : () -> ()
    %eq3A = arith.constant 0 : i32
    %eq3A_5 = arith.cmpi eq, %arg0, %eq3A : i32
    %jit3A = arith.constant 105 : i32
    %jit3A_6 = arith.constant 53 : i32
    %select_n3A = arith.select %eq3A_5, %jit3A, %jit3A_6 : i32
    %eq3A_7 = arith.constant 0 : i32
    %eq3A_8 = arith.cmpi eq, %arg0, %eq3A_7 : i32
    %mul3A_9 = arith.constant 105 : i32
    %mul3A_10 = arith.muli %arg1, %mul3A_9 : i32
    %mul3A_11 = arith.constant 53 : i32
    %mul3A_12 = arith.muli %arg1, %mul3A_11 : i32
    %add3A_13 = arith.constant 1680 : i32
    %add3A_14 = arith.addi %add3A_13, %mul3A_12 : i32
    %select_n3A_15 = arith.select %eq3A_8, %mul3A_10, %add3A_14 : i32
    %mul3A_16 = arith.constant 128 : i32
    %mul3A_17 = arith.muli %select_n3A_15, %mul3A_16 : i32
    "tpu.region"() ({
      %run_scoped3A = tpu.sem_alloc : memref<!tpu.dma_semaphore, #tpu.memory_space<semaphore_mem>>
      %dma_start3A_95 = arith.constant 0 : i32
      %dma_start3A_96 = tpu.memref_slice %arg14[%arg1, %dma_start3A_95] : memref<16x13440xi32, #tpu.memory_space<vmem_shared>> -> memref<1x13440xi32, #tpu.memory_space<vmem_shared>>
      %dma_start3A_97 = tpu.memref_squeeze %dma_start3A_96 : memref<1x13440xi32, #tpu.memory_space<vmem_shared>> -> memref<13440xi32, #tpu.memory_space<vmem_shared>>
      %dma_start3A_98 = tpu.memref_slice %arg3[%mul3A_17] : memref<323584xi32, #tpu.memory_space<hbm>> -> memref<13440xi32, #tpu.memory_space<hbm>>
      tpu.enqueue_dma source(%dma_start3A_98 : memref<13440xi32, #tpu.memory_space<hbm>>) target(%dma_start3A_97 : memref<13440xi32, #tpu.memory_space<vmem_shared>>) target_semaphore(%run_scoped3A : memref<!tpu.dma_semaphore, #tpu.memory_space<semaphore_mem>>)
      %dma_wait3A_99 = arith.constant 0 : i32
      %dma_wait3A_100 = tpu.memref_slice %arg14[%arg1, %dma_wait3A_99] : memref<16x13440xi32, #tpu.memory_space<vmem_shared>> -> memref<1x13440xi32, #tpu.memory_space<vmem_shared>>
      %dma_wait3A_101 = tpu.memref_squeeze %dma_wait3A_100 : memref<1x13440xi32, #tpu.memory_space<vmem_shared>> -> memref<13440xi32, #tpu.memory_space<vmem_shared>>
      %dma_wait3A_102 = tpu.memref_slice %arg3[%mul3A_17] : memref<323584xi32, #tpu.memory_space<hbm>> -> memref<13440xi32, #tpu.memory_space<hbm>>
      tpu.wait_dma2 semaphore(%run_scoped3A : memref<!tpu.dma_semaphore, #tpu.memory_space<semaphore_mem>>) src(%dma_wait3A_102 : memref<13440xi32, #tpu.memory_space<hbm>>) dst(%dma_wait3A_101 : memref<13440xi32, #tpu.memory_space<vmem_shared>>)
      tpu.yield
    }) : () -> ()
    %barrier3A = arith.constant 0 : index
    tpu.barrier barrier_id(%barrier3A)
    "tpu.region"() ({
      %run_scoped3A = tpu.sem_alloc : memref<!tpu.dma_semaphore, #tpu.memory_space<semaphore_mem>>
      %dma_start3A_95 = arith.constant 0 : i32
      %dma_start3A_96 = tpu.memref_slice %arg14[%arg1, %dma_start3A_95] : memref<16x13440xi32, #tpu.memory_space<vmem_shared>> -> memref<1x128xi32, #tpu.memory_space<vmem_shared>>
      %dma_start3A_97 = tpu.memref_squeeze %dma_start3A_96 : memref<1x128xi32, #tpu.memory_space<vmem_shared>> -> memref<128xi32, #tpu.memory_space<vmem_shared>>
      %dma_start3A_98 = arith.constant 0 : i32
      %dma_start3A_99 = tpu.memref_slice %arg14[%arg1, %dma_start3A_98] : memref<16x13440xi32, #tpu.memory_space<vmem_shared>> -> memref<1x128xi32, #tpu.memory_space<vmem_shared>>
      %dma_start3A_100 = tpu.memref_squeeze %dma_start3A_99 : memref<1x128xi32, #tpu.memory_space<vmem_shared>> -> memref<128xi32, #tpu.memory_space<vmem_shared>>
      tpu.enqueue_dma source(%dma_start3A_100 : memref<128xi32, #tpu.memory_space<vmem_shared>>) target(%arg7 : memref<128xi32, #tpu.memory_space<vmem>>) target_semaphore(%run_scoped3A : memref<!tpu.dma_semaphore, #tpu.memory_space<semaphore_mem>>)
      %dma_wait3A_101 = arith.constant 0 : i32
      %dma_wait3A_102 = tpu.memref_slice %arg14[%arg1, %dma_wait3A_101] : memref<16x13440xi32, #tpu.memory_space<vmem_shared>> -> memref<1x128xi32, #tpu.memory_space<vmem_shared>>
      %dma_wait3A_103 = tpu.memref_squeeze %dma_wait3A_102 : memref<1x128xi32, #tpu.memory_space<vmem_shared>> -> memref<128xi32, #tpu.memory_space<vmem_shared>>
      %dma_wait3A_104 = arith.constant 0 : i32
      %dma_wait3A_105 = tpu.memref_slice %arg14[%arg1, %dma_wait3A_104] : memref<16x13440xi32, #tpu.memory_space<vmem_shared>> -> memref<1x128xi32, #tpu.memory_space<vmem_shared>>
      %dma_wait3A_106 = tpu.memref_squeeze %dma_wait3A_105 : memref<1x128xi32, #tpu.memory_space<vmem_shared>> -> memref<128xi32, #tpu.memory_space<vmem_shared>>
      tpu.wait_dma2 semaphore(%run_scoped3A : memref<!tpu.dma_semaphore, #tpu.memory_space<semaphore_mem>>) src(%dma_wait3A_106 : memref<128xi32, #tpu.memory_space<vmem_shared>>) dst(%arg7 : memref<128xi32, #tpu.memory_space<vmem>>)
      tpu.yield
    }) : () -> ()
    %dma_start3A = arith.constant 0 : i32
    %dma_start3A_18 = arith.constant 0 : i32
    %dma_start3A_19 = tpu.memref_slice %arg2[%dma_start3A, %dma_start3A_18] : memref<40000x128xf32, #tpu.memory_space<hbm>> -> memref<40000x128xf32, #tpu.memory_space<hbm>>
    tpu.enqueue_indirect_dma source(%dma_start3A_19 : memref<40000x128xf32, #tpu.memory_space<hbm>>) target(%arg11 : memref<128x128xf32, #tpu.memory_space<vmem>>) offsets(%arg7 : memref<128xi32, #tpu.memory_space<vmem>>) semaphore(%arg15 : memref<!tpu.dma_semaphore, #tpu.memory_space<semaphore_mem>>)
    %add3A_20 = arith.constant 0 : i32
    %add3A_21 = arith.addi %mul3A_17, %add3A_20 : i32
    "tpu.region"() ({
      %run_scoped3A = tpu.sem_alloc : memref<!tpu.dma_semaphore, #tpu.memory_space<semaphore_mem>>
      %dma_start3A_95 = tpu.memref_slice %arg4[%add3A_21] : memref<323584xi32, #tpu.memory_space<hbm>> -> memref<128xi32, #tpu.memory_space<hbm>>
      %dma_start3A_96 = tpu.memref_slice %arg4[%add3A_21] : memref<323584xi32, #tpu.memory_space<hbm>> -> memref<128xi32, #tpu.memory_space<hbm>>
      tpu.enqueue_dma source(%dma_start3A_96 : memref<128xi32, #tpu.memory_space<hbm>>) target(%arg8 : memref<128xi32, #tpu.memory_space<vmem>>) target_semaphore(%run_scoped3A : memref<!tpu.dma_semaphore, #tpu.memory_space<semaphore_mem>>)
      %dma_wait3A_97 = tpu.memref_slice %arg4[%add3A_21] : memref<323584xi32, #tpu.memory_space<hbm>> -> memref<128xi32, #tpu.memory_space<hbm>>
      %dma_wait3A_98 = tpu.memref_slice %arg4[%add3A_21] : memref<323584xi32, #tpu.memory_space<hbm>> -> memref<128xi32, #tpu.memory_space<hbm>>
      tpu.wait_dma2 semaphore(%run_scoped3A : memref<!tpu.dma_semaphore, #tpu.memory_space<semaphore_mem>>) src(%dma_wait3A_98 : memref<128xi32, #tpu.memory_space<hbm>>) dst(%arg8 : memref<128xi32, #tpu.memory_space<vmem>>)
      tpu.yield
    }) : () -> ()
    %dma_wait3A = arith.constant 0 : i32
    %dma_wait3A_22 = arith.constant 0 : i32
    %dma_wait3A_23 = tpu.memref_slice %arg2[%dma_wait3A, %dma_wait3A_22] : memref<40000x128xf32, #tpu.memory_space<hbm>> -> memref<40000x128xf32, #tpu.memory_space<hbm>>
    tpu.wait_indirect_dma semaphore(%arg15 : memref<!tpu.dma_semaphore, #tpu.memory_space<semaphore_mem>>) src(%dma_wait3A_23 : memref<40000x128xf32, #tpu.memory_space<hbm>>) dst(%arg11 : memref<128x128xf32, #tpu.memory_space<vmem>>)
    %dma_start3A_24 = arith.constant 0 : i32
    %dma_start3A_25 = arith.constant 0 : i32
    %dma_start3A_26 = tpu.memref_slice %arg13[%dma_start3A_24, %dma_start3A_25] : memref<10112x128xf32, #tpu.memory_space<vmem_shared>> -> memref<10112x128xf32, #tpu.memory_space<vmem_shared>>
    tpu.enqueue_indirect_dma source(%arg11 : memref<128x128xf32, #tpu.memory_space<vmem>>) target(%dma_start3A_26 : memref<10112x128xf32, #tpu.memory_space<vmem_shared>>) offsets(%arg8 : memref<128xi32, #tpu.memory_space<vmem>>) semaphore(%arg17 : memref<!tpu.dma_semaphore, #tpu.memory_space<semaphore_mem>>) {add = true}
    "tpu.region"() ({
      %run_scoped3A = tpu.sem_alloc : memref<!tpu.dma_semaphore, #tpu.memory_space<semaphore_mem>>
      %dma_start3A_95 = arith.constant 128 : i32
      %dma_start3A_96 = tpu.memref_slice %arg14[%arg1, %dma_start3A_95] : memref<16x13440xi32, #tpu.memory_space<vmem_shared>> -> memref<1x128xi32, #tpu.memory_space<vmem_shared>>
      %dma_start3A_97 = tpu.memref_squeeze %dma_start3A_96 : memref<1x128xi32, #tpu.memory_space<vmem_shared>> -> memref<128xi32, #tpu.memory_space<vmem_shared>>
      %dma_start3A_98 = arith.constant 128 : i32
      %dma_start3A_99 = tpu.memref_slice %arg14[%arg1, %dma_start3A_98] : memref<16x13440xi32, #tpu.memory_space<vmem_shared>> -> memref<1x128xi32, #tpu.memory_space<vmem_shared>>
      %dma_start3A_100 = tpu.memref_squeeze %dma_start3A_99 : memref<1x128xi32, #tpu.memory_space<vmem_shared>> -> memref<128xi32, #tpu.memory_space<vmem_shared>>
      tpu.enqueue_dma source(%dma_start3A_100 : memref<128xi32, #tpu.memory_space<vmem_shared>>) target(%arg9 : memref<128xi32, #tpu.memory_space<vmem>>) target_semaphore(%run_scoped3A : memref<!tpu.dma_semaphore, #tpu.memory_space<semaphore_mem>>)
      %dma_wait3A_101 = arith.constant 128 : i32
      %dma_wait3A_102 = tpu.memref_slice %arg14[%arg1, %dma_wait3A_101] : memref<16x13440xi32, #tpu.memory_space<vmem_shared>> -> memref<1x128xi32, #tpu.memory_space<vmem_shared>>
      %dma_wait3A_103 = tpu.memref_squeeze %dma_wait3A_102 : memref<1x128xi32, #tpu.memory_space<vmem_shared>> -> memref<128xi32, #tpu.memory_space<vmem_shared>>
      %dma_wait3A_104 = arith.constant 128 : i32
      %dma_wait3A_105 = tpu.memref_slice %arg14[%arg1, %dma_wait3A_104] : memref<16x13440xi32, #tpu.memory_space<vmem_shared>> -> memref<1x128xi32, #tpu.memory_space<vmem_shared>>
      %dma_wait3A_106 = tpu.memref_squeeze %dma_wait3A_105 : memref<1x128xi32, #tpu.memory_space<vmem_shared>> -> memref<128xi32, #tpu.memory_space<vmem_shared>>
      tpu.wait_dma2 semaphore(%run_scoped3A : memref<!tpu.dma_semaphore, #tpu.memory_space<semaphore_mem>>) src(%dma_wait3A_106 : memref<128xi32, #tpu.memory_space<vmem_shared>>) dst(%arg9 : memref<128xi32, #tpu.memory_space<vmem>>)
      tpu.yield
    }) : () -> ()
    %dma_start3A_27 = arith.constant 0 : i32
    %dma_start3A_28 = arith.constant 0 : i32
    %dma_start3A_29 = tpu.memref_slice %arg2[%dma_start3A_27, %dma_start3A_28] : memref<40000x128xf32, #tpu.memory_space<hbm>> -> memref<40000x128xf32, #tpu.memory_space<hbm>>
    tpu.enqueue_indirect_dma source(%dma_start3A_29 : memref<40000x128xf32, #tpu.memory_space<hbm>>) target(%arg12 : memref<128x128xf32, #tpu.memory_space<vmem>>) offsets(%arg9 : memref<128xi32, #tpu.memory_space<vmem>>) semaphore(%arg16 : memref<!tpu.dma_semaphore, #tpu.memory_space<semaphore_mem>>)
    %add3A_30 = arith.constant 128 : i32
    %add3A_31 = arith.addi %mul3A_17, %add3A_30 : i32
    "tpu.region"() ({
      %run_scoped3A = tpu.sem_alloc : memref<!tpu.dma_semaphore, #tpu.memory_space<semaphore_mem>>
      %dma_start3A_95 = tpu.memref_slice %arg4[%add3A_31] : memref<323584xi32, #tpu.memory_space<hbm>> -> memref<128xi32, #tpu.memory_space<hbm>>
      %dma_start3A_96 = tpu.memref_slice %arg4[%add3A_31] : memref<323584xi32, #tpu.memory_space<hbm>> -> memref<128xi32, #tpu.memory_space<hbm>>
      tpu.enqueue_dma source(%dma_start3A_96 : memref<128xi32, #tpu.memory_space<hbm>>) target(%arg10 : memref<128xi32, #tpu.memory_space<vmem>>) target_semaphore(%run_scoped3A : memref<!tpu.dma_semaphore, #tpu.memory_space<semaphore_mem>>)
      %dma_wait3A_97 = tpu.memref_slice %arg4[%add3A_31] : memref<323584xi32, #tpu.memory_space<hbm>> -> memref<128xi32, #tpu.memory_space<hbm>>
      %dma_wait3A_98 = tpu.memref_slice %arg4[%add3A_31] : memref<323584xi32, #tpu.memory_space<hbm>> -> memref<128xi32, #tpu.memory_space<hbm>>
      tpu.wait_dma2 semaphore(%run_scoped3A : memref<!tpu.dma_semaphore, #tpu.memory_space<semaphore_mem>>) src(%dma_wait3A_98 : memref<128xi32, #tpu.memory_space<hbm>>) dst(%arg10 : memref<128xi32, #tpu.memory_space<vmem>>)
      tpu.yield
    }) : () -> ()
    %dma_wait3A_32 = arith.constant 0 : i32
    %dma_wait3A_33 = arith.constant 0 : i32
    %dma_wait3A_34 = tpu.memref_slice %arg2[%dma_wait3A_32, %dma_wait3A_33] : memref<40000x128xf32, #tpu.memory_space<hbm>> -> memref<40000x128xf32, #tpu.memory_space<hbm>>
    tpu.wait_indirect_dma semaphore(%arg16 : memref<!tpu.dma_semaphore, #tpu.memory_space<semaphore_mem>>) src(%dma_wait3A_34 : memref<40000x128xf32, #tpu.memory_space<hbm>>) dst(%arg12 : memref<128x128xf32, #tpu.memory_space<vmem>>)
    %dma_start3A_35 = arith.constant 0 : i32
    %dma_start3A_36 = arith.constant 0 : i32
    %dma_start3A_37 = tpu.memref_slice %arg13[%dma_start3A_35, %dma_start3A_36] : memref<10112x128xf32, #tpu.memory_space<vmem_shared>> -> memref<10112x128xf32, #tpu.memory_space<vmem_shared>>
    tpu.enqueue_indirect_dma source(%arg12 : memref<128x128xf32, #tpu.memory_space<vmem>>) target(%dma_start3A_37 : memref<10112x128xf32, #tpu.memory_space<vmem_shared>>) offsets(%arg10 : memref<128xi32, #tpu.memory_space<vmem>>) semaphore(%arg18 : memref<!tpu.dma_semaphore, #tpu.memory_space<semaphore_mem>>) {add = true}
    %jit3A_38 = arith.constant 2 : i32
    %div3A = arith.divsi %select_n3A, %jit3A_38 : i32
    %sign3A = arith.constant 0 : i32
    %sign3A_39 = arith.cmpi sgt, %select_n3A, %sign3A : i32
    %sign3A_40 = arith.extui %sign3A_39 : i1 to i32
    %sign3A_41 = arith.constant 0 : i32
    %sign3A_42 = arith.cmpi slt, %select_n3A, %sign3A_41 : i32
    %sign3A_43 = arith.extui %sign3A_42 : i1 to i32
    %sign3A_44 = arith.subi %sign3A_40, %sign3A_43 : i32
    %sign3A_45 = arith.constant 0 : i32
    %sign3A_46 = arith.cmpi sgt, %jit3A_38, %sign3A_45 : i32
    %sign3A_47 = arith.extui %sign3A_46 : i1 to i32
    %sign3A_48 = arith.constant 0 : i32
    %sign3A_49 = arith.cmpi slt, %jit3A_38, %sign3A_48 : i32
    %sign3A_50 = arith.extui %sign3A_49 : i1 to i32
    %sign3A_51 = arith.subi %sign3A_47, %sign3A_50 : i32
    %ne3A = arith.cmpi ne, %sign3A_44, %sign3A_51 : i32
    %rem3A = arith.remsi %select_n3A, %jit3A_38 : i32
    %ne3A_52 = arith.constant 0 : i32
    %ne3A_53 = arith.cmpi ne, %rem3A, %ne3A_52 : i32
    %and3A = arith.andi %ne3A, %ne3A_53 : i1
    %sub3A = arith.constant 1 : i32
    %sub3A_54 = arith.subi %div3A, %sub3A : i32
    %select_n3A_55 = arith.select %and3A, %sub3A_54, %div3A : i32
    %while3A = arith.constant 0 : i32
    %while3A_56 = arith.constant 1 : i32
    %while3A_57 = arith.subi %select_n3A_55, %while3A_56 : i32
    %while3A_58 = arith.addi %while3A_56, %while3A_57 : i32
    %while3A_59 = arith.constant 1 : i32
    %while3A_60 = arith.divsi %while3A_57, %while3A_59 : i32
    %while3A_61 = arith.muli %while3A_60, %while3A_59 : i32
    %while3A_62 = arith.addi %while3A_56, %while3A_61 : i32
    %while3A_63 = arith.constant 1 : i32
    scf.for %while3A_95 = %while3A_56 to %while3A_62 step %while3A_63  : i32 {
      %mul3A_96 = arith.constant 2 : i32
      %mul3A_97 = arith.muli %mul3A_96, %while3A_95 : i32
      %mul3A_98 = arith.constant 128 : i32
      %mul3A_99 = arith.muli %mul3A_97, %mul3A_98 : i32
      "tpu.region"() ({
        %run_scoped3A = tpu.sem_alloc : memref<!tpu.dma_semaphore, #tpu.memory_space<semaphore_mem>>
        %dma_start3A_136 = tpu.memref_slice %arg14[%arg1, %mul3A_99] : memref<16x13440xi32, #tpu.memory_space<vmem_shared>> -> memref<1x128xi32, #tpu.memory_space<vmem_shared>>
        %dma_start3A_137 = tpu.memref_squeeze %dma_start3A_136 : memref<1x128xi32, #tpu.memory_space<vmem_shared>> -> memref<128xi32, #tpu.memory_space<vmem_shared>>
        %dma_start3A_138 = tpu.memref_slice %arg14[%arg1, %mul3A_99] : memref<16x13440xi32, #tpu.memory_space<vmem_shared>> -> memref<1x128xi32, #tpu.memory_space<vmem_shared>>
        %dma_start3A_139 = tpu.memref_squeeze %dma_start3A_138 : memref<1x128xi32, #tpu.memory_space<vmem_shared>> -> memref<128xi32, #tpu.memory_space<vmem_shared>>
        tpu.enqueue_dma source(%dma_start3A_139 : memref<128xi32, #tpu.memory_space<vmem_shared>>) target(%arg7 : memref<128xi32, #tpu.memory_space<vmem>>) target_semaphore(%run_scoped3A : memref<!tpu.dma_semaphore, #tpu.memory_space<semaphore_mem>>)
        %dma_wait3A_140 = tpu.memref_slice %arg14[%arg1, %mul3A_99] : memref<16x13440xi32, #tpu.memory_space<vmem_shared>> -> memref<1x128xi32, #tpu.memory_space<vmem_shared>>
        %dma_wait3A_141 = tpu.memref_squeeze %dma_wait3A_140 : memref<1x128xi32, #tpu.memory_space<vmem_shared>> -> memref<128xi32, #tpu.memory_space<vmem_shared>>
        %dma_wait3A_142 = tpu.memref_slice %arg14[%arg1, %mul3A_99] : memref<16x13440xi32, #tpu.memory_space<vmem_shared>> -> memref<1x128xi32, #tpu.memory_space<vmem_shared>>
        %dma_wait3A_143 = tpu.memref_squeeze %dma_wait3A_142 : memref<1x128xi32, #tpu.memory_space<vmem_shared>> -> memref<128xi32, #tpu.memory_space<vmem_shared>>
        tpu.wait_dma2 semaphore(%run_scoped3A : memref<!tpu.dma_semaphore, #tpu.memory_space<semaphore_mem>>) src(%dma_wait3A_143 : memref<128xi32, #tpu.memory_space<vmem_shared>>) dst(%arg7 : memref<128xi32, #tpu.memory_space<vmem>>)
        tpu.yield
      }) : () -> ()
      %dma_wait3A_100 = arith.constant 0 : i32
      %dma_wait3A_101 = arith.constant 0 : i32
      %dma_wait3A_102 = tpu.memref_slice %arg13[%dma_wait3A_100, %dma_wait3A_101] : memref<10112x128xf32, #tpu.memory_space<vmem_shared>> -> memref<10112x128xf32, #tpu.memory_space<vmem_shared>>
      tpu.wait_indirect_dma semaphore(%arg17 : memref<!tpu.dma_semaphore, #tpu.memory_space<semaphore_mem>>) src(%arg11 : memref<128x128xf32, #tpu.memory_space<vmem>>) dst(%dma_wait3A_102 : memref<10112x128xf32, #tpu.memory_space<vmem_shared>>)
      %dma_start3A_103 = arith.constant 0 : i32
      %dma_start3A_104 = arith.constant 0 : i32
      %dma_start3A_105 = tpu.memref_slice %arg2[%dma_start3A_103, %dma_start3A_104] : memref<40000x128xf32, #tpu.memory_space<hbm>> -> memref<40000x128xf32, #tpu.memory_space<hbm>>
      tpu.enqueue_indirect_dma source(%dma_start3A_105 : memref<40000x128xf32, #tpu.memory_space<hbm>>) target(%arg11 : memref<128x128xf32, #tpu.memory_space<vmem>>) offsets(%arg7 : memref<128xi32, #tpu.memory_space<vmem>>) semaphore(%arg15 : memref<!tpu.dma_semaphore, #tpu.memory_space<semaphore_mem>>)
      %mul3A_106 = arith.constant 128 : i32
      %mul3A_107 = arith.muli %mul3A_97, %mul3A_106 : i32
      %add3A_108 = arith.addi %mul3A_17, %mul3A_107 : i32
      "tpu.region"() ({
        %run_scoped3A = tpu.sem_alloc : memref<!tpu.dma_semaphore, #tpu.memory_space<semaphore_mem>>
        %dma_start3A_136 = tpu.memref_slice %arg4[%add3A_108] : memref<323584xi32, #tpu.memory_space<hbm>> -> memref<128xi32, #tpu.memory_space<hbm>>
        %dma_start3A_137 = tpu.memref_slice %arg4[%add3A_108] : memref<323584xi32, #tpu.memory_space<hbm>> -> memref<128xi32, #tpu.memory_space<hbm>>
        tpu.enqueue_dma source(%dma_start3A_137 : memref<128xi32, #tpu.memory_space<hbm>>) target(%arg8 : memref<128xi32, #tpu.memory_space<vmem>>) target_semaphore(%run_scoped3A : memref<!tpu.dma_semaphore, #tpu.memory_space<semaphore_mem>>)
        %dma_wait3A_138 = tpu.memref_slice %arg4[%add3A_108] : memref<323584xi32, #tpu.memory_space<hbm>> -> memref<128xi32, #tpu.memory_space<hbm>>
        %dma_wait3A_139 = tpu.memref_slice %arg4[%add3A_108] : memref<323584xi32, #tpu.memory_space<hbm>> -> memref<128xi32, #tpu.memory_space<hbm>>
        tpu.wait_dma2 semaphore(%run_scoped3A : memref<!tpu.dma_semaphore, #tpu.memory_space<semaphore_mem>>) src(%dma_wait3A_139 : memref<128xi32, #tpu.memory_space<hbm>>) dst(%arg8 : memref<128xi32, #tpu.memory_space<vmem>>)
        tpu.yield
      }) : () -> ()
      %dma_wait3A_109 = arith.constant 0 : i32
      %dma_wait3A_110 = arith.constant 0 : i32
      %dma_wait3A_111 = tpu.memref_slice %arg2[%dma_wait3A_109, %dma_wait3A_110] : memref<40000x128xf32, #tpu.memory_space<hbm>> -> memref<40000x128xf32, #tpu.memory_space<hbm>>
      tpu.wait_indirect_dma semaphore(%arg15 : memref<!tpu.dma_semaphore, #tpu.memory_space<semaphore_mem>>) src(%dma_wait3A_111 : memref<40000x128xf32, #tpu.memory_space<hbm>>) dst(%arg11 : memref<128x128xf32, #tpu.memory_space<vmem>>)
      %dma_start3A_112 = arith.constant 0 : i32
      %dma_start3A_113 = arith.constant 0 : i32
      %dma_start3A_114 = tpu.memref_slice %arg13[%dma_start3A_112, %dma_start3A_113] : memref<10112x128xf32, #tpu.memory_space<vmem_shared>> -> memref<10112x128xf32, #tpu.memory_space<vmem_shared>>
      tpu.enqueue_indirect_dma source(%arg11 : memref<128x128xf32, #tpu.memory_space<vmem>>) target(%dma_start3A_114 : memref<10112x128xf32, #tpu.memory_space<vmem_shared>>) offsets(%arg8 : memref<128xi32, #tpu.memory_space<vmem>>) semaphore(%arg17 : memref<!tpu.dma_semaphore, #tpu.memory_space<semaphore_mem>>) {add = true}
      %mul3A_115 = arith.constant 2 : i32
      %mul3A_116 = arith.muli %mul3A_115, %while3A_95 : i32
      %add3A_117 = arith.constant 1 : i32
      %add3A_118 = arith.addi %mul3A_116, %add3A_117 : i32
      %mul3A_119 = arith.constant 128 : i32
      %mul3A_120 = arith.muli %add3A_118, %mul3A_119 : i32
      "tpu.region"() ({
        %run_scoped3A = tpu.sem_alloc : memref<!tpu.dma_semaphore, #tpu.memory_space<semaphore_mem>>
        %dma_start3A_136 = tpu.memref_slice %arg14[%arg1, %mul3A_120] : memref<16x13440xi32, #tpu.memory_space<vmem_shared>> -> memref<1x128xi32, #tpu.memory_space<vmem_shared>>
        %dma_start3A_137 = tpu.memref_squeeze %dma_start3A_136 : memref<1x128xi32, #tpu.memory_space<vmem_shared>> -> memref<128xi32, #tpu.memory_space<vmem_shared>>
        %dma_start3A_138 = tpu.memref_slice %arg14[%arg1, %mul3A_120] : memref<16x13440xi32, #tpu.memory_space<vmem_shared>> -> memref<1x128xi32, #tpu.memory_space<vmem_shared>>
        %dma_start3A_139 = tpu.memref_squeeze %dma_start3A_138 : memref<1x128xi32, #tpu.memory_space<vmem_shared>> -> memref<128xi32, #tpu.memory_space<vmem_shared>>
        tpu.enqueue_dma source(%dma_start3A_139 : memref<128xi32, #tpu.memory_space<vmem_shared>>) target(%arg9 : memref<128xi32, #tpu.memory_space<vmem>>) target_semaphore(%run_scoped3A : memref<!tpu.dma_semaphore, #tpu.memory_space<semaphore_mem>>)
        %dma_wait3A_140 = tpu.memref_slice %arg14[%arg1, %mul3A_120] : memref<16x13440xi32, #tpu.memory_space<vmem_shared>> -> memref<1x128xi32, #tpu.memory_space<vmem_shared>>
        %dma_wait3A_141 = tpu.memref_squeeze %dma_wait3A_140 : memref<1x128xi32, #tpu.memory_space<vmem_shared>> -> memref<128xi32, #tpu.memory_space<vmem_shared>>
        %dma_wait3A_142 = tpu.memref_slice %arg14[%arg1, %mul3A_120] : memref<16x13440xi32, #tpu.memory_space<vmem_shared>> -> memref<1x128xi32, #tpu.memory_space<vmem_shared>>
        %dma_wait3A_143 = tpu.memref_squeeze %dma_wait3A_142 : memref<1x128xi32, #tpu.memory_space<vmem_shared>> -> memref<128xi32, #tpu.memory_space<vmem_shared>>
        tpu.wait_dma2 semaphore(%run_scoped3A : memref<!tpu.dma_semaphore, #tpu.memory_space<semaphore_mem>>) src(%dma_wait3A_143 : memref<128xi32, #tpu.memory_space<vmem_shared>>) dst(%arg9 : memref<128xi32, #tpu.memory_space<vmem>>)
        tpu.yield
      }) : () -> ()
      %dma_wait3A_121 = arith.constant 0 : i32
      %dma_wait3A_122 = arith.constant 0 : i32
      %dma_wait3A_123 = tpu.memref_slice %arg13[%dma_wait3A_121, %dma_wait3A_122] : memref<10112x128xf32, #tpu.memory_space<vmem_shared>> -> memref<10112x128xf32, #tpu.memory_space<vmem_shared>>
      tpu.wait_indirect_dma semaphore(%arg18 : memref<!tpu.dma_semaphore, #tpu.memory_space<semaphore_mem>>) src(%arg12 : memref<128x128xf32, #tpu.memory_space<vmem>>) dst(%dma_wait3A_123 : memref<10112x128xf32, #tpu.memory_space<vmem_shared>>)
      %dma_start3A_124 = arith.constant 0 : i32
      %dma_start3A_125 = arith.constant 0 : i32
      %dma_start3A_126 = tpu.memref_slice %arg2[%dma_start3A_124, %dma_start3A_125] : memref<40000x128xf32, #tpu.memory_space<hbm>> -> memref<40000x128xf32, #tpu.memory_space<hbm>>
      tpu.enqueue_indirect_dma source(%dma_start3A_126 : memref<40000x128xf32, #tpu.memory_space<hbm>>) target(%arg12 : memref<128x128xf32, #tpu.memory_space<vmem>>) offsets(%arg9 : memref<128xi32, #tpu.memory_space<vmem>>) semaphore(%arg16 : memref<!tpu.dma_semaphore, #tpu.memory_space<semaphore_mem>>)
      %mul3A_127 = arith.constant 128 : i32
      %mul3A_128 = arith.muli %add3A_118, %mul3A_127 : i32
      %add3A_129 = arith.addi %mul3A_17, %mul3A_128 : i32
      "tpu.region"() ({
        %run_scoped3A = tpu.sem_alloc : memref<!tpu.dma_semaphore, #tpu.memory_space<semaphore_mem>>
        %dma_start3A_136 = tpu.memref_slice %arg4[%add3A_129] : memref<323584xi32, #tpu.memory_space<hbm>> -> memref<128xi32, #tpu.memory_space<hbm>>
        %dma_start3A_137 = tpu.memref_slice %arg4[%add3A_129] : memref<323584xi32, #tpu.memory_space<hbm>> -> memref<128xi32, #tpu.memory_space<hbm>>
        tpu.enqueue_dma source(%dma_start3A_137 : memref<128xi32, #tpu.memory_space<hbm>>) target(%arg10 : memref<128xi32, #tpu.memory_space<vmem>>) target_semaphore(%run_scoped3A : memref<!tpu.dma_semaphore, #tpu.memory_space<semaphore_mem>>)
        %dma_wait3A_138 = tpu.memref_slice %arg4[%add3A_129] : memref<323584xi32, #tpu.memory_space<hbm>> -> memref<128xi32, #tpu.memory_space<hbm>>
        %dma_wait3A_139 = tpu.memref_slice %arg4[%add3A_129] : memref<323584xi32, #tpu.memory_space<hbm>> -> memref<128xi32, #tpu.memory_space<hbm>>
        tpu.wait_dma2 semaphore(%run_scoped3A : memref<!tpu.dma_semaphore, #tpu.memory_space<semaphore_mem>>) src(%dma_wait3A_139 : memref<128xi32, #tpu.memory_space<hbm>>) dst(%arg10 : memref<128xi32, #tpu.memory_space<vmem>>)
        tpu.yield
      }) : () -> ()
      %dma_wait3A_130 = arith.constant 0 : i32
      %dma_wait3A_131 = arith.constant 0 : i32
      %dma_wait3A_132 = tpu.memref_slice %arg2[%dma_wait3A_130, %dma_wait3A_131] : memref<40000x128xf32, #tpu.memory_space<hbm>> -> memref<40000x128xf32, #tpu.memory_space<hbm>>
      tpu.wait_indirect_dma semaphore(%arg16 : memref<!tpu.dma_semaphore, #tpu.memory_space<semaphore_mem>>) src(%dma_wait3A_132 : memref<40000x128xf32, #tpu.memory_space<hbm>>) dst(%arg12 : memref<128x128xf32, #tpu.memory_space<vmem>>)
      %dma_start3A_133 = arith.constant 0 : i32
      %dma_start3A_134 = arith.constant 0 : i32
      %dma_start3A_135 = tpu.memref_slice %arg13[%dma_start3A_133, %dma_start3A_134] : memref<10112x128xf32, #tpu.memory_space<vmem_shared>> -> memref<10112x128xf32, #tpu.memory_space<vmem_shared>>
      tpu.enqueue_indirect_dma source(%arg12 : memref<128x128xf32, #tpu.memory_space<vmem>>) target(%dma_start3A_135 : memref<10112x128xf32, #tpu.memory_space<vmem_shared>>) offsets(%arg10 : memref<128xi32, #tpu.memory_space<vmem>>) semaphore(%arg18 : memref<!tpu.dma_semaphore, #tpu.memory_space<semaphore_mem>>) {add = true}
    }
    %while3A_64 = arith.constant 1 : i32
    scf.for %while3A_95 = %while3A_62 to %while3A_58 step %while3A_64  : i32 {
      %mul3A_96 = arith.constant 2 : i32
      %mul3A_97 = arith.muli %mul3A_96, %while3A_95 : i32
      %mul3A_98 = arith.constant 128 : i32
      %mul3A_99 = arith.muli %mul3A_97, %mul3A_98 : i32
      "tpu.region"() ({
        %run_scoped3A = tpu.sem_alloc : memref<!tpu.dma_semaphore, #tpu.memory_space<semaphore_mem>>
        %dma_start3A_136 = tpu.memref_slice %arg14[%arg1, %mul3A_99] : memref<16x13440xi32, #tpu.memory_space<vmem_shared>> -> memref<1x128xi32, #tpu.memory_space<vmem_shared>>
        %dma_start3A_137 = tpu.memref_squeeze %dma_start3A_136 : memref<1x128xi32, #tpu.memory_space<vmem_shared>> -> memref<128xi32, #tpu.memory_space<vmem_shared>>
        %dma_start3A_138 = tpu.memref_slice %arg14[%arg1, %mul3A_99] : memref<16x13440xi32, #tpu.memory_space<vmem_shared>> -> memref<1x128xi32, #tpu.memory_space<vmem_shared>>
        %dma_start3A_139 = tpu.memref_squeeze %dma_start3A_138 : memref<1x128xi32, #tpu.memory_space<vmem_shared>> -> memref<128xi32, #tpu.memory_space<vmem_shared>>
        tpu.enqueue_dma source(%dma_start3A_139 : memref<128xi32, #tpu.memory_space<vmem_shared>>) target(%arg7 : memref<128xi32, #tpu.memory_space<vmem>>) target_semaphore(%run_scoped3A : memref<!tpu.dma_semaphore, #tpu.memory_space<semaphore_mem>>)
        %dma_wait3A_140 = tpu.memref_slice %arg14[%arg1, %mul3A_99] : memref<16x13440xi32, #tpu.memory_space<vmem_shared>> -> memref<1x128xi32, #tpu.memory_space<vmem_shared>>
        %dma_wait3A_141 = tpu.memref_squeeze %dma_wait3A_140 : memref<1x128xi32, #tpu.memory_space<vmem_shared>> -> memref<128xi32, #tpu.memory_space<vmem_shared>>
        %dma_wait3A_142 = tpu.memref_slice %arg14[%arg1, %mul3A_99] : memref<16x13440xi32, #tpu.memory_space<vmem_shared>> -> memref<1x128xi32, #tpu.memory_space<vmem_shared>>
        %dma_wait3A_143 = tpu.memref_squeeze %dma_wait3A_142 : memref<1x128xi32, #tpu.memory_space<vmem_shared>> -> memref<128xi32, #tpu.memory_space<vmem_shared>>
        tpu.wait_dma2 semaphore(%run_scoped3A : memref<!tpu.dma_semaphore, #tpu.memory_space<semaphore_mem>>) src(%dma_wait3A_143 : memref<128xi32, #tpu.memory_space<vmem_shared>>) dst(%arg7 : memref<128xi32, #tpu.memory_space<vmem>>)
        tpu.yield
      }) : () -> ()
      %dma_wait3A_100 = arith.constant 0 : i32
      %dma_wait3A_101 = arith.constant 0 : i32
      %dma_wait3A_102 = tpu.memref_slice %arg13[%dma_wait3A_100, %dma_wait3A_101] : memref<10112x128xf32, #tpu.memory_space<vmem_shared>> -> memref<10112x128xf32, #tpu.memory_space<vmem_shared>>
      tpu.wait_indirect_dma semaphore(%arg17 : memref<!tpu.dma_semaphore, #tpu.memory_space<semaphore_mem>>) src(%arg11 : memref<128x128xf32, #tpu.memory_space<vmem>>) dst(%dma_wait3A_102 : memref<10112x128xf32, #tpu.memory_space<vmem_shared>>)
      %dma_start3A_103 = arith.constant 0 : i32
      %dma_start3A_104 = arith.constant 0 : i32
      %dma_start3A_105 = tpu.memref_slice %arg2[%dma_start3A_103, %dma_start3A_104] : memref<40000x128xf32, #tpu.memory_space<hbm>> -> memref<40000x128xf32, #tpu.memory_space<hbm>>
      tpu.enqueue_indirect_dma source(%dma_start3A_105 : memref<40000x128xf32, #tpu.memory_space<hbm>>) target(%arg11 : memref<128x128xf32, #tpu.memory_space<vmem>>) offsets(%arg7 : memref<128xi32, #tpu.memory_space<vmem>>) semaphore(%arg15 : memref<!tpu.dma_semaphore, #tpu.memory_space<semaphore_mem>>)
      %mul3A_106 = arith.constant 128 : i32
      %mul3A_107 = arith.muli %mul3A_97, %mul3A_106 : i32
      %add3A_108 = arith.addi %mul3A_17, %mul3A_107 : i32
      "tpu.region"() ({
        %run_scoped3A = tpu.sem_alloc : memref<!tpu.dma_semaphore, #tpu.memory_space<semaphore_mem>>
        %dma_start3A_136 = tpu.memref_slice %arg4[%add3A_108] : memref<323584xi32, #tpu.memory_space<hbm>> -> memref<128xi32, #tpu.memory_space<hbm>>
        %dma_start3A_137 = tpu.memref_slice %arg4[%add3A_108] : memref<323584xi32, #tpu.memory_space<hbm>> -> memref<128xi32, #tpu.memory_space<hbm>>
        tpu.enqueue_dma source(%dma_start3A_137 : memref<128xi32, #tpu.memory_space<hbm>>) target(%arg8 : memref<128xi32, #tpu.memory_space<vmem>>) target_semaphore(%run_scoped3A : memref<!tpu.dma_semaphore, #tpu.memory_space<semaphore_mem>>)
        %dma_wait3A_138 = tpu.memref_slice %arg4[%add3A_108] : memref<323584xi32, #tpu.memory_space<hbm>> -> memref<128xi32, #tpu.memory_space<hbm>>
        %dma_wait3A_139 = tpu.memref_slice %arg4[%add3A_108] : memref<323584xi32, #tpu.memory_space<hbm>> -> memref<128xi32, #tpu.memory_space<hbm>>
        tpu.wait_dma2 semaphore(%run_scoped3A : memref<!tpu.dma_semaphore, #tpu.memory_space<semaphore_mem>>) src(%dma_wait3A_139 : memref<128xi32, #tpu.memory_space<hbm>>) dst(%arg8 : memref<128xi32, #tpu.memory_space<vmem>>)
        tpu.yield
      }) : () -> ()
      %dma_wait3A_109 = arith.constant 0 : i32
      %dma_wait3A_110 = arith.constant 0 : i32
      %dma_wait3A_111 = tpu.memref_slice %arg2[%dma_wait3A_109, %dma_wait3A_110] : memref<40000x128xf32, #tpu.memory_space<hbm>> -> memref<40000x128xf32, #tpu.memory_space<hbm>>
      tpu.wait_indirect_dma semaphore(%arg15 : memref<!tpu.dma_semaphore, #tpu.memory_space<semaphore_mem>>) src(%dma_wait3A_111 : memref<40000x128xf32, #tpu.memory_space<hbm>>) dst(%arg11 : memref<128x128xf32, #tpu.memory_space<vmem>>)
      %dma_start3A_112 = arith.constant 0 : i32
      %dma_start3A_113 = arith.constant 0 : i32
      %dma_start3A_114 = tpu.memref_slice %arg13[%dma_start3A_112, %dma_start3A_113] : memref<10112x128xf32, #tpu.memory_space<vmem_shared>> -> memref<10112x128xf32, #tpu.memory_space<vmem_shared>>
      tpu.enqueue_indirect_dma source(%arg11 : memref<128x128xf32, #tpu.memory_space<vmem>>) target(%dma_start3A_114 : memref<10112x128xf32, #tpu.memory_space<vmem_shared>>) offsets(%arg8 : memref<128xi32, #tpu.memory_space<vmem>>) semaphore(%arg17 : memref<!tpu.dma_semaphore, #tpu.memory_space<semaphore_mem>>) {add = true}
      %mul3A_115 = arith.constant 2 : i32
      %mul3A_116 = arith.muli %mul3A_115, %while3A_95 : i32
      %add3A_117 = arith.constant 1 : i32
      %add3A_118 = arith.addi %mul3A_116, %add3A_117 : i32
      %mul3A_119 = arith.constant 128 : i32
      %mul3A_120 = arith.muli %add3A_118, %mul3A_119 : i32
      "tpu.region"() ({
        %run_scoped3A = tpu.sem_alloc : memref<!tpu.dma_semaphore, #tpu.memory_space<semaphore_mem>>
        %dma_start3A_136 = tpu.memref_slice %arg14[%arg1, %mul3A_120] : memref<16x13440xi32, #tpu.memory_space<vmem_shared>> -> memref<1x128xi32, #tpu.memory_space<vmem_shared>>
        %dma_start3A_137 = tpu.memref_squeeze %dma_start3A_136 : memref<1x128xi32, #tpu.memory_space<vmem_shared>> -> memref<128xi32, #tpu.memory_space<vmem_shared>>
        %dma_start3A_138 = tpu.memref_slice %arg14[%arg1, %mul3A_120] : memref<16x13440xi32, #tpu.memory_space<vmem_shared>> -> memref<1x128xi32, #tpu.memory_space<vmem_shared>>
        %dma_start3A_139 = tpu.memref_squeeze %dma_start3A_138 : memref<1x128xi32, #tpu.memory_space<vmem_shared>> -> memref<128xi32, #tpu.memory_space<vmem_shared>>
        tpu.enqueue_dma source(%dma_start3A_139 : memref<128xi32, #tpu.memory_space<vmem_shared>>) target(%arg9 : memref<128xi32, #tpu.memory_space<vmem>>) target_semaphore(%run_scoped3A : memref<!tpu.dma_semaphore, #tpu.memory_space<semaphore_mem>>)
        %dma_wait3A_140 = tpu.memref_slice %arg14[%arg1, %mul3A_120] : memref<16x13440xi32, #tpu.memory_space<vmem_shared>> -> memref<1x128xi32, #tpu.memory_space<vmem_shared>>
        %dma_wait3A_141 = tpu.memref_squeeze %dma_wait3A_140 : memref<1x128xi32, #tpu.memory_space<vmem_shared>> -> memref<128xi32, #tpu.memory_space<vmem_shared>>
        %dma_wait3A_142 = tpu.memref_slice %arg14[%arg1, %mul3A_120] : memref<16x13440xi32, #tpu.memory_space<vmem_shared>> -> memref<1x128xi32, #tpu.memory_space<vmem_shared>>
        %dma_wait3A_143 = tpu.memref_squeeze %dma_wait3A_142 : memref<1x128xi32, #tpu.memory_space<vmem_shared>> -> memref<128xi32, #tpu.memory_space<vmem_shared>>
        tpu.wait_dma2 semaphore(%run_scoped3A : memref<!tpu.dma_semaphore, #tpu.memory_space<semaphore_mem>>) src(%dma_wait3A_143 : memref<128xi32, #tpu.memory_space<vmem_shared>>) dst(%arg9 : memref<128xi32, #tpu.memory_space<vmem>>)
        tpu.yield
      }) : () -> ()
      %dma_wait3A_121 = arith.constant 0 : i32
      %dma_wait3A_122 = arith.constant 0 : i32
      %dma_wait3A_123 = tpu.memref_slice %arg13[%dma_wait3A_121, %dma_wait3A_122] : memref<10112x128xf32, #tpu.memory_space<vmem_shared>> -> memref<10112x128xf32, #tpu.memory_space<vmem_shared>>
      tpu.wait_indirect_dma semaphore(%arg18 : memref<!tpu.dma_semaphore, #tpu.memory_space<semaphore_mem>>) src(%arg12 : memref<128x128xf32, #tpu.memory_space<vmem>>) dst(%dma_wait3A_123 : memref<10112x128xf32, #tpu.memory_space<vmem_shared>>)
      %dma_start3A_124 = arith.constant 0 : i32
      %dma_start3A_125 = arith.constant 0 : i32
      %dma_start3A_126 = tpu.memref_slice %arg2[%dma_start3A_124, %dma_start3A_125] : memref<40000x128xf32, #tpu.memory_space<hbm>> -> memref<40000x128xf32, #tpu.memory_space<hbm>>
      tpu.enqueue_indirect_dma source(%dma_start3A_126 : memref<40000x128xf32, #tpu.memory_space<hbm>>) target(%arg12 : memref<128x128xf32, #tpu.memory_space<vmem>>) offsets(%arg9 : memref<128xi32, #tpu.memory_space<vmem>>) semaphore(%arg16 : memref<!tpu.dma_semaphore, #tpu.memory_space<semaphore_mem>>)
      %mul3A_127 = arith.constant 128 : i32
      %mul3A_128 = arith.muli %add3A_118, %mul3A_127 : i32
      %add3A_129 = arith.addi %mul3A_17, %mul3A_128 : i32
      "tpu.region"() ({
        %run_scoped3A = tpu.sem_alloc : memref<!tpu.dma_semaphore, #tpu.memory_space<semaphore_mem>>
        %dma_start3A_136 = tpu.memref_slice %arg4[%add3A_129] : memref<323584xi32, #tpu.memory_space<hbm>> -> memref<128xi32, #tpu.memory_space<hbm>>
        %dma_start3A_137 = tpu.memref_slice %arg4[%add3A_129] : memref<323584xi32, #tpu.memory_space<hbm>> -> memref<128xi32, #tpu.memory_space<hbm>>
        tpu.enqueue_dma source(%dma_start3A_137 : memref<128xi32, #tpu.memory_space<hbm>>) target(%arg10 : memref<128xi32, #tpu.memory_space<vmem>>) target_semaphore(%run_scoped3A : memref<!tpu.dma_semaphore, #tpu.memory_space<semaphore_mem>>)
        %dma_wait3A_138 = tpu.memref_slice %arg4[%add3A_129] : memref<323584xi32, #tpu.memory_space<hbm>> -> memref<128xi32, #tpu.memory_space<hbm>>
        %dma_wait3A_139 = tpu.memref_slice %arg4[%add3A_129] : memref<323584xi32, #tpu.memory_space<hbm>> -> memref<128xi32, #tpu.memory_space<hbm>>
        tpu.wait_dma2 semaphore(%run_scoped3A : memref<!tpu.dma_semaphore, #tpu.memory_space<semaphore_mem>>) src(%dma_wait3A_139 : memref<128xi32, #tpu.memory_space<hbm>>) dst(%arg10 : memref<128xi32, #tpu.memory_space<vmem>>)
        tpu.yield
      }) : () -> ()
      %dma_wait3A_130 = arith.constant 0 : i32
      %dma_wait3A_131 = arith.constant 0 : i32
      %dma_wait3A_132 = tpu.memref_slice %arg2[%dma_wait3A_130, %dma_wait3A_131] : memref<40000x128xf32, #tpu.memory_space<hbm>> -> memref<40000x128xf32, #tpu.memory_space<hbm>>
      tpu.wait_indirect_dma semaphore(%arg16 : memref<!tpu.dma_semaphore, #tpu.memory_space<semaphore_mem>>) src(%dma_wait3A_132 : memref<40000x128xf32, #tpu.memory_space<hbm>>) dst(%arg12 : memref<128x128xf32, #tpu.memory_space<vmem>>)
      %dma_start3A_133 = arith.constant 0 : i32
      %dma_start3A_134 = arith.constant 0 : i32
      %dma_start3A_135 = tpu.memref_slice %arg13[%dma_start3A_133, %dma_start3A_134] : memref<10112x128xf32, #tpu.memory_space<vmem_shared>> -> memref<10112x128xf32, #tpu.memory_space<vmem_shared>>
      tpu.enqueue_indirect_dma source(%arg12 : memref<128x128xf32, #tpu.memory_space<vmem>>) target(%dma_start3A_135 : memref<10112x128xf32, #tpu.memory_space<vmem_shared>>) offsets(%arg10 : memref<128xi32, #tpu.memory_space<vmem>>) semaphore(%arg18 : memref<!tpu.dma_semaphore, #tpu.memory_space<semaphore_mem>>) {add = true}
    }
    %sub3A_65 = arith.constant 1 : i32
    %sub3A_66 = arith.subi %select_n3A, %sub3A_65 : i32
    %mul3A_67 = arith.constant 128 : i32
    %mul3A_68 = arith.muli %sub3A_66, %mul3A_67 : i32
    "tpu.region"() ({
      %run_scoped3A = tpu.sem_alloc : memref<!tpu.dma_semaphore, #tpu.memory_space<semaphore_mem>>
      %dma_start3A_95 = tpu.memref_slice %arg14[%arg1, %mul3A_68] : memref<16x13440xi32, #tpu.memory_space<vmem_shared>> -> memref<1x128xi32, #tpu.memory_space<vmem_shared>>
      %dma_start3A_96 = tpu.memref_squeeze %dma_start3A_95 : memref<1x128xi32, #tpu.memory_space<vmem_shared>> -> memref<128xi32, #tpu.memory_space<vmem_shared>>
      %dma_start3A_97 = tpu.memref_slice %arg14[%arg1, %mul3A_68] : memref<16x13440xi32, #tpu.memory_space<vmem_shared>> -> memref<1x128xi32, #tpu.memory_space<vmem_shared>>
      %dma_start3A_98 = tpu.memref_squeeze %dma_start3A_97 : memref<1x128xi32, #tpu.memory_space<vmem_shared>> -> memref<128xi32, #tpu.memory_space<vmem_shared>>
      tpu.enqueue_dma source(%dma_start3A_98 : memref<128xi32, #tpu.memory_space<vmem_shared>>) target(%arg7 : memref<128xi32, #tpu.memory_space<vmem>>) target_semaphore(%run_scoped3A : memref<!tpu.dma_semaphore, #tpu.memory_space<semaphore_mem>>)
      %dma_wait3A_99 = tpu.memref_slice %arg14[%arg1, %mul3A_68] : memref<16x13440xi32, #tpu.memory_space<vmem_shared>> -> memref<1x128xi32, #tpu.memory_space<vmem_shared>>
      %dma_wait3A_100 = tpu.memref_squeeze %dma_wait3A_99 : memref<1x128xi32, #tpu.memory_space<vmem_shared>> -> memref<128xi32, #tpu.memory_space<vmem_shared>>
      %dma_wait3A_101 = tpu.memref_slice %arg14[%arg1, %mul3A_68] : memref<16x13440xi32, #tpu.memory_space<vmem_shared>> -> memref<1x128xi32, #tpu.memory_space<vmem_shared>>
      %dma_wait3A_102 = tpu.memref_squeeze %dma_wait3A_101 : memref<1x128xi32, #tpu.memory_space<vmem_shared>> -> memref<128xi32, #tpu.memory_space<vmem_shared>>
      tpu.wait_dma2 semaphore(%run_scoped3A : memref<!tpu.dma_semaphore, #tpu.memory_space<semaphore_mem>>) src(%dma_wait3A_102 : memref<128xi32, #tpu.memory_space<vmem_shared>>) dst(%arg7 : memref<128xi32, #tpu.memory_space<vmem>>)
      tpu.yield
    }) : () -> ()
    %dma_wait3A_69 = arith.constant 0 : i32
    %dma_wait3A_70 = arith.constant 0 : i32
    %dma_wait3A_71 = tpu.memref_slice %arg13[%dma_wait3A_69, %dma_wait3A_70] : memref<10112x128xf32, #tpu.memory_space<vmem_shared>> -> memref<10112x128xf32, #tpu.memory_space<vmem_shared>>
    tpu.wait_indirect_dma semaphore(%arg17 : memref<!tpu.dma_semaphore, #tpu.memory_space<semaphore_mem>>) src(%arg11 : memref<128x128xf32, #tpu.memory_space<vmem>>) dst(%dma_wait3A_71 : memref<10112x128xf32, #tpu.memory_space<vmem_shared>>)
    %dma_start3A_72 = arith.constant 0 : i32
    %dma_start3A_73 = arith.constant 0 : i32
    %dma_start3A_74 = tpu.memref_slice %arg2[%dma_start3A_72, %dma_start3A_73] : memref<40000x128xf32, #tpu.memory_space<hbm>> -> memref<40000x128xf32, #tpu.memory_space<hbm>>
    tpu.enqueue_indirect_dma source(%dma_start3A_74 : memref<40000x128xf32, #tpu.memory_space<hbm>>) target(%arg11 : memref<128x128xf32, #tpu.memory_space<vmem>>) offsets(%arg7 : memref<128xi32, #tpu.memory_space<vmem>>) semaphore(%arg15 : memref<!tpu.dma_semaphore, #tpu.memory_space<semaphore_mem>>)
    %mul3A_75 = arith.constant 128 : i32
    %mul3A_76 = arith.muli %sub3A_66, %mul3A_75 : i32
    %add3A_77 = arith.addi %mul3A_17, %mul3A_76 : i32
    "tpu.region"() ({
      %run_scoped3A = tpu.sem_alloc : memref<!tpu.dma_semaphore, #tpu.memory_space<semaphore_mem>>
      %dma_start3A_95 = tpu.memref_slice %arg4[%add3A_77] : memref<323584xi32, #tpu.memory_space<hbm>> -> memref<128xi32, #tpu.memory_space<hbm>>
      %dma_start3A_96 = tpu.memref_slice %arg4[%add3A_77] : memref<323584xi32, #tpu.memory_space<hbm>> -> memref<128xi32, #tpu.memory_space<hbm>>
      tpu.enqueue_dma source(%dma_start3A_96 : memref<128xi32, #tpu.memory_space<hbm>>) target(%arg8 : memref<128xi32, #tpu.memory_space<vmem>>) target_semaphore(%run_scoped3A : memref<!tpu.dma_semaphore, #tpu.memory_space<semaphore_mem>>)
      %dma_wait3A_97 = tpu.memref_slice %arg4[%add3A_77] : memref<323584xi32, #tpu.memory_space<hbm>> -> memref<128xi32, #tpu.memory_space<hbm>>
      %dma_wait3A_98 = tpu.memref_slice %arg4[%add3A_77] : memref<323584xi32, #tpu.memory_space<hbm>> -> memref<128xi32, #tpu.memory_space<hbm>>
      tpu.wait_dma2 semaphore(%run_scoped3A : memref<!tpu.dma_semaphore, #tpu.memory_space<semaphore_mem>>) src(%dma_wait3A_98 : memref<128xi32, #tpu.memory_space<hbm>>) dst(%arg8 : memref<128xi32, #tpu.memory_space<vmem>>)
      tpu.yield
    }) : () -> ()
    %dma_wait3A_78 = arith.constant 0 : i32
    %dma_wait3A_79 = arith.constant 0 : i32
    %dma_wait3A_80 = tpu.memref_slice %arg2[%dma_wait3A_78, %dma_wait3A_79] : memref<40000x128xf32, #tpu.memory_space<hbm>> -> memref<40000x128xf32, #tpu.memory_space<hbm>>
    tpu.wait_indirect_dma semaphore(%arg15 : memref<!tpu.dma_semaphore, #tpu.memory_space<semaphore_mem>>) src(%dma_wait3A_80 : memref<40000x128xf32, #tpu.memory_space<hbm>>) dst(%arg11 : memref<128x128xf32, #tpu.memory_space<vmem>>)
    %dma_start3A_81 = arith.constant 0 : i32
    %dma_start3A_82 = arith.constant 0 : i32
    %dma_start3A_83 = tpu.memref_slice %arg13[%dma_start3A_81, %dma_start3A_82] : memref<10112x128xf32, #tpu.memory_space<vmem_shared>> -> memref<10112x128xf32, #tpu.memory_space<vmem_shared>>
    tpu.enqueue_indirect_dma source(%arg11 : memref<128x128xf32, #tpu.memory_space<vmem>>) target(%dma_start3A_83 : memref<10112x128xf32, #tpu.memory_space<vmem_shared>>) offsets(%arg8 : memref<128xi32, #tpu.memory_space<vmem>>) semaphore(%arg17 : memref<!tpu.dma_semaphore, #tpu.memory_space<semaphore_mem>>) {add = true}
    %dma_wait3A_84 = arith.constant 0 : i32
    %dma_wait3A_85 = arith.constant 0 : i32
    %dma_wait3A_86 = tpu.memref_slice %arg13[%dma_wait3A_84, %dma_wait3A_85] : memref<10112x128xf32, #tpu.memory_space<vmem_shared>> -> memref<10112x128xf32, #tpu.memory_space<vmem_shared>>
    tpu.wait_indirect_dma semaphore(%arg17 : memref<!tpu.dma_semaphore, #tpu.memory_space<semaphore_mem>>) src(%arg11 : memref<128x128xf32, #tpu.memory_space<vmem>>) dst(%dma_wait3A_86 : memref<10112x128xf32, #tpu.memory_space<vmem_shared>>)
    %dma_wait3A_87 = arith.constant 0 : i32
    %dma_wait3A_88 = arith.constant 0 : i32
    %dma_wait3A_89 = tpu.memref_slice %arg13[%dma_wait3A_87, %dma_wait3A_88] : memref<10112x128xf32, #tpu.memory_space<vmem_shared>> -> memref<10112x128xf32, #tpu.memory_space<vmem_shared>>
    tpu.wait_indirect_dma semaphore(%arg18 : memref<!tpu.dma_semaphore, #tpu.memory_space<semaphore_mem>>) src(%arg12 : memref<128x128xf32, #tpu.memory_space<vmem>>) dst(%dma_wait3A_89 : memref<10112x128xf32, #tpu.memory_space<vmem_shared>>)
    %barrier3A_90 = arith.constant 0 : index
    tpu.barrier barrier_id(%barrier3A_90)
    %mul3A_91 = arith.constant 632 : i32
    %mul3A_92 = arith.muli %arg1, %mul3A_91 : i32
    %mul3A_93 = arith.constant 632 : i32
    %mul3A_94 = arith.muli %arg1, %mul3A_93 : i32
    "tpu.region"() ({
      %run_scoped3A = tpu.sem_alloc : memref<!tpu.dma_semaphore, #tpu.memory_space<semaphore_mem>>
      %dma_start3A_95 = arith.constant 0 : i32
      %dma_start3A_96 = tpu.memref_slice %arg6[%arg0, %mul3A_94, %dma_start3A_95] : memref<2x10112x128xf32, #tpu.memory_space<hbm>> -> memref<1x632x128xf32, #tpu.memory_space<hbm>>
      %dma_start3A_97 = tpu.memref_squeeze %dma_start3A_96 : memref<1x632x128xf32, #tpu.memory_space<hbm>> -> memref<632x128xf32, #tpu.memory_space<hbm>>
      %dma_start3A_98 = arith.constant 0 : i32
      %dma_start3A_99 = tpu.memref_slice %arg13[%mul3A_92, %dma_start3A_98] : memref<10112x128xf32, #tpu.memory_space<vmem_shared>> -> memref<632x128xf32, #tpu.memory_space<vmem_shared>>
      tpu.enqueue_dma source(%dma_start3A_99 : memref<632x128xf32, #tpu.memory_space<vmem_shared>>) target(%dma_start3A_97 : memref<632x128xf32, #tpu.memory_space<hbm>>) target_semaphore(%run_scoped3A : memref<!tpu.dma_semaphore, #tpu.memory_space<semaphore_mem>>)
      %dma_wait3A_100 = arith.constant 0 : i32
      %dma_wait3A_101 = tpu.memref_slice %arg6[%arg0, %mul3A_94, %dma_wait3A_100] : memref<2x10112x128xf32, #tpu.memory_space<hbm>> -> memref<1x632x128xf32, #tpu.memory_space<hbm>>
      %dma_wait3A_102 = tpu.memref_squeeze %dma_wait3A_101 : memref<1x632x128xf32, #tpu.memory_space<hbm>> -> memref<632x128xf32, #tpu.memory_space<hbm>>
      %dma_wait3A_103 = arith.constant 0 : i32
      %dma_wait3A_104 = tpu.memref_slice %arg13[%mul3A_92, %dma_wait3A_103] : memref<10112x128xf32, #tpu.memory_space<vmem_shared>> -> memref<632x128xf32, #tpu.memory_space<vmem_shared>>
      tpu.wait_dma2 semaphore(%run_scoped3A : memref<!tpu.dma_semaphore, #tpu.memory_space<semaphore_mem>>) src(%dma_wait3A_104 : memref<632x128xf32, #tpu.memory_space<vmem_shared>>) dst(%dma_wait3A_102 : memref<632x128xf32, #tpu.memory_space<hbm>>)
      tpu.yield
    }) : () -> ()
    return
  }
}

#map = affine_map<(d0, d1) -> (0, 0)>
#map1 = affine_map<(d0, d1) -> (0)>
#map2 = affine_map<(d0, d1) -> (0, 0, 0)>
module attributes {stable_mosaic.version = 14 : i64} {
  func.func @_sc_message_pass(%arg0: i32, %arg1: i32, %arg2: memref<40000x128xf32, #tpu.memory_space<hbm>>, %arg3: memref<323584xi32, #tpu.memory_space<hbm>>, %arg4: memref<323584xi32, #tpu.memory_space<hbm>>, %arg5: memref<10112x128xf32, #tpu.memory_space<hbm>>, %arg6: memref<2x10112x128xf32, #tpu.memory_space<hbm>>, %arg7: memref<128xi32, #tpu.memory_space<vmem>>, %arg8: memref<128xi32, #tpu.memory_space<vmem>>, %arg9: memref<128xi32, #tpu.memory_space<vmem>>, %arg10: memref<128xi32, #tpu.memory_space<vmem>>, %arg11: memref<128x128xf32, #tpu.memory_space<vmem>>, %arg12: memref<128x128xf32, #tpu.memory_space<vmem>>, %arg13: memref<10112x128xf32, #tpu.memory_space<vmem_shared>>, %arg14: memref<16x13440xi32, #tpu.memory_space<vmem_shared>>, %arg15: memref<!tpu.dma_semaphore, #tpu.memory_space<semaphore_mem>>, %arg16: memref<!tpu.dma_semaphore, #tpu.memory_space<semaphore_mem>>, %arg17: memref<!tpu.dma_semaphore, #tpu.memory_space<semaphore_mem>>, %arg18: memref<!tpu.dma_semaphore, #tpu.memory_space<semaphore_mem>>) attributes {dimension_semantics = [#tpu.dimension_semantics<core_parallel>, #tpu.dimension_semantics<subcore_parallel>], iteration_bounds = array<i64: 2, 16>, scalar_prefetch = 0 : i64, scratch_operands = 12 : i64, tpu.core_type = #tpu.core_type<sc_vector_subcore>, window_params = [{transform_indices = #map}, {transform_indices = #map1}, {transform_indices = #map1}, {transform_indices = #map}, {transform_indices = #map2}]} {
    %mul3A = arith.constant 2 : i32
    %mul3A_0 = arith.muli %arg1, %mul3A : i32
    %add3A = arith.addi %mul3A_0, %arg0 : i32
    %mul3A_1 = arith.constant 632 : i32
    %mul3A_2 = arith.muli %arg1, %mul3A_1 : i32
    %mul3A_3 = arith.constant 632 : i32
    %mul3A_4 = arith.muli %arg1, %mul3A_3 : i32
    "tpu.region"() ({
      %run_scoped3A = tpu.sem_alloc : memref<!tpu.dma_semaphore, #tpu.memory_space<semaphore_mem>>
      %dma_start3A_95 = arith.constant 0 : i32
      %dma_start3A_96 = tpu.memref_slice %arg13[%mul3A_4, %dma_start3A_95] : memref<10112x128xf32, #tpu.memory_space<vmem_shared>> -> memref<632x128xf32, #tpu.memory_space<vmem_shared>>
      %dma_start3A_97 = arith.constant 0 : i32
      %dma_start3A_98 = tpu.memref_slice %arg5[%mul3A_2, %dma_start3A_97] : memref<10112x128xf32, #tpu.memory_space<hbm>> -> memref<632x128xf32, #tpu.memory_space<hbm>>
      tpu.enqueue_dma source(%dma_start3A_98 : memref<632x128xf32, #tpu.memory_space<hbm>>) target(%dma_start3A_96 : memref<632x128xf32, #tpu.memory_space<vmem_shared>>) target_semaphore(%run_scoped3A : memref<!tpu.dma_semaphore, #tpu.memory_space<semaphore_mem>>)
      %dma_wait3A_99 = arith.constant 0 : i32
      %dma_wait3A_100 = tpu.memref_slice %arg13[%mul3A_4, %dma_wait3A_99] : memref<10112x128xf32, #tpu.memory_space<vmem_shared>> -> memref<632x128xf32, #tpu.memory_space<vmem_shared>>
      %dma_wait3A_101 = arith.constant 0 : i32
      %dma_wait3A_102 = tpu.memref_slice %arg5[%mul3A_2, %dma_wait3A_101] : memref<10112x128xf32, #tpu.memory_space<hbm>> -> memref<632x128xf32, #tpu.memory_space<hbm>>
      tpu.wait_dma2 semaphore(%run_scoped3A : memref<!tpu.dma_semaphore, #tpu.memory_space<semaphore_mem>>) src(%dma_wait3A_102 : memref<632x128xf32, #tpu.memory_space<hbm>>) dst(%dma_wait3A_100 : memref<632x128xf32, #tpu.memory_space<vmem_shared>>)
      tpu.yield
    }) : () -> ()
    %eq3A = arith.constant 0 : i32
    %eq3A_5 = arith.cmpi eq, %arg0, %eq3A : i32
    %jit3A = arith.constant 105 : i32
    %jit3A_6 = arith.constant 53 : i32
    %select_n3A = arith.select %eq3A_5, %jit3A, %jit3A_6 : i32
    %eq3A_7 = arith.constant 0 : i32
    %eq3A_8 = arith.cmpi eq, %arg0, %eq3A_7 : i32
    %mul3A_9 = arith.constant 105 : i32
    %mul3A_10 = arith.muli %arg1, %mul3A_9 : i32
    %mul3A_11 = arith.constant 53 : i32
    %mul3A_12 = arith.muli %arg1, %mul3A_11 : i32
    %add3A_13 = arith.constant 1680 : i32
    %add3A_14 = arith.addi %add3A_13, %mul3A_12 : i32
    %select_n3A_15 = arith.select %eq3A_8, %mul3A_10, %add3A_14 : i32
    %mul3A_16 = arith.constant 128 : i32
    %mul3A_17 = arith.muli %select_n3A_15, %mul3A_16 : i32
    "tpu.region"() ({
      %run_scoped3A = tpu.sem_alloc : memref<!tpu.dma_semaphore, #tpu.memory_space<semaphore_mem>>
      %dma_start3A_95 = arith.constant 0 : i32
      %dma_start3A_96 = tpu.memref_slice %arg14[%arg1, %dma_start3A_95] : memref<16x13440xi32, #tpu.memory_space<vmem_shared>> -> memref<1x13440xi32, #tpu.memory_space<vmem_shared>>
      %dma_start3A_97 = tpu.memref_squeeze %dma_start3A_96 : memref<1x13440xi32, #tpu.memory_space<vmem_shared>> -> memref<13440xi32, #tpu.memory_space<vmem_shared>>
      %dma_start3A_98 = tpu.memref_slice %arg3[%mul3A_17] : memref<323584xi32, #tpu.memory_space<hbm>> -> memref<13440xi32, #tpu.memory_space<hbm>>
      tpu.enqueue_dma source(%dma_start3A_98 : memref<13440xi32, #tpu.memory_space<hbm>>) target(%dma_start3A_97 : memref<13440xi32, #tpu.memory_space<vmem_shared>>) target_semaphore(%run_scoped3A : memref<!tpu.dma_semaphore, #tpu.memory_space<semaphore_mem>>)
      %dma_wait3A_99 = arith.constant 0 : i32
      %dma_wait3A_100 = tpu.memref_slice %arg14[%arg1, %dma_wait3A_99] : memref<16x13440xi32, #tpu.memory_space<vmem_shared>> -> memref<1x13440xi32, #tpu.memory_space<vmem_shared>>
      %dma_wait3A_101 = tpu.memref_squeeze %dma_wait3A_100 : memref<1x13440xi32, #tpu.memory_space<vmem_shared>> -> memref<13440xi32, #tpu.memory_space<vmem_shared>>
      %dma_wait3A_102 = tpu.memref_slice %arg3[%mul3A_17] : memref<323584xi32, #tpu.memory_space<hbm>> -> memref<13440xi32, #tpu.memory_space<hbm>>
      tpu.wait_dma2 semaphore(%run_scoped3A : memref<!tpu.dma_semaphore, #tpu.memory_space<semaphore_mem>>) src(%dma_wait3A_102 : memref<13440xi32, #tpu.memory_space<hbm>>) dst(%dma_wait3A_101 : memref<13440xi32, #tpu.memory_space<vmem_shared>>)
      tpu.yield
    }) : () -> ()
    %barrier3A = arith.constant 0 : index
    tpu.barrier barrier_id(%barrier3A)
    "tpu.region"() ({
      %run_scoped3A = tpu.sem_alloc : memref<!tpu.dma_semaphore, #tpu.memory_space<semaphore_mem>>
      %dma_start3A_95 = arith.constant 0 : i32
      %dma_start3A_96 = tpu.memref_slice %arg14[%arg1, %dma_start3A_95] : memref<16x13440xi32, #tpu.memory_space<vmem_shared>> -> memref<1x128xi32, #tpu.memory_space<vmem_shared>>
      %dma_start3A_97 = tpu.memref_squeeze %dma_start3A_96 : memref<1x128xi32, #tpu.memory_space<vmem_shared>> -> memref<128xi32, #tpu.memory_space<vmem_shared>>
      %dma_start3A_98 = arith.constant 0 : i32
      %dma_start3A_99 = tpu.memref_slice %arg14[%arg1, %dma_start3A_98] : memref<16x13440xi32, #tpu.memory_space<vmem_shared>> -> memref<1x128xi32, #tpu.memory_space<vmem_shared>>
      %dma_start3A_100 = tpu.memref_squeeze %dma_start3A_99 : memref<1x128xi32, #tpu.memory_space<vmem_shared>> -> memref<128xi32, #tpu.memory_space<vmem_shared>>
      tpu.enqueue_dma source(%dma_start3A_100 : memref<128xi32, #tpu.memory_space<vmem_shared>>) target(%arg7 : memref<128xi32, #tpu.memory_space<vmem>>) target_semaphore(%run_scoped3A : memref<!tpu.dma_semaphore, #tpu.memory_space<semaphore_mem>>)
      %dma_wait3A_101 = arith.constant 0 : i32
      %dma_wait3A_102 = tpu.memref_slice %arg14[%arg1, %dma_wait3A_101] : memref<16x13440xi32, #tpu.memory_space<vmem_shared>> -> memref<1x128xi32, #tpu.memory_space<vmem_shared>>
      %dma_wait3A_103 = tpu.memref_squeeze %dma_wait3A_102 : memref<1x128xi32, #tpu.memory_space<vmem_shared>> -> memref<128xi32, #tpu.memory_space<vmem_shared>>
      %dma_wait3A_104 = arith.constant 0 : i32
      %dma_wait3A_105 = tpu.memref_slice %arg14[%arg1, %dma_wait3A_104] : memref<16x13440xi32, #tpu.memory_space<vmem_shared>> -> memref<1x128xi32, #tpu.memory_space<vmem_shared>>
      %dma_wait3A_106 = tpu.memref_squeeze %dma_wait3A_105 : memref<1x128xi32, #tpu.memory_space<vmem_shared>> -> memref<128xi32, #tpu.memory_space<vmem_shared>>
      tpu.wait_dma2 semaphore(%run_scoped3A : memref<!tpu.dma_semaphore, #tpu.memory_space<semaphore_mem>>) src(%dma_wait3A_106 : memref<128xi32, #tpu.memory_space<vmem_shared>>) dst(%arg7 : memref<128xi32, #tpu.memory_space<vmem>>)
      tpu.yield
    }) : () -> ()
    %dma_start3A = arith.constant 0 : i32
    %dma_start3A_18 = arith.constant 0 : i32
    %dma_start3A_19 = tpu.memref_slice %arg2[%dma_start3A, %dma_start3A_18] : memref<40000x128xf32, #tpu.memory_space<hbm>> -> memref<40000x128xf32, #tpu.memory_space<hbm>>
    tpu.enqueue_indirect_dma source(%dma_start3A_19 : memref<40000x128xf32, #tpu.memory_space<hbm>>) target(%arg11 : memref<128x128xf32, #tpu.memory_space<vmem>>) offsets(%arg7 : memref<128xi32, #tpu.memory_space<vmem>>) semaphore(%arg15 : memref<!tpu.dma_semaphore, #tpu.memory_space<semaphore_mem>>)
    %add3A_20 = arith.constant 0 : i32
    %add3A_21 = arith.addi %mul3A_17, %add3A_20 : i32
    "tpu.region"() ({
      %run_scoped3A = tpu.sem_alloc : memref<!tpu.dma_semaphore, #tpu.memory_space<semaphore_mem>>
      %dma_start3A_95 = tpu.memref_slice %arg4[%add3A_21] : memref<323584xi32, #tpu.memory_space<hbm>> -> memref<128xi32, #tpu.memory_space<hbm>>
      %dma_start3A_96 = tpu.memref_slice %arg4[%add3A_21] : memref<323584xi32, #tpu.memory_space<hbm>> -> memref<128xi32, #tpu.memory_space<hbm>>
      tpu.enqueue_dma source(%dma_start3A_96 : memref<128xi32, #tpu.memory_space<hbm>>) target(%arg8 : memref<128xi32, #tpu.memory_space<vmem>>) target_semaphore(%run_scoped3A : memref<!tpu.dma_semaphore, #tpu.memory_space<semaphore_mem>>)
      %dma_wait3A_97 = tpu.memref_slice %arg4[%add3A_21] : memref<323584xi32, #tpu.memory_space<hbm>> -> memref<128xi32, #tpu.memory_space<hbm>>
      %dma_wait3A_98 = tpu.memref_slice %arg4[%add3A_21] : memref<323584xi32, #tpu.memory_space<hbm>> -> memref<128xi32, #tpu.memory_space<hbm>>
      tpu.wait_dma2 semaphore(%run_scoped3A : memref<!tpu.dma_semaphore, #tpu.memory_space<semaphore_mem>>) src(%dma_wait3A_98 : memref<128xi32, #tpu.memory_space<hbm>>) dst(%arg8 : memref<128xi32, #tpu.memory_space<vmem>>)
      tpu.yield
    }) : () -> ()
    %dma_wait3A = arith.constant 0 : i32
    %dma_wait3A_22 = arith.constant 0 : i32
    %dma_wait3A_23 = tpu.memref_slice %arg2[%dma_wait3A, %dma_wait3A_22] : memref<40000x128xf32, #tpu.memory_space<hbm>> -> memref<40000x128xf32, #tpu.memory_space<hbm>>
    tpu.wait_indirect_dma semaphore(%arg15 : memref<!tpu.dma_semaphore, #tpu.memory_space<semaphore_mem>>) src(%dma_wait3A_23 : memref<40000x128xf32, #tpu.memory_space<hbm>>) dst(%arg11 : memref<128x128xf32, #tpu.memory_space<vmem>>)
    %dma_start3A_24 = arith.constant 0 : i32
    %dma_start3A_25 = arith.constant 0 : i32
    %dma_start3A_26 = tpu.memref_slice %arg13[%dma_start3A_24, %dma_start3A_25] : memref<10112x128xf32, #tpu.memory_space<vmem_shared>> -> memref<10112x128xf32, #tpu.memory_space<vmem_shared>>
    tpu.enqueue_indirect_dma source(%arg11 : memref<128x128xf32, #tpu.memory_space<vmem>>) target(%dma_start3A_26 : memref<10112x128xf32, #tpu.memory_space<vmem_shared>>) offsets(%arg8 : memref<128xi32, #tpu.memory_space<vmem>>) semaphore(%arg17 : memref<!tpu.dma_semaphore, #tpu.memory_space<semaphore_mem>>) {add = true}
    "tpu.region"() ({
      %run_scoped3A = tpu.sem_alloc : memref<!tpu.dma_semaphore, #tpu.memory_space<semaphore_mem>>
      %dma_start3A_95 = arith.constant 128 : i32
      %dma_start3A_96 = tpu.memref_slice %arg14[%arg1, %dma_start3A_95] : memref<16x13440xi32, #tpu.memory_space<vmem_shared>> -> memref<1x128xi32, #tpu.memory_space<vmem_shared>>
      %dma_start3A_97 = tpu.memref_squeeze %dma_start3A_96 : memref<1x128xi32, #tpu.memory_space<vmem_shared>> -> memref<128xi32, #tpu.memory_space<vmem_shared>>
      %dma_start3A_98 = arith.constant 128 : i32
      %dma_start3A_99 = tpu.memref_slice %arg14[%arg1, %dma_start3A_98] : memref<16x13440xi32, #tpu.memory_space<vmem_shared>> -> memref<1x128xi32, #tpu.memory_space<vmem_shared>>
      %dma_start3A_100 = tpu.memref_squeeze %dma_start3A_99 : memref<1x128xi32, #tpu.memory_space<vmem_shared>> -> memref<128xi32, #tpu.memory_space<vmem_shared>>
      tpu.enqueue_dma source(%dma_start3A_100 : memref<128xi32, #tpu.memory_space<vmem_shared>>) target(%arg9 : memref<128xi32, #tpu.memory_space<vmem>>) target_semaphore(%run_scoped3A : memref<!tpu.dma_semaphore, #tpu.memory_space<semaphore_mem>>)
      %dma_wait3A_101 = arith.constant 128 : i32
      %dma_wait3A_102 = tpu.memref_slice %arg14[%arg1, %dma_wait3A_101] : memref<16x13440xi32, #tpu.memory_space<vmem_shared>> -> memref<1x128xi32, #tpu.memory_space<vmem_shared>>
      %dma_wait3A_103 = tpu.memref_squeeze %dma_wait3A_102 : memref<1x128xi32, #tpu.memory_space<vmem_shared>> -> memref<128xi32, #tpu.memory_space<vmem_shared>>
      %dma_wait3A_104 = arith.constant 128 : i32
      %dma_wait3A_105 = tpu.memref_slice %arg14[%arg1, %dma_wait3A_104] : memref<16x13440xi32, #tpu.memory_space<vmem_shared>> -> memref<1x128xi32, #tpu.memory_space<vmem_shared>>
      %dma_wait3A_106 = tpu.memref_squeeze %dma_wait3A_105 : memref<1x128xi32, #tpu.memory_space<vmem_shared>> -> memref<128xi32, #tpu.memory_space<vmem_shared>>
      tpu.wait_dma2 semaphore(%run_scoped3A : memref<!tpu.dma_semaphore, #tpu.memory_space<semaphore_mem>>) src(%dma_wait3A_106 : memref<128xi32, #tpu.memory_space<vmem_shared>>) dst(%arg9 : memref<128xi32, #tpu.memory_space<vmem>>)
      tpu.yield
    }) : () -> ()
    %dma_start3A_27 = arith.constant 0 : i32
    %dma_start3A_28 = arith.constant 0 : i32
    %dma_start3A_29 = tpu.memref_slice %arg2[%dma_start3A_27, %dma_start3A_28] : memref<40000x128xf32, #tpu.memory_space<hbm>> -> memref<40000x128xf32, #tpu.memory_space<hbm>>
    tpu.enqueue_indirect_dma source(%dma_start3A_29 : memref<40000x128xf32, #tpu.memory_space<hbm>>) target(%arg12 : memref<128x128xf32, #tpu.memory_space<vmem>>) offsets(%arg9 : memref<128xi32, #tpu.memory_space<vmem>>) semaphore(%arg16 : memref<!tpu.dma_semaphore, #tpu.memory_space<semaphore_mem>>)
    %add3A_30 = arith.constant 128 : i32
    %add3A_31 = arith.addi %mul3A_17, %add3A_30 : i32
    "tpu.region"() ({
      %run_scoped3A = tpu.sem_alloc : memref<!tpu.dma_semaphore, #tpu.memory_space<semaphore_mem>>
      %dma_start3A_95 = tpu.memref_slice %arg4[%add3A_31] : memref<323584xi32, #tpu.memory_space<hbm>> -> memref<128xi32, #tpu.memory_space<hbm>>
      %dma_start3A_96 = tpu.memref_slice %arg4[%add3A_31] : memref<323584xi32, #tpu.memory_space<hbm>> -> memref<128xi32, #tpu.memory_space<hbm>>
      tpu.enqueue_dma source(%dma_start3A_96 : memref<128xi32, #tpu.memory_space<hbm>>) target(%arg10 : memref<128xi32, #tpu.memory_space<vmem>>) target_semaphore(%run_scoped3A : memref<!tpu.dma_semaphore, #tpu.memory_space<semaphore_mem>>)
      %dma_wait3A_97 = tpu.memref_slice %arg4[%add3A_31] : memref<323584xi32, #tpu.memory_space<hbm>> -> memref<128xi32, #tpu.memory_space<hbm>>
      %dma_wait3A_98 = tpu.memref_slice %arg4[%add3A_31] : memref<323584xi32, #tpu.memory_space<hbm>> -> memref<128xi32, #tpu.memory_space<hbm>>
      tpu.wait_dma2 semaphore(%run_scoped3A : memref<!tpu.dma_semaphore, #tpu.memory_space<semaphore_mem>>) src(%dma_wait3A_98 : memref<128xi32, #tpu.memory_space<hbm>>) dst(%arg10 : memref<128xi32, #tpu.memory_space<vmem>>)
      tpu.yield
    }) : () -> ()
    %dma_wait3A_32 = arith.constant 0 : i32
    %dma_wait3A_33 = arith.constant 0 : i32
    %dma_wait3A_34 = tpu.memref_slice %arg2[%dma_wait3A_32, %dma_wait3A_33] : memref<40000x128xf32, #tpu.memory_space<hbm>> -> memref<40000x128xf32, #tpu.memory_space<hbm>>
    tpu.wait_indirect_dma semaphore(%arg16 : memref<!tpu.dma_semaphore, #tpu.memory_space<semaphore_mem>>) src(%dma_wait3A_34 : memref<40000x128xf32, #tpu.memory_space<hbm>>) dst(%arg12 : memref<128x128xf32, #tpu.memory_space<vmem>>)
    %dma_start3A_35 = arith.constant 0 : i32
    %dma_start3A_36 = arith.constant 0 : i32
    %dma_start3A_37 = tpu.memref_slice %arg13[%dma_start3A_35, %dma_start3A_36] : memref<10112x128xf32, #tpu.memory_space<vmem_shared>> -> memref<10112x128xf32, #tpu.memory_space<vmem_shared>>
    tpu.enqueue_indirect_dma source(%arg12 : memref<128x128xf32, #tpu.memory_space<vmem>>) target(%dma_start3A_37 : memref<10112x128xf32, #tpu.memory_space<vmem_shared>>) offsets(%arg10 : memref<128xi32, #tpu.memory_space<vmem>>) semaphore(%arg18 : memref<!tpu.dma_semaphore, #tpu.memory_space<semaphore_mem>>) {add = true}
    %jit3A_38 = arith.constant 2 : i32
    %div3A = arith.divsi %select_n3A, %jit3A_38 : i32
    %sign3A = arith.constant 0 : i32
    %sign3A_39 = arith.cmpi sgt, %select_n3A, %sign3A : i32
    %sign3A_40 = arith.extui %sign3A_39 : i1 to i32
    %sign3A_41 = arith.constant 0 : i32
    %sign3A_42 = arith.cmpi slt, %select_n3A, %sign3A_41 : i32
    %sign3A_43 = arith.extui %sign3A_42 : i1 to i32
    %sign3A_44 = arith.subi %sign3A_40, %sign3A_43 : i32
    %sign3A_45 = arith.constant 0 : i32
    %sign3A_46 = arith.cmpi sgt, %jit3A_38, %sign3A_45 : i32
    %sign3A_47 = arith.extui %sign3A_46 : i1 to i32
    %sign3A_48 = arith.constant 0 : i32
    %sign3A_49 = arith.cmpi slt, %jit3A_38, %sign3A_48 : i32
    %sign3A_50 = arith.extui %sign3A_49 : i1 to i32
    %sign3A_51 = arith.subi %sign3A_47, %sign3A_50 : i32
    %ne3A = arith.cmpi ne, %sign3A_44, %sign3A_51 : i32
    %rem3A = arith.remsi %select_n3A, %jit3A_38 : i32
    %ne3A_52 = arith.constant 0 : i32
    %ne3A_53 = arith.cmpi ne, %rem3A, %ne3A_52 : i32
    %and3A = arith.andi %ne3A, %ne3A_53 : i1
    %sub3A = arith.constant 1 : i32
    %sub3A_54 = arith.subi %div3A, %sub3A : i32
    %select_n3A_55 = arith.select %and3A, %sub3A_54, %div3A : i32
    %while3A = arith.constant 0 : i32
    %while3A_56 = arith.constant 1 : i32
    %while3A_57 = arith.subi %select_n3A_55, %while3A_56 : i32
    %while3A_58 = arith.addi %while3A_56, %while3A_57 : i32
    %while3A_59 = arith.constant 1 : i32
    %while3A_60 = arith.divsi %while3A_57, %while3A_59 : i32
    %while3A_61 = arith.muli %while3A_60, %while3A_59 : i32
    %while3A_62 = arith.addi %while3A_56, %while3A_61 : i32
    %while3A_63 = arith.constant 1 : i32
    scf.for %while3A_95 = %while3A_56 to %while3A_62 step %while3A_63  : i32 {
      %mul3A_96 = arith.constant 2 : i32
      %mul3A_97 = arith.muli %mul3A_96, %while3A_95 : i32
      %mul3A_98 = arith.constant 128 : i32
      %mul3A_99 = arith.muli %mul3A_97, %mul3A_98 : i32
      "tpu.region"() ({
        %run_scoped3A = tpu.sem_alloc : memref<!tpu.dma_semaphore, #tpu.memory_space<semaphore_mem>>
        %dma_start3A_136 = tpu.memref_slice %arg14[%arg1, %mul3A_99] : memref<16x13440xi32, #tpu.memory_space<vmem_shared>> -> memref<1x128xi32, #tpu.memory_space<vmem_shared>>
        %dma_start3A_137 = tpu.memref_squeeze %dma_start3A_136 : memref<1x128xi32, #tpu.memory_space<vmem_shared>> -> memref<128xi32, #tpu.memory_space<vmem_shared>>
        %dma_start3A_138 = tpu.memref_slice %arg14[%arg1, %mul3A_99] : memref<16x13440xi32, #tpu.memory_space<vmem_shared>> -> memref<1x128xi32, #tpu.memory_space<vmem_shared>>
        %dma_start3A_139 = tpu.memref_squeeze %dma_start3A_138 : memref<1x128xi32, #tpu.memory_space<vmem_shared>> -> memref<128xi32, #tpu.memory_space<vmem_shared>>
        tpu.enqueue_dma source(%dma_start3A_139 : memref<128xi32, #tpu.memory_space<vmem_shared>>) target(%arg7 : memref<128xi32, #tpu.memory_space<vmem>>) target_semaphore(%run_scoped3A : memref<!tpu.dma_semaphore, #tpu.memory_space<semaphore_mem>>)
        %dma_wait3A_140 = tpu.memref_slice %arg14[%arg1, %mul3A_99] : memref<16x13440xi32, #tpu.memory_space<vmem_shared>> -> memref<1x128xi32, #tpu.memory_space<vmem_shared>>
        %dma_wait3A_141 = tpu.memref_squeeze %dma_wait3A_140 : memref<1x128xi32, #tpu.memory_space<vmem_shared>> -> memref<128xi32, #tpu.memory_space<vmem_shared>>
        %dma_wait3A_142 = tpu.memref_slice %arg14[%arg1, %mul3A_99] : memref<16x13440xi32, #tpu.memory_space<vmem_shared>> -> memref<1x128xi32, #tpu.memory_space<vmem_shared>>
        %dma_wait3A_143 = tpu.memref_squeeze %dma_wait3A_142 : memref<1x128xi32, #tpu.memory_space<vmem_shared>> -> memref<128xi32, #tpu.memory_space<vmem_shared>>
        tpu.wait_dma2 semaphore(%run_scoped3A : memref<!tpu.dma_semaphore, #tpu.memory_space<semaphore_mem>>) src(%dma_wait3A_143 : memref<128xi32, #tpu.memory_space<vmem_shared>>) dst(%arg7 : memref<128xi32, #tpu.memory_space<vmem>>)
        tpu.yield
      }) : () -> ()
      %dma_wait3A_100 = arith.constant 0 : i32
      %dma_wait3A_101 = arith.constant 0 : i32
      %dma_wait3A_102 = tpu.memref_slice %arg13[%dma_wait3A_100, %dma_wait3A_101] : memref<10112x128xf32, #tpu.memory_space<vmem_shared>> -> memref<10112x128xf32, #tpu.memory_space<vmem_shared>>
      tpu.wait_indirect_dma semaphore(%arg17 : memref<!tpu.dma_semaphore, #tpu.memory_space<semaphore_mem>>) src(%arg11 : memref<128x128xf32, #tpu.memory_space<vmem>>) dst(%dma_wait3A_102 : memref<10112x128xf32, #tpu.memory_space<vmem_shared>>)
      %dma_start3A_103 = arith.constant 0 : i32
      %dma_start3A_104 = arith.constant 0 : i32
      %dma_start3A_105 = tpu.memref_slice %arg2[%dma_start3A_103, %dma_start3A_104] : memref<40000x128xf32, #tpu.memory_space<hbm>> -> memref<40000x128xf32, #tpu.memory_space<hbm>>
      tpu.enqueue_indirect_dma source(%dma_start3A_105 : memref<40000x128xf32, #tpu.memory_space<hbm>>) target(%arg11 : memref<128x128xf32, #tpu.memory_space<vmem>>) offsets(%arg7 : memref<128xi32, #tpu.memory_space<vmem>>) semaphore(%arg15 : memref<!tpu.dma_semaphore, #tpu.memory_space<semaphore_mem>>)
      %mul3A_106 = arith.constant 128 : i32
      %mul3A_107 = arith.muli %mul3A_97, %mul3A_106 : i32
      %add3A_108 = arith.addi %mul3A_17, %mul3A_107 : i32
      "tpu.region"() ({
        %run_scoped3A = tpu.sem_alloc : memref<!tpu.dma_semaphore, #tpu.memory_space<semaphore_mem>>
        %dma_start3A_136 = tpu.memref_slice %arg4[%add3A_108] : memref<323584xi32, #tpu.memory_space<hbm>> -> memref<128xi32, #tpu.memory_space<hbm>>
        %dma_start3A_137 = tpu.memref_slice %arg4[%add3A_108] : memref<323584xi32, #tpu.memory_space<hbm>> -> memref<128xi32, #tpu.memory_space<hbm>>
        tpu.enqueue_dma source(%dma_start3A_137 : memref<128xi32, #tpu.memory_space<hbm>>) target(%arg8 : memref<128xi32, #tpu.memory_space<vmem>>) target_semaphore(%run_scoped3A : memref<!tpu.dma_semaphore, #tpu.memory_space<semaphore_mem>>)
        %dma_wait3A_138 = tpu.memref_slice %arg4[%add3A_108] : memref<323584xi32, #tpu.memory_space<hbm>> -> memref<128xi32, #tpu.memory_space<hbm>>
        %dma_wait3A_139 = tpu.memref_slice %arg4[%add3A_108] : memref<323584xi32, #tpu.memory_space<hbm>> -> memref<128xi32, #tpu.memory_space<hbm>>
        tpu.wait_dma2 semaphore(%run_scoped3A : memref<!tpu.dma_semaphore, #tpu.memory_space<semaphore_mem>>) src(%dma_wait3A_139 : memref<128xi32, #tpu.memory_space<hbm>>) dst(%arg8 : memref<128xi32, #tpu.memory_space<vmem>>)
        tpu.yield
      }) : () -> ()
      %dma_wait3A_109 = arith.constant 0 : i32
      %dma_wait3A_110 = arith.constant 0 : i32
      %dma_wait3A_111 = tpu.memref_slice %arg2[%dma_wait3A_109, %dma_wait3A_110] : memref<40000x128xf32, #tpu.memory_space<hbm>> -> memref<40000x128xf32, #tpu.memory_space<hbm>>
      tpu.wait_indirect_dma semaphore(%arg15 : memref<!tpu.dma_semaphore, #tpu.memory_space<semaphore_mem>>) src(%dma_wait3A_111 : memref<40000x128xf32, #tpu.memory_space<hbm>>) dst(%arg11 : memref<128x128xf32, #tpu.memory_space<vmem>>)
      %dma_start3A_112 = arith.constant 0 : i32
      %dma_start3A_113 = arith.constant 0 : i32
      %dma_start3A_114 = tpu.memref_slice %arg13[%dma_start3A_112, %dma_start3A_113] : memref<10112x128xf32, #tpu.memory_space<vmem_shared>> -> memref<10112x128xf32, #tpu.memory_space<vmem_shared>>
      tpu.enqueue_indirect_dma source(%arg11 : memref<128x128xf32, #tpu.memory_space<vmem>>) target(%dma_start3A_114 : memref<10112x128xf32, #tpu.memory_space<vmem_shared>>) offsets(%arg8 : memref<128xi32, #tpu.memory_space<vmem>>) semaphore(%arg17 : memref<!tpu.dma_semaphore, #tpu.memory_space<semaphore_mem>>) {add = true}
      %mul3A_115 = arith.constant 2 : i32
      %mul3A_116 = arith.muli %mul3A_115, %while3A_95 : i32
      %add3A_117 = arith.constant 1 : i32
      %add3A_118 = arith.addi %mul3A_116, %add3A_117 : i32
      %mul3A_119 = arith.constant 128 : i32
      %mul3A_120 = arith.muli %add3A_118, %mul3A_119 : i32
      "tpu.region"() ({
        %run_scoped3A = tpu.sem_alloc : memref<!tpu.dma_semaphore, #tpu.memory_space<semaphore_mem>>
        %dma_start3A_136 = tpu.memref_slice %arg14[%arg1, %mul3A_120] : memref<16x13440xi32, #tpu.memory_space<vmem_shared>> -> memref<1x128xi32, #tpu.memory_space<vmem_shared>>
        %dma_start3A_137 = tpu.memref_squeeze %dma_start3A_136 : memref<1x128xi32, #tpu.memory_space<vmem_shared>> -> memref<128xi32, #tpu.memory_space<vmem_shared>>
        %dma_start3A_138 = tpu.memref_slice %arg14[%arg1, %mul3A_120] : memref<16x13440xi32, #tpu.memory_space<vmem_shared>> -> memref<1x128xi32, #tpu.memory_space<vmem_shared>>
        %dma_start3A_139 = tpu.memref_squeeze %dma_start3A_138 : memref<1x128xi32, #tpu.memory_space<vmem_shared>> -> memref<128xi32, #tpu.memory_space<vmem_shared>>
        tpu.enqueue_dma source(%dma_start3A_139 : memref<128xi32, #tpu.memory_space<vmem_shared>>) target(%arg9 : memref<128xi32, #tpu.memory_space<vmem>>) target_semaphore(%run_scoped3A : memref<!tpu.dma_semaphore, #tpu.memory_space<semaphore_mem>>)
        %dma_wait3A_140 = tpu.memref_slice %arg14[%arg1, %mul3A_120] : memref<16x13440xi32, #tpu.memory_space<vmem_shared>> -> memref<1x128xi32, #tpu.memory_space<vmem_shared>>
        %dma_wait3A_141 = tpu.memref_squeeze %dma_wait3A_140 : memref<1x128xi32, #tpu.memory_space<vmem_shared>> -> memref<128xi32, #tpu.memory_space<vmem_shared>>
        %dma_wait3A_142 = tpu.memref_slice %arg14[%arg1, %mul3A_120] : memref<16x13440xi32, #tpu.memory_space<vmem_shared>> -> memref<1x128xi32, #tpu.memory_space<vmem_shared>>
        %dma_wait3A_143 = tpu.memref_squeeze %dma_wait3A_142 : memref<1x128xi32, #tpu.memory_space<vmem_shared>> -> memref<128xi32, #tpu.memory_space<vmem_shared>>
        tpu.wait_dma2 semaphore(%run_scoped3A : memref<!tpu.dma_semaphore, #tpu.memory_space<semaphore_mem>>) src(%dma_wait3A_143 : memref<128xi32, #tpu.memory_space<vmem_shared>>) dst(%arg9 : memref<128xi32, #tpu.memory_space<vmem>>)
        tpu.yield
      }) : () -> ()
      %dma_wait3A_121 = arith.constant 0 : i32
      %dma_wait3A_122 = arith.constant 0 : i32
      %dma_wait3A_123 = tpu.memref_slice %arg13[%dma_wait3A_121, %dma_wait3A_122] : memref<10112x128xf32, #tpu.memory_space<vmem_shared>> -> memref<10112x128xf32, #tpu.memory_space<vmem_shared>>
      tpu.wait_indirect_dma semaphore(%arg18 : memref<!tpu.dma_semaphore, #tpu.memory_space<semaphore_mem>>) src(%arg12 : memref<128x128xf32, #tpu.memory_space<vmem>>) dst(%dma_wait3A_123 : memref<10112x128xf32, #tpu.memory_space<vmem_shared>>)
      %dma_start3A_124 = arith.constant 0 : i32
      %dma_start3A_125 = arith.constant 0 : i32
      %dma_start3A_126 = tpu.memref_slice %arg2[%dma_start3A_124, %dma_start3A_125] : memref<40000x128xf32, #tpu.memory_space<hbm>> -> memref<40000x128xf32, #tpu.memory_space<hbm>>
      tpu.enqueue_indirect_dma source(%dma_start3A_126 : memref<40000x128xf32, #tpu.memory_space<hbm>>) target(%arg12 : memref<128x128xf32, #tpu.memory_space<vmem>>) offsets(%arg9 : memref<128xi32, #tpu.memory_space<vmem>>) semaphore(%arg16 : memref<!tpu.dma_semaphore, #tpu.memory_space<semaphore_mem>>)
      %mul3A_127 = arith.constant 128 : i32
      %mul3A_128 = arith.muli %add3A_118, %mul3A_127 : i32
      %add3A_129 = arith.addi %mul3A_17, %mul3A_128 : i32
      "tpu.region"() ({
        %run_scoped3A = tpu.sem_alloc : memref<!tpu.dma_semaphore, #tpu.memory_space<semaphore_mem>>
        %dma_start3A_136 = tpu.memref_slice %arg4[%add3A_129] : memref<323584xi32, #tpu.memory_space<hbm>> -> memref<128xi32, #tpu.memory_space<hbm>>
        %dma_start3A_137 = tpu.memref_slice %arg4[%add3A_129] : memref<323584xi32, #tpu.memory_space<hbm>> -> memref<128xi32, #tpu.memory_space<hbm>>
        tpu.enqueue_dma source(%dma_start3A_137 : memref<128xi32, #tpu.memory_space<hbm>>) target(%arg10 : memref<128xi32, #tpu.memory_space<vmem>>) target_semaphore(%run_scoped3A : memref<!tpu.dma_semaphore, #tpu.memory_space<semaphore_mem>>)
        %dma_wait3A_138 = tpu.memref_slice %arg4[%add3A_129] : memref<323584xi32, #tpu.memory_space<hbm>> -> memref<128xi32, #tpu.memory_space<hbm>>
        %dma_wait3A_139 = tpu.memref_slice %arg4[%add3A_129] : memref<323584xi32, #tpu.memory_space<hbm>> -> memref<128xi32, #tpu.memory_space<hbm>>
        tpu.wait_dma2 semaphore(%run_scoped3A : memref<!tpu.dma_semaphore, #tpu.memory_space<semaphore_mem>>) src(%dma_wait3A_139 : memref<128xi32, #tpu.memory_space<hbm>>) dst(%arg10 : memref<128xi32, #tpu.memory_space<vmem>>)
        tpu.yield
      }) : () -> ()
      %dma_wait3A_130 = arith.constant 0 : i32
      %dma_wait3A_131 = arith.constant 0 : i32
      %dma_wait3A_132 = tpu.memref_slice %arg2[%dma_wait3A_130, %dma_wait3A_131] : memref<40000x128xf32, #tpu.memory_space<hbm>> -> memref<40000x128xf32, #tpu.memory_space<hbm>>
      tpu.wait_indirect_dma semaphore(%arg16 : memref<!tpu.dma_semaphore, #tpu.memory_space<semaphore_mem>>) src(%dma_wait3A_132 : memref<40000x128xf32, #tpu.memory_space<hbm>>) dst(%arg12 : memref<128x128xf32, #tpu.memory_space<vmem>>)
      %dma_start3A_133 = arith.constant 0 : i32
      %dma_start3A_134 = arith.constant 0 : i32
      %dma_start3A_135 = tpu.memref_slice %arg13[%dma_start3A_133, %dma_start3A_134] : memref<10112x128xf32, #tpu.memory_space<vmem_shared>> -> memref<10112x128xf32, #tpu.memory_space<vmem_shared>>
      tpu.enqueue_indirect_dma source(%arg12 : memref<128x128xf32, #tpu.memory_space<vmem>>) target(%dma_start3A_135 : memref<10112x128xf32, #tpu.memory_space<vmem_shared>>) offsets(%arg10 : memref<128xi32, #tpu.memory_space<vmem>>) semaphore(%arg18 : memref<!tpu.dma_semaphore, #tpu.memory_space<semaphore_mem>>) {add = true}
    }
    %while3A_64 = arith.constant 1 : i32
    scf.for %while3A_95 = %while3A_62 to %while3A_58 step %while3A_64  : i32 {
      %mul3A_96 = arith.constant 2 : i32
      %mul3A_97 = arith.muli %mul3A_96, %while3A_95 : i32
      %mul3A_98 = arith.constant 128 : i32
      %mul3A_99 = arith.muli %mul3A_97, %mul3A_98 : i32
      "tpu.region"() ({
        %run_scoped3A = tpu.sem_alloc : memref<!tpu.dma_semaphore, #tpu.memory_space<semaphore_mem>>
        %dma_start3A_136 = tpu.memref_slice %arg14[%arg1, %mul3A_99] : memref<16x13440xi32, #tpu.memory_space<vmem_shared>> -> memref<1x128xi32, #tpu.memory_space<vmem_shared>>
        %dma_start3A_137 = tpu.memref_squeeze %dma_start3A_136 : memref<1x128xi32, #tpu.memory_space<vmem_shared>> -> memref<128xi32, #tpu.memory_space<vmem_shared>>
        %dma_start3A_138 = tpu.memref_slice %arg14[%arg1, %mul3A_99] : memref<16x13440xi32, #tpu.memory_space<vmem_shared>> -> memref<1x128xi32, #tpu.memory_space<vmem_shared>>
        %dma_start3A_139 = tpu.memref_squeeze %dma_start3A_138 : memref<1x128xi32, #tpu.memory_space<vmem_shared>> -> memref<128xi32, #tpu.memory_space<vmem_shared>>
        tpu.enqueue_dma source(%dma_start3A_139 : memref<128xi32, #tpu.memory_space<vmem_shared>>) target(%arg7 : memref<128xi32, #tpu.memory_space<vmem>>) target_semaphore(%run_scoped3A : memref<!tpu.dma_semaphore, #tpu.memory_space<semaphore_mem>>)
        %dma_wait3A_140 = tpu.memref_slice %arg14[%arg1, %mul3A_99] : memref<16x13440xi32, #tpu.memory_space<vmem_shared>> -> memref<1x128xi32, #tpu.memory_space<vmem_shared>>
        %dma_wait3A_141 = tpu.memref_squeeze %dma_wait3A_140 : memref<1x128xi32, #tpu.memory_space<vmem_shared>> -> memref<128xi32, #tpu.memory_space<vmem_shared>>
        %dma_wait3A_142 = tpu.memref_slice %arg14[%arg1, %mul3A_99] : memref<16x13440xi32, #tpu.memory_space<vmem_shared>> -> memref<1x128xi32, #tpu.memory_space<vmem_shared>>
        %dma_wait3A_143 = tpu.memref_squeeze %dma_wait3A_142 : memref<1x128xi32, #tpu.memory_space<vmem_shared>> -> memref<128xi32, #tpu.memory_space<vmem_shared>>
        tpu.wait_dma2 semaphore(%run_scoped3A : memref<!tpu.dma_semaphore, #tpu.memory_space<semaphore_mem>>) src(%dma_wait3A_143 : memref<128xi32, #tpu.memory_space<vmem_shared>>) dst(%arg7 : memref<128xi32, #tpu.memory_space<vmem>>)
        tpu.yield
      }) : () -> ()
      %dma_wait3A_100 = arith.constant 0 : i32
      %dma_wait3A_101 = arith.constant 0 : i32
      %dma_wait3A_102 = tpu.memref_slice %arg13[%dma_wait3A_100, %dma_wait3A_101] : memref<10112x128xf32, #tpu.memory_space<vmem_shared>> -> memref<10112x128xf32, #tpu.memory_space<vmem_shared>>
      tpu.wait_indirect_dma semaphore(%arg17 : memref<!tpu.dma_semaphore, #tpu.memory_space<semaphore_mem>>) src(%arg11 : memref<128x128xf32, #tpu.memory_space<vmem>>) dst(%dma_wait3A_102 : memref<10112x128xf32, #tpu.memory_space<vmem_shared>>)
      %dma_start3A_103 = arith.constant 0 : i32
      %dma_start3A_104 = arith.constant 0 : i32
      %dma_start3A_105 = tpu.memref_slice %arg2[%dma_start3A_103, %dma_start3A_104] : memref<40000x128xf32, #tpu.memory_space<hbm>> -> memref<40000x128xf32, #tpu.memory_space<hbm>>
      tpu.enqueue_indirect_dma source(%dma_start3A_105 : memref<40000x128xf32, #tpu.memory_space<hbm>>) target(%arg11 : memref<128x128xf32, #tpu.memory_space<vmem>>) offsets(%arg7 : memref<128xi32, #tpu.memory_space<vmem>>) semaphore(%arg15 : memref<!tpu.dma_semaphore, #tpu.memory_space<semaphore_mem>>)
      %mul3A_106 = arith.constant 128 : i32
      %mul3A_107 = arith.muli %mul3A_97, %mul3A_106 : i32
      %add3A_108 = arith.addi %mul3A_17, %mul3A_107 : i32
      "tpu.region"() ({
        %run_scoped3A = tpu.sem_alloc : memref<!tpu.dma_semaphore, #tpu.memory_space<semaphore_mem>>
        %dma_start3A_136 = tpu.memref_slice %arg4[%add3A_108] : memref<323584xi32, #tpu.memory_space<hbm>> -> memref<128xi32, #tpu.memory_space<hbm>>
        %dma_start3A_137 = tpu.memref_slice %arg4[%add3A_108] : memref<323584xi32, #tpu.memory_space<hbm>> -> memref<128xi32, #tpu.memory_space<hbm>>
        tpu.enqueue_dma source(%dma_start3A_137 : memref<128xi32, #tpu.memory_space<hbm>>) target(%arg8 : memref<128xi32, #tpu.memory_space<vmem>>) target_semaphore(%run_scoped3A : memref<!tpu.dma_semaphore, #tpu.memory_space<semaphore_mem>>)
        %dma_wait3A_138 = tpu.memref_slice %arg4[%add3A_108] : memref<323584xi32, #tpu.memory_space<hbm>> -> memref<128xi32, #tpu.memory_space<hbm>>
        %dma_wait3A_139 = tpu.memref_slice %arg4[%add3A_108] : memref<323584xi32, #tpu.memory_space<hbm>> -> memref<128xi32, #tpu.memory_space<hbm>>
        tpu.wait_dma2 semaphore(%run_scoped3A : memref<!tpu.dma_semaphore, #tpu.memory_space<semaphore_mem>>) src(%dma_wait3A_139 : memref<128xi32, #tpu.memory_space<hbm>>) dst(%arg8 : memref<128xi32, #tpu.memory_space<vmem>>)
        tpu.yield
      }) : () -> ()
      %dma_wait3A_109 = arith.constant 0 : i32
      %dma_wait3A_110 = arith.constant 0 : i32
      %dma_wait3A_111 = tpu.memref_slice %arg2[%dma_wait3A_109, %dma_wait3A_110] : memref<40000x128xf32, #tpu.memory_space<hbm>> -> memref<40000x128xf32, #tpu.memory_space<hbm>>
      tpu.wait_indirect_dma semaphore(%arg15 : memref<!tpu.dma_semaphore, #tpu.memory_space<semaphore_mem>>) src(%dma_wait3A_111 : memref<40000x128xf32, #tpu.memory_space<hbm>>) dst(%arg11 : memref<128x128xf32, #tpu.memory_space<vmem>>)
      %dma_start3A_112 = arith.constant 0 : i32
      %dma_start3A_113 = arith.constant 0 : i32
      %dma_start3A_114 = tpu.memref_slice %arg13[%dma_start3A_112, %dma_start3A_113] : memref<10112x128xf32, #tpu.memory_space<vmem_shared>> -> memref<10112x128xf32, #tpu.memory_space<vmem_shared>>
      tpu.enqueue_indirect_dma source(%arg11 : memref<128x128xf32, #tpu.memory_space<vmem>>) target(%dma_start3A_114 : memref<10112x128xf32, #tpu.memory_space<vmem_shared>>) offsets(%arg8 : memref<128xi32, #tpu.memory_space<vmem>>) semaphore(%arg17 : memref<!tpu.dma_semaphore, #tpu.memory_space<semaphore_mem>>) {add = true}
      %mul3A_115 = arith.constant 2 : i32
      %mul3A_116 = arith.muli %mul3A_115, %while3A_95 : i32
      %add3A_117 = arith.constant 1 : i32
      %add3A_118 = arith.addi %mul3A_116, %add3A_117 : i32
      %mul3A_119 = arith.constant 128 : i32
      %mul3A_120 = arith.muli %add3A_118, %mul3A_119 : i32
      "tpu.region"() ({
        %run_scoped3A = tpu.sem_alloc : memref<!tpu.dma_semaphore, #tpu.memory_space<semaphore_mem>>
        %dma_start3A_136 = tpu.memref_slice %arg14[%arg1, %mul3A_120] : memref<16x13440xi32, #tpu.memory_space<vmem_shared>> -> memref<1x128xi32, #tpu.memory_space<vmem_shared>>
        %dma_start3A_137 = tpu.memref_squeeze %dma_start3A_136 : memref<1x128xi32, #tpu.memory_space<vmem_shared>> -> memref<128xi32, #tpu.memory_space<vmem_shared>>
        %dma_start3A_138 = tpu.memref_slice %arg14[%arg1, %mul3A_120] : memref<16x13440xi32, #tpu.memory_space<vmem_shared>> -> memref<1x128xi32, #tpu.memory_space<vmem_shared>>
        %dma_start3A_139 = tpu.memref_squeeze %dma_start3A_138 : memref<1x128xi32, #tpu.memory_space<vmem_shared>> -> memref<128xi32, #tpu.memory_space<vmem_shared>>
        tpu.enqueue_dma source(%dma_start3A_139 : memref<128xi32, #tpu.memory_space<vmem_shared>>) target(%arg9 : memref<128xi32, #tpu.memory_space<vmem>>) target_semaphore(%run_scoped3A : memref<!tpu.dma_semaphore, #tpu.memory_space<semaphore_mem>>)
        %dma_wait3A_140 = tpu.memref_slice %arg14[%arg1, %mul3A_120] : memref<16x13440xi32, #tpu.memory_space<vmem_shared>> -> memref<1x128xi32, #tpu.memory_space<vmem_shared>>
        %dma_wait3A_141 = tpu.memref_squeeze %dma_wait3A_140 : memref<1x128xi32, #tpu.memory_space<vmem_shared>> -> memref<128xi32, #tpu.memory_space<vmem_shared>>
        %dma_wait3A_142 = tpu.memref_slice %arg14[%arg1, %mul3A_120] : memref<16x13440xi32, #tpu.memory_space<vmem_shared>> -> memref<1x128xi32, #tpu.memory_space<vmem_shared>>
        %dma_wait3A_143 = tpu.memref_squeeze %dma_wait3A_142 : memref<1x128xi32, #tpu.memory_space<vmem_shared>> -> memref<128xi32, #tpu.memory_space<vmem_shared>>
        tpu.wait_dma2 semaphore(%run_scoped3A : memref<!tpu.dma_semaphore, #tpu.memory_space<semaphore_mem>>) src(%dma_wait3A_143 : memref<128xi32, #tpu.memory_space<vmem_shared>>) dst(%arg9 : memref<128xi32, #tpu.memory_space<vmem>>)
        tpu.yield
      }) : () -> ()
      %dma_wait3A_121 = arith.constant 0 : i32
      %dma_wait3A_122 = arith.constant 0 : i32
      %dma_wait3A_123 = tpu.memref_slice %arg13[%dma_wait3A_121, %dma_wait3A_122] : memref<10112x128xf32, #tpu.memory_space<vmem_shared>> -> memref<10112x128xf32, #tpu.memory_space<vmem_shared>>
      tpu.wait_indirect_dma semaphore(%arg18 : memref<!tpu.dma_semaphore, #tpu.memory_space<semaphore_mem>>) src(%arg12 : memref<128x128xf32, #tpu.memory_space<vmem>>) dst(%dma_wait3A_123 : memref<10112x128xf32, #tpu.memory_space<vmem_shared>>)
      %dma_start3A_124 = arith.constant 0 : i32
      %dma_start3A_125 = arith.constant 0 : i32
      %dma_start3A_126 = tpu.memref_slice %arg2[%dma_start3A_124, %dma_start3A_125] : memref<40000x128xf32, #tpu.memory_space<hbm>> -> memref<40000x128xf32, #tpu.memory_space<hbm>>
      tpu.enqueue_indirect_dma source(%dma_start3A_126 : memref<40000x128xf32, #tpu.memory_space<hbm>>) target(%arg12 : memref<128x128xf32, #tpu.memory_space<vmem>>) offsets(%arg9 : memref<128xi32, #tpu.memory_space<vmem>>) semaphore(%arg16 : memref<!tpu.dma_semaphore, #tpu.memory_space<semaphore_mem>>)
      %mul3A_127 = arith.constant 128 : i32
      %mul3A_128 = arith.muli %add3A_118, %mul3A_127 : i32
      %add3A_129 = arith.addi %mul3A_17, %mul3A_128 : i32
      "tpu.region"() ({
        %run_scoped3A = tpu.sem_alloc : memref<!tpu.dma_semaphore, #tpu.memory_space<semaphore_mem>>
        %dma_start3A_136 = tpu.memref_slice %arg4[%add3A_129] : memref<323584xi32, #tpu.memory_space<hbm>> -> memref<128xi32, #tpu.memory_space<hbm>>
        %dma_start3A_137 = tpu.memref_slice %arg4[%add3A_129] : memref<323584xi32, #tpu.memory_space<hbm>> -> memref<128xi32, #tpu.memory_space<hbm>>
        tpu.enqueue_dma source(%dma_start3A_137 : memref<128xi32, #tpu.memory_space<hbm>>) target(%arg10 : memref<128xi32, #tpu.memory_space<vmem>>) target_semaphore(%run_scoped3A : memref<!tpu.dma_semaphore, #tpu.memory_space<semaphore_mem>>)
        %dma_wait3A_138 = tpu.memref_slice %arg4[%add3A_129] : memref<323584xi32, #tpu.memory_space<hbm>> -> memref<128xi32, #tpu.memory_space<hbm>>
        %dma_wait3A_139 = tpu.memref_slice %arg4[%add3A_129] : memref<323584xi32, #tpu.memory_space<hbm>> -> memref<128xi32, #tpu.memory_space<hbm>>
        tpu.wait_dma2 semaphore(%run_scoped3A : memref<!tpu.dma_semaphore, #tpu.memory_space<semaphore_mem>>) src(%dma_wait3A_139 : memref<128xi32, #tpu.memory_space<hbm>>) dst(%arg10 : memref<128xi32, #tpu.memory_space<vmem>>)
        tpu.yield
      }) : () -> ()
      %dma_wait3A_130 = arith.constant 0 : i32
      %dma_wait3A_131 = arith.constant 0 : i32
      %dma_wait3A_132 = tpu.memref_slice %arg2[%dma_wait3A_130, %dma_wait3A_131] : memref<40000x128xf32, #tpu.memory_space<hbm>> -> memref<40000x128xf32, #tpu.memory_space<hbm>>
      tpu.wait_indirect_dma semaphore(%arg16 : memref<!tpu.dma_semaphore, #tpu.memory_space<semaphore_mem>>) src(%dma_wait3A_132 : memref<40000x128xf32, #tpu.memory_space<hbm>>) dst(%arg12 : memref<128x128xf32, #tpu.memory_space<vmem>>)
      %dma_start3A_133 = arith.constant 0 : i32
      %dma_start3A_134 = arith.constant 0 : i32
      %dma_start3A_135 = tpu.memref_slice %arg13[%dma_start3A_133, %dma_start3A_134] : memref<10112x128xf32, #tpu.memory_space<vmem_shared>> -> memref<10112x128xf32, #tpu.memory_space<vmem_shared>>
      tpu.enqueue_indirect_dma source(%arg12 : memref<128x128xf32, #tpu.memory_space<vmem>>) target(%dma_start3A_135 : memref<10112x128xf32, #tpu.memory_space<vmem_shared>>) offsets(%arg10 : memref<128xi32, #tpu.memory_space<vmem>>) semaphore(%arg18 : memref<!tpu.dma_semaphore, #tpu.memory_space<semaphore_mem>>) {add = true}
    }
    %sub3A_65 = arith.constant 1 : i32
    %sub3A_66 = arith.subi %select_n3A, %sub3A_65 : i32
    %mul3A_67 = arith.constant 128 : i32
    %mul3A_68 = arith.muli %sub3A_66, %mul3A_67 : i32
    "tpu.region"() ({
      %run_scoped3A = tpu.sem_alloc : memref<!tpu.dma_semaphore, #tpu.memory_space<semaphore_mem>>
      %dma_start3A_95 = tpu.memref_slice %arg14[%arg1, %mul3A_68] : memref<16x13440xi32, #tpu.memory_space<vmem_shared>> -> memref<1x128xi32, #tpu.memory_space<vmem_shared>>
      %dma_start3A_96 = tpu.memref_squeeze %dma_start3A_95 : memref<1x128xi32, #tpu.memory_space<vmem_shared>> -> memref<128xi32, #tpu.memory_space<vmem_shared>>
      %dma_start3A_97 = tpu.memref_slice %arg14[%arg1, %mul3A_68] : memref<16x13440xi32, #tpu.memory_space<vmem_shared>> -> memref<1x128xi32, #tpu.memory_space<vmem_shared>>
      %dma_start3A_98 = tpu.memref_squeeze %dma_start3A_97 : memref<1x128xi32, #tpu.memory_space<vmem_shared>> -> memref<128xi32, #tpu.memory_space<vmem_shared>>
      tpu.enqueue_dma source(%dma_start3A_98 : memref<128xi32, #tpu.memory_space<vmem_shared>>) target(%arg7 : memref<128xi32, #tpu.memory_space<vmem>>) target_semaphore(%run_scoped3A : memref<!tpu.dma_semaphore, #tpu.memory_space<semaphore_mem>>)
      %dma_wait3A_99 = tpu.memref_slice %arg14[%arg1, %mul3A_68] : memref<16x13440xi32, #tpu.memory_space<vmem_shared>> -> memref<1x128xi32, #tpu.memory_space<vmem_shared>>
      %dma_wait3A_100 = tpu.memref_squeeze %dma_wait3A_99 : memref<1x128xi32, #tpu.memory_space<vmem_shared>> -> memref<128xi32, #tpu.memory_space<vmem_shared>>
      %dma_wait3A_101 = tpu.memref_slice %arg14[%arg1, %mul3A_68] : memref<16x13440xi32, #tpu.memory_space<vmem_shared>> -> memref<1x128xi32, #tpu.memory_space<vmem_shared>>
      %dma_wait3A_102 = tpu.memref_squeeze %dma_wait3A_101 : memref<1x128xi32, #tpu.memory_space<vmem_shared>> -> memref<128xi32, #tpu.memory_space<vmem_shared>>
      tpu.wait_dma2 semaphore(%run_scoped3A : memref<!tpu.dma_semaphore, #tpu.memory_space<semaphore_mem>>) src(%dma_wait3A_102 : memref<128xi32, #tpu.memory_space<vmem_shared>>) dst(%arg7 : memref<128xi32, #tpu.memory_space<vmem>>)
      tpu.yield
    }) : () -> ()
    %dma_wait3A_69 = arith.constant 0 : i32
    %dma_wait3A_70 = arith.constant 0 : i32
    %dma_wait3A_71 = tpu.memref_slice %arg13[%dma_wait3A_69, %dma_wait3A_70] : memref<10112x128xf32, #tpu.memory_space<vmem_shared>> -> memref<10112x128xf32, #tpu.memory_space<vmem_shared>>
    tpu.wait_indirect_dma semaphore(%arg17 : memref<!tpu.dma_semaphore, #tpu.memory_space<semaphore_mem>>) src(%arg11 : memref<128x128xf32, #tpu.memory_space<vmem>>) dst(%dma_wait3A_71 : memref<10112x128xf32, #tpu.memory_space<vmem_shared>>)
    %dma_start3A_72 = arith.constant 0 : i32
    %dma_start3A_73 = arith.constant 0 : i32
    %dma_start3A_74 = tpu.memref_slice %arg2[%dma_start3A_72, %dma_start3A_73] : memref<40000x128xf32, #tpu.memory_space<hbm>> -> memref<40000x128xf32, #tpu.memory_space<hbm>>
    tpu.enqueue_indirect_dma source(%dma_start3A_74 : memref<40000x128xf32, #tpu.memory_space<hbm>>) target(%arg11 : memref<128x128xf32, #tpu.memory_space<vmem>>) offsets(%arg7 : memref<128xi32, #tpu.memory_space<vmem>>) semaphore(%arg15 : memref<!tpu.dma_semaphore, #tpu.memory_space<semaphore_mem>>)
    %mul3A_75 = arith.constant 128 : i32
    %mul3A_76 = arith.muli %sub3A_66, %mul3A_75 : i32
    %add3A_77 = arith.addi %mul3A_17, %mul3A_76 : i32
    "tpu.region"() ({
      %run_scoped3A = tpu.sem_alloc : memref<!tpu.dma_semaphore, #tpu.memory_space<semaphore_mem>>
      %dma_start3A_95 = tpu.memref_slice %arg4[%add3A_77] : memref<323584xi32, #tpu.memory_space<hbm>> -> memref<128xi32, #tpu.memory_space<hbm>>
      %dma_start3A_96 = tpu.memref_slice %arg4[%add3A_77] : memref<323584xi32, #tpu.memory_space<hbm>> -> memref<128xi32, #tpu.memory_space<hbm>>
      tpu.enqueue_dma source(%dma_start3A_96 : memref<128xi32, #tpu.memory_space<hbm>>) target(%arg8 : memref<128xi32, #tpu.memory_space<vmem>>) target_semaphore(%run_scoped3A : memref<!tpu.dma_semaphore, #tpu.memory_space<semaphore_mem>>)
      %dma_wait3A_97 = tpu.memref_slice %arg4[%add3A_77] : memref<323584xi32, #tpu.memory_space<hbm>> -> memref<128xi32, #tpu.memory_space<hbm>>
      %dma_wait3A_98 = tpu.memref_slice %arg4[%add3A_77] : memref<323584xi32, #tpu.memory_space<hbm>> -> memref<128xi32, #tpu.memory_space<hbm>>
      tpu.wait_dma2 semaphore(%run_scoped3A : memref<!tpu.dma_semaphore, #tpu.memory_space<semaphore_mem>>) src(%dma_wait3A_98 : memref<128xi32, #tpu.memory_space<hbm>>) dst(%arg8 : memref<128xi32, #tpu.memory_space<vmem>>)
      tpu.yield
    }) : () -> ()
    %dma_wait3A_78 = arith.constant 0 : i32
    %dma_wait3A_79 = arith.constant 0 : i32
    %dma_wait3A_80 = tpu.memref_slice %arg2[%dma_wait3A_78, %dma_wait3A_79] : memref<40000x128xf32, #tpu.memory_space<hbm>> -> memref<40000x128xf32, #tpu.memory_space<hbm>>
    tpu.wait_indirect_dma semaphore(%arg15 : memref<!tpu.dma_semaphore, #tpu.memory_space<semaphore_mem>>) src(%dma_wait3A_80 : memref<40000x128xf32, #tpu.memory_space<hbm>>) dst(%arg11 : memref<128x128xf32, #tpu.memory_space<vmem>>)
    %dma_start3A_81 = arith.constant 0 : i32
    %dma_start3A_82 = arith.constant 0 : i32
    %dma_start3A_83 = tpu.memref_slice %arg13[%dma_start3A_81, %dma_start3A_82] : memref<10112x128xf32, #tpu.memory_space<vmem_shared>> -> memref<10112x128xf32, #tpu.memory_space<vmem_shared>>
    tpu.enqueue_indirect_dma source(%arg11 : memref<128x128xf32, #tpu.memory_space<vmem>>) target(%dma_start3A_83 : memref<10112x128xf32, #tpu.memory_space<vmem_shared>>) offsets(%arg8 : memref<128xi32, #tpu.memory_space<vmem>>) semaphore(%arg17 : memref<!tpu.dma_semaphore, #tpu.memory_space<semaphore_mem>>) {add = true}
    %dma_wait3A_84 = arith.constant 0 : i32
    %dma_wait3A_85 = arith.constant 0 : i32
    %dma_wait3A_86 = tpu.memref_slice %arg13[%dma_wait3A_84, %dma_wait3A_85] : memref<10112x128xf32, #tpu.memory_space<vmem_shared>> -> memref<10112x128xf32, #tpu.memory_space<vmem_shared>>
    tpu.wait_indirect_dma semaphore(%arg17 : memref<!tpu.dma_semaphore, #tpu.memory_space<semaphore_mem>>) src(%arg11 : memref<128x128xf32, #tpu.memory_space<vmem>>) dst(%dma_wait3A_86 : memref<10112x128xf32, #tpu.memory_space<vmem_shared>>)
    %dma_wait3A_87 = arith.constant 0 : i32
    %dma_wait3A_88 = arith.constant 0 : i32
    %dma_wait3A_89 = tpu.memref_slice %arg13[%dma_wait3A_87, %dma_wait3A_88] : memref<10112x128xf32, #tpu.memory_space<vmem_shared>> -> memref<10112x128xf32, #tpu.memory_space<vmem_shared>>
    tpu.wait_indirect_dma semaphore(%arg18 : memref<!tpu.dma_semaphore, #tpu.memory_space<semaphore_mem>>) src(%arg12 : memref<128x128xf32, #tpu.memory_space<vmem>>) dst(%dma_wait3A_89 : memref<10112x128xf32, #tpu.memory_space<vmem_shared>>)
    %barrier3A_90 = arith.constant 0 : index
    tpu.barrier barrier_id(%barrier3A_90)
    %mul3A_91 = arith.constant 632 : i32
    %mul3A_92 = arith.muli %arg1, %mul3A_91 : i32
    %mul3A_93 = arith.constant 632 : i32
    %mul3A_94 = arith.muli %arg1, %mul3A_93 : i32
    "tpu.region"() ({
      %run_scoped3A = tpu.sem_alloc : memref<!tpu.dma_semaphore, #tpu.memory_space<semaphore_mem>>
      %dma_start3A_95 = arith.constant 0 : i32
      %dma_start3A_96 = tpu.memref_slice %arg6[%arg0, %mul3A_94, %dma_start3A_95] : memref<2x10112x128xf32, #tpu.memory_space<hbm>> -> memref<1x632x128xf32, #tpu.memory_space<hbm>>
      %dma_start3A_97 = tpu.memref_squeeze %dma_start3A_96 : memref<1x632x128xf32, #tpu.memory_space<hbm>> -> memref<632x128xf32, #tpu.memory_space<hbm>>
      %dma_start3A_98 = arith.constant 0 : i32
      %dma_start3A_99 = tpu.memref_slice %arg13[%mul3A_92, %dma_start3A_98] : memref<10112x128xf32, #tpu.memory_space<vmem_shared>> -> memref<632x128xf32, #tpu.memory_space<vmem_shared>>
      tpu.enqueue_dma source(%dma_start3A_99 : memref<632x128xf32, #tpu.memory_space<vmem_shared>>) target(%dma_start3A_97 : memref<632x128xf32, #tpu.memory_space<hbm>>) target_semaphore(%run_scoped3A : memref<!tpu.dma_semaphore, #tpu.memory_space<semaphore_mem>>)
      %dma_wait3A_100 = arith.constant 0 : i32
      %dma_wait3A_101 = tpu.memref_slice %arg6[%arg0, %mul3A_94, %dma_wait3A_100] : memref<2x10112x128xf32, #tpu.memory_space<hbm>> -> memref<1x632x128xf32, #tpu.memory_space<hbm>>
      %dma_wait3A_102 = tpu.memref_squeeze %dma_wait3A_101 : memref<1x632x128xf32, #tpu.memory_space<hbm>> -> memref<632x128xf32, #tpu.memory_space<hbm>>
      %dma_wait3A_103 = arith.constant 0 : i32
      %dma_wait3A_104 = tpu.memref_slice %arg13[%mul3A_92, %dma_wait3A_103] : memref<10112x128xf32, #tpu.memory_space<vmem_shared>> -> memref<632x128xf32, #tpu.memory_space<vmem_shared>>
      tpu.wait_dma2 semaphore(%run_scoped3A : memref<!tpu.dma_semaphore, #tpu.memory_space<semaphore_mem>>) src(%dma_wait3A_104 : memref<632x128xf32, #tpu.memory_space<vmem_shared>>) dst(%dma_wait3A_102 : memref<632x128xf32, #tpu.memory_space<hbm>>)
      tpu.yield
    }) : () -> ()
    return
  }
}

#map = affine_map<(d0, d1) -> (0, 0)>
#map1 = affine_map<(d0, d1) -> (0)>
#map2 = affine_map<(d0, d1) -> (0, 0, 0)>
module attributes {stable_mosaic.version = 14 : i64} {
  func.func @_sc_message_pass(%arg0: i32, %arg1: i32, %arg2: memref<40000x128xf32, #tpu.memory_space<hbm>>, %arg3: memref<323584xi32, #tpu.memory_space<hbm>>, %arg4: memref<323584xi32, #tpu.memory_space<hbm>>, %arg5: memref<10112x128xf32, #tpu.memory_space<hbm>>, %arg6: memref<2x10112x128xf32, #tpu.memory_space<hbm>>, %arg7: memref<128xi32, #tpu.memory_space<vmem>>, %arg8: memref<128xi32, #tpu.memory_space<vmem>>, %arg9: memref<128xi32, #tpu.memory_space<vmem>>, %arg10: memref<128xi32, #tpu.memory_space<vmem>>, %arg11: memref<128x128xf32, #tpu.memory_space<vmem>>, %arg12: memref<128x128xf32, #tpu.memory_space<vmem>>, %arg13: memref<10112x128xf32, #tpu.memory_space<vmem_shared>>, %arg14: memref<16x13440xi32, #tpu.memory_space<vmem_shared>>, %arg15: memref<!tpu.dma_semaphore, #tpu.memory_space<semaphore_mem>>, %arg16: memref<!tpu.dma_semaphore, #tpu.memory_space<semaphore_mem>>, %arg17: memref<!tpu.dma_semaphore, #tpu.memory_space<semaphore_mem>>, %arg18: memref<!tpu.dma_semaphore, #tpu.memory_space<semaphore_mem>>) attributes {dimension_semantics = [#tpu.dimension_semantics<core_parallel>, #tpu.dimension_semantics<subcore_parallel>], iteration_bounds = array<i64: 2, 16>, scalar_prefetch = 0 : i64, scratch_operands = 12 : i64, tpu.core_type = #tpu.core_type<sc_vector_subcore>, window_params = [{transform_indices = #map}, {transform_indices = #map1}, {transform_indices = #map1}, {transform_indices = #map}, {transform_indices = #map2}]} {
    %mul3A = arith.constant 2 : i32
    %mul3A_0 = arith.muli %arg1, %mul3A : i32
    %add3A = arith.addi %mul3A_0, %arg0 : i32
    %mul3A_1 = arith.constant 632 : i32
    %mul3A_2 = arith.muli %arg1, %mul3A_1 : i32
    %mul3A_3 = arith.constant 632 : i32
    %mul3A_4 = arith.muli %arg1, %mul3A_3 : i32
    "tpu.region"() ({
      %run_scoped3A = tpu.sem_alloc : memref<!tpu.dma_semaphore, #tpu.memory_space<semaphore_mem>>
      %dma_start3A_95 = arith.constant 0 : i32
      %dma_start3A_96 = tpu.memref_slice %arg13[%mul3A_4, %dma_start3A_95] : memref<10112x128xf32, #tpu.memory_space<vmem_shared>> -> memref<632x128xf32, #tpu.memory_space<vmem_shared>>
      %dma_start3A_97 = arith.constant 0 : i32
      %dma_start3A_98 = tpu.memref_slice %arg5[%mul3A_2, %dma_start3A_97] : memref<10112x128xf32, #tpu.memory_space<hbm>> -> memref<632x128xf32, #tpu.memory_space<hbm>>
      tpu.enqueue_dma source(%dma_start3A_98 : memref<632x128xf32, #tpu.memory_space<hbm>>) target(%dma_start3A_96 : memref<632x128xf32, #tpu.memory_space<vmem_shared>>) target_semaphore(%run_scoped3A : memref<!tpu.dma_semaphore, #tpu.memory_space<semaphore_mem>>)
      %dma_wait3A_99 = arith.constant 0 : i32
      %dma_wait3A_100 = tpu.memref_slice %arg13[%mul3A_4, %dma_wait3A_99] : memref<10112x128xf32, #tpu.memory_space<vmem_shared>> -> memref<632x128xf32, #tpu.memory_space<vmem_shared>>
      %dma_wait3A_101 = arith.constant 0 : i32
      %dma_wait3A_102 = tpu.memref_slice %arg5[%mul3A_2, %dma_wait3A_101] : memref<10112x128xf32, #tpu.memory_space<hbm>> -> memref<632x128xf32, #tpu.memory_space<hbm>>
      tpu.wait_dma2 semaphore(%run_scoped3A : memref<!tpu.dma_semaphore, #tpu.memory_space<semaphore_mem>>) src(%dma_wait3A_102 : memref<632x128xf32, #tpu.memory_space<hbm>>) dst(%dma_wait3A_100 : memref<632x128xf32, #tpu.memory_space<vmem_shared>>)
      tpu.yield
    }) : () -> ()
    %eq3A = arith.constant 0 : i32
    %eq3A_5 = arith.cmpi eq, %arg0, %eq3A : i32
    %jit3A = arith.constant 105 : i32
    %jit3A_6 = arith.constant 53 : i32
    %select_n3A = arith.select %eq3A_5, %jit3A, %jit3A_6 : i32
    %eq3A_7 = arith.constant 0 : i32
    %eq3A_8 = arith.cmpi eq, %arg0, %eq3A_7 : i32
    %mul3A_9 = arith.constant 105 : i32
    %mul3A_10 = arith.muli %arg1, %mul3A_9 : i32
    %mul3A_11 = arith.constant 53 : i32
    %mul3A_12 = arith.muli %arg1, %mul3A_11 : i32
    %add3A_13 = arith.constant 1680 : i32
    %add3A_14 = arith.addi %add3A_13, %mul3A_12 : i32
    %select_n3A_15 = arith.select %eq3A_8, %mul3A_10, %add3A_14 : i32
    %mul3A_16 = arith.constant 128 : i32
    %mul3A_17 = arith.muli %select_n3A_15, %mul3A_16 : i32
    "tpu.region"() ({
      %run_scoped3A = tpu.sem_alloc : memref<!tpu.dma_semaphore, #tpu.memory_space<semaphore_mem>>
      %dma_start3A_95 = arith.constant 0 : i32
      %dma_start3A_96 = tpu.memref_slice %arg14[%arg1, %dma_start3A_95] : memref<16x13440xi32, #tpu.memory_space<vmem_shared>> -> memref<1x13440xi32, #tpu.memory_space<vmem_shared>>
      %dma_start3A_97 = tpu.memref_squeeze %dma_start3A_96 : memref<1x13440xi32, #tpu.memory_space<vmem_shared>> -> memref<13440xi32, #tpu.memory_space<vmem_shared>>
      %dma_start3A_98 = tpu.memref_slice %arg3[%mul3A_17] : memref<323584xi32, #tpu.memory_space<hbm>> -> memref<13440xi32, #tpu.memory_space<hbm>>
      tpu.enqueue_dma source(%dma_start3A_98 : memref<13440xi32, #tpu.memory_space<hbm>>) target(%dma_start3A_97 : memref<13440xi32, #tpu.memory_space<vmem_shared>>) target_semaphore(%run_scoped3A : memref<!tpu.dma_semaphore, #tpu.memory_space<semaphore_mem>>)
      %dma_wait3A_99 = arith.constant 0 : i32
      %dma_wait3A_100 = tpu.memref_slice %arg14[%arg1, %dma_wait3A_99] : memref<16x13440xi32, #tpu.memory_space<vmem_shared>> -> memref<1x13440xi32, #tpu.memory_space<vmem_shared>>
      %dma_wait3A_101 = tpu.memref_squeeze %dma_wait3A_100 : memref<1x13440xi32, #tpu.memory_space<vmem_shared>> -> memref<13440xi32, #tpu.memory_space<vmem_shared>>
      %dma_wait3A_102 = tpu.memref_slice %arg3[%mul3A_17] : memref<323584xi32, #tpu.memory_space<hbm>> -> memref<13440xi32, #tpu.memory_space<hbm>>
      tpu.wait_dma2 semaphore(%run_scoped3A : memref<!tpu.dma_semaphore, #tpu.memory_space<semaphore_mem>>) src(%dma_wait3A_102 : memref<13440xi32, #tpu.memory_space<hbm>>) dst(%dma_wait3A_101 : memref<13440xi32, #tpu.memory_space<vmem_shared>>)
      tpu.yield
    }) : () -> ()
    %barrier3A = arith.constant 0 : index
    tpu.barrier barrier_id(%barrier3A)
    "tpu.region"() ({
      %run_scoped3A = tpu.sem_alloc : memref<!tpu.dma_semaphore, #tpu.memory_space<semaphore_mem>>
      %dma_start3A_95 = arith.constant 0 : i32
      %dma_start3A_96 = tpu.memref_slice %arg14[%arg1, %dma_start3A_95] : memref<16x13440xi32, #tpu.memory_space<vmem_shared>> -> memref<1x128xi32, #tpu.memory_space<vmem_shared>>
      %dma_start3A_97 = tpu.memref_squeeze %dma_start3A_96 : memref<1x128xi32, #tpu.memory_space<vmem_shared>> -> memref<128xi32, #tpu.memory_space<vmem_shared>>
      %dma_start3A_98 = arith.constant 0 : i32
      %dma_start3A_99 = tpu.memref_slice %arg14[%arg1, %dma_start3A_98] : memref<16x13440xi32, #tpu.memory_space<vmem_shared>> -> memref<1x128xi32, #tpu.memory_space<vmem_shared>>
      %dma_start3A_100 = tpu.memref_squeeze %dma_start3A_99 : memref<1x128xi32, #tpu.memory_space<vmem_shared>> -> memref<128xi32, #tpu.memory_space<vmem_shared>>
      tpu.enqueue_dma source(%dma_start3A_100 : memref<128xi32, #tpu.memory_space<vmem_shared>>) target(%arg7 : memref<128xi32, #tpu.memory_space<vmem>>) target_semaphore(%run_scoped3A : memref<!tpu.dma_semaphore, #tpu.memory_space<semaphore_mem>>)
      %dma_wait3A_101 = arith.constant 0 : i32
      %dma_wait3A_102 = tpu.memref_slice %arg14[%arg1, %dma_wait3A_101] : memref<16x13440xi32, #tpu.memory_space<vmem_shared>> -> memref<1x128xi32, #tpu.memory_space<vmem_shared>>
      %dma_wait3A_103 = tpu.memref_squeeze %dma_wait3A_102 : memref<1x128xi32, #tpu.memory_space<vmem_shared>> -> memref<128xi32, #tpu.memory_space<vmem_shared>>
      %dma_wait3A_104 = arith.constant 0 : i32
      %dma_wait3A_105 = tpu.memref_slice %arg14[%arg1, %dma_wait3A_104] : memref<16x13440xi32, #tpu.memory_space<vmem_shared>> -> memref<1x128xi32, #tpu.memory_space<vmem_shared>>
      %dma_wait3A_106 = tpu.memref_squeeze %dma_wait3A_105 : memref<1x128xi32, #tpu.memory_space<vmem_shared>> -> memref<128xi32, #tpu.memory_space<vmem_shared>>
      tpu.wait_dma2 semaphore(%run_scoped3A : memref<!tpu.dma_semaphore, #tpu.memory_space<semaphore_mem>>) src(%dma_wait3A_106 : memref<128xi32, #tpu.memory_space<vmem_shared>>) dst(%arg7 : memref<128xi32, #tpu.memory_space<vmem>>)
      tpu.yield
    }) : () -> ()
    %dma_start3A = arith.constant 0 : i32
    %dma_start3A_18 = arith.constant 0 : i32
    %dma_start3A_19 = tpu.memref_slice %arg2[%dma_start3A, %dma_start3A_18] : memref<40000x128xf32, #tpu.memory_space<hbm>> -> memref<40000x128xf32, #tpu.memory_space<hbm>>
    tpu.enqueue_indirect_dma source(%dma_start3A_19 : memref<40000x128xf32, #tpu.memory_space<hbm>>) target(%arg11 : memref<128x128xf32, #tpu.memory_space<vmem>>) offsets(%arg7 : memref<128xi32, #tpu.memory_space<vmem>>) semaphore(%arg15 : memref<!tpu.dma_semaphore, #tpu.memory_space<semaphore_mem>>)
    %add3A_20 = arith.constant 0 : i32
    %add3A_21 = arith.addi %mul3A_17, %add3A_20 : i32
    "tpu.region"() ({
      %run_scoped3A = tpu.sem_alloc : memref<!tpu.dma_semaphore, #tpu.memory_space<semaphore_mem>>
      %dma_start3A_95 = tpu.memref_slice %arg4[%add3A_21] : memref<323584xi32, #tpu.memory_space<hbm>> -> memref<128xi32, #tpu.memory_space<hbm>>
      %dma_start3A_96 = tpu.memref_slice %arg4[%add3A_21] : memref<323584xi32, #tpu.memory_space<hbm>> -> memref<128xi32, #tpu.memory_space<hbm>>
      tpu.enqueue_dma source(%dma_start3A_96 : memref<128xi32, #tpu.memory_space<hbm>>) target(%arg8 : memref<128xi32, #tpu.memory_space<vmem>>) target_semaphore(%run_scoped3A : memref<!tpu.dma_semaphore, #tpu.memory_space<semaphore_mem>>)
      %dma_wait3A_97 = tpu.memref_slice %arg4[%add3A_21] : memref<323584xi32, #tpu.memory_space<hbm>> -> memref<128xi32, #tpu.memory_space<hbm>>
      %dma_wait3A_98 = tpu.memref_slice %arg4[%add3A_21] : memref<323584xi32, #tpu.memory_space<hbm>> -> memref<128xi32, #tpu.memory_space<hbm>>
      tpu.wait_dma2 semaphore(%run_scoped3A : memref<!tpu.dma_semaphore, #tpu.memory_space<semaphore_mem>>) src(%dma_wait3A_98 : memref<128xi32, #tpu.memory_space<hbm>>) dst(%arg8 : memref<128xi32, #tpu.memory_space<vmem>>)
      tpu.yield
    }) : () -> ()
    %dma_wait3A = arith.constant 0 : i32
    %dma_wait3A_22 = arith.constant 0 : i32
    %dma_wait3A_23 = tpu.memref_slice %arg2[%dma_wait3A, %dma_wait3A_22] : memref<40000x128xf32, #tpu.memory_space<hbm>> -> memref<40000x128xf32, #tpu.memory_space<hbm>>
    tpu.wait_indirect_dma semaphore(%arg15 : memref<!tpu.dma_semaphore, #tpu.memory_space<semaphore_mem>>) src(%dma_wait3A_23 : memref<40000x128xf32, #tpu.memory_space<hbm>>) dst(%arg11 : memref<128x128xf32, #tpu.memory_space<vmem>>)
    %dma_start3A_24 = arith.constant 0 : i32
    %dma_start3A_25 = arith.constant 0 : i32
    %dma_start3A_26 = tpu.memref_slice %arg13[%dma_start3A_24, %dma_start3A_25] : memref<10112x128xf32, #tpu.memory_space<vmem_shared>> -> memref<10112x128xf32, #tpu.memory_space<vmem_shared>>
    tpu.enqueue_indirect_dma source(%arg11 : memref<128x128xf32, #tpu.memory_space<vmem>>) target(%dma_start3A_26 : memref<10112x128xf32, #tpu.memory_space<vmem_shared>>) offsets(%arg8 : memref<128xi32, #tpu.memory_space<vmem>>) semaphore(%arg17 : memref<!tpu.dma_semaphore, #tpu.memory_space<semaphore_mem>>) {add = true}
    "tpu.region"() ({
      %run_scoped3A = tpu.sem_alloc : memref<!tpu.dma_semaphore, #tpu.memory_space<semaphore_mem>>
      %dma_start3A_95 = arith.constant 128 : i32
      %dma_start3A_96 = tpu.memref_slice %arg14[%arg1, %dma_start3A_95] : memref<16x13440xi32, #tpu.memory_space<vmem_shared>> -> memref<1x128xi32, #tpu.memory_space<vmem_shared>>
      %dma_start3A_97 = tpu.memref_squeeze %dma_start3A_96 : memref<1x128xi32, #tpu.memory_space<vmem_shared>> -> memref<128xi32, #tpu.memory_space<vmem_shared>>
      %dma_start3A_98 = arith.constant 128 : i32
      %dma_start3A_99 = tpu.memref_slice %arg14[%arg1, %dma_start3A_98] : memref<16x13440xi32, #tpu.memory_space<vmem_shared>> -> memref<1x128xi32, #tpu.memory_space<vmem_shared>>
      %dma_start3A_100 = tpu.memref_squeeze %dma_start3A_99 : memref<1x128xi32, #tpu.memory_space<vmem_shared>> -> memref<128xi32, #tpu.memory_space<vmem_shared>>
      tpu.enqueue_dma source(%dma_start3A_100 : memref<128xi32, #tpu.memory_space<vmem_shared>>) target(%arg9 : memref<128xi32, #tpu.memory_space<vmem>>) target_semaphore(%run_scoped3A : memref<!tpu.dma_semaphore, #tpu.memory_space<semaphore_mem>>)
      %dma_wait3A_101 = arith.constant 128 : i32
      %dma_wait3A_102 = tpu.memref_slice %arg14[%arg1, %dma_wait3A_101] : memref<16x13440xi32, #tpu.memory_space<vmem_shared>> -> memref<1x128xi32, #tpu.memory_space<vmem_shared>>
      %dma_wait3A_103 = tpu.memref_squeeze %dma_wait3A_102 : memref<1x128xi32, #tpu.memory_space<vmem_shared>> -> memref<128xi32, #tpu.memory_space<vmem_shared>>
      %dma_wait3A_104 = arith.constant 128 : i32
      %dma_wait3A_105 = tpu.memref_slice %arg14[%arg1, %dma_wait3A_104] : memref<16x13440xi32, #tpu.memory_space<vmem_shared>> -> memref<1x128xi32, #tpu.memory_space<vmem_shared>>
      %dma_wait3A_106 = tpu.memref_squeeze %dma_wait3A_105 : memref<1x128xi32, #tpu.memory_space<vmem_shared>> -> memref<128xi32, #tpu.memory_space<vmem_shared>>
      tpu.wait_dma2 semaphore(%run_scoped3A : memref<!tpu.dma_semaphore, #tpu.memory_space<semaphore_mem>>) src(%dma_wait3A_106 : memref<128xi32, #tpu.memory_space<vmem_shared>>) dst(%arg9 : memref<128xi32, #tpu.memory_space<vmem>>)
      tpu.yield
    }) : () -> ()
    %dma_start3A_27 = arith.constant 0 : i32
    %dma_start3A_28 = arith.constant 0 : i32
    %dma_start3A_29 = tpu.memref_slice %arg2[%dma_start3A_27, %dma_start3A_28] : memref<40000x128xf32, #tpu.memory_space<hbm>> -> memref<40000x128xf32, #tpu.memory_space<hbm>>
    tpu.enqueue_indirect_dma source(%dma_start3A_29 : memref<40000x128xf32, #tpu.memory_space<hbm>>) target(%arg12 : memref<128x128xf32, #tpu.memory_space<vmem>>) offsets(%arg9 : memref<128xi32, #tpu.memory_space<vmem>>) semaphore(%arg16 : memref<!tpu.dma_semaphore, #tpu.memory_space<semaphore_mem>>)
    %add3A_30 = arith.constant 128 : i32
    %add3A_31 = arith.addi %mul3A_17, %add3A_30 : i32
    "tpu.region"() ({
      %run_scoped3A = tpu.sem_alloc : memref<!tpu.dma_semaphore, #tpu.memory_space<semaphore_mem>>
      %dma_start3A_95 = tpu.memref_slice %arg4[%add3A_31] : memref<323584xi32, #tpu.memory_space<hbm>> -> memref<128xi32, #tpu.memory_space<hbm>>
      %dma_start3A_96 = tpu.memref_slice %arg4[%add3A_31] : memref<323584xi32, #tpu.memory_space<hbm>> -> memref<128xi32, #tpu.memory_space<hbm>>
      tpu.enqueue_dma source(%dma_start3A_96 : memref<128xi32, #tpu.memory_space<hbm>>) target(%arg10 : memref<128xi32, #tpu.memory_space<vmem>>) target_semaphore(%run_scoped3A : memref<!tpu.dma_semaphore, #tpu.memory_space<semaphore_mem>>)
      %dma_wait3A_97 = tpu.memref_slice %arg4[%add3A_31] : memref<323584xi32, #tpu.memory_space<hbm>> -> memref<128xi32, #tpu.memory_space<hbm>>
      %dma_wait3A_98 = tpu.memref_slice %arg4[%add3A_31] : memref<323584xi32, #tpu.memory_space<hbm>> -> memref<128xi32, #tpu.memory_space<hbm>>
      tpu.wait_dma2 semaphore(%run_scoped3A : memref<!tpu.dma_semaphore, #tpu.memory_space<semaphore_mem>>) src(%dma_wait3A_98 : memref<128xi32, #tpu.memory_space<hbm>>) dst(%arg10 : memref<128xi32, #tpu.memory_space<vmem>>)
      tpu.yield
    }) : () -> ()
    %dma_wait3A_32 = arith.constant 0 : i32
    %dma_wait3A_33 = arith.constant 0 : i32
    %dma_wait3A_34 = tpu.memref_slice %arg2[%dma_wait3A_32, %dma_wait3A_33] : memref<40000x128xf32, #tpu.memory_space<hbm>> -> memref<40000x128xf32, #tpu.memory_space<hbm>>
    tpu.wait_indirect_dma semaphore(%arg16 : memref<!tpu.dma_semaphore, #tpu.memory_space<semaphore_mem>>) src(%dma_wait3A_34 : memref<40000x128xf32, #tpu.memory_space<hbm>>) dst(%arg12 : memref<128x128xf32, #tpu.memory_space<vmem>>)
    %dma_start3A_35 = arith.constant 0 : i32
    %dma_start3A_36 = arith.constant 0 : i32
    %dma_start3A_37 = tpu.memref_slice %arg13[%dma_start3A_35, %dma_start3A_36] : memref<10112x128xf32, #tpu.memory_space<vmem_shared>> -> memref<10112x128xf32, #tpu.memory_space<vmem_shared>>
    tpu.enqueue_indirect_dma source(%arg12 : memref<128x128xf32, #tpu.memory_space<vmem>>) target(%dma_start3A_37 : memref<10112x128xf32, #tpu.memory_space<vmem_shared>>) offsets(%arg10 : memref<128xi32, #tpu.memory_space<vmem>>) semaphore(%arg18 : memref<!tpu.dma_semaphore, #tpu.memory_space<semaphore_mem>>) {add = true}
    %jit3A_38 = arith.constant 2 : i32
    %div3A = arith.divsi %select_n3A, %jit3A_38 : i32
    %sign3A = arith.constant 0 : i32
    %sign3A_39 = arith.cmpi sgt, %select_n3A, %sign3A : i32
    %sign3A_40 = arith.extui %sign3A_39 : i1 to i32
    %sign3A_41 = arith.constant 0 : i32
    %sign3A_42 = arith.cmpi slt, %select_n3A, %sign3A_41 : i32
    %sign3A_43 = arith.extui %sign3A_42 : i1 to i32
    %sign3A_44 = arith.subi %sign3A_40, %sign3A_43 : i32
    %sign3A_45 = arith.constant 0 : i32
    %sign3A_46 = arith.cmpi sgt, %jit3A_38, %sign3A_45 : i32
    %sign3A_47 = arith.extui %sign3A_46 : i1 to i32
    %sign3A_48 = arith.constant 0 : i32
    %sign3A_49 = arith.cmpi slt, %jit3A_38, %sign3A_48 : i32
    %sign3A_50 = arith.extui %sign3A_49 : i1 to i32
    %sign3A_51 = arith.subi %sign3A_47, %sign3A_50 : i32
    %ne3A = arith.cmpi ne, %sign3A_44, %sign3A_51 : i32
    %rem3A = arith.remsi %select_n3A, %jit3A_38 : i32
    %ne3A_52 = arith.constant 0 : i32
    %ne3A_53 = arith.cmpi ne, %rem3A, %ne3A_52 : i32
    %and3A = arith.andi %ne3A, %ne3A_53 : i1
    %sub3A = arith.constant 1 : i32
    %sub3A_54 = arith.subi %div3A, %sub3A : i32
    %select_n3A_55 = arith.select %and3A, %sub3A_54, %div3A : i32
    %while3A = arith.constant 0 : i32
    %while3A_56 = arith.constant 1 : i32
    %while3A_57 = arith.subi %select_n3A_55, %while3A_56 : i32
    %while3A_58 = arith.addi %while3A_56, %while3A_57 : i32
    %while3A_59 = arith.constant 1 : i32
    %while3A_60 = arith.divsi %while3A_57, %while3A_59 : i32
    %while3A_61 = arith.muli %while3A_60, %while3A_59 : i32
    %while3A_62 = arith.addi %while3A_56, %while3A_61 : i32
    %while3A_63 = arith.constant 1 : i32
    scf.for %while3A_95 = %while3A_56 to %while3A_62 step %while3A_63  : i32 {
      %mul3A_96 = arith.constant 2 : i32
      %mul3A_97 = arith.muli %mul3A_96, %while3A_95 : i32
      %mul3A_98 = arith.constant 128 : i32
      %mul3A_99 = arith.muli %mul3A_97, %mul3A_98 : i32
      "tpu.region"() ({
        %run_scoped3A = tpu.sem_alloc : memref<!tpu.dma_semaphore, #tpu.memory_space<semaphore_mem>>
        %dma_start3A_136 = tpu.memref_slice %arg14[%arg1, %mul3A_99] : memref<16x13440xi32, #tpu.memory_space<vmem_shared>> -> memref<1x128xi32, #tpu.memory_space<vmem_shared>>
        %dma_start3A_137 = tpu.memref_squeeze %dma_start3A_136 : memref<1x128xi32, #tpu.memory_space<vmem_shared>> -> memref<128xi32, #tpu.memory_space<vmem_shared>>
        %dma_start3A_138 = tpu.memref_slice %arg14[%arg1, %mul3A_99] : memref<16x13440xi32, #tpu.memory_space<vmem_shared>> -> memref<1x128xi32, #tpu.memory_space<vmem_shared>>
        %dma_start3A_139 = tpu.memref_squeeze %dma_start3A_138 : memref<1x128xi32, #tpu.memory_space<vmem_shared>> -> memref<128xi32, #tpu.memory_space<vmem_shared>>
        tpu.enqueue_dma source(%dma_start3A_139 : memref<128xi32, #tpu.memory_space<vmem_shared>>) target(%arg7 : memref<128xi32, #tpu.memory_space<vmem>>) target_semaphore(%run_scoped3A : memref<!tpu.dma_semaphore, #tpu.memory_space<semaphore_mem>>)
        %dma_wait3A_140 = tpu.memref_slice %arg14[%arg1, %mul3A_99] : memref<16x13440xi32, #tpu.memory_space<vmem_shared>> -> memref<1x128xi32, #tpu.memory_space<vmem_shared>>
        %dma_wait3A_141 = tpu.memref_squeeze %dma_wait3A_140 : memref<1x128xi32, #tpu.memory_space<vmem_shared>> -> memref<128xi32, #tpu.memory_space<vmem_shared>>
        %dma_wait3A_142 = tpu.memref_slice %arg14[%arg1, %mul3A_99] : memref<16x13440xi32, #tpu.memory_space<vmem_shared>> -> memref<1x128xi32, #tpu.memory_space<vmem_shared>>
        %dma_wait3A_143 = tpu.memref_squeeze %dma_wait3A_142 : memref<1x128xi32, #tpu.memory_space<vmem_shared>> -> memref<128xi32, #tpu.memory_space<vmem_shared>>
        tpu.wait_dma2 semaphore(%run_scoped3A : memref<!tpu.dma_semaphore, #tpu.memory_space<semaphore_mem>>) src(%dma_wait3A_143 : memref<128xi32, #tpu.memory_space<vmem_shared>>) dst(%arg7 : memref<128xi32, #tpu.memory_space<vmem>>)
        tpu.yield
      }) : () -> ()
      %dma_wait3A_100 = arith.constant 0 : i32
      %dma_wait3A_101 = arith.constant 0 : i32
      %dma_wait3A_102 = tpu.memref_slice %arg13[%dma_wait3A_100, %dma_wait3A_101] : memref<10112x128xf32, #tpu.memory_space<vmem_shared>> -> memref<10112x128xf32, #tpu.memory_space<vmem_shared>>
      tpu.wait_indirect_dma semaphore(%arg17 : memref<!tpu.dma_semaphore, #tpu.memory_space<semaphore_mem>>) src(%arg11 : memref<128x128xf32, #tpu.memory_space<vmem>>) dst(%dma_wait3A_102 : memref<10112x128xf32, #tpu.memory_space<vmem_shared>>)
      %dma_start3A_103 = arith.constant 0 : i32
      %dma_start3A_104 = arith.constant 0 : i32
      %dma_start3A_105 = tpu.memref_slice %arg2[%dma_start3A_103, %dma_start3A_104] : memref<40000x128xf32, #tpu.memory_space<hbm>> -> memref<40000x128xf32, #tpu.memory_space<hbm>>
      tpu.enqueue_indirect_dma source(%dma_start3A_105 : memref<40000x128xf32, #tpu.memory_space<hbm>>) target(%arg11 : memref<128x128xf32, #tpu.memory_space<vmem>>) offsets(%arg7 : memref<128xi32, #tpu.memory_space<vmem>>) semaphore(%arg15 : memref<!tpu.dma_semaphore, #tpu.memory_space<semaphore_mem>>)
      %mul3A_106 = arith.constant 128 : i32
      %mul3A_107 = arith.muli %mul3A_97, %mul3A_106 : i32
      %add3A_108 = arith.addi %mul3A_17, %mul3A_107 : i32
      "tpu.region"() ({
        %run_scoped3A = tpu.sem_alloc : memref<!tpu.dma_semaphore, #tpu.memory_space<semaphore_mem>>
        %dma_start3A_136 = tpu.memref_slice %arg4[%add3A_108] : memref<323584xi32, #tpu.memory_space<hbm>> -> memref<128xi32, #tpu.memory_space<hbm>>
        %dma_start3A_137 = tpu.memref_slice %arg4[%add3A_108] : memref<323584xi32, #tpu.memory_space<hbm>> -> memref<128xi32, #tpu.memory_space<hbm>>
        tpu.enqueue_dma source(%dma_start3A_137 : memref<128xi32, #tpu.memory_space<hbm>>) target(%arg8 : memref<128xi32, #tpu.memory_space<vmem>>) target_semaphore(%run_scoped3A : memref<!tpu.dma_semaphore, #tpu.memory_space<semaphore_mem>>)
        %dma_wait3A_138 = tpu.memref_slice %arg4[%add3A_108] : memref<323584xi32, #tpu.memory_space<hbm>> -> memref<128xi32, #tpu.memory_space<hbm>>
        %dma_wait3A_139 = tpu.memref_slice %arg4[%add3A_108] : memref<323584xi32, #tpu.memory_space<hbm>> -> memref<128xi32, #tpu.memory_space<hbm>>
        tpu.wait_dma2 semaphore(%run_scoped3A : memref<!tpu.dma_semaphore, #tpu.memory_space<semaphore_mem>>) src(%dma_wait3A_139 : memref<128xi32, #tpu.memory_space<hbm>>) dst(%arg8 : memref<128xi32, #tpu.memory_space<vmem>>)
        tpu.yield
      }) : () -> ()
      %dma_wait3A_109 = arith.constant 0 : i32
      %dma_wait3A_110 = arith.constant 0 : i32
      %dma_wait3A_111 = tpu.memref_slice %arg2[%dma_wait3A_109, %dma_wait3A_110] : memref<40000x128xf32, #tpu.memory_space<hbm>> -> memref<40000x128xf32, #tpu.memory_space<hbm>>
      tpu.wait_indirect_dma semaphore(%arg15 : memref<!tpu.dma_semaphore, #tpu.memory_space<semaphore_mem>>) src(%dma_wait3A_111 : memref<40000x128xf32, #tpu.memory_space<hbm>>) dst(%arg11 : memref<128x128xf32, #tpu.memory_space<vmem>>)
      %dma_start3A_112 = arith.constant 0 : i32
      %dma_start3A_113 = arith.constant 0 : i32
      %dma_start3A_114 = tpu.memref_slice %arg13[%dma_start3A_112, %dma_start3A_113] : memref<10112x128xf32, #tpu.memory_space<vmem_shared>> -> memref<10112x128xf32, #tpu.memory_space<vmem_shared>>
      tpu.enqueue_indirect_dma source(%arg11 : memref<128x128xf32, #tpu.memory_space<vmem>>) target(%dma_start3A_114 : memref<10112x128xf32, #tpu.memory_space<vmem_shared>>) offsets(%arg8 : memref<128xi32, #tpu.memory_space<vmem>>) semaphore(%arg17 : memref<!tpu.dma_semaphore, #tpu.memory_space<semaphore_mem>>) {add = true}
      %mul3A_115 = arith.constant 2 : i32
      %mul3A_116 = arith.muli %mul3A_115, %while3A_95 : i32
      %add3A_117 = arith.constant 1 : i32
      %add3A_118 = arith.addi %mul3A_116, %add3A_117 : i32
      %mul3A_119 = arith.constant 128 : i32
      %mul3A_120 = arith.muli %add3A_118, %mul3A_119 : i32
      "tpu.region"() ({
        %run_scoped3A = tpu.sem_alloc : memref<!tpu.dma_semaphore, #tpu.memory_space<semaphore_mem>>
        %dma_start3A_136 = tpu.memref_slice %arg14[%arg1, %mul3A_120] : memref<16x13440xi32, #tpu.memory_space<vmem_shared>> -> memref<1x128xi32, #tpu.memory_space<vmem_shared>>
        %dma_start3A_137 = tpu.memref_squeeze %dma_start3A_136 : memref<1x128xi32, #tpu.memory_space<vmem_shared>> -> memref<128xi32, #tpu.memory_space<vmem_shared>>
        %dma_start3A_138 = tpu.memref_slice %arg14[%arg1, %mul3A_120] : memref<16x13440xi32, #tpu.memory_space<vmem_shared>> -> memref<1x128xi32, #tpu.memory_space<vmem_shared>>
        %dma_start3A_139 = tpu.memref_squeeze %dma_start3A_138 : memref<1x128xi32, #tpu.memory_space<vmem_shared>> -> memref<128xi32, #tpu.memory_space<vmem_shared>>
        tpu.enqueue_dma source(%dma_start3A_139 : memref<128xi32, #tpu.memory_space<vmem_shared>>) target(%arg9 : memref<128xi32, #tpu.memory_space<vmem>>) target_semaphore(%run_scoped3A : memref<!tpu.dma_semaphore, #tpu.memory_space<semaphore_mem>>)
        %dma_wait3A_140 = tpu.memref_slice %arg14[%arg1, %mul3A_120] : memref<16x13440xi32, #tpu.memory_space<vmem_shared>> -> memref<1x128xi32, #tpu.memory_space<vmem_shared>>
        %dma_wait3A_141 = tpu.memref_squeeze %dma_wait3A_140 : memref<1x128xi32, #tpu.memory_space<vmem_shared>> -> memref<128xi32, #tpu.memory_space<vmem_shared>>
        %dma_wait3A_142 = tpu.memref_slice %arg14[%arg1, %mul3A_120] : memref<16x13440xi32, #tpu.memory_space<vmem_shared>> -> memref<1x128xi32, #tpu.memory_space<vmem_shared>>
        %dma_wait3A_143 = tpu.memref_squeeze %dma_wait3A_142 : memref<1x128xi32, #tpu.memory_space<vmem_shared>> -> memref<128xi32, #tpu.memory_space<vmem_shared>>
        tpu.wait_dma2 semaphore(%run_scoped3A : memref<!tpu.dma_semaphore, #tpu.memory_space<semaphore_mem>>) src(%dma_wait3A_143 : memref<128xi32, #tpu.memory_space<vmem_shared>>) dst(%arg9 : memref<128xi32, #tpu.memory_space<vmem>>)
        tpu.yield
      }) : () -> ()
      %dma_wait3A_121 = arith.constant 0 : i32
      %dma_wait3A_122 = arith.constant 0 : i32
      %dma_wait3A_123 = tpu.memref_slice %arg13[%dma_wait3A_121, %dma_wait3A_122] : memref<10112x128xf32, #tpu.memory_space<vmem_shared>> -> memref<10112x128xf32, #tpu.memory_space<vmem_shared>>
      tpu.wait_indirect_dma semaphore(%arg18 : memref<!tpu.dma_semaphore, #tpu.memory_space<semaphore_mem>>) src(%arg12 : memref<128x128xf32, #tpu.memory_space<vmem>>) dst(%dma_wait3A_123 : memref<10112x128xf32, #tpu.memory_space<vmem_shared>>)
      %dma_start3A_124 = arith.constant 0 : i32
      %dma_start3A_125 = arith.constant 0 : i32
      %dma_start3A_126 = tpu.memref_slice %arg2[%dma_start3A_124, %dma_start3A_125] : memref<40000x128xf32, #tpu.memory_space<hbm>> -> memref<40000x128xf32, #tpu.memory_space<hbm>>
      tpu.enqueue_indirect_dma source(%dma_start3A_126 : memref<40000x128xf32, #tpu.memory_space<hbm>>) target(%arg12 : memref<128x128xf32, #tpu.memory_space<vmem>>) offsets(%arg9 : memref<128xi32, #tpu.memory_space<vmem>>) semaphore(%arg16 : memref<!tpu.dma_semaphore, #tpu.memory_space<semaphore_mem>>)
      %mul3A_127 = arith.constant 128 : i32
      %mul3A_128 = arith.muli %add3A_118, %mul3A_127 : i32
      %add3A_129 = arith.addi %mul3A_17, %mul3A_128 : i32
      "tpu.region"() ({
        %run_scoped3A = tpu.sem_alloc : memref<!tpu.dma_semaphore, #tpu.memory_space<semaphore_mem>>
        %dma_start3A_136 = tpu.memref_slice %arg4[%add3A_129] : memref<323584xi32, #tpu.memory_space<hbm>> -> memref<128xi32, #tpu.memory_space<hbm>>
        %dma_start3A_137 = tpu.memref_slice %arg4[%add3A_129] : memref<323584xi32, #tpu.memory_space<hbm>> -> memref<128xi32, #tpu.memory_space<hbm>>
        tpu.enqueue_dma source(%dma_start3A_137 : memref<128xi32, #tpu.memory_space<hbm>>) target(%arg10 : memref<128xi32, #tpu.memory_space<vmem>>) target_semaphore(%run_scoped3A : memref<!tpu.dma_semaphore, #tpu.memory_space<semaphore_mem>>)
        %dma_wait3A_138 = tpu.memref_slice %arg4[%add3A_129] : memref<323584xi32, #tpu.memory_space<hbm>> -> memref<128xi32, #tpu.memory_space<hbm>>
        %dma_wait3A_139 = tpu.memref_slice %arg4[%add3A_129] : memref<323584xi32, #tpu.memory_space<hbm>> -> memref<128xi32, #tpu.memory_space<hbm>>
        tpu.wait_dma2 semaphore(%run_scoped3A : memref<!tpu.dma_semaphore, #tpu.memory_space<semaphore_mem>>) src(%dma_wait3A_139 : memref<128xi32, #tpu.memory_space<hbm>>) dst(%arg10 : memref<128xi32, #tpu.memory_space<vmem>>)
        tpu.yield
      }) : () -> ()
      %dma_wait3A_130 = arith.constant 0 : i32
      %dma_wait3A_131 = arith.constant 0 : i32
      %dma_wait3A_132 = tpu.memref_slice %arg2[%dma_wait3A_130, %dma_wait3A_131] : memref<40000x128xf32, #tpu.memory_space<hbm>> -> memref<40000x128xf32, #tpu.memory_space<hbm>>
      tpu.wait_indirect_dma semaphore(%arg16 : memref<!tpu.dma_semaphore, #tpu.memory_space<semaphore_mem>>) src(%dma_wait3A_132 : memref<40000x128xf32, #tpu.memory_space<hbm>>) dst(%arg12 : memref<128x128xf32, #tpu.memory_space<vmem>>)
      %dma_start3A_133 = arith.constant 0 : i32
      %dma_start3A_134 = arith.constant 0 : i32
      %dma_start3A_135 = tpu.memref_slice %arg13[%dma_start3A_133, %dma_start3A_134] : memref<10112x128xf32, #tpu.memory_space<vmem_shared>> -> memref<10112x128xf32, #tpu.memory_space<vmem_shared>>
      tpu.enqueue_indirect_dma source(%arg12 : memref<128x128xf32, #tpu.memory_space<vmem>>) target(%dma_start3A_135 : memref<10112x128xf32, #tpu.memory_space<vmem_shared>>) offsets(%arg10 : memref<128xi32, #tpu.memory_space<vmem>>) semaphore(%arg18 : memref<!tpu.dma_semaphore, #tpu.memory_space<semaphore_mem>>) {add = true}
    }
    %while3A_64 = arith.constant 1 : i32
    scf.for %while3A_95 = %while3A_62 to %while3A_58 step %while3A_64  : i32 {
      %mul3A_96 = arith.constant 2 : i32
      %mul3A_97 = arith.muli %mul3A_96, %while3A_95 : i32
      %mul3A_98 = arith.constant 128 : i32
      %mul3A_99 = arith.muli %mul3A_97, %mul3A_98 : i32
      "tpu.region"() ({
        %run_scoped3A = tpu.sem_alloc : memref<!tpu.dma_semaphore, #tpu.memory_space<semaphore_mem>>
        %dma_start3A_136 = tpu.memref_slice %arg14[%arg1, %mul3A_99] : memref<16x13440xi32, #tpu.memory_space<vmem_shared>> -> memref<1x128xi32, #tpu.memory_space<vmem_shared>>
        %dma_start3A_137 = tpu.memref_squeeze %dma_start3A_136 : memref<1x128xi32, #tpu.memory_space<vmem_shared>> -> memref<128xi32, #tpu.memory_space<vmem_shared>>
        %dma_start3A_138 = tpu.memref_slice %arg14[%arg1, %mul3A_99] : memref<16x13440xi32, #tpu.memory_space<vmem_shared>> -> memref<1x128xi32, #tpu.memory_space<vmem_shared>>
        %dma_start3A_139 = tpu.memref_squeeze %dma_start3A_138 : memref<1x128xi32, #tpu.memory_space<vmem_shared>> -> memref<128xi32, #tpu.memory_space<vmem_shared>>
        tpu.enqueue_dma source(%dma_start3A_139 : memref<128xi32, #tpu.memory_space<vmem_shared>>) target(%arg7 : memref<128xi32, #tpu.memory_space<vmem>>) target_semaphore(%run_scoped3A : memref<!tpu.dma_semaphore, #tpu.memory_space<semaphore_mem>>)
        %dma_wait3A_140 = tpu.memref_slice %arg14[%arg1, %mul3A_99] : memref<16x13440xi32, #tpu.memory_space<vmem_shared>> -> memref<1x128xi32, #tpu.memory_space<vmem_shared>>
        %dma_wait3A_141 = tpu.memref_squeeze %dma_wait3A_140 : memref<1x128xi32, #tpu.memory_space<vmem_shared>> -> memref<128xi32, #tpu.memory_space<vmem_shared>>
        %dma_wait3A_142 = tpu.memref_slice %arg14[%arg1, %mul3A_99] : memref<16x13440xi32, #tpu.memory_space<vmem_shared>> -> memref<1x128xi32, #tpu.memory_space<vmem_shared>>
        %dma_wait3A_143 = tpu.memref_squeeze %dma_wait3A_142 : memref<1x128xi32, #tpu.memory_space<vmem_shared>> -> memref<128xi32, #tpu.memory_space<vmem_shared>>
        tpu.wait_dma2 semaphore(%run_scoped3A : memref<!tpu.dma_semaphore, #tpu.memory_space<semaphore_mem>>) src(%dma_wait3A_143 : memref<128xi32, #tpu.memory_space<vmem_shared>>) dst(%arg7 : memref<128xi32, #tpu.memory_space<vmem>>)
        tpu.yield
      }) : () -> ()
      %dma_wait3A_100 = arith.constant 0 : i32
      %dma_wait3A_101 = arith.constant 0 : i32
      %dma_wait3A_102 = tpu.memref_slice %arg13[%dma_wait3A_100, %dma_wait3A_101] : memref<10112x128xf32, #tpu.memory_space<vmem_shared>> -> memref<10112x128xf32, #tpu.memory_space<vmem_shared>>
      tpu.wait_indirect_dma semaphore(%arg17 : memref<!tpu.dma_semaphore, #tpu.memory_space<semaphore_mem>>) src(%arg11 : memref<128x128xf32, #tpu.memory_space<vmem>>) dst(%dma_wait3A_102 : memref<10112x128xf32, #tpu.memory_space<vmem_shared>>)
      %dma_start3A_103 = arith.constant 0 : i32
      %dma_start3A_104 = arith.constant 0 : i32
      %dma_start3A_105 = tpu.memref_slice %arg2[%dma_start3A_103, %dma_start3A_104] : memref<40000x128xf32, #tpu.memory_space<hbm>> -> memref<40000x128xf32, #tpu.memory_space<hbm>>
      tpu.enqueue_indirect_dma source(%dma_start3A_105 : memref<40000x128xf32, #tpu.memory_space<hbm>>) target(%arg11 : memref<128x128xf32, #tpu.memory_space<vmem>>) offsets(%arg7 : memref<128xi32, #tpu.memory_space<vmem>>) semaphore(%arg15 : memref<!tpu.dma_semaphore, #tpu.memory_space<semaphore_mem>>)
      %mul3A_106 = arith.constant 128 : i32
      %mul3A_107 = arith.muli %mul3A_97, %mul3A_106 : i32
      %add3A_108 = arith.addi %mul3A_17, %mul3A_107 : i32
      "tpu.region"() ({
        %run_scoped3A = tpu.sem_alloc : memref<!tpu.dma_semaphore, #tpu.memory_space<semaphore_mem>>
        %dma_start3A_136 = tpu.memref_slice %arg4[%add3A_108] : memref<323584xi32, #tpu.memory_space<hbm>> -> memref<128xi32, #tpu.memory_space<hbm>>
        %dma_start3A_137 = tpu.memref_slice %arg4[%add3A_108] : memref<323584xi32, #tpu.memory_space<hbm>> -> memref<128xi32, #tpu.memory_space<hbm>>
        tpu.enqueue_dma source(%dma_start3A_137 : memref<128xi32, #tpu.memory_space<hbm>>) target(%arg8 : memref<128xi32, #tpu.memory_space<vmem>>) target_semaphore(%run_scoped3A : memref<!tpu.dma_semaphore, #tpu.memory_space<semaphore_mem>>)
        %dma_wait3A_138 = tpu.memref_slice %arg4[%add3A_108] : memref<323584xi32, #tpu.memory_space<hbm>> -> memref<128xi32, #tpu.memory_space<hbm>>
        %dma_wait3A_139 = tpu.memref_slice %arg4[%add3A_108] : memref<323584xi32, #tpu.memory_space<hbm>> -> memref<128xi32, #tpu.memory_space<hbm>>
        tpu.wait_dma2 semaphore(%run_scoped3A : memref<!tpu.dma_semaphore, #tpu.memory_space<semaphore_mem>>) src(%dma_wait3A_139 : memref<128xi32, #tpu.memory_space<hbm>>) dst(%arg8 : memref<128xi32, #tpu.memory_space<vmem>>)
        tpu.yield
      }) : () -> ()
      %dma_wait3A_109 = arith.constant 0 : i32
      %dma_wait3A_110 = arith.constant 0 : i32
      %dma_wait3A_111 = tpu.memref_slice %arg2[%dma_wait3A_109, %dma_wait3A_110] : memref<40000x128xf32, #tpu.memory_space<hbm>> -> memref<40000x128xf32, #tpu.memory_space<hbm>>
      tpu.wait_indirect_dma semaphore(%arg15 : memref<!tpu.dma_semaphore, #tpu.memory_space<semaphore_mem>>) src(%dma_wait3A_111 : memref<40000x128xf32, #tpu.memory_space<hbm>>) dst(%arg11 : memref<128x128xf32, #tpu.memory_space<vmem>>)
      %dma_start3A_112 = arith.constant 0 : i32
      %dma_start3A_113 = arith.constant 0 : i32
      %dma_start3A_114 = tpu.memref_slice %arg13[%dma_start3A_112, %dma_start3A_113] : memref<10112x128xf32, #tpu.memory_space<vmem_shared>> -> memref<10112x128xf32, #tpu.memory_space<vmem_shared>>
      tpu.enqueue_indirect_dma source(%arg11 : memref<128x128xf32, #tpu.memory_space<vmem>>) target(%dma_start3A_114 : memref<10112x128xf32, #tpu.memory_space<vmem_shared>>) offsets(%arg8 : memref<128xi32, #tpu.memory_space<vmem>>) semaphore(%arg17 : memref<!tpu.dma_semaphore, #tpu.memory_space<semaphore_mem>>) {add = true}
      %mul3A_115 = arith.constant 2 : i32
      %mul3A_116 = arith.muli %mul3A_115, %while3A_95 : i32
      %add3A_117 = arith.constant 1 : i32
      %add3A_118 = arith.addi %mul3A_116, %add3A_117 : i32
      %mul3A_119 = arith.constant 128 : i32
      %mul3A_120 = arith.muli %add3A_118, %mul3A_119 : i32
      "tpu.region"() ({
        %run_scoped3A = tpu.sem_alloc : memref<!tpu.dma_semaphore, #tpu.memory_space<semaphore_mem>>
        %dma_start3A_136 = tpu.memref_slice %arg14[%arg1, %mul3A_120] : memref<16x13440xi32, #tpu.memory_space<vmem_shared>> -> memref<1x128xi32, #tpu.memory_space<vmem_shared>>
        %dma_start3A_137 = tpu.memref_squeeze %dma_start3A_136 : memref<1x128xi32, #tpu.memory_space<vmem_shared>> -> memref<128xi32, #tpu.memory_space<vmem_shared>>
        %dma_start3A_138 = tpu.memref_slice %arg14[%arg1, %mul3A_120] : memref<16x13440xi32, #tpu.memory_space<vmem_shared>> -> memref<1x128xi32, #tpu.memory_space<vmem_shared>>
        %dma_start3A_139 = tpu.memref_squeeze %dma_start3A_138 : memref<1x128xi32, #tpu.memory_space<vmem_shared>> -> memref<128xi32, #tpu.memory_space<vmem_shared>>
        tpu.enqueue_dma source(%dma_start3A_139 : memref<128xi32, #tpu.memory_space<vmem_shared>>) target(%arg9 : memref<128xi32, #tpu.memory_space<vmem>>) target_semaphore(%run_scoped3A : memref<!tpu.dma_semaphore, #tpu.memory_space<semaphore_mem>>)
        %dma_wait3A_140 = tpu.memref_slice %arg14[%arg1, %mul3A_120] : memref<16x13440xi32, #tpu.memory_space<vmem_shared>> -> memref<1x128xi32, #tpu.memory_space<vmem_shared>>
        %dma_wait3A_141 = tpu.memref_squeeze %dma_wait3A_140 : memref<1x128xi32, #tpu.memory_space<vmem_shared>> -> memref<128xi32, #tpu.memory_space<vmem_shared>>
        %dma_wait3A_142 = tpu.memref_slice %arg14[%arg1, %mul3A_120] : memref<16x13440xi32, #tpu.memory_space<vmem_shared>> -> memref<1x128xi32, #tpu.memory_space<vmem_shared>>
        %dma_wait3A_143 = tpu.memref_squeeze %dma_wait3A_142 : memref<1x128xi32, #tpu.memory_space<vmem_shared>> -> memref<128xi32, #tpu.memory_space<vmem_shared>>
        tpu.wait_dma2 semaphore(%run_scoped3A : memref<!tpu.dma_semaphore, #tpu.memory_space<semaphore_mem>>) src(%dma_wait3A_143 : memref<128xi32, #tpu.memory_space<vmem_shared>>) dst(%arg9 : memref<128xi32, #tpu.memory_space<vmem>>)
        tpu.yield
      }) : () -> ()
      %dma_wait3A_121 = arith.constant 0 : i32
      %dma_wait3A_122 = arith.constant 0 : i32
      %dma_wait3A_123 = tpu.memref_slice %arg13[%dma_wait3A_121, %dma_wait3A_122] : memref<10112x128xf32, #tpu.memory_space<vmem_shared>> -> memref<10112x128xf32, #tpu.memory_space<vmem_shared>>
      tpu.wait_indirect_dma semaphore(%arg18 : memref<!tpu.dma_semaphore, #tpu.memory_space<semaphore_mem>>) src(%arg12 : memref<128x128xf32, #tpu.memory_space<vmem>>) dst(%dma_wait3A_123 : memref<10112x128xf32, #tpu.memory_space<vmem_shared>>)
      %dma_start3A_124 = arith.constant 0 : i32
      %dma_start3A_125 = arith.constant 0 : i32
      %dma_start3A_126 = tpu.memref_slice %arg2[%dma_start3A_124, %dma_start3A_125] : memref<40000x128xf32, #tpu.memory_space<hbm>> -> memref<40000x128xf32, #tpu.memory_space<hbm>>
      tpu.enqueue_indirect_dma source(%dma_start3A_126 : memref<40000x128xf32, #tpu.memory_space<hbm>>) target(%arg12 : memref<128x128xf32, #tpu.memory_space<vmem>>) offsets(%arg9 : memref<128xi32, #tpu.memory_space<vmem>>) semaphore(%arg16 : memref<!tpu.dma_semaphore, #tpu.memory_space<semaphore_mem>>)
      %mul3A_127 = arith.constant 128 : i32
      %mul3A_128 = arith.muli %add3A_118, %mul3A_127 : i32
      %add3A_129 = arith.addi %mul3A_17, %mul3A_128 : i32
      "tpu.region"() ({
        %run_scoped3A = tpu.sem_alloc : memref<!tpu.dma_semaphore, #tpu.memory_space<semaphore_mem>>
        %dma_start3A_136 = tpu.memref_slice %arg4[%add3A_129] : memref<323584xi32, #tpu.memory_space<hbm>> -> memref<128xi32, #tpu.memory_space<hbm>>
        %dma_start3A_137 = tpu.memref_slice %arg4[%add3A_129] : memref<323584xi32, #tpu.memory_space<hbm>> -> memref<128xi32, #tpu.memory_space<hbm>>
        tpu.enqueue_dma source(%dma_start3A_137 : memref<128xi32, #tpu.memory_space<hbm>>) target(%arg10 : memref<128xi32, #tpu.memory_space<vmem>>) target_semaphore(%run_scoped3A : memref<!tpu.dma_semaphore, #tpu.memory_space<semaphore_mem>>)
        %dma_wait3A_138 = tpu.memref_slice %arg4[%add3A_129] : memref<323584xi32, #tpu.memory_space<hbm>> -> memref<128xi32, #tpu.memory_space<hbm>>
        %dma_wait3A_139 = tpu.memref_slice %arg4[%add3A_129] : memref<323584xi32, #tpu.memory_space<hbm>> -> memref<128xi32, #tpu.memory_space<hbm>>
        tpu.wait_dma2 semaphore(%run_scoped3A : memref<!tpu.dma_semaphore, #tpu.memory_space<semaphore_mem>>) src(%dma_wait3A_139 : memref<128xi32, #tpu.memory_space<hbm>>) dst(%arg10 : memref<128xi32, #tpu.memory_space<vmem>>)
        tpu.yield
      }) : () -> ()
      %dma_wait3A_130 = arith.constant 0 : i32
      %dma_wait3A_131 = arith.constant 0 : i32
      %dma_wait3A_132 = tpu.memref_slice %arg2[%dma_wait3A_130, %dma_wait3A_131] : memref<40000x128xf32, #tpu.memory_space<hbm>> -> memref<40000x128xf32, #tpu.memory_space<hbm>>
      tpu.wait_indirect_dma semaphore(%arg16 : memref<!tpu.dma_semaphore, #tpu.memory_space<semaphore_mem>>) src(%dma_wait3A_132 : memref<40000x128xf32, #tpu.memory_space<hbm>>) dst(%arg12 : memref<128x128xf32, #tpu.memory_space<vmem>>)
      %dma_start3A_133 = arith.constant 0 : i32
      %dma_start3A_134 = arith.constant 0 : i32
      %dma_start3A_135 = tpu.memref_slice %arg13[%dma_start3A_133, %dma_start3A_134] : memref<10112x128xf32, #tpu.memory_space<vmem_shared>> -> memref<10112x128xf32, #tpu.memory_space<vmem_shared>>
      tpu.enqueue_indirect_dma source(%arg12 : memref<128x128xf32, #tpu.memory_space<vmem>>) target(%dma_start3A_135 : memref<10112x128xf32, #tpu.memory_space<vmem_shared>>) offsets(%arg10 : memref<128xi32, #tpu.memory_space<vmem>>) semaphore(%arg18 : memref<!tpu.dma_semaphore, #tpu.memory_space<semaphore_mem>>) {add = true}
    }
    %sub3A_65 = arith.constant 1 : i32
    %sub3A_66 = arith.subi %select_n3A, %sub3A_65 : i32
    %mul3A_67 = arith.constant 128 : i32
    %mul3A_68 = arith.muli %sub3A_66, %mul3A_67 : i32
    "tpu.region"() ({
      %run_scoped3A = tpu.sem_alloc : memref<!tpu.dma_semaphore, #tpu.memory_space<semaphore_mem>>
      %dma_start3A_95 = tpu.memref_slice %arg14[%arg1, %mul3A_68] : memref<16x13440xi32, #tpu.memory_space<vmem_shared>> -> memref<1x128xi32, #tpu.memory_space<vmem_shared>>
      %dma_start3A_96 = tpu.memref_squeeze %dma_start3A_95 : memref<1x128xi32, #tpu.memory_space<vmem_shared>> -> memref<128xi32, #tpu.memory_space<vmem_shared>>
      %dma_start3A_97 = tpu.memref_slice %arg14[%arg1, %mul3A_68] : memref<16x13440xi32, #tpu.memory_space<vmem_shared>> -> memref<1x128xi32, #tpu.memory_space<vmem_shared>>
      %dma_start3A_98 = tpu.memref_squeeze %dma_start3A_97 : memref<1x128xi32, #tpu.memory_space<vmem_shared>> -> memref<128xi32, #tpu.memory_space<vmem_shared>>
      tpu.enqueue_dma source(%dma_start3A_98 : memref<128xi32, #tpu.memory_space<vmem_shared>>) target(%arg7 : memref<128xi32, #tpu.memory_space<vmem>>) target_semaphore(%run_scoped3A : memref<!tpu.dma_semaphore, #tpu.memory_space<semaphore_mem>>)
      %dma_wait3A_99 = tpu.memref_slice %arg14[%arg1, %mul3A_68] : memref<16x13440xi32, #tpu.memory_space<vmem_shared>> -> memref<1x128xi32, #tpu.memory_space<vmem_shared>>
      %dma_wait3A_100 = tpu.memref_squeeze %dma_wait3A_99 : memref<1x128xi32, #tpu.memory_space<vmem_shared>> -> memref<128xi32, #tpu.memory_space<vmem_shared>>
      %dma_wait3A_101 = tpu.memref_slice %arg14[%arg1, %mul3A_68] : memref<16x13440xi32, #tpu.memory_space<vmem_shared>> -> memref<1x128xi32, #tpu.memory_space<vmem_shared>>
      %dma_wait3A_102 = tpu.memref_squeeze %dma_wait3A_101 : memref<1x128xi32, #tpu.memory_space<vmem_shared>> -> memref<128xi32, #tpu.memory_space<vmem_shared>>
      tpu.wait_dma2 semaphore(%run_scoped3A : memref<!tpu.dma_semaphore, #tpu.memory_space<semaphore_mem>>) src(%dma_wait3A_102 : memref<128xi32, #tpu.memory_space<vmem_shared>>) dst(%arg7 : memref<128xi32, #tpu.memory_space<vmem>>)
      tpu.yield
    }) : () -> ()
    %dma_wait3A_69 = arith.constant 0 : i32
    %dma_wait3A_70 = arith.constant 0 : i32
    %dma_wait3A_71 = tpu.memref_slice %arg13[%dma_wait3A_69, %dma_wait3A_70] : memref<10112x128xf32, #tpu.memory_space<vmem_shared>> -> memref<10112x128xf32, #tpu.memory_space<vmem_shared>>
    tpu.wait_indirect_dma semaphore(%arg17 : memref<!tpu.dma_semaphore, #tpu.memory_space<semaphore_mem>>) src(%arg11 : memref<128x128xf32, #tpu.memory_space<vmem>>) dst(%dma_wait3A_71 : memref<10112x128xf32, #tpu.memory_space<vmem_shared>>)
    %dma_start3A_72 = arith.constant 0 : i32
    %dma_start3A_73 = arith.constant 0 : i32
    %dma_start3A_74 = tpu.memref_slice %arg2[%dma_start3A_72, %dma_start3A_73] : memref<40000x128xf32, #tpu.memory_space<hbm>> -> memref<40000x128xf32, #tpu.memory_space<hbm>>
    tpu.enqueue_indirect_dma source(%dma_start3A_74 : memref<40000x128xf32, #tpu.memory_space<hbm>>) target(%arg11 : memref<128x128xf32, #tpu.memory_space<vmem>>) offsets(%arg7 : memref<128xi32, #tpu.memory_space<vmem>>) semaphore(%arg15 : memref<!tpu.dma_semaphore, #tpu.memory_space<semaphore_mem>>)
    %mul3A_75 = arith.constant 128 : i32
    %mul3A_76 = arith.muli %sub3A_66, %mul3A_75 : i32
    %add3A_77 = arith.addi %mul3A_17, %mul3A_76 : i32
    "tpu.region"() ({
      %run_scoped3A = tpu.sem_alloc : memref<!tpu.dma_semaphore, #tpu.memory_space<semaphore_mem>>
      %dma_start3A_95 = tpu.memref_slice %arg4[%add3A_77] : memref<323584xi32, #tpu.memory_space<hbm>> -> memref<128xi32, #tpu.memory_space<hbm>>
      %dma_start3A_96 = tpu.memref_slice %arg4[%add3A_77] : memref<323584xi32, #tpu.memory_space<hbm>> -> memref<128xi32, #tpu.memory_space<hbm>>
      tpu.enqueue_dma source(%dma_start3A_96 : memref<128xi32, #tpu.memory_space<hbm>>) target(%arg8 : memref<128xi32, #tpu.memory_space<vmem>>) target_semaphore(%run_scoped3A : memref<!tpu.dma_semaphore, #tpu.memory_space<semaphore_mem>>)
      %dma_wait3A_97 = tpu.memref_slice %arg4[%add3A_77] : memref<323584xi32, #tpu.memory_space<hbm>> -> memref<128xi32, #tpu.memory_space<hbm>>
      %dma_wait3A_98 = tpu.memref_slice %arg4[%add3A_77] : memref<323584xi32, #tpu.memory_space<hbm>> -> memref<128xi32, #tpu.memory_space<hbm>>
      tpu.wait_dma2 semaphore(%run_scoped3A : memref<!tpu.dma_semaphore, #tpu.memory_space<semaphore_mem>>) src(%dma_wait3A_98 : memref<128xi32, #tpu.memory_space<hbm>>) dst(%arg8 : memref<128xi32, #tpu.memory_space<vmem>>)
      tpu.yield
    }) : () -> ()
    %dma_wait3A_78 = arith.constant 0 : i32
    %dma_wait3A_79 = arith.constant 0 : i32
    %dma_wait3A_80 = tpu.memref_slice %arg2[%dma_wait3A_78, %dma_wait3A_79] : memref<40000x128xf32, #tpu.memory_space<hbm>> -> memref<40000x128xf32, #tpu.memory_space<hbm>>
    tpu.wait_indirect_dma semaphore(%arg15 : memref<!tpu.dma_semaphore, #tpu.memory_space<semaphore_mem>>) src(%dma_wait3A_80 : memref<40000x128xf32, #tpu.memory_space<hbm>>) dst(%arg11 : memref<128x128xf32, #tpu.memory_space<vmem>>)
    %dma_start3A_81 = arith.constant 0 : i32
    %dma_start3A_82 = arith.constant 0 : i32
    %dma_start3A_83 = tpu.memref_slice %arg13[%dma_start3A_81, %dma_start3A_82] : memref<10112x128xf32, #tpu.memory_space<vmem_shared>> -> memref<10112x128xf32, #tpu.memory_space<vmem_shared>>
    tpu.enqueue_indirect_dma source(%arg11 : memref<128x128xf32, #tpu.memory_space<vmem>>) target(%dma_start3A_83 : memref<10112x128xf32, #tpu.memory_space<vmem_shared>>) offsets(%arg8 : memref<128xi32, #tpu.memory_space<vmem>>) semaphore(%arg17 : memref<!tpu.dma_semaphore, #tpu.memory_space<semaphore_mem>>) {add = true}
    %dma_wait3A_84 = arith.constant 0 : i32
    %dma_wait3A_85 = arith.constant 0 : i32
    %dma_wait3A_86 = tpu.memref_slice %arg13[%dma_wait3A_84, %dma_wait3A_85] : memref<10112x128xf32, #tpu.memory_space<vmem_shared>> -> memref<10112x128xf32, #tpu.memory_space<vmem_shared>>
    tpu.wait_indirect_dma semaphore(%arg17 : memref<!tpu.dma_semaphore, #tpu.memory_space<semaphore_mem>>) src(%arg11 : memref<128x128xf32, #tpu.memory_space<vmem>>) dst(%dma_wait3A_86 : memref<10112x128xf32, #tpu.memory_space<vmem_shared>>)
    %dma_wait3A_87 = arith.constant 0 : i32
    %dma_wait3A_88 = arith.constant 0 : i32
    %dma_wait3A_89 = tpu.memref_slice %arg13[%dma_wait3A_87, %dma_wait3A_88] : memref<10112x128xf32, #tpu.memory_space<vmem_shared>> -> memref<10112x128xf32, #tpu.memory_space<vmem_shared>>
    tpu.wait_indirect_dma semaphore(%arg18 : memref<!tpu.dma_semaphore, #tpu.memory_space<semaphore_mem>>) src(%arg12 : memref<128x128xf32, #tpu.memory_space<vmem>>) dst(%dma_wait3A_89 : memref<10112x128xf32, #tpu.memory_space<vmem_shared>>)
    %barrier3A_90 = arith.constant 0 : index
    tpu.barrier barrier_id(%barrier3A_90)
    %mul3A_91 = arith.constant 632 : i32
    %mul3A_92 = arith.muli %arg1, %mul3A_91 : i32
    %mul3A_93 = arith.constant 632 : i32
    %mul3A_94 = arith.muli %arg1, %mul3A_93 : i32
    "tpu.region"() ({
      %run_scoped3A = tpu.sem_alloc : memref<!tpu.dma_semaphore, #tpu.memory_space<semaphore_mem>>
      %dma_start3A_95 = arith.constant 0 : i32
      %dma_start3A_96 = tpu.memref_slice %arg6[%arg0, %mul3A_94, %dma_start3A_95] : memref<2x10112x128xf32, #tpu.memory_space<hbm>> -> memref<1x632x128xf32, #tpu.memory_space<hbm>>
      %dma_start3A_97 = tpu.memref_squeeze %dma_start3A_96 : memref<1x632x128xf32, #tpu.memory_space<hbm>> -> memref<632x128xf32, #tpu.memory_space<hbm>>
      %dma_start3A_98 = arith.constant 0 : i32
      %dma_start3A_99 = tpu.memref_slice %arg13[%mul3A_92, %dma_start3A_98] : memref<10112x128xf32, #tpu.memory_space<vmem_shared>> -> memref<632x128xf32, #tpu.memory_space<vmem_shared>>
      tpu.enqueue_dma source(%dma_start3A_99 : memref<632x128xf32, #tpu.memory_space<vmem_shared>>) target(%dma_start3A_97 : memref<632x128xf32, #tpu.memory_space<hbm>>) target_semaphore(%run_scoped3A : memref<!tpu.dma_semaphore, #tpu.memory_space<semaphore_mem>>)
      %dma_wait3A_100 = arith.constant 0 : i32
      %dma_wait3A_101 = tpu.memref_slice %arg6[%arg0, %mul3A_94, %dma_wait3A_100] : memref<2x10112x128xf32, #tpu.memory_space<hbm>> -> memref<1x632x128xf32, #tpu.memory_space<hbm>>
      %dma_wait3A_102 = tpu.memref_squeeze %dma_wait3A_101 : memref<1x632x128xf32, #tpu.memory_space<hbm>> -> memref<632x128xf32, #tpu.memory_space<hbm>>
      %dma_wait3A_103 = arith.constant 0 : i32
      %dma_wait3A_104 = tpu.memref_slice %arg13[%mul3A_92, %dma_wait3A_103] : memref<10112x128xf32, #tpu.memory_space<vmem_shared>> -> memref<632x128xf32, #tpu.memory_space<vmem_shared>>
      tpu.wait_dma2 semaphore(%run_scoped3A : memref<!tpu.dma_semaphore, #tpu.memory_space<semaphore_mem>>) src(%dma_wait3A_104 : memref<632x128xf32, #tpu.memory_space<vmem_shared>>) dst(%dma_wait3A_102 : memref<632x128xf32, #tpu.memory_space<hbm>>)
      tpu.yield
    }) : () -> ()
    return
  }
}

#map = affine_map<(d0, d1) -> (0, 0)>
#map1 = affine_map<(d0, d1) -> (0)>
#map2 = affine_map<(d0, d1) -> (0, 0, 0)>
module attributes {stable_mosaic.version = 14 : i64} {
  func.func @_sc_message_pass(%arg0: i32, %arg1: i32, %arg2: memref<40000x128xf32, #tpu.memory_space<hbm>>, %arg3: memref<323584xi32, #tpu.memory_space<hbm>>, %arg4: memref<323584xi32, #tpu.memory_space<hbm>>, %arg5: memref<10112x128xf32, #tpu.memory_space<hbm>>, %arg6: memref<2x10112x128xf32, #tpu.memory_space<hbm>>, %arg7: memref<128xi32, #tpu.memory_space<vmem>>, %arg8: memref<128xi32, #tpu.memory_space<vmem>>, %arg9: memref<128xi32, #tpu.memory_space<vmem>>, %arg10: memref<128xi32, #tpu.memory_space<vmem>>, %arg11: memref<128x128xf32, #tpu.memory_space<vmem>>, %arg12: memref<128x128xf32, #tpu.memory_space<vmem>>, %arg13: memref<10112x128xf32, #tpu.memory_space<vmem_shared>>, %arg14: memref<16x13440xi32, #tpu.memory_space<vmem_shared>>, %arg15: memref<!tpu.dma_semaphore, #tpu.memory_space<semaphore_mem>>, %arg16: memref<!tpu.dma_semaphore, #tpu.memory_space<semaphore_mem>>, %arg17: memref<!tpu.dma_semaphore, #tpu.memory_space<semaphore_mem>>, %arg18: memref<!tpu.dma_semaphore, #tpu.memory_space<semaphore_mem>>) attributes {dimension_semantics = [#tpu.dimension_semantics<core_parallel>, #tpu.dimension_semantics<subcore_parallel>], iteration_bounds = array<i64: 2, 16>, scalar_prefetch = 0 : i64, scratch_operands = 12 : i64, tpu.core_type = #tpu.core_type<sc_vector_subcore>, window_params = [{transform_indices = #map}, {transform_indices = #map1}, {transform_indices = #map1}, {transform_indices = #map}, {transform_indices = #map2}]} {
    %mul3A = arith.constant 2 : i32
    %mul3A_0 = arith.muli %arg1, %mul3A : i32
    %add3A = arith.addi %mul3A_0, %arg0 : i32
    %mul3A_1 = arith.constant 632 : i32
    %mul3A_2 = arith.muli %arg1, %mul3A_1 : i32
    %mul3A_3 = arith.constant 632 : i32
    %mul3A_4 = arith.muli %arg1, %mul3A_3 : i32
    "tpu.region"() ({
      %run_scoped3A = tpu.sem_alloc : memref<!tpu.dma_semaphore, #tpu.memory_space<semaphore_mem>>
      %dma_start3A_95 = arith.constant 0 : i32
      %dma_start3A_96 = tpu.memref_slice %arg13[%mul3A_4, %dma_start3A_95] : memref<10112x128xf32, #tpu.memory_space<vmem_shared>> -> memref<632x128xf32, #tpu.memory_space<vmem_shared>>
      %dma_start3A_97 = arith.constant 0 : i32
      %dma_start3A_98 = tpu.memref_slice %arg5[%mul3A_2, %dma_start3A_97] : memref<10112x128xf32, #tpu.memory_space<hbm>> -> memref<632x128xf32, #tpu.memory_space<hbm>>
      tpu.enqueue_dma source(%dma_start3A_98 : memref<632x128xf32, #tpu.memory_space<hbm>>) target(%dma_start3A_96 : memref<632x128xf32, #tpu.memory_space<vmem_shared>>) target_semaphore(%run_scoped3A : memref<!tpu.dma_semaphore, #tpu.memory_space<semaphore_mem>>)
      %dma_wait3A_99 = arith.constant 0 : i32
      %dma_wait3A_100 = tpu.memref_slice %arg13[%mul3A_4, %dma_wait3A_99] : memref<10112x128xf32, #tpu.memory_space<vmem_shared>> -> memref<632x128xf32, #tpu.memory_space<vmem_shared>>
      %dma_wait3A_101 = arith.constant 0 : i32
      %dma_wait3A_102 = tpu.memref_slice %arg5[%mul3A_2, %dma_wait3A_101] : memref<10112x128xf32, #tpu.memory_space<hbm>> -> memref<632x128xf32, #tpu.memory_space<hbm>>
      tpu.wait_dma2 semaphore(%run_scoped3A : memref<!tpu.dma_semaphore, #tpu.memory_space<semaphore_mem>>) src(%dma_wait3A_102 : memref<632x128xf32, #tpu.memory_space<hbm>>) dst(%dma_wait3A_100 : memref<632x128xf32, #tpu.memory_space<vmem_shared>>)
      tpu.yield
    }) : () -> ()
    %eq3A = arith.constant 0 : i32
    %eq3A_5 = arith.cmpi eq, %arg0, %eq3A : i32
    %jit3A = arith.constant 105 : i32
    %jit3A_6 = arith.constant 53 : i32
    %select_n3A = arith.select %eq3A_5, %jit3A, %jit3A_6 : i32
    %eq3A_7 = arith.constant 0 : i32
    %eq3A_8 = arith.cmpi eq, %arg0, %eq3A_7 : i32
    %mul3A_9 = arith.constant 105 : i32
    %mul3A_10 = arith.muli %arg1, %mul3A_9 : i32
    %mul3A_11 = arith.constant 53 : i32
    %mul3A_12 = arith.muli %arg1, %mul3A_11 : i32
    %add3A_13 = arith.constant 1680 : i32
    %add3A_14 = arith.addi %add3A_13, %mul3A_12 : i32
    %select_n3A_15 = arith.select %eq3A_8, %mul3A_10, %add3A_14 : i32
    %mul3A_16 = arith.constant 128 : i32
    %mul3A_17 = arith.muli %select_n3A_15, %mul3A_16 : i32
    "tpu.region"() ({
      %run_scoped3A = tpu.sem_alloc : memref<!tpu.dma_semaphore, #tpu.memory_space<semaphore_mem>>
      %dma_start3A_95 = arith.constant 0 : i32
      %dma_start3A_96 = tpu.memref_slice %arg14[%arg1, %dma_start3A_95] : memref<16x13440xi32, #tpu.memory_space<vmem_shared>> -> memref<1x13440xi32, #tpu.memory_space<vmem_shared>>
      %dma_start3A_97 = tpu.memref_squeeze %dma_start3A_96 : memref<1x13440xi32, #tpu.memory_space<vmem_shared>> -> memref<13440xi32, #tpu.memory_space<vmem_shared>>
      %dma_start3A_98 = tpu.memref_slice %arg3[%mul3A_17] : memref<323584xi32, #tpu.memory_space<hbm>> -> memref<13440xi32, #tpu.memory_space<hbm>>
      tpu.enqueue_dma source(%dma_start3A_98 : memref<13440xi32, #tpu.memory_space<hbm>>) target(%dma_start3A_97 : memref<13440xi32, #tpu.memory_space<vmem_shared>>) target_semaphore(%run_scoped3A : memref<!tpu.dma_semaphore, #tpu.memory_space<semaphore_mem>>)
      %dma_wait3A_99 = arith.constant 0 : i32
      %dma_wait3A_100 = tpu.memref_slice %arg14[%arg1, %dma_wait3A_99] : memref<16x13440xi32, #tpu.memory_space<vmem_shared>> -> memref<1x13440xi32, #tpu.memory_space<vmem_shared>>
      %dma_wait3A_101 = tpu.memref_squeeze %dma_wait3A_100 : memref<1x13440xi32, #tpu.memory_space<vmem_shared>> -> memref<13440xi32, #tpu.memory_space<vmem_shared>>
      %dma_wait3A_102 = tpu.memref_slice %arg3[%mul3A_17] : memref<323584xi32, #tpu.memory_space<hbm>> -> memref<13440xi32, #tpu.memory_space<hbm>>
      tpu.wait_dma2 semaphore(%run_scoped3A : memref<!tpu.dma_semaphore, #tpu.memory_space<semaphore_mem>>) src(%dma_wait3A_102 : memref<13440xi32, #tpu.memory_space<hbm>>) dst(%dma_wait3A_101 : memref<13440xi32, #tpu.memory_space<vmem_shared>>)
      tpu.yield
    }) : () -> ()
    %barrier3A = arith.constant 0 : index
    tpu.barrier barrier_id(%barrier3A)
    "tpu.region"() ({
      %run_scoped3A = tpu.sem_alloc : memref<!tpu.dma_semaphore, #tpu.memory_space<semaphore_mem>>
      %dma_start3A_95 = arith.constant 0 : i32
      %dma_start3A_96 = tpu.memref_slice %arg14[%arg1, %dma_start3A_95] : memref<16x13440xi32, #tpu.memory_space<vmem_shared>> -> memref<1x128xi32, #tpu.memory_space<vmem_shared>>
      %dma_start3A_97 = tpu.memref_squeeze %dma_start3A_96 : memref<1x128xi32, #tpu.memory_space<vmem_shared>> -> memref<128xi32, #tpu.memory_space<vmem_shared>>
      %dma_start3A_98 = arith.constant 0 : i32
      %dma_start3A_99 = tpu.memref_slice %arg14[%arg1, %dma_start3A_98] : memref<16x13440xi32, #tpu.memory_space<vmem_shared>> -> memref<1x128xi32, #tpu.memory_space<vmem_shared>>
      %dma_start3A_100 = tpu.memref_squeeze %dma_start3A_99 : memref<1x128xi32, #tpu.memory_space<vmem_shared>> -> memref<128xi32, #tpu.memory_space<vmem_shared>>
      tpu.enqueue_dma source(%dma_start3A_100 : memref<128xi32, #tpu.memory_space<vmem_shared>>) target(%arg7 : memref<128xi32, #tpu.memory_space<vmem>>) target_semaphore(%run_scoped3A : memref<!tpu.dma_semaphore, #tpu.memory_space<semaphore_mem>>)
      %dma_wait3A_101 = arith.constant 0 : i32
      %dma_wait3A_102 = tpu.memref_slice %arg14[%arg1, %dma_wait3A_101] : memref<16x13440xi32, #tpu.memory_space<vmem_shared>> -> memref<1x128xi32, #tpu.memory_space<vmem_shared>>
      %dma_wait3A_103 = tpu.memref_squeeze %dma_wait3A_102 : memref<1x128xi32, #tpu.memory_space<vmem_shared>> -> memref<128xi32, #tpu.memory_space<vmem_shared>>
      %dma_wait3A_104 = arith.constant 0 : i32
      %dma_wait3A_105 = tpu.memref_slice %arg14[%arg1, %dma_wait3A_104] : memref<16x13440xi32, #tpu.memory_space<vmem_shared>> -> memref<1x128xi32, #tpu.memory_space<vmem_shared>>
      %dma_wait3A_106 = tpu.memref_squeeze %dma_wait3A_105 : memref<1x128xi32, #tpu.memory_space<vmem_shared>> -> memref<128xi32, #tpu.memory_space<vmem_shared>>
      tpu.wait_dma2 semaphore(%run_scoped3A : memref<!tpu.dma_semaphore, #tpu.memory_space<semaphore_mem>>) src(%dma_wait3A_106 : memref<128xi32, #tpu.memory_space<vmem_shared>>) dst(%arg7 : memref<128xi32, #tpu.memory_space<vmem>>)
      tpu.yield
    }) : () -> ()
    %dma_start3A = arith.constant 0 : i32
    %dma_start3A_18 = arith.constant 0 : i32
    %dma_start3A_19 = tpu.memref_slice %arg2[%dma_start3A, %dma_start3A_18] : memref<40000x128xf32, #tpu.memory_space<hbm>> -> memref<40000x128xf32, #tpu.memory_space<hbm>>
    tpu.enqueue_indirect_dma source(%dma_start3A_19 : memref<40000x128xf32, #tpu.memory_space<hbm>>) target(%arg11 : memref<128x128xf32, #tpu.memory_space<vmem>>) offsets(%arg7 : memref<128xi32, #tpu.memory_space<vmem>>) semaphore(%arg15 : memref<!tpu.dma_semaphore, #tpu.memory_space<semaphore_mem>>)
    %add3A_20 = arith.constant 0 : i32
    %add3A_21 = arith.addi %mul3A_17, %add3A_20 : i32
    "tpu.region"() ({
      %run_scoped3A = tpu.sem_alloc : memref<!tpu.dma_semaphore, #tpu.memory_space<semaphore_mem>>
      %dma_start3A_95 = tpu.memref_slice %arg4[%add3A_21] : memref<323584xi32, #tpu.memory_space<hbm>> -> memref<128xi32, #tpu.memory_space<hbm>>
      %dma_start3A_96 = tpu.memref_slice %arg4[%add3A_21] : memref<323584xi32, #tpu.memory_space<hbm>> -> memref<128xi32, #tpu.memory_space<hbm>>
      tpu.enqueue_dma source(%dma_start3A_96 : memref<128xi32, #tpu.memory_space<hbm>>) target(%arg8 : memref<128xi32, #tpu.memory_space<vmem>>) target_semaphore(%run_scoped3A : memref<!tpu.dma_semaphore, #tpu.memory_space<semaphore_mem>>)
      %dma_wait3A_97 = tpu.memref_slice %arg4[%add3A_21] : memref<323584xi32, #tpu.memory_space<hbm>> -> memref<128xi32, #tpu.memory_space<hbm>>
      %dma_wait3A_98 = tpu.memref_slice %arg4[%add3A_21] : memref<323584xi32, #tpu.memory_space<hbm>> -> memref<128xi32, #tpu.memory_space<hbm>>
      tpu.wait_dma2 semaphore(%run_scoped3A : memref<!tpu.dma_semaphore, #tpu.memory_space<semaphore_mem>>) src(%dma_wait3A_98 : memref<128xi32, #tpu.memory_space<hbm>>) dst(%arg8 : memref<128xi32, #tpu.memory_space<vmem>>)
      tpu.yield
    }) : () -> ()
    %dma_wait3A = arith.constant 0 : i32
    %dma_wait3A_22 = arith.constant 0 : i32
    %dma_wait3A_23 = tpu.memref_slice %arg2[%dma_wait3A, %dma_wait3A_22] : memref<40000x128xf32, #tpu.memory_space<hbm>> -> memref<40000x128xf32, #tpu.memory_space<hbm>>
    tpu.wait_indirect_dma semaphore(%arg15 : memref<!tpu.dma_semaphore, #tpu.memory_space<semaphore_mem>>) src(%dma_wait3A_23 : memref<40000x128xf32, #tpu.memory_space<hbm>>) dst(%arg11 : memref<128x128xf32, #tpu.memory_space<vmem>>)
    %dma_start3A_24 = arith.constant 0 : i32
    %dma_start3A_25 = arith.constant 0 : i32
    %dma_start3A_26 = tpu.memref_slice %arg13[%dma_start3A_24, %dma_start3A_25] : memref<10112x128xf32, #tpu.memory_space<vmem_shared>> -> memref<10112x128xf32, #tpu.memory_space<vmem_shared>>
    tpu.enqueue_indirect_dma source(%arg11 : memref<128x128xf32, #tpu.memory_space<vmem>>) target(%dma_start3A_26 : memref<10112x128xf32, #tpu.memory_space<vmem_shared>>) offsets(%arg8 : memref<128xi32, #tpu.memory_space<vmem>>) semaphore(%arg17 : memref<!tpu.dma_semaphore, #tpu.memory_space<semaphore_mem>>) {add = true}
    "tpu.region"() ({
      %run_scoped3A = tpu.sem_alloc : memref<!tpu.dma_semaphore, #tpu.memory_space<semaphore_mem>>
      %dma_start3A_95 = arith.constant 128 : i32
      %dma_start3A_96 = tpu.memref_slice %arg14[%arg1, %dma_start3A_95] : memref<16x13440xi32, #tpu.memory_space<vmem_shared>> -> memref<1x128xi32, #tpu.memory_space<vmem_shared>>
      %dma_start3A_97 = tpu.memref_squeeze %dma_start3A_96 : memref<1x128xi32, #tpu.memory_space<vmem_shared>> -> memref<128xi32, #tpu.memory_space<vmem_shared>>
      %dma_start3A_98 = arith.constant 128 : i32
      %dma_start3A_99 = tpu.memref_slice %arg14[%arg1, %dma_start3A_98] : memref<16x13440xi32, #tpu.memory_space<vmem_shared>> -> memref<1x128xi32, #tpu.memory_space<vmem_shared>>
      %dma_start3A_100 = tpu.memref_squeeze %dma_start3A_99 : memref<1x128xi32, #tpu.memory_space<vmem_shared>> -> memref<128xi32, #tpu.memory_space<vmem_shared>>
      tpu.enqueue_dma source(%dma_start3A_100 : memref<128xi32, #tpu.memory_space<vmem_shared>>) target(%arg9 : memref<128xi32, #tpu.memory_space<vmem>>) target_semaphore(%run_scoped3A : memref<!tpu.dma_semaphore, #tpu.memory_space<semaphore_mem>>)
      %dma_wait3A_101 = arith.constant 128 : i32
      %dma_wait3A_102 = tpu.memref_slice %arg14[%arg1, %dma_wait3A_101] : memref<16x13440xi32, #tpu.memory_space<vmem_shared>> -> memref<1x128xi32, #tpu.memory_space<vmem_shared>>
      %dma_wait3A_103 = tpu.memref_squeeze %dma_wait3A_102 : memref<1x128xi32, #tpu.memory_space<vmem_shared>> -> memref<128xi32, #tpu.memory_space<vmem_shared>>
      %dma_wait3A_104 = arith.constant 128 : i32
      %dma_wait3A_105 = tpu.memref_slice %arg14[%arg1, %dma_wait3A_104] : memref<16x13440xi32, #tpu.memory_space<vmem_shared>> -> memref<1x128xi32, #tpu.memory_space<vmem_shared>>
      %dma_wait3A_106 = tpu.memref_squeeze %dma_wait3A_105 : memref<1x128xi32, #tpu.memory_space<vmem_shared>> -> memref<128xi32, #tpu.memory_space<vmem_shared>>
      tpu.wait_dma2 semaphore(%run_scoped3A : memref<!tpu.dma_semaphore, #tpu.memory_space<semaphore_mem>>) src(%dma_wait3A_106 : memref<128xi32, #tpu.memory_space<vmem_shared>>) dst(%arg9 : memref<128xi32, #tpu.memory_space<vmem>>)
      tpu.yield
    }) : () -> ()
    %dma_start3A_27 = arith.constant 0 : i32
    %dma_start3A_28 = arith.constant 0 : i32
    %dma_start3A_29 = tpu.memref_slice %arg2[%dma_start3A_27, %dma_start3A_28] : memref<40000x128xf32, #tpu.memory_space<hbm>> -> memref<40000x128xf32, #tpu.memory_space<hbm>>
    tpu.enqueue_indirect_dma source(%dma_start3A_29 : memref<40000x128xf32, #tpu.memory_space<hbm>>) target(%arg12 : memref<128x128xf32, #tpu.memory_space<vmem>>) offsets(%arg9 : memref<128xi32, #tpu.memory_space<vmem>>) semaphore(%arg16 : memref<!tpu.dma_semaphore, #tpu.memory_space<semaphore_mem>>)
    %add3A_30 = arith.constant 128 : i32
    %add3A_31 = arith.addi %mul3A_17, %add3A_30 : i32
    "tpu.region"() ({
      %run_scoped3A = tpu.sem_alloc : memref<!tpu.dma_semaphore, #tpu.memory_space<semaphore_mem>>
      %dma_start3A_95 = tpu.memref_slice %arg4[%add3A_31] : memref<323584xi32, #tpu.memory_space<hbm>> -> memref<128xi32, #tpu.memory_space<hbm>>
      %dma_start3A_96 = tpu.memref_slice %arg4[%add3A_31] : memref<323584xi32, #tpu.memory_space<hbm>> -> memref<128xi32, #tpu.memory_space<hbm>>
      tpu.enqueue_dma source(%dma_start3A_96 : memref<128xi32, #tpu.memory_space<hbm>>) target(%arg10 : memref<128xi32, #tpu.memory_space<vmem>>) target_semaphore(%run_scoped3A : memref<!tpu.dma_semaphore, #tpu.memory_space<semaphore_mem>>)
      %dma_wait3A_97 = tpu.memref_slice %arg4[%add3A_31] : memref<323584xi32, #tpu.memory_space<hbm>> -> memref<128xi32, #tpu.memory_space<hbm>>
      %dma_wait3A_98 = tpu.memref_slice %arg4[%add3A_31] : memref<323584xi32, #tpu.memory_space<hbm>> -> memref<128xi32, #tpu.memory_space<hbm>>
      tpu.wait_dma2 semaphore(%run_scoped3A : memref<!tpu.dma_semaphore, #tpu.memory_space<semaphore_mem>>) src(%dma_wait3A_98 : memref<128xi32, #tpu.memory_space<hbm>>) dst(%arg10 : memref<128xi32, #tpu.memory_space<vmem>>)
      tpu.yield
    }) : () -> ()
    %dma_wait3A_32 = arith.constant 0 : i32
    %dma_wait3A_33 = arith.constant 0 : i32
    %dma_wait3A_34 = tpu.memref_slice %arg2[%dma_wait3A_32, %dma_wait3A_33] : memref<40000x128xf32, #tpu.memory_space<hbm>> -> memref<40000x128xf32, #tpu.memory_space<hbm>>
    tpu.wait_indirect_dma semaphore(%arg16 : memref<!tpu.dma_semaphore, #tpu.memory_space<semaphore_mem>>) src(%dma_wait3A_34 : memref<40000x128xf32, #tpu.memory_space<hbm>>) dst(%arg12 : memref<128x128xf32, #tpu.memory_space<vmem>>)
    %dma_start3A_35 = arith.constant 0 : i32
    %dma_start3A_36 = arith.constant 0 : i32
    %dma_start3A_37 = tpu.memref_slice %arg13[%dma_start3A_35, %dma_start3A_36] : memref<10112x128xf32, #tpu.memory_space<vmem_shared>> -> memref<10112x128xf32, #tpu.memory_space<vmem_shared>>
    tpu.enqueue_indirect_dma source(%arg12 : memref<128x128xf32, #tpu.memory_space<vmem>>) target(%dma_start3A_37 : memref<10112x128xf32, #tpu.memory_space<vmem_shared>>) offsets(%arg10 : memref<128xi32, #tpu.memory_space<vmem>>) semaphore(%arg18 : memref<!tpu.dma_semaphore, #tpu.memory_space<semaphore_mem>>) {add = true}
    %jit3A_38 = arith.constant 2 : i32
    %div3A = arith.divsi %select_n3A, %jit3A_38 : i32
    %sign3A = arith.constant 0 : i32
    %sign3A_39 = arith.cmpi sgt, %select_n3A, %sign3A : i32
    %sign3A_40 = arith.extui %sign3A_39 : i1 to i32
    %sign3A_41 = arith.constant 0 : i32
    %sign3A_42 = arith.cmpi slt, %select_n3A, %sign3A_41 : i32
    %sign3A_43 = arith.extui %sign3A_42 : i1 to i32
    %sign3A_44 = arith.subi %sign3A_40, %sign3A_43 : i32
    %sign3A_45 = arith.constant 0 : i32
    %sign3A_46 = arith.cmpi sgt, %jit3A_38, %sign3A_45 : i32
    %sign3A_47 = arith.extui %sign3A_46 : i1 to i32
    %sign3A_48 = arith.constant 0 : i32
    %sign3A_49 = arith.cmpi slt, %jit3A_38, %sign3A_48 : i32
    %sign3A_50 = arith.extui %sign3A_49 : i1 to i32
    %sign3A_51 = arith.subi %sign3A_47, %sign3A_50 : i32
    %ne3A = arith.cmpi ne, %sign3A_44, %sign3A_51 : i32
    %rem3A = arith.remsi %select_n3A, %jit3A_38 : i32
    %ne3A_52 = arith.constant 0 : i32
    %ne3A_53 = arith.cmpi ne, %rem3A, %ne3A_52 : i32
    %and3A = arith.andi %ne3A, %ne3A_53 : i1
    %sub3A = arith.constant 1 : i32
    %sub3A_54 = arith.subi %div3A, %sub3A : i32
    %select_n3A_55 = arith.select %and3A, %sub3A_54, %div3A : i32
    %while3A = arith.constant 0 : i32
    %while3A_56 = arith.constant 1 : i32
    %while3A_57 = arith.subi %select_n3A_55, %while3A_56 : i32
    %while3A_58 = arith.addi %while3A_56, %while3A_57 : i32
    %while3A_59 = arith.constant 1 : i32
    %while3A_60 = arith.divsi %while3A_57, %while3A_59 : i32
    %while3A_61 = arith.muli %while3A_60, %while3A_59 : i32
    %while3A_62 = arith.addi %while3A_56, %while3A_61 : i32
    %while3A_63 = arith.constant 1 : i32
    scf.for %while3A_95 = %while3A_56 to %while3A_62 step %while3A_63  : i32 {
      %mul3A_96 = arith.constant 2 : i32
      %mul3A_97 = arith.muli %mul3A_96, %while3A_95 : i32
      %mul3A_98 = arith.constant 128 : i32
      %mul3A_99 = arith.muli %mul3A_97, %mul3A_98 : i32
      "tpu.region"() ({
        %run_scoped3A = tpu.sem_alloc : memref<!tpu.dma_semaphore, #tpu.memory_space<semaphore_mem>>
        %dma_start3A_136 = tpu.memref_slice %arg14[%arg1, %mul3A_99] : memref<16x13440xi32, #tpu.memory_space<vmem_shared>> -> memref<1x128xi32, #tpu.memory_space<vmem_shared>>
        %dma_start3A_137 = tpu.memref_squeeze %dma_start3A_136 : memref<1x128xi32, #tpu.memory_space<vmem_shared>> -> memref<128xi32, #tpu.memory_space<vmem_shared>>
        %dma_start3A_138 = tpu.memref_slice %arg14[%arg1, %mul3A_99] : memref<16x13440xi32, #tpu.memory_space<vmem_shared>> -> memref<1x128xi32, #tpu.memory_space<vmem_shared>>
        %dma_start3A_139 = tpu.memref_squeeze %dma_start3A_138 : memref<1x128xi32, #tpu.memory_space<vmem_shared>> -> memref<128xi32, #tpu.memory_space<vmem_shared>>
        tpu.enqueue_dma source(%dma_start3A_139 : memref<128xi32, #tpu.memory_space<vmem_shared>>) target(%arg7 : memref<128xi32, #tpu.memory_space<vmem>>) target_semaphore(%run_scoped3A : memref<!tpu.dma_semaphore, #tpu.memory_space<semaphore_mem>>)
        %dma_wait3A_140 = tpu.memref_slice %arg14[%arg1, %mul3A_99] : memref<16x13440xi32, #tpu.memory_space<vmem_shared>> -> memref<1x128xi32, #tpu.memory_space<vmem_shared>>
        %dma_wait3A_141 = tpu.memref_squeeze %dma_wait3A_140 : memref<1x128xi32, #tpu.memory_space<vmem_shared>> -> memref<128xi32, #tpu.memory_space<vmem_shared>>
        %dma_wait3A_142 = tpu.memref_slice %arg14[%arg1, %mul3A_99] : memref<16x13440xi32, #tpu.memory_space<vmem_shared>> -> memref<1x128xi32, #tpu.memory_space<vmem_shared>>
        %dma_wait3A_143 = tpu.memref_squeeze %dma_wait3A_142 : memref<1x128xi32, #tpu.memory_space<vmem_shared>> -> memref<128xi32, #tpu.memory_space<vmem_shared>>
        tpu.wait_dma2 semaphore(%run_scoped3A : memref<!tpu.dma_semaphore, #tpu.memory_space<semaphore_mem>>) src(%dma_wait3A_143 : memref<128xi32, #tpu.memory_space<vmem_shared>>) dst(%arg7 : memref<128xi32, #tpu.memory_space<vmem>>)
        tpu.yield
      }) : () -> ()
      %dma_wait3A_100 = arith.constant 0 : i32
      %dma_wait3A_101 = arith.constant 0 : i32
      %dma_wait3A_102 = tpu.memref_slice %arg13[%dma_wait3A_100, %dma_wait3A_101] : memref<10112x128xf32, #tpu.memory_space<vmem_shared>> -> memref<10112x128xf32, #tpu.memory_space<vmem_shared>>
      tpu.wait_indirect_dma semaphore(%arg17 : memref<!tpu.dma_semaphore, #tpu.memory_space<semaphore_mem>>) src(%arg11 : memref<128x128xf32, #tpu.memory_space<vmem>>) dst(%dma_wait3A_102 : memref<10112x128xf32, #tpu.memory_space<vmem_shared>>)
      %dma_start3A_103 = arith.constant 0 : i32
      %dma_start3A_104 = arith.constant 0 : i32
      %dma_start3A_105 = tpu.memref_slice %arg2[%dma_start3A_103, %dma_start3A_104] : memref<40000x128xf32, #tpu.memory_space<hbm>> -> memref<40000x128xf32, #tpu.memory_space<hbm>>
      tpu.enqueue_indirect_dma source(%dma_start3A_105 : memref<40000x128xf32, #tpu.memory_space<hbm>>) target(%arg11 : memref<128x128xf32, #tpu.memory_space<vmem>>) offsets(%arg7 : memref<128xi32, #tpu.memory_space<vmem>>) semaphore(%arg15 : memref<!tpu.dma_semaphore, #tpu.memory_space<semaphore_mem>>)
      %mul3A_106 = arith.constant 128 : i32
      %mul3A_107 = arith.muli %mul3A_97, %mul3A_106 : i32
      %add3A_108 = arith.addi %mul3A_17, %mul3A_107 : i32
      "tpu.region"() ({
        %run_scoped3A = tpu.sem_alloc : memref<!tpu.dma_semaphore, #tpu.memory_space<semaphore_mem>>
        %dma_start3A_136 = tpu.memref_slice %arg4[%add3A_108] : memref<323584xi32, #tpu.memory_space<hbm>> -> memref<128xi32, #tpu.memory_space<hbm>>
        %dma_start3A_137 = tpu.memref_slice %arg4[%add3A_108] : memref<323584xi32, #tpu.memory_space<hbm>> -> memref<128xi32, #tpu.memory_space<hbm>>
        tpu.enqueue_dma source(%dma_start3A_137 : memref<128xi32, #tpu.memory_space<hbm>>) target(%arg8 : memref<128xi32, #tpu.memory_space<vmem>>) target_semaphore(%run_scoped3A : memref<!tpu.dma_semaphore, #tpu.memory_space<semaphore_mem>>)
        %dma_wait3A_138 = tpu.memref_slice %arg4[%add3A_108] : memref<323584xi32, #tpu.memory_space<hbm>> -> memref<128xi32, #tpu.memory_space<hbm>>
        %dma_wait3A_139 = tpu.memref_slice %arg4[%add3A_108] : memref<323584xi32, #tpu.memory_space<hbm>> -> memref<128xi32, #tpu.memory_space<hbm>>
        tpu.wait_dma2 semaphore(%run_scoped3A : memref<!tpu.dma_semaphore, #tpu.memory_space<semaphore_mem>>) src(%dma_wait3A_139 : memref<128xi32, #tpu.memory_space<hbm>>) dst(%arg8 : memref<128xi32, #tpu.memory_space<vmem>>)
        tpu.yield
      }) : () -> ()
      %dma_wait3A_109 = arith.constant 0 : i32
      %dma_wait3A_110 = arith.constant 0 : i32
      %dma_wait3A_111 = tpu.memref_slice %arg2[%dma_wait3A_109, %dma_wait3A_110] : memref<40000x128xf32, #tpu.memory_space<hbm>> -> memref<40000x128xf32, #tpu.memory_space<hbm>>
      tpu.wait_indirect_dma semaphore(%arg15 : memref<!tpu.dma_semaphore, #tpu.memory_space<semaphore_mem>>) src(%dma_wait3A_111 : memref<40000x128xf32, #tpu.memory_space<hbm>>) dst(%arg11 : memref<128x128xf32, #tpu.memory_space<vmem>>)
      %dma_start3A_112 = arith.constant 0 : i32
      %dma_start3A_113 = arith.constant 0 : i32
      %dma_start3A_114 = tpu.memref_slice %arg13[%dma_start3A_112, %dma_start3A_113] : memref<10112x128xf32, #tpu.memory_space<vmem_shared>> -> memref<10112x128xf32, #tpu.memory_space<vmem_shared>>
      tpu.enqueue_indirect_dma source(%arg11 : memref<128x128xf32, #tpu.memory_space<vmem>>) target(%dma_start3A_114 : memref<10112x128xf32, #tpu.memory_space<vmem_shared>>) offsets(%arg8 : memref<128xi32, #tpu.memory_space<vmem>>) semaphore(%arg17 : memref<!tpu.dma_semaphore, #tpu.memory_space<semaphore_mem>>) {add = true}
      %mul3A_115 = arith.constant 2 : i32
      %mul3A_116 = arith.muli %mul3A_115, %while3A_95 : i32
      %add3A_117 = arith.constant 1 : i32
      %add3A_118 = arith.addi %mul3A_116, %add3A_117 : i32
      %mul3A_119 = arith.constant 128 : i32
      %mul3A_120 = arith.muli %add3A_118, %mul3A_119 : i32
      "tpu.region"() ({
        %run_scoped3A = tpu.sem_alloc : memref<!tpu.dma_semaphore, #tpu.memory_space<semaphore_mem>>
        %dma_start3A_136 = tpu.memref_slice %arg14[%arg1, %mul3A_120] : memref<16x13440xi32, #tpu.memory_space<vmem_shared>> -> memref<1x128xi32, #tpu.memory_space<vmem_shared>>
        %dma_start3A_137 = tpu.memref_squeeze %dma_start3A_136 : memref<1x128xi32, #tpu.memory_space<vmem_shared>> -> memref<128xi32, #tpu.memory_space<vmem_shared>>
        %dma_start3A_138 = tpu.memref_slice %arg14[%arg1, %mul3A_120] : memref<16x13440xi32, #tpu.memory_space<vmem_shared>> -> memref<1x128xi32, #tpu.memory_space<vmem_shared>>
        %dma_start3A_139 = tpu.memref_squeeze %dma_start3A_138 : memref<1x128xi32, #tpu.memory_space<vmem_shared>> -> memref<128xi32, #tpu.memory_space<vmem_shared>>
        tpu.enqueue_dma source(%dma_start3A_139 : memref<128xi32, #tpu.memory_space<vmem_shared>>) target(%arg9 : memref<128xi32, #tpu.memory_space<vmem>>) target_semaphore(%run_scoped3A : memref<!tpu.dma_semaphore, #tpu.memory_space<semaphore_mem>>)
        %dma_wait3A_140 = tpu.memref_slice %arg14[%arg1, %mul3A_120] : memref<16x13440xi32, #tpu.memory_space<vmem_shared>> -> memref<1x128xi32, #tpu.memory_space<vmem_shared>>
        %dma_wait3A_141 = tpu.memref_squeeze %dma_wait3A_140 : memref<1x128xi32, #tpu.memory_space<vmem_shared>> -> memref<128xi32, #tpu.memory_space<vmem_shared>>
        %dma_wait3A_142 = tpu.memref_slice %arg14[%arg1, %mul3A_120] : memref<16x13440xi32, #tpu.memory_space<vmem_shared>> -> memref<1x128xi32, #tpu.memory_space<vmem_shared>>
        %dma_wait3A_143 = tpu.memref_squeeze %dma_wait3A_142 : memref<1x128xi32, #tpu.memory_space<vmem_shared>> -> memref<128xi32, #tpu.memory_space<vmem_shared>>
        tpu.wait_dma2 semaphore(%run_scoped3A : memref<!tpu.dma_semaphore, #tpu.memory_space<semaphore_mem>>) src(%dma_wait3A_143 : memref<128xi32, #tpu.memory_space<vmem_shared>>) dst(%arg9 : memref<128xi32, #tpu.memory_space<vmem>>)
        tpu.yield
      }) : () -> ()
      %dma_wait3A_121 = arith.constant 0 : i32
      %dma_wait3A_122 = arith.constant 0 : i32
      %dma_wait3A_123 = tpu.memref_slice %arg13[%dma_wait3A_121, %dma_wait3A_122] : memref<10112x128xf32, #tpu.memory_space<vmem_shared>> -> memref<10112x128xf32, #tpu.memory_space<vmem_shared>>
      tpu.wait_indirect_dma semaphore(%arg18 : memref<!tpu.dma_semaphore, #tpu.memory_space<semaphore_mem>>) src(%arg12 : memref<128x128xf32, #tpu.memory_space<vmem>>) dst(%dma_wait3A_123 : memref<10112x128xf32, #tpu.memory_space<vmem_shared>>)
      %dma_start3A_124 = arith.constant 0 : i32
      %dma_start3A_125 = arith.constant 0 : i32
      %dma_start3A_126 = tpu.memref_slice %arg2[%dma_start3A_124, %dma_start3A_125] : memref<40000x128xf32, #tpu.memory_space<hbm>> -> memref<40000x128xf32, #tpu.memory_space<hbm>>
      tpu.enqueue_indirect_dma source(%dma_start3A_126 : memref<40000x128xf32, #tpu.memory_space<hbm>>) target(%arg12 : memref<128x128xf32, #tpu.memory_space<vmem>>) offsets(%arg9 : memref<128xi32, #tpu.memory_space<vmem>>) semaphore(%arg16 : memref<!tpu.dma_semaphore, #tpu.memory_space<semaphore_mem>>)
      %mul3A_127 = arith.constant 128 : i32
      %mul3A_128 = arith.muli %add3A_118, %mul3A_127 : i32
      %add3A_129 = arith.addi %mul3A_17, %mul3A_128 : i32
      "tpu.region"() ({
        %run_scoped3A = tpu.sem_alloc : memref<!tpu.dma_semaphore, #tpu.memory_space<semaphore_mem>>
        %dma_start3A_136 = tpu.memref_slice %arg4[%add3A_129] : memref<323584xi32, #tpu.memory_space<hbm>> -> memref<128xi32, #tpu.memory_space<hbm>>
        %dma_start3A_137 = tpu.memref_slice %arg4[%add3A_129] : memref<323584xi32, #tpu.memory_space<hbm>> -> memref<128xi32, #tpu.memory_space<hbm>>
        tpu.enqueue_dma source(%dma_start3A_137 : memref<128xi32, #tpu.memory_space<hbm>>) target(%arg10 : memref<128xi32, #tpu.memory_space<vmem>>) target_semaphore(%run_scoped3A : memref<!tpu.dma_semaphore, #tpu.memory_space<semaphore_mem>>)
        %dma_wait3A_138 = tpu.memref_slice %arg4[%add3A_129] : memref<323584xi32, #tpu.memory_space<hbm>> -> memref<128xi32, #tpu.memory_space<hbm>>
        %dma_wait3A_139 = tpu.memref_slice %arg4[%add3A_129] : memref<323584xi32, #tpu.memory_space<hbm>> -> memref<128xi32, #tpu.memory_space<hbm>>
        tpu.wait_dma2 semaphore(%run_scoped3A : memref<!tpu.dma_semaphore, #tpu.memory_space<semaphore_mem>>) src(%dma_wait3A_139 : memref<128xi32, #tpu.memory_space<hbm>>) dst(%arg10 : memref<128xi32, #tpu.memory_space<vmem>>)
        tpu.yield
      }) : () -> ()
      %dma_wait3A_130 = arith.constant 0 : i32
      %dma_wait3A_131 = arith.constant 0 : i32
      %dma_wait3A_132 = tpu.memref_slice %arg2[%dma_wait3A_130, %dma_wait3A_131] : memref<40000x128xf32, #tpu.memory_space<hbm>> -> memref<40000x128xf32, #tpu.memory_space<hbm>>
      tpu.wait_indirect_dma semaphore(%arg16 : memref<!tpu.dma_semaphore, #tpu.memory_space<semaphore_mem>>) src(%dma_wait3A_132 : memref<40000x128xf32, #tpu.memory_space<hbm>>) dst(%arg12 : memref<128x128xf32, #tpu.memory_space<vmem>>)
      %dma_start3A_133 = arith.constant 0 : i32
      %dma_start3A_134 = arith.constant 0 : i32
      %dma_start3A_135 = tpu.memref_slice %arg13[%dma_start3A_133, %dma_start3A_134] : memref<10112x128xf32, #tpu.memory_space<vmem_shared>> -> memref<10112x128xf32, #tpu.memory_space<vmem_shared>>
      tpu.enqueue_indirect_dma source(%arg12 : memref<128x128xf32, #tpu.memory_space<vmem>>) target(%dma_start3A_135 : memref<10112x128xf32, #tpu.memory_space<vmem_shared>>) offsets(%arg10 : memref<128xi32, #tpu.memory_space<vmem>>) semaphore(%arg18 : memref<!tpu.dma_semaphore, #tpu.memory_space<semaphore_mem>>) {add = true}
    }
    %while3A_64 = arith.constant 1 : i32
    scf.for %while3A_95 = %while3A_62 to %while3A_58 step %while3A_64  : i32 {
      %mul3A_96 = arith.constant 2 : i32
      %mul3A_97 = arith.muli %mul3A_96, %while3A_95 : i32
      %mul3A_98 = arith.constant 128 : i32
      %mul3A_99 = arith.muli %mul3A_97, %mul3A_98 : i32
      "tpu.region"() ({
        %run_scoped3A = tpu.sem_alloc : memref<!tpu.dma_semaphore, #tpu.memory_space<semaphore_mem>>
        %dma_start3A_136 = tpu.memref_slice %arg14[%arg1, %mul3A_99] : memref<16x13440xi32, #tpu.memory_space<vmem_shared>> -> memref<1x128xi32, #tpu.memory_space<vmem_shared>>
        %dma_start3A_137 = tpu.memref_squeeze %dma_start3A_136 : memref<1x128xi32, #tpu.memory_space<vmem_shared>> -> memref<128xi32, #tpu.memory_space<vmem_shared>>
        %dma_start3A_138 = tpu.memref_slice %arg14[%arg1, %mul3A_99] : memref<16x13440xi32, #tpu.memory_space<vmem_shared>> -> memref<1x128xi32, #tpu.memory_space<vmem_shared>>
        %dma_start3A_139 = tpu.memref_squeeze %dma_start3A_138 : memref<1x128xi32, #tpu.memory_space<vmem_shared>> -> memref<128xi32, #tpu.memory_space<vmem_shared>>
        tpu.enqueue_dma source(%dma_start3A_139 : memref<128xi32, #tpu.memory_space<vmem_shared>>) target(%arg7 : memref<128xi32, #tpu.memory_space<vmem>>) target_semaphore(%run_scoped3A : memref<!tpu.dma_semaphore, #tpu.memory_space<semaphore_mem>>)
        %dma_wait3A_140 = tpu.memref_slice %arg14[%arg1, %mul3A_99] : memref<16x13440xi32, #tpu.memory_space<vmem_shared>> -> memref<1x128xi32, #tpu.memory_space<vmem_shared>>
        %dma_wait3A_141 = tpu.memref_squeeze %dma_wait3A_140 : memref<1x128xi32, #tpu.memory_space<vmem_shared>> -> memref<128xi32, #tpu.memory_space<vmem_shared>>
        %dma_wait3A_142 = tpu.memref_slice %arg14[%arg1, %mul3A_99] : memref<16x13440xi32, #tpu.memory_space<vmem_shared>> -> memref<1x128xi32, #tpu.memory_space<vmem_shared>>
        %dma_wait3A_143 = tpu.memref_squeeze %dma_wait3A_142 : memref<1x128xi32, #tpu.memory_space<vmem_shared>> -> memref<128xi32, #tpu.memory_space<vmem_shared>>
        tpu.wait_dma2 semaphore(%run_scoped3A : memref<!tpu.dma_semaphore, #tpu.memory_space<semaphore_mem>>) src(%dma_wait3A_143 : memref<128xi32, #tpu.memory_space<vmem_shared>>) dst(%arg7 : memref<128xi32, #tpu.memory_space<vmem>>)
        tpu.yield
      }) : () -> ()
      %dma_wait3A_100 = arith.constant 0 : i32
      %dma_wait3A_101 = arith.constant 0 : i32
      %dma_wait3A_102 = tpu.memref_slice %arg13[%dma_wait3A_100, %dma_wait3A_101] : memref<10112x128xf32, #tpu.memory_space<vmem_shared>> -> memref<10112x128xf32, #tpu.memory_space<vmem_shared>>
      tpu.wait_indirect_dma semaphore(%arg17 : memref<!tpu.dma_semaphore, #tpu.memory_space<semaphore_mem>>) src(%arg11 : memref<128x128xf32, #tpu.memory_space<vmem>>) dst(%dma_wait3A_102 : memref<10112x128xf32, #tpu.memory_space<vmem_shared>>)
      %dma_start3A_103 = arith.constant 0 : i32
      %dma_start3A_104 = arith.constant 0 : i32
      %dma_start3A_105 = tpu.memref_slice %arg2[%dma_start3A_103, %dma_start3A_104] : memref<40000x128xf32, #tpu.memory_space<hbm>> -> memref<40000x128xf32, #tpu.memory_space<hbm>>
      tpu.enqueue_indirect_dma source(%dma_start3A_105 : memref<40000x128xf32, #tpu.memory_space<hbm>>) target(%arg11 : memref<128x128xf32, #tpu.memory_space<vmem>>) offsets(%arg7 : memref<128xi32, #tpu.memory_space<vmem>>) semaphore(%arg15 : memref<!tpu.dma_semaphore, #tpu.memory_space<semaphore_mem>>)
      %mul3A_106 = arith.constant 128 : i32
      %mul3A_107 = arith.muli %mul3A_97, %mul3A_106 : i32
      %add3A_108 = arith.addi %mul3A_17, %mul3A_107 : i32
      "tpu.region"() ({
        %run_scoped3A = tpu.sem_alloc : memref<!tpu.dma_semaphore, #tpu.memory_space<semaphore_mem>>
        %dma_start3A_136 = tpu.memref_slice %arg4[%add3A_108] : memref<323584xi32, #tpu.memory_space<hbm>> -> memref<128xi32, #tpu.memory_space<hbm>>
        %dma_start3A_137 = tpu.memref_slice %arg4[%add3A_108] : memref<323584xi32, #tpu.memory_space<hbm>> -> memref<128xi32, #tpu.memory_space<hbm>>
        tpu.enqueue_dma source(%dma_start3A_137 : memref<128xi32, #tpu.memory_space<hbm>>) target(%arg8 : memref<128xi32, #tpu.memory_space<vmem>>) target_semaphore(%run_scoped3A : memref<!tpu.dma_semaphore, #tpu.memory_space<semaphore_mem>>)
        %dma_wait3A_138 = tpu.memref_slice %arg4[%add3A_108] : memref<323584xi32, #tpu.memory_space<hbm>> -> memref<128xi32, #tpu.memory_space<hbm>>
        %dma_wait3A_139 = tpu.memref_slice %arg4[%add3A_108] : memref<323584xi32, #tpu.memory_space<hbm>> -> memref<128xi32, #tpu.memory_space<hbm>>
        tpu.wait_dma2 semaphore(%run_scoped3A : memref<!tpu.dma_semaphore, #tpu.memory_space<semaphore_mem>>) src(%dma_wait3A_139 : memref<128xi32, #tpu.memory_space<hbm>>) dst(%arg8 : memref<128xi32, #tpu.memory_space<vmem>>)
        tpu.yield
      }) : () -> ()
      %dma_wait3A_109 = arith.constant 0 : i32
      %dma_wait3A_110 = arith.constant 0 : i32
      %dma_wait3A_111 = tpu.memref_slice %arg2[%dma_wait3A_109, %dma_wait3A_110] : memref<40000x128xf32, #tpu.memory_space<hbm>> -> memref<40000x128xf32, #tpu.memory_space<hbm>>
      tpu.wait_indirect_dma semaphore(%arg15 : memref<!tpu.dma_semaphore, #tpu.memory_space<semaphore_mem>>) src(%dma_wait3A_111 : memref<40000x128xf32, #tpu.memory_space<hbm>>) dst(%arg11 : memref<128x128xf32, #tpu.memory_space<vmem>>)
      %dma_start3A_112 = arith.constant 0 : i32
      %dma_start3A_113 = arith.constant 0 : i32
      %dma_start3A_114 = tpu.memref_slice %arg13[%dma_start3A_112, %dma_start3A_113] : memref<10112x128xf32, #tpu.memory_space<vmem_shared>> -> memref<10112x128xf32, #tpu.memory_space<vmem_shared>>
      tpu.enqueue_indirect_dma source(%arg11 : memref<128x128xf32, #tpu.memory_space<vmem>>) target(%dma_start3A_114 : memref<10112x128xf32, #tpu.memory_space<vmem_shared>>) offsets(%arg8 : memref<128xi32, #tpu.memory_space<vmem>>) semaphore(%arg17 : memref<!tpu.dma_semaphore, #tpu.memory_space<semaphore_mem>>) {add = true}
      %mul3A_115 = arith.constant 2 : i32
      %mul3A_116 = arith.muli %mul3A_115, %while3A_95 : i32
      %add3A_117 = arith.constant 1 : i32
      %add3A_118 = arith.addi %mul3A_116, %add3A_117 : i32
      %mul3A_119 = arith.constant 128 : i32
      %mul3A_120 = arith.muli %add3A_118, %mul3A_119 : i32
      "tpu.region"() ({
        %run_scoped3A = tpu.sem_alloc : memref<!tpu.dma_semaphore, #tpu.memory_space<semaphore_mem>>
        %dma_start3A_136 = tpu.memref_slice %arg14[%arg1, %mul3A_120] : memref<16x13440xi32, #tpu.memory_space<vmem_shared>> -> memref<1x128xi32, #tpu.memory_space<vmem_shared>>
        %dma_start3A_137 = tpu.memref_squeeze %dma_start3A_136 : memref<1x128xi32, #tpu.memory_space<vmem_shared>> -> memref<128xi32, #tpu.memory_space<vmem_shared>>
        %dma_start3A_138 = tpu.memref_slice %arg14[%arg1, %mul3A_120] : memref<16x13440xi32, #tpu.memory_space<vmem_shared>> -> memref<1x128xi32, #tpu.memory_space<vmem_shared>>
        %dma_start3A_139 = tpu.memref_squeeze %dma_start3A_138 : memref<1x128xi32, #tpu.memory_space<vmem_shared>> -> memref<128xi32, #tpu.memory_space<vmem_shared>>
        tpu.enqueue_dma source(%dma_start3A_139 : memref<128xi32, #tpu.memory_space<vmem_shared>>) target(%arg9 : memref<128xi32, #tpu.memory_space<vmem>>) target_semaphore(%run_scoped3A : memref<!tpu.dma_semaphore, #tpu.memory_space<semaphore_mem>>)
        %dma_wait3A_140 = tpu.memref_slice %arg14[%arg1, %mul3A_120] : memref<16x13440xi32, #tpu.memory_space<vmem_shared>> -> memref<1x128xi32, #tpu.memory_space<vmem_shared>>
        %dma_wait3A_141 = tpu.memref_squeeze %dma_wait3A_140 : memref<1x128xi32, #tpu.memory_space<vmem_shared>> -> memref<128xi32, #tpu.memory_space<vmem_shared>>
        %dma_wait3A_142 = tpu.memref_slice %arg14[%arg1, %mul3A_120] : memref<16x13440xi32, #tpu.memory_space<vmem_shared>> -> memref<1x128xi32, #tpu.memory_space<vmem_shared>>
        %dma_wait3A_143 = tpu.memref_squeeze %dma_wait3A_142 : memref<1x128xi32, #tpu.memory_space<vmem_shared>> -> memref<128xi32, #tpu.memory_space<vmem_shared>>
        tpu.wait_dma2 semaphore(%run_scoped3A : memref<!tpu.dma_semaphore, #tpu.memory_space<semaphore_mem>>) src(%dma_wait3A_143 : memref<128xi32, #tpu.memory_space<vmem_shared>>) dst(%arg9 : memref<128xi32, #tpu.memory_space<vmem>>)
        tpu.yield
      }) : () -> ()
      %dma_wait3A_121 = arith.constant 0 : i32
      %dma_wait3A_122 = arith.constant 0 : i32
      %dma_wait3A_123 = tpu.memref_slice %arg13[%dma_wait3A_121, %dma_wait3A_122] : memref<10112x128xf32, #tpu.memory_space<vmem_shared>> -> memref<10112x128xf32, #tpu.memory_space<vmem_shared>>
      tpu.wait_indirect_dma semaphore(%arg18 : memref<!tpu.dma_semaphore, #tpu.memory_space<semaphore_mem>>) src(%arg12 : memref<128x128xf32, #tpu.memory_space<vmem>>) dst(%dma_wait3A_123 : memref<10112x128xf32, #tpu.memory_space<vmem_shared>>)
      %dma_start3A_124 = arith.constant 0 : i32
      %dma_start3A_125 = arith.constant 0 : i32
      %dma_start3A_126 = tpu.memref_slice %arg2[%dma_start3A_124, %dma_start3A_125] : memref<40000x128xf32, #tpu.memory_space<hbm>> -> memref<40000x128xf32, #tpu.memory_space<hbm>>
      tpu.enqueue_indirect_dma source(%dma_start3A_126 : memref<40000x128xf32, #tpu.memory_space<hbm>>) target(%arg12 : memref<128x128xf32, #tpu.memory_space<vmem>>) offsets(%arg9 : memref<128xi32, #tpu.memory_space<vmem>>) semaphore(%arg16 : memref<!tpu.dma_semaphore, #tpu.memory_space<semaphore_mem>>)
      %mul3A_127 = arith.constant 128 : i32
      %mul3A_128 = arith.muli %add3A_118, %mul3A_127 : i32
      %add3A_129 = arith.addi %mul3A_17, %mul3A_128 : i32
      "tpu.region"() ({
        %run_scoped3A = tpu.sem_alloc : memref<!tpu.dma_semaphore, #tpu.memory_space<semaphore_mem>>
        %dma_start3A_136 = tpu.memref_slice %arg4[%add3A_129] : memref<323584xi32, #tpu.memory_space<hbm>> -> memref<128xi32, #tpu.memory_space<hbm>>
        %dma_start3A_137 = tpu.memref_slice %arg4[%add3A_129] : memref<323584xi32, #tpu.memory_space<hbm>> -> memref<128xi32, #tpu.memory_space<hbm>>
        tpu.enqueue_dma source(%dma_start3A_137 : memref<128xi32, #tpu.memory_space<hbm>>) target(%arg10 : memref<128xi32, #tpu.memory_space<vmem>>) target_semaphore(%run_scoped3A : memref<!tpu.dma_semaphore, #tpu.memory_space<semaphore_mem>>)
        %dma_wait3A_138 = tpu.memref_slice %arg4[%add3A_129] : memref<323584xi32, #tpu.memory_space<hbm>> -> memref<128xi32, #tpu.memory_space<hbm>>
        %dma_wait3A_139 = tpu.memref_slice %arg4[%add3A_129] : memref<323584xi32, #tpu.memory_space<hbm>> -> memref<128xi32, #tpu.memory_space<hbm>>
        tpu.wait_dma2 semaphore(%run_scoped3A : memref<!tpu.dma_semaphore, #tpu.memory_space<semaphore_mem>>) src(%dma_wait3A_139 : memref<128xi32, #tpu.memory_space<hbm>>) dst(%arg10 : memref<128xi32, #tpu.memory_space<vmem>>)
        tpu.yield
      }) : () -> ()
      %dma_wait3A_130 = arith.constant 0 : i32
      %dma_wait3A_131 = arith.constant 0 : i32
      %dma_wait3A_132 = tpu.memref_slice %arg2[%dma_wait3A_130, %dma_wait3A_131] : memref<40000x128xf32, #tpu.memory_space<hbm>> -> memref<40000x128xf32, #tpu.memory_space<hbm>>
      tpu.wait_indirect_dma semaphore(%arg16 : memref<!tpu.dma_semaphore, #tpu.memory_space<semaphore_mem>>) src(%dma_wait3A_132 : memref<40000x128xf32, #tpu.memory_space<hbm>>) dst(%arg12 : memref<128x128xf32, #tpu.memory_space<vmem>>)
      %dma_start3A_133 = arith.constant 0 : i32
      %dma_start3A_134 = arith.constant 0 : i32
      %dma_start3A_135 = tpu.memref_slice %arg13[%dma_start3A_133, %dma_start3A_134] : memref<10112x128xf32, #tpu.memory_space<vmem_shared>> -> memref<10112x128xf32, #tpu.memory_space<vmem_shared>>
      tpu.enqueue_indirect_dma source(%arg12 : memref<128x128xf32, #tpu.memory_space<vmem>>) target(%dma_start3A_135 : memref<10112x128xf32, #tpu.memory_space<vmem_shared>>) offsets(%arg10 : memref<128xi32, #tpu.memory_space<vmem>>) semaphore(%arg18 : memref<!tpu.dma_semaphore, #tpu.memory_space<semaphore_mem>>) {add = true}
    }
    %sub3A_65 = arith.constant 1 : i32
    %sub3A_66 = arith.subi %select_n3A, %sub3A_65 : i32
    %mul3A_67 = arith.constant 128 : i32
    %mul3A_68 = arith.muli %sub3A_66, %mul3A_67 : i32
    "tpu.region"() ({
      %run_scoped3A = tpu.sem_alloc : memref<!tpu.dma_semaphore, #tpu.memory_space<semaphore_mem>>
      %dma_start3A_95 = tpu.memref_slice %arg14[%arg1, %mul3A_68] : memref<16x13440xi32, #tpu.memory_space<vmem_shared>> -> memref<1x128xi32, #tpu.memory_space<vmem_shared>>
      %dma_start3A_96 = tpu.memref_squeeze %dma_start3A_95 : memref<1x128xi32, #tpu.memory_space<vmem_shared>> -> memref<128xi32, #tpu.memory_space<vmem_shared>>
      %dma_start3A_97 = tpu.memref_slice %arg14[%arg1, %mul3A_68] : memref<16x13440xi32, #tpu.memory_space<vmem_shared>> -> memref<1x128xi32, #tpu.memory_space<vmem_shared>>
      %dma_start3A_98 = tpu.memref_squeeze %dma_start3A_97 : memref<1x128xi32, #tpu.memory_space<vmem_shared>> -> memref<128xi32, #tpu.memory_space<vmem_shared>>
      tpu.enqueue_dma source(%dma_start3A_98 : memref<128xi32, #tpu.memory_space<vmem_shared>>) target(%arg7 : memref<128xi32, #tpu.memory_space<vmem>>) target_semaphore(%run_scoped3A : memref<!tpu.dma_semaphore, #tpu.memory_space<semaphore_mem>>)
      %dma_wait3A_99 = tpu.memref_slice %arg14[%arg1, %mul3A_68] : memref<16x13440xi32, #tpu.memory_space<vmem_shared>> -> memref<1x128xi32, #tpu.memory_space<vmem_shared>>
      %dma_wait3A_100 = tpu.memref_squeeze %dma_wait3A_99 : memref<1x128xi32, #tpu.memory_space<vmem_shared>> -> memref<128xi32, #tpu.memory_space<vmem_shared>>
      %dma_wait3A_101 = tpu.memref_slice %arg14[%arg1, %mul3A_68] : memref<16x13440xi32, #tpu.memory_space<vmem_shared>> -> memref<1x128xi32, #tpu.memory_space<vmem_shared>>
      %dma_wait3A_102 = tpu.memref_squeeze %dma_wait3A_101 : memref<1x128xi32, #tpu.memory_space<vmem_shared>> -> memref<128xi32, #tpu.memory_space<vmem_shared>>
      tpu.wait_dma2 semaphore(%run_scoped3A : memref<!tpu.dma_semaphore, #tpu.memory_space<semaphore_mem>>) src(%dma_wait3A_102 : memref<128xi32, #tpu.memory_space<vmem_shared>>) dst(%arg7 : memref<128xi32, #tpu.memory_space<vmem>>)
      tpu.yield
    }) : () -> ()
    %dma_wait3A_69 = arith.constant 0 : i32
    %dma_wait3A_70 = arith.constant 0 : i32
    %dma_wait3A_71 = tpu.memref_slice %arg13[%dma_wait3A_69, %dma_wait3A_70] : memref<10112x128xf32, #tpu.memory_space<vmem_shared>> -> memref<10112x128xf32, #tpu.memory_space<vmem_shared>>
    tpu.wait_indirect_dma semaphore(%arg17 : memref<!tpu.dma_semaphore, #tpu.memory_space<semaphore_mem>>) src(%arg11 : memref<128x128xf32, #tpu.memory_space<vmem>>) dst(%dma_wait3A_71 : memref<10112x128xf32, #tpu.memory_space<vmem_shared>>)
    %dma_start3A_72 = arith.constant 0 : i32
    %dma_start3A_73 = arith.constant 0 : i32
    %dma_start3A_74 = tpu.memref_slice %arg2[%dma_start3A_72, %dma_start3A_73] : memref<40000x128xf32, #tpu.memory_space<hbm>> -> memref<40000x128xf32, #tpu.memory_space<hbm>>
    tpu.enqueue_indirect_dma source(%dma_start3A_74 : memref<40000x128xf32, #tpu.memory_space<hbm>>) target(%arg11 : memref<128x128xf32, #tpu.memory_space<vmem>>) offsets(%arg7 : memref<128xi32, #tpu.memory_space<vmem>>) semaphore(%arg15 : memref<!tpu.dma_semaphore, #tpu.memory_space<semaphore_mem>>)
    %mul3A_75 = arith.constant 128 : i32
    %mul3A_76 = arith.muli %sub3A_66, %mul3A_75 : i32
    %add3A_77 = arith.addi %mul3A_17, %mul3A_76 : i32
    "tpu.region"() ({
      %run_scoped3A = tpu.sem_alloc : memref<!tpu.dma_semaphore, #tpu.memory_space<semaphore_mem>>
      %dma_start3A_95 = tpu.memref_slice %arg4[%add3A_77] : memref<323584xi32, #tpu.memory_space<hbm>> -> memref<128xi32, #tpu.memory_space<hbm>>
      %dma_start3A_96 = tpu.memref_slice %arg4[%add3A_77] : memref<323584xi32, #tpu.memory_space<hbm>> -> memref<128xi32, #tpu.memory_space<hbm>>
      tpu.enqueue_dma source(%dma_start3A_96 : memref<128xi32, #tpu.memory_space<hbm>>) target(%arg8 : memref<128xi32, #tpu.memory_space<vmem>>) target_semaphore(%run_scoped3A : memref<!tpu.dma_semaphore, #tpu.memory_space<semaphore_mem>>)
      %dma_wait3A_97 = tpu.memref_slice %arg4[%add3A_77] : memref<323584xi32, #tpu.memory_space<hbm>> -> memref<128xi32, #tpu.memory_space<hbm>>
      %dma_wait3A_98 = tpu.memref_slice %arg4[%add3A_77] : memref<323584xi32, #tpu.memory_space<hbm>> -> memref<128xi32, #tpu.memory_space<hbm>>
      tpu.wait_dma2 semaphore(%run_scoped3A : memref<!tpu.dma_semaphore, #tpu.memory_space<semaphore_mem>>) src(%dma_wait3A_98 : memref<128xi32, #tpu.memory_space<hbm>>) dst(%arg8 : memref<128xi32, #tpu.memory_space<vmem>>)
      tpu.yield
    }) : () -> ()
    %dma_wait3A_78 = arith.constant 0 : i32
    %dma_wait3A_79 = arith.constant 0 : i32
    %dma_wait3A_80 = tpu.memref_slice %arg2[%dma_wait3A_78, %dma_wait3A_79] : memref<40000x128xf32, #tpu.memory_space<hbm>> -> memref<40000x128xf32, #tpu.memory_space<hbm>>
    tpu.wait_indirect_dma semaphore(%arg15 : memref<!tpu.dma_semaphore, #tpu.memory_space<semaphore_mem>>) src(%dma_wait3A_80 : memref<40000x128xf32, #tpu.memory_space<hbm>>) dst(%arg11 : memref<128x128xf32, #tpu.memory_space<vmem>>)
    %dma_start3A_81 = arith.constant 0 : i32
    %dma_start3A_82 = arith.constant 0 : i32
    %dma_start3A_83 = tpu.memref_slice %arg13[%dma_start3A_81, %dma_start3A_82] : memref<10112x128xf32, #tpu.memory_space<vmem_shared>> -> memref<10112x128xf32, #tpu.memory_space<vmem_shared>>
    tpu.enqueue_indirect_dma source(%arg11 : memref<128x128xf32, #tpu.memory_space<vmem>>) target(%dma_start3A_83 : memref<10112x128xf32, #tpu.memory_space<vmem_shared>>) offsets(%arg8 : memref<128xi32, #tpu.memory_space<vmem>>) semaphore(%arg17 : memref<!tpu.dma_semaphore, #tpu.memory_space<semaphore_mem>>) {add = true}
    %dma_wait3A_84 = arith.constant 0 : i32
    %dma_wait3A_85 = arith.constant 0 : i32
    %dma_wait3A_86 = tpu.memref_slice %arg13[%dma_wait3A_84, %dma_wait3A_85] : memref<10112x128xf32, #tpu.memory_space<vmem_shared>> -> memref<10112x128xf32, #tpu.memory_space<vmem_shared>>
    tpu.wait_indirect_dma semaphore(%arg17 : memref<!tpu.dma_semaphore, #tpu.memory_space<semaphore_mem>>) src(%arg11 : memref<128x128xf32, #tpu.memory_space<vmem>>) dst(%dma_wait3A_86 : memref<10112x128xf32, #tpu.memory_space<vmem_shared>>)
    %dma_wait3A_87 = arith.constant 0 : i32
    %dma_wait3A_88 = arith.constant 0 : i32
    %dma_wait3A_89 = tpu.memref_slice %arg13[%dma_wait3A_87, %dma_wait3A_88] : memref<10112x128xf32, #tpu.memory_space<vmem_shared>> -> memref<10112x128xf32, #tpu.memory_space<vmem_shared>>
    tpu.wait_indirect_dma semaphore(%arg18 : memref<!tpu.dma_semaphore, #tpu.memory_space<semaphore_mem>>) src(%arg12 : memref<128x128xf32, #tpu.memory_space<vmem>>) dst(%dma_wait3A_89 : memref<10112x128xf32, #tpu.memory_space<vmem_shared>>)
    %barrier3A_90 = arith.constant 0 : index
    tpu.barrier barrier_id(%barrier3A_90)
    %mul3A_91 = arith.constant 632 : i32
    %mul3A_92 = arith.muli %arg1, %mul3A_91 : i32
    %mul3A_93 = arith.constant 632 : i32
    %mul3A_94 = arith.muli %arg1, %mul3A_93 : i32
    "tpu.region"() ({
      %run_scoped3A = tpu.sem_alloc : memref<!tpu.dma_semaphore, #tpu.memory_space<semaphore_mem>>
      %dma_start3A_95 = arith.constant 0 : i32
      %dma_start3A_96 = tpu.memref_slice %arg6[%arg0, %mul3A_94, %dma_start3A_95] : memref<2x10112x128xf32, #tpu.memory_space<hbm>> -> memref<1x632x128xf32, #tpu.memory_space<hbm>>
      %dma_start3A_97 = tpu.memref_squeeze %dma_start3A_96 : memref<1x632x128xf32, #tpu.memory_space<hbm>> -> memref<632x128xf32, #tpu.memory_space<hbm>>
      %dma_start3A_98 = arith.constant 0 : i32
      %dma_start3A_99 = tpu.memref_slice %arg13[%mul3A_92, %dma_start3A_98] : memref<10112x128xf32, #tpu.memory_space<vmem_shared>> -> memref<632x128xf32, #tpu.memory_space<vmem_shared>>
      tpu.enqueue_dma source(%dma_start3A_99 : memref<632x128xf32, #tpu.memory_space<vmem_shared>>) target(%dma_start3A_97 : memref<632x128xf32, #tpu.memory_space<hbm>>) target_semaphore(%run_scoped3A : memref<!tpu.dma_semaphore, #tpu.memory_space<semaphore_mem>>)
      %dma_wait3A_100 = arith.constant 0 : i32
      %dma_wait3A_101 = tpu.memref_slice %arg6[%arg0, %mul3A_94, %dma_wait3A_100] : memref<2x10112x128xf32, #tpu.memory_space<hbm>> -> memref<1x632x128xf32, #tpu.memory_space<hbm>>
      %dma_wait3A_102 = tpu.memref_squeeze %dma_wait3A_101 : memref<1x632x128xf32, #tpu.memory_space<hbm>> -> memref<632x128xf32, #tpu.memory_space<hbm>>
      %dma_wait3A_103 = arith.constant 0 : i32
      %dma_wait3A_104 = tpu.memref_slice %arg13[%mul3A_92, %dma_wait3A_103] : memref<10112x128xf32, #tpu.memory_space<vmem_shared>> -> memref<632x128xf32, #tpu.memory_space<vmem_shared>>
      tpu.wait_dma2 semaphore(%run_scoped3A : memref<!tpu.dma_semaphore, #tpu.memory_space<semaphore_mem>>) src(%dma_wait3A_104 : memref<632x128xf32, #tpu.memory_space<vmem_shared>>) dst(%dma_wait3A_102 : memref<632x128xf32, #tpu.memory_space<hbm>>)
      tpu.yield
    }) : () -> ()
    return
  }
}

module attributes {stable_mosaic.version = 14 : i64} {
  func.func @_etyp_body(%arg0: i32, %arg1: i32, %arg2: memref<1000x128xf32, #tpu.memory_space<vmem>>, %arg3: memref<1x128x128xf32, #tpu.memory_space<vmem>>, %arg4: memref<1x1x128xf32, #tpu.memory_space<vmem>>, %arg5: memref<1x1000x128xf32, #tpu.memory_space<vmem>>) attributes {dimension_semantics = [#tpu.dimension_semantics<arbitrary>, #tpu.dimension_semantics<arbitrary>], iteration_bounds = array<i64: 4, 10>, scalar_prefetch = 0 : i64, scratch_operands = 0 : i64, tpu.core_type = #tpu.core_type<tc>, window_params = [{transform_indices = @transform_0, window_bounds = array<i64: 1000, 128>}, {transform_indices = @transform_1, window_bounds = array<i64: 1, 128, 128>}, {transform_indices = @transform_2, window_bounds = array<i64: 1, 1, 128>}, {transform_indices = @transform_3, window_bounds = array<i64: 1, 1000, 128>}]} {
    %get3A = arith.constant 0 : index
    %get3A_0 = arith.constant 0 : index
    %get3A_1 = vector.load %arg2[%get3A, %get3A_0] : memref<1000x128xf32, #tpu.memory_space<vmem>>, vector<1000x128xf32>
    %get3A_2 = arith.constant 0 : index
    %get3A_3 = arith.constant 0 : index
    %get3A_4 = arith.constant 0 : index
    %get3A_5 = vector.load %arg3[%get3A_2, %get3A_3, %get3A_4] : memref<1x128x128xf32, #tpu.memory_space<vmem>>, vector<1x128x128xf32>
    %get3A_6 = vector.shape_cast %get3A_5 : vector<1x128x128xf32> to vector<128x128xf32>
    %dot_general3A = arith.constant dense<0.000000e+00> : vector<1000x128xf32>
    %dot_general3A_7 = tpu.matmul %get3A_1, %get3A_6, %dot_general3A {dimension_numbers = #tpu.dot_dimension_numbers<[1], [0], [0], [1], [0, 0, 1, 1], [], []>, transpose_lhs_hint = false} : vector<1000x128xf32>, vector<128x128xf32>, vector<1000x128xf32> -> vector<1000x128xf32>
    %get3A_8 = arith.constant 0 : index
    %get3A_9 = arith.constant 0 : index
    %get3A_10 = arith.constant 0 : index
    %get3A_11 = vector.load %arg4[%get3A_8, %get3A_9, %get3A_10] : memref<1x1x128xf32, #tpu.memory_space<vmem>>, vector<1x1x128xf32>
    %get3A_12 = vector.shape_cast %get3A_11 : vector<1x1x128xf32> to vector<1x128xf32>
    %add3A = vector.broadcast %get3A_12 : vector<1x128xf32> to vector<1000x128xf32>
    %add3A_13 = arith.addf %dot_general3A_7, %add3A : vector<1000x128xf32>
    %swap3A = arith.constant 0 : index
    %swap3A_14 = arith.constant 0 : index
    %swap3A_15 = arith.constant 0 : index
    %swap3A_16 = vector.load %arg5[%swap3A, %swap3A_14, %swap3A_15] : memref<1x1000x128xf32, #tpu.memory_space<vmem>>, vector<1x1000x128xf32>
    %swap3A_17 = vector.shape_cast %swap3A_16 : vector<1x1000x128xf32> to vector<1000x128xf32>
    %swap3A_18 = vector.shape_cast %add3A_13 : vector<1000x128xf32> to vector<1x1000x128xf32>
    tpu.vector_store %arg5[%swap3A, %swap3A_14, %swap3A_15], %swap3A_18 {strides = array<i32>} : memref<1x1000x128xf32, #tpu.memory_space<vmem>>, vector<1x1000x128xf32>,
    return
  }
  func.func @transform_0(%arg0: i32, %arg1: i32) -> (i32, i32) {
    %c0_i32 = arith.constant 0 : i32
    %c0_i32_0 = arith.constant 0 : i32
    return %arg1, %c0_i32 : i32, i32
  }
  func.func @transform_1(%arg0: i32, %arg1: i32) -> (i32, i32, i32) {
    %c0_i32 = arith.constant 0 : i32
    %c0_i32_0 = arith.constant 0 : i32
    %c0_i32_1 = arith.constant 0 : i32
    return %arg0, %c0_i32, %c0_i32_0 : i32, i32, i32
  }
  func.func @transform_2(%arg0: i32, %arg1: i32) -> (i32, i32, i32) {
    %c0_i32 = arith.constant 0 : i32
    %c0_i32_0 = arith.constant 0 : i32
    %c0_i32_1 = arith.constant 0 : i32
    return %arg0, %c0_i32, %c0_i32_0 : i32, i32, i32
  }
  func.func @transform_3(%arg0: i32, %arg1: i32) -> (i32, i32, i32) {
    %c0_i32 = arith.constant 0 : i32
    %c0_i32_0 = arith.constant 0 : i32
    return %arg0, %arg1, %c0_i32 : i32, i32, i32
  }
}

module attributes {stable_mosaic.version = 14 : i64} {
  func.func @_gru_fused_body(%arg0: i32, %arg1: memref<2x1000x128xf32, #tpu.memory_space<vmem>>, %arg2: memref<1000x128xf32, #tpu.memory_space<vmem>>, %arg3: memref<128x384xf32, #tpu.memory_space<vmem>>, %arg4: memref<128x384xf32, #tpu.memory_space<vmem>>, %arg5: memref<1x384xf32, #tpu.memory_space<vmem>>, %arg6: memref<1x384xf32, #tpu.memory_space<vmem>>, %arg7: memref<4x128x128xf32, #tpu.memory_space<vmem>>, %arg8: memref<4x1x128xf32, #tpu.memory_space<vmem>>, %arg9: memref<1000x128xf32, #tpu.memory_space<vmem>>, %arg10: memref<4x1000x128xf32, #tpu.memory_space<vmem>>) attributes {dimension_semantics = [#tpu.dimension_semantics<arbitrary>], iteration_bounds = array<i64: 10>, scalar_prefetch = 0 : i64, scratch_operands = 0 : i64, tpu.core_type = #tpu.core_type<tc>, window_params = [{transform_indices = @transform_0, window_bounds = array<i64: 2, 1000, 128>}, {transform_indices = @transform_1, window_bounds = array<i64: 1000, 128>}, {pipeline_mode = #tpu.pipeline_mode<synchronous>, transform_indices = @transform_2, window_bounds = array<i64: 128, 384>}, {pipeline_mode = #tpu.pipeline_mode<synchronous>, transform_indices = @transform_3, window_bounds = array<i64: 128, 384>}, {pipeline_mode = #tpu.pipeline_mode<synchronous>, transform_indices = @transform_4, window_bounds = array<i64: 1, 384>}, {pipeline_mode = #tpu.pipeline_mode<synchronous>, transform_indices = @transform_5, window_bounds = array<i64: 1, 384>}, {pipeline_mode = #tpu.pipeline_mode<synchronous>, transform_indices = @transform_6, window_bounds = array<i64: 4, 128, 128>}, {pipeline_mode = #tpu.pipeline_mode<synchronous>, transform_indices = @transform_7, window_bounds = array<i64: 4, 1, 128>}, {transform_indices = @transform_8, window_bounds = array<i64: 1000, 128>}, {transform_indices = @transform_9, window_bounds = array<i64: 4, 1000, 128>}]} {
    %get3A = arith.constant 0 : index
    %get3A_0 = arith.constant 0 : index
    %get3A_1 = arith.constant 0 : index
    %get3A_2 = vector.load %arg1[%get3A, %get3A_0, %get3A_1] : memref<2x1000x128xf32, #tpu.memory_space<vmem>>, vector<1x1000x128xf32>
    %get3A_3 = vector.shape_cast %get3A_2 : vector<1x1000x128xf32> to vector<1000x128xf32>
    %get3A_4 = arith.constant 1 : index
    %get3A_5 = arith.constant 0 : index
    %get3A_6 = arith.constant 0 : index
    %get3A_7 = vector.load %arg1[%get3A_4, %get3A_5, %get3A_6] : memref<2x1000x128xf32, #tpu.memory_space<vmem>>, vector<1x1000x128xf32>
    %get3A_8 = vector.shape_cast %get3A_7 : vector<1x1000x128xf32> to vector<1000x128xf32>
    %add3A = arith.addf %get3A_3, %get3A_8 : vector<1000x128xf32>
    %get3A_9 = arith.constant 0 : index
    %get3A_10 = arith.constant 0 : index
    %get3A_11 = vector.load %arg2[%get3A_9, %get3A_10] : memref<1000x128xf32, #tpu.memory_space<vmem>>, vector<1000x128xf32>
    %get3A_12 = arith.constant 0 : index
    %get3A_13 = arith.constant 0 : index
    %get3A_14 = vector.load %arg3[%get3A_12, %get3A_13] : memref<128x384xf32, #tpu.memory_space<vmem>>, vector<128x384xf32>
    %dot_general3A = arith.constant dense<0.000000e+00> : vector<1000x384xf32>
    %dot_general3A_15 = tpu.matmul %add3A, %get3A_14, %dot_general3A {dimension_numbers = #tpu.dot_dimension_numbers<[1], [0], [0], [1], [0, 0, 1, 1], [], []>, transpose_lhs_hint = false} : vector<1000x128xf32>, vector<128x384xf32>, vector<1000x384xf32> -> vector<1000x384xf32>
    %get3A_16 = arith.constant 0 : index
    %get3A_17 = arith.constant 0 : index
    %get3A_18 = vector.load %arg5[%get3A_16, %get3A_17] : memref<1x384xf32, #tpu.memory_space<vmem>>, vector<1x384xf32>
    %add3A_19 = vector.broadcast %get3A_18 : vector<1x384xf32> to vector<1000x384xf32>
    %add3A_20 = arith.addf %dot_general3A_15, %add3A_19 : vector<1000x384xf32>
    %get3A_21 = arith.constant 0 : index
    %get3A_22 = arith.constant 0 : index
    %get3A_23 = vector.load %arg4[%get3A_21, %get3A_22] : memref<128x384xf32, #tpu.memory_space<vmem>>, vector<128x384xf32>
    %dot_general3A_24 = arith.constant dense<0.000000e+00> : vector<1000x384xf32>
    %dot_general3A_25 = tpu.matmul %get3A_11, %get3A_23, %dot_general3A_24 {dimension_numbers = #tpu.dot_dimension_numbers<[1], [0], [0], [1], [0, 0, 1, 1], [], []>, transpose_lhs_hint = false} : vector<1000x128xf32>, vector<128x384xf32>, vector<1000x384xf32> -> vector<1000x384xf32>
    %get3A_26 = arith.constant 0 : index
    %get3A_27 = arith.constant 0 : index
    %get3A_28 = vector.load %arg6[%get3A_26, %get3A_27] : memref<1x384xf32, #tpu.memory_space<vmem>>, vector<1x384xf32>
    %add3A_29 = vector.broadcast %get3A_28 : vector<1x384xf32> to vector<1000x384xf32>
    %add3A_30 = arith.addf %dot_general3A_25, %add3A_29 : vector<1000x384xf32>
    %slice3A = vector.extract_strided_slice %add3A_20 {offsets = [0, 0], sizes = [1000, 128], strides = [1, 1]} : vector<1000x384xf32> to vector<1000x128xf32>
    %slice3A_31 = vector.extract_strided_slice %add3A_30 {offsets = [0, 0], sizes = [1000, 128], strides = [1, 1]} : vector<1000x384xf32> to vector<1000x128xf32>
    %add3A_32 = arith.addf %slice3A, %slice3A_31 : vector<1000x128xf32>
    %logistic3A = arith.negf %add3A_32 : vector<1000x128xf32>
    %logistic3A_33 = math.exp %logistic3A : vector<1000x128xf32>
    %logistic3A_34 = arith.constant 1.000000e+00 : f32
    %logistic3A_35 = vector.broadcast %logistic3A_34 : f32 to vector<1000x128xf32>
    %logistic3A_36 = arith.addf %logistic3A_35, %logistic3A_33 : vector<1000x128xf32>
    %logistic3A_37 = arith.divf %logistic3A_35, %logistic3A_36 : vector<1000x128xf32>
    %slice3A_38 = vector.extract_strided_slice %add3A_20 {offsets = [0, 128], sizes = [1000, 128], strides = [1, 1]} : vector<1000x384xf32> to vector<1000x128xf32>
    %slice3A_39 = vector.extract_strided_slice %add3A_30 {offsets = [0, 128], sizes = [1000, 128], strides = [1, 1]} : vector<1000x384xf32> to vector<1000x128xf32>
    %add3A_40 = arith.addf %slice3A_38, %slice3A_39 : vector<1000x128xf32>
    %logistic3A_41 = arith.negf %add3A_40 : vector<1000x128xf32>
    %logistic3A_42 = math.exp %logistic3A_41 : vector<1000x128xf32>
    %logistic3A_43 = arith.constant 1.000000e+00 : f32
    %logistic3A_44 = vector.broadcast %logistic3A_43 : f32 to vector<1000x128xf32>
    %logistic3A_45 = arith.addf %logistic3A_44, %logistic3A_42 : vector<1000x128xf32>
    %logistic3A_46 = arith.divf %logistic3A_44, %logistic3A_45 : vector<1000x128xf32>
    %slice3A_47 = vector.extract_strided_slice %add3A_20 {offsets = [0, 256], sizes = [1000, 128], strides = [1, 1]} : vector<1000x384xf32> to vector<1000x128xf32>
    %slice3A_48 = vector.extract_strided_slice %add3A_30 {offsets = [0, 256], sizes = [1000, 128], strides = [1, 1]} : vector<1000x384xf32> to vector<1000x128xf32>
    %mul3A = arith.mulf %logistic3A_37, %slice3A_48 : vector<1000x128xf32>
    %add3A_49 = arith.addf %slice3A_47, %mul3A : vector<1000x128xf32>
    %tanh3A = math.tanh %add3A_49 : vector<1000x128xf32>
    %sub3A = arith.constant 1.000000e+00 : f32
    %sub3A_50 = vector.broadcast %sub3A : f32 to vector<1000x128xf32>
    %sub3A_51 = arith.subf %sub3A_50, %logistic3A_46 : vector<1000x128xf32>
    %mul3A_52 = arith.mulf %sub3A_51, %tanh3A : vector<1000x128xf32>
    %mul3A_53 = arith.mulf %logistic3A_46, %get3A_11 : vector<1000x128xf32>
    %add3A_54 = arith.addf %mul3A_52, %mul3A_53 : vector<1000x128xf32>
    %swap3A = arith.constant 0 : index
    %swap3A_55 = arith.constant 0 : index
    %swap3A_56 = vector.load %arg9[%swap3A, %swap3A_55] : memref<1000x128xf32, #tpu.memory_space<vmem>>, vector<1000x128xf32>
    tpu.vector_store %arg9[%swap3A, %swap3A_55], %add3A_54 {strides = array<i32>} : memref<1000x128xf32, #tpu.memory_space<vmem>>, vector<1000x128xf32>,
    %get3A_57 = arith.constant 0 : index
    %get3A_58 = arith.constant 0 : index
    %get3A_59 = arith.constant 0 : index
    %get3A_60 = vector.load %arg7[%get3A_57, %get3A_58, %get3A_59] : memref<4x128x128xf32, #tpu.memory_space<vmem>>, vector<1x128x128xf32>
    %get3A_61 = vector.shape_cast %get3A_60 : vector<1x128x128xf32> to vector<128x128xf32>
    %dot_general3A_62 = arith.constant dense<0.000000e+00> : vector<1000x128xf32>
    %dot_general3A_63 = tpu.matmul %add3A_54, %get3A_61, %dot_general3A_62 {dimension_numbers = #tpu.dot_dimension_numbers<[1], [0], [0], [1], [0, 0, 1, 1], [], []>, transpose_lhs_hint = false} : vector<1000x128xf32>, vector<128x128xf32>, vector<1000x128xf32> -> vector<1000x128xf32>
    %get3A_64 = arith.constant 0 : index
    %get3A_65 = arith.constant 0 : index
    %get3A_66 = arith.constant 0 : index
    %get3A_67 = vector.load %arg8[%get3A_64, %get3A_65, %get3A_66] : memref<4x1x128xf32, #tpu.memory_space<vmem>>, vector<1x1x128xf32>
    %get3A_68 = vector.shape_cast %get3A_67 : vector<1x1x128xf32> to vector<1x128xf32>
    %add3A_69 = vector.broadcast %get3A_68 : vector<1x128xf32> to vector<1000x128xf32>
    %add3A_70 = arith.addf %dot_general3A_63, %add3A_69 : vector<1000x128xf32>
    %swap3A_71 = arith.constant 0 : index
    %swap3A_72 = arith.constant 0 : index
    %swap3A_73 = arith.constant 0 : index
    %swap3A_74 = vector.load %arg10[%swap3A_71, %swap3A_72, %swap3A_73] : memref<4x1000x128xf32, #tpu.memory_space<vmem>>, vector<1x1000x128xf32>
    %swap3A_75 = vector.shape_cast %swap3A_74 : vector<1x1000x128xf32> to vector<1000x128xf32>
    %swap3A_76 = vector.shape_cast %add3A_70 : vector<1000x128xf32> to vector<1x1000x128xf32>
    tpu.vector_store %arg10[%swap3A_71, %swap3A_72, %swap3A_73], %swap3A_76 {strides = array<i32>} : memref<4x1000x128xf32, #tpu.memory_space<vmem>>, vector<1x1000x128xf32>,
    %get3A_77 = arith.constant 1 : index
    %get3A_78 = arith.constant 0 : index
    %get3A_79 = arith.constant 0 : index
    %get3A_80 = vector.load %arg7[%get3A_77, %get3A_78, %get3A_79] : memref<4x128x128xf32, #tpu.memory_space<vmem>>, vector<1x128x128xf32>
    %get3A_81 = vector.shape_cast %get3A_80 : vector<1x128x128xf32> to vector<128x128xf32>
    %dot_general3A_82 = arith.constant dense<0.000000e+00> : vector<1000x128xf32>
    %dot_general3A_83 = tpu.matmul %add3A_54, %get3A_81, %dot_general3A_82 {dimension_numbers = #tpu.dot_dimension_numbers<[1], [0], [0], [1], [0, 0, 1, 1], [], []>, transpose_lhs_hint = false} : vector<1000x128xf32>, vector<128x128xf32>, vector<1000x128xf32> -> vector<1000x128xf32>
    %get3A_84 = arith.constant 1 : index
    %get3A_85 = arith.constant 0 : index
    %get3A_86 = arith.constant 0 : index
    %get3A_87 = vector.load %arg8[%get3A_84, %get3A_85, %get3A_86] : memref<4x1x128xf32, #tpu.memory_space<vmem>>, vector<1x1x128xf32>
    %get3A_88 = vector.shape_cast %get3A_87 : vector<1x1x128xf32> to vector<1x128xf32>
    %add3A_89 = vector.broadcast %get3A_88 : vector<1x128xf32> to vector<1000x128xf32>
    %add3A_90 = arith.addf %dot_general3A_83, %add3A_89 : vector<1000x128xf32>
    %swap3A_91 = arith.constant 1 : index
    %swap3A_92 = arith.constant 0 : index
    %swap3A_93 = arith.constant 0 : index
    %swap3A_94 = vector.load %arg10[%swap3A_91, %swap3A_92, %swap3A_93] : memref<4x1000x128xf32, #tpu.memory_space<vmem>>, vector<1x1000x128xf32>
    %swap3A_95 = vector.shape_cast %swap3A_94 : vector<1x1000x128xf32> to vector<1000x128xf32>
    %swap3A_96 = vector.shape_cast %add3A_90 : vector<1000x128xf32> to vector<1x1000x128xf32>
    tpu.vector_store %arg10[%swap3A_91, %swap3A_92, %swap3A_93], %swap3A_96 {strides = array<i32>} : memref<4x1000x128xf32, #tpu.memory_space<vmem>>, vector<1x1000x128xf32>,
    %get3A_97 = arith.constant 2 : index
    %get3A_98 = arith.constant 0 : index
    %get3A_99 = arith.constant 0 : index
    %get3A_100 = vector.load %arg7[%get3A_97, %get3A_98, %get3A_99] : memref<4x128x128xf32, #tpu.memory_space<vmem>>, vector<1x128x128xf32>
    %get3A_101 = vector.shape_cast %get3A_100 : vector<1x128x128xf32> to vector<128x128xf32>
    %dot_general3A_102 = arith.constant dense<0.000000e+00> : vector<1000x128xf32>
    %dot_general3A_103 = tpu.matmul %add3A_54, %get3A_101, %dot_general3A_102 {dimension_numbers = #tpu.dot_dimension_numbers<[1], [0], [0], [1], [0, 0, 1, 1], [], []>, transpose_lhs_hint = false} : vector<1000x128xf32>, vector<128x128xf32>, vector<1000x128xf32> -> vector<1000x128xf32>
    %get3A_104 = arith.constant 2 : index
    %get3A_105 = arith.constant 0 : index
    %get3A_106 = arith.constant 0 : index
    %get3A_107 = vector.load %arg8[%get3A_104, %get3A_105, %get3A_106] : memref<4x1x128xf32, #tpu.memory_space<vmem>>, vector<1x1x128xf32>
    %get3A_108 = vector.shape_cast %get3A_107 : vector<1x1x128xf32> to vector<1x128xf32>
    %add3A_109 = vector.broadcast %get3A_108 : vector<1x128xf32> to vector<1000x128xf32>
    %add3A_110 = arith.addf %dot_general3A_103, %add3A_109 : vector<1000x128xf32>
    %swap3A_111 = arith.constant 2 : index
    %swap3A_112 = arith.constant 0 : index
    %swap3A_113 = arith.constant 0 : index
    %swap3A_114 = vector.load %arg10[%swap3A_111, %swap3A_112, %swap3A_113] : memref<4x1000x128xf32, #tpu.memory_space<vmem>>, vector<1x1000x128xf32>
    %swap3A_115 = vector.shape_cast %swap3A_114 : vector<1x1000x128xf32> to vector<1000x128xf32>
    %swap3A_116 = vector.shape_cast %add3A_110 : vector<1000x128xf32> to vector<1x1000x128xf32>
    tpu.vector_store %arg10[%swap3A_111, %swap3A_112, %swap3A_113], %swap3A_116 {strides = array<i32>} : memref<4x1000x128xf32, #tpu.memory_space<vmem>>, vector<1x1000x128xf32>,
    %get3A_117 = arith.constant 3 : index
    %get3A_118 = arith.constant 0 : index
    %get3A_119 = arith.constant 0 : index
    %get3A_120 = vector.load %arg7[%get3A_117, %get3A_118, %get3A_119] : memref<4x128x128xf32, #tpu.memory_space<vmem>>, vector<1x128x128xf32>
    %get3A_121 = vector.shape_cast %get3A_120 : vector<1x128x128xf32> to vector<128x128xf32>
    %dot_general3A_122 = arith.constant dense<0.000000e+00> : vector<1000x128xf32>
    %dot_general3A_123 = tpu.matmul %add3A_54, %get3A_121, %dot_general3A_122 {dimension_numbers = #tpu.dot_dimension_numbers<[1], [0], [0], [1], [0, 0, 1, 1], [], []>, transpose_lhs_hint = false} : vector<1000x128xf32>, vector<128x128xf32>, vector<1000x128xf32> -> vector<1000x128xf32>
    %get3A_124 = arith.constant 3 : index
    %get3A_125 = arith.constant 0 : index
    %get3A_126 = arith.constant 0 : index
    %get3A_127 = vector.load %arg8[%get3A_124, %get3A_125, %get3A_126] : memref<4x1x128xf32, #tpu.memory_space<vmem>>, vector<1x1x128xf32>
    %get3A_128 = vector.shape_cast %get3A_127 : vector<1x1x128xf32> to vector<1x128xf32>
    %add3A_129 = vector.broadcast %get3A_128 : vector<1x128xf32> to vector<1000x128xf32>
    %add3A_130 = arith.addf %dot_general3A_123, %add3A_129 : vector<1000x128xf32>
    %swap3A_131 = arith.constant 3 : index
    %swap3A_132 = arith.constant 0 : index
    %swap3A_133 = arith.constant 0 : index
    %swap3A_134 = vector.load %arg10[%swap3A_131, %swap3A_132, %swap3A_133] : memref<4x1000x128xf32, #tpu.memory_space<vmem>>, vector<1x1000x128xf32>
    %swap3A_135 = vector.shape_cast %swap3A_134 : vector<1x1000x128xf32> to vector<1000x128xf32>
    %swap3A_136 = vector.shape_cast %add3A_130 : vector<1000x128xf32> to vector<1x1000x128xf32>
    tpu.vector_store %arg10[%swap3A_131, %swap3A_132, %swap3A_133], %swap3A_136 {strides = array<i32>} : memref<4x1000x128xf32, #tpu.memory_space<vmem>>, vector<1x1000x128xf32>,
    return
  }
  func.func @transform_0(%arg0: i32) -> (i32, i32, i32) {
    %c0_i32 = arith.constant 0 : i32
    %c0_i32_0 = arith.constant 0 : i32
    %c0_i32_1 = arith.constant 0 : i32
    return %c0_i32, %arg0, %c0_i32_0 : i32, i32, i32
  }
  func.func @transform_1(%arg0: i32) -> (i32, i32) {
    %c0_i32 = arith.constant 0 : i32
    %c0_i32_0 = arith.constant 0 : i32
    return %arg0, %c0_i32 : i32, i32
  }
  func.func @transform_2(%arg0: i32) -> (i32, i32) {
    %c0_i32 = arith.constant 0 : i32
    %c0_i32_0 = arith.constant 0 : i32
    %c0_i32_1 = arith.constant 0 : i32
    return %c0_i32, %c0_i32_0 : i32, i32
  }
  func.func @transform_3(%arg0: i32) -> (i32, i32) {
    %c0_i32 = arith.constant 0 : i32
    %c0_i32_0 = arith.constant 0 : i32
    %c0_i32_1 = arith.constant 0 : i32
    return %c0_i32, %c0_i32_0 : i32, i32
  }
  func.func @transform_4(%arg0: i32) -> (i32, i32) {
    %c0_i32 = arith.constant 0 : i32
    %c0_i32_0 = arith.constant 0 : i32
    %c0_i32_1 = arith.constant 0 : i32
    return %c0_i32, %c0_i32_0 : i32, i32
  }
  func.func @transform_5(%arg0: i32) -> (i32, i32) {
    %c0_i32 = arith.constant 0 : i32
    %c0_i32_0 = arith.constant 0 : i32
    %c0_i32_1 = arith.constant 0 : i32
    return %c0_i32, %c0_i32_0 : i32, i32
  }
  func.func @transform_6(%arg0: i32) -> (i32, i32, i32) {
    %c0_i32 = arith.constant 0 : i32
    %c0_i32_0 = arith.constant 0 : i32
    %c0_i32_1 = arith.constant 0 : i32
    %c0_i32_2 = arith.constant 0 : i32
    return %c0_i32, %c0_i32_0, %c0_i32_1 : i32, i32, i32
  }
  func.func @transform_7(%arg0: i32) -> (i32, i32, i32) {
    %c0_i32 = arith.constant 0 : i32
    %c0_i32_0 = arith.constant 0 : i32
    %c0_i32_1 = arith.constant 0 : i32
    %c0_i32_2 = arith.constant 0 : i32
    return %c0_i32, %c0_i32_0, %c0_i32_1 : i32, i32, i32
  }
  func.func @transform_8(%arg0: i32) -> (i32, i32) {
    %c0_i32 = arith.constant 0 : i32
    %c0_i32_0 = arith.constant 0 : i32
    return %arg0, %c0_i32 : i32, i32
  }
  func.func @transform_9(%arg0: i32) -> (i32, i32, i32) {
    %c0_i32 = arith.constant 0 : i32
    %c0_i32_0 = arith.constant 0 : i32
    %c0_i32_1 = arith.constant 0 : i32
    return %c0_i32, %arg0, %c0_i32_0 : i32, i32, i32
  }
}

module attributes {stable_mosaic.version = 14 : i64} {
  func.func @_gru_body(%arg0: i32, %arg1: memref<2x1000x128xf32, #tpu.memory_space<vmem>>, %arg2: memref<1000x128xf32, #tpu.memory_space<vmem>>, %arg3: memref<128x384xf32, #tpu.memory_space<vmem>>, %arg4: memref<128x384xf32, #tpu.memory_space<vmem>>, %arg5: memref<1x384xf32, #tpu.memory_space<vmem>>, %arg6: memref<1x384xf32, #tpu.memory_space<vmem>>, %arg7: memref<1000x128xf32, #tpu.memory_space<vmem>>) attributes {dimension_semantics = [#tpu.dimension_semantics<arbitrary>], iteration_bounds = array<i64: 10>, scalar_prefetch = 0 : i64, scratch_operands = 0 : i64, tpu.core_type = #tpu.core_type<tc>, window_params = [{transform_indices = @transform_0, window_bounds = array<i64: 2, 1000, 128>}, {transform_indices = @transform_1, window_bounds = array<i64: 1000, 128>}, {pipeline_mode = #tpu.pipeline_mode<synchronous>, transform_indices = @transform_2, window_bounds = array<i64: 128, 384>}, {pipeline_mode = #tpu.pipeline_mode<synchronous>, transform_indices = @transform_3, window_bounds = array<i64: 128, 384>}, {pipeline_mode = #tpu.pipeline_mode<synchronous>, transform_indices = @transform_4, window_bounds = array<i64: 1, 384>}, {pipeline_mode = #tpu.pipeline_mode<synchronous>, transform_indices = @transform_5, window_bounds = array<i64: 1, 384>}, {transform_indices = @transform_6, window_bounds = array<i64: 1000, 128>}]} {
    %get3A = arith.constant 0 : index
    %get3A_0 = arith.constant 0 : index
    %get3A_1 = arith.constant 0 : index
    %get3A_2 = vector.load %arg1[%get3A, %get3A_0, %get3A_1] : memref<2x1000x128xf32, #tpu.memory_space<vmem>>, vector<1x1000x128xf32>
    %get3A_3 = vector.shape_cast %get3A_2 : vector<1x1000x128xf32> to vector<1000x128xf32>
    %get3A_4 = arith.constant 1 : index
    %get3A_5 = arith.constant 0 : index
    %get3A_6 = arith.constant 0 : index
    %get3A_7 = vector.load %arg1[%get3A_4, %get3A_5, %get3A_6] : memref<2x1000x128xf32, #tpu.memory_space<vmem>>, vector<1x1000x128xf32>
    %get3A_8 = vector.shape_cast %get3A_7 : vector<1x1000x128xf32> to vector<1000x128xf32>
    %add3A = arith.addf %get3A_3, %get3A_8 : vector<1000x128xf32>
    %get3A_9 = arith.constant 0 : index
    %get3A_10 = arith.constant 0 : index
    %get3A_11 = vector.load %arg2[%get3A_9, %get3A_10] : memref<1000x128xf32, #tpu.memory_space<vmem>>, vector<1000x128xf32>
    %get3A_12 = arith.constant 0 : index
    %get3A_13 = arith.constant 0 : index
    %get3A_14 = vector.load %arg3[%get3A_12, %get3A_13] : memref<128x384xf32, #tpu.memory_space<vmem>>, vector<128x384xf32>
    %dot_general3A = arith.constant dense<0.000000e+00> : vector<1000x384xf32>
    %dot_general3A_15 = tpu.matmul %add3A, %get3A_14, %dot_general3A {dimension_numbers = #tpu.dot_dimension_numbers<[1], [0], [0], [1], [0, 0, 1, 1], [], []>, transpose_lhs_hint = false} : vector<1000x128xf32>, vector<128x384xf32>, vector<1000x384xf32> -> vector<1000x384xf32>
    %get3A_16 = arith.constant 0 : index
    %get3A_17 = arith.constant 0 : index
    %get3A_18 = vector.load %arg5[%get3A_16, %get3A_17] : memref<1x384xf32, #tpu.memory_space<vmem>>, vector<1x384xf32>
    %add3A_19 = vector.broadcast %get3A_18 : vector<1x384xf32> to vector<1000x384xf32>
    %add3A_20 = arith.addf %dot_general3A_15, %add3A_19 : vector<1000x384xf32>
    %get3A_21 = arith.constant 0 : index
    %get3A_22 = arith.constant 0 : index
    %get3A_23 = vector.load %arg4[%get3A_21, %get3A_22] : memref<128x384xf32, #tpu.memory_space<vmem>>, vector<128x384xf32>
    %dot_general3A_24 = arith.constant dense<0.000000e+00> : vector<1000x384xf32>
    %dot_general3A_25 = tpu.matmul %get3A_11, %get3A_23, %dot_general3A_24 {dimension_numbers = #tpu.dot_dimension_numbers<[1], [0], [0], [1], [0, 0, 1, 1], [], []>, transpose_lhs_hint = false} : vector<1000x128xf32>, vector<128x384xf32>, vector<1000x384xf32> -> vector<1000x384xf32>
    %get3A_26 = arith.constant 0 : index
    %get3A_27 = arith.constant 0 : index
    %get3A_28 = vector.load %arg6[%get3A_26, %get3A_27] : memref<1x384xf32, #tpu.memory_space<vmem>>, vector<1x384xf32>
    %add3A_29 = vector.broadcast %get3A_28 : vector<1x384xf32> to vector<1000x384xf32>
    %add3A_30 = arith.addf %dot_general3A_25, %add3A_29 : vector<1000x384xf32>
    %slice3A = vector.extract_strided_slice %add3A_20 {offsets = [0, 0], sizes = [1000, 128], strides = [1, 1]} : vector<1000x384xf32> to vector<1000x128xf32>
    %slice3A_31 = vector.extract_strided_slice %add3A_30 {offsets = [0, 0], sizes = [1000, 128], strides = [1, 1]} : vector<1000x384xf32> to vector<1000x128xf32>
    %add3A_32 = arith.addf %slice3A, %slice3A_31 : vector<1000x128xf32>
    %logistic3A = arith.negf %add3A_32 : vector<1000x128xf32>
    %logistic3A_33 = math.exp %logistic3A : vector<1000x128xf32>
    %logistic3A_34 = arith.constant 1.000000e+00 : f32
    %logistic3A_35 = vector.broadcast %logistic3A_34 : f32 to vector<1000x128xf32>
    %logistic3A_36 = arith.addf %logistic3A_35, %logistic3A_33 : vector<1000x128xf32>
    %logistic3A_37 = arith.divf %logistic3A_35, %logistic3A_36 : vector<1000x128xf32>
    %slice3A_38 = vector.extract_strided_slice %add3A_20 {offsets = [0, 128], sizes = [1000, 128], strides = [1, 1]} : vector<1000x384xf32> to vector<1000x128xf32>
    %slice3A_39 = vector.extract_strided_slice %add3A_30 {offsets = [0, 128], sizes = [1000, 128], strides = [1, 1]} : vector<1000x384xf32> to vector<1000x128xf32>
    %add3A_40 = arith.addf %slice3A_38, %slice3A_39 : vector<1000x128xf32>
    %logistic3A_41 = arith.negf %add3A_40 : vector<1000x128xf32>
    %logistic3A_42 = math.exp %logistic3A_41 : vector<1000x128xf32>
    %logistic3A_43 = arith.constant 1.000000e+00 : f32
    %logistic3A_44 = vector.broadcast %logistic3A_43 : f32 to vector<1000x128xf32>
    %logistic3A_45 = arith.addf %logistic3A_44, %logistic3A_42 : vector<1000x128xf32>
    %logistic3A_46 = arith.divf %logistic3A_44, %logistic3A_45 : vector<1000x128xf32>
    %slice3A_47 = vector.extract_strided_slice %add3A_20 {offsets = [0, 256], sizes = [1000, 128], strides = [1, 1]} : vector<1000x384xf32> to vector<1000x128xf32>
    %slice3A_48 = vector.extract_strided_slice %add3A_30 {offsets = [0, 256], sizes = [1000, 128], strides = [1, 1]} : vector<1000x384xf32> to vector<1000x128xf32>
    %mul3A = arith.mulf %logistic3A_37, %slice3A_48 : vector<1000x128xf32>
    %add3A_49 = arith.addf %slice3A_47, %mul3A : vector<1000x128xf32>
    %tanh3A = math.tanh %add3A_49 : vector<1000x128xf32>
    %sub3A = arith.constant 1.000000e+00 : f32
    %sub3A_50 = vector.broadcast %sub3A : f32 to vector<1000x128xf32>
    %sub3A_51 = arith.subf %sub3A_50, %logistic3A_46 : vector<1000x128xf32>
    %mul3A_52 = arith.mulf %sub3A_51, %tanh3A : vector<1000x128xf32>
    %mul3A_53 = arith.mulf %logistic3A_46, %get3A_11 : vector<1000x128xf32>
    %add3A_54 = arith.addf %mul3A_52, %mul3A_53 : vector<1000x128xf32>
    %swap3A = arith.constant 0 : index
    %swap3A_55 = arith.constant 0 : index
    %swap3A_56 = vector.load %arg7[%swap3A, %swap3A_55] : memref<1000x128xf32, #tpu.memory_space<vmem>>, vector<1000x128xf32>
    tpu.vector_store %arg7[%swap3A, %swap3A_55], %add3A_54 {strides = array<i32>} : memref<1000x128xf32, #tpu.memory_space<vmem>>, vector<1000x128xf32>,
    return
  }
  func.func @transform_0(%arg0: i32) -> (i32, i32, i32) {
    %c0_i32 = arith.constant 0 : i32
    %c0_i32_0 = arith.constant 0 : i32
    %c0_i32_1 = arith.constant 0 : i32
    return %c0_i32, %arg0, %c0_i32_0 : i32, i32, i32
  }
  func.func @transform_1(%arg0: i32) -> (i32, i32) {
    %c0_i32 = arith.constant 0 : i32
    %c0_i32_0 = arith.constant 0 : i32
    return %arg0, %c0_i32 : i32, i32
  }
  func.func @transform_2(%arg0: i32) -> (i32, i32) {
    %c0_i32 = arith.constant 0 : i32
    %c0_i32_0 = arith.constant 0 : i32
    %c0_i32_1 = arith.constant 0 : i32
    return %c0_i32, %c0_i32_0 : i32, i32
  }
  func.func @transform_3(%arg0: i32) -> (i32, i32) {
    %c0_i32 = arith.constant 0 : i32
    %c0_i32_0 = arith.constant 0 : i32
    %c0_i32_1 = arith.constant 0 : i32
    return %c0_i32, %c0_i32_0 : i32, i32
  }
  func.func @transform_4(%arg0: i32) -> (i32, i32) {
    %c0_i32 = arith.constant 0 : i32
    %c0_i32_0 = arith.constant 0 : i32
    %c0_i32_1 = arith.constant 0 : i32
    return %c0_i32, %c0_i32_0 : i32, i32
  }
  func.func @transform_5(%arg0: i32) -> (i32, i32) {
    %c0_i32 = arith.constant 0 : i32
    %c0_i32_0 = arith.constant 0 : i32
    %c0_i32_1 = arith.constant 0 : i32
    return %c0_i32, %c0_i32_0 : i32, i32
  }
  func.func @transform_6(%arg0: i32) -> (i32, i32) {
    %c0_i32 = arith.constant 0 : i32
    %c0_i32_0 = arith.constant 0 : i32
    return %arg0, %c0_i32 : i32, i32
  }
}

module attributes {stable_mosaic.version = 14 : i64} {
  func.func @_pool_body(%arg0: memref<10000x128xf32, #tpu.memory_space<vmem>>, %arg1: memref<128x16xf32, #tpu.memory_space<vmem>>, %arg2: memref<1x16xf32, #tpu.memory_space<vmem>>, %arg3: memref<1x16xf32, #tpu.memory_space<vmem>>) attributes {dimension_semantics = [], scalar_prefetch = 0 : i64, scratch_operands = 0 : i64, tpu.core_type = #tpu.core_type<tc>} {
    %get3A = arith.constant 0 : index
    %get3A_0 = arith.constant 0 : index
    %get3A_1 = vector.load %arg0[%get3A, %get3A_0] : memref<10000x128xf32, #tpu.memory_space<vmem>>, vector<10000x128xf32>
    %reduce_sum3A = arith.constant dense<0.000000e+00> : vector<128xf32>
    %reduce_sum3A_2 = vector.multi_reduction <add>, %get3A_1, %reduce_sum3A [0] : vector<10000x128xf32> to vector<128xf32>
    %broadcast_in_dim3A = vector.shape_cast %reduce_sum3A_2 : vector<128xf32> to vector<1x128xf32>
    %div3A = arith.constant 1.000000e+04 : f32
    %div3A_3 = vector.broadcast %div3A : f32 to vector<1x128xf32>
    %div3A_4 = arith.divf %broadcast_in_dim3A, %div3A_3 : vector<1x128xf32>
    %get3A_5 = arith.constant 0 : index
    %get3A_6 = arith.constant 0 : index
    %get3A_7 = vector.load %arg1[%get3A_5, %get3A_6] : memref<128x16xf32, #tpu.memory_space<vmem>>, vector<128x16xf32>
    %dot_general3A = arith.constant dense<0.000000e+00> : vector<1x16xf32>
    %dot_general3A_8 = tpu.matmul %div3A_4, %get3A_7, %dot_general3A {dimension_numbers = #tpu.dot_dimension_numbers<[1], [0], [0], [1], [0, 0, 1, 1], [], []>, transpose_lhs_hint = false} : vector<1x128xf32>, vector<128x16xf32>, vector<1x16xf32> -> vector<1x16xf32>
    %get3A_9 = arith.constant 0 : index
    %get3A_10 = arith.constant 0 : index
    %get3A_11 = vector.load %arg2[%get3A_9, %get3A_10] : memref<1x16xf32, #tpu.memory_space<vmem>>, vector<1x16xf32>
    %add3A = arith.addf %dot_general3A_8, %get3A_11 : vector<1x16xf32>
    %swap3A = arith.constant 0 : index
    %swap3A_12 = arith.constant 0 : index
    %swap3A_13 = vector.load %arg3[%swap3A, %swap3A_12] : memref<1x16xf32, #tpu.memory_space<vmem>>, vector<1x16xf32>
    tpu.vector_store %arg3[%swap3A, %swap3A_12], %add3A {strides = array<i32>} : memref<1x16xf32, #tpu.memory_space<vmem>>, vector<1x16xf32>,
    return
  }
}

</mosaic_0001>

<sc_bundles>
// kernel: kernel.16.cloned.1.call-start
scs
__scs_entry_jumppad:
0x0: {  	(pc) =	sbr.rel $0x88, $3  }
0x1: {  	(tag) =	ssettag $0x0;
	lr =	simm.s32 $0x1  }
0x2: {  	[smem:$0x3F90] =	sst lr;
	_ =	strace $0xD0000000  }
0x3: {  	_ = 	snop  }
0x4: {  	_ = 	snop  }
0x5: {  	_ = 	snop  }
0x6: {  	_ = 	snop  }
0x7: {  	_ = 	snop  }
__scs_overlays_trampoline_lowered:
0x8: {  	[smem:$0x3F9F] =	sst s0  }
0x9: {  	[smem:$0x3FA0] =	sst s1  }
0xa: {  	[smem:$0x3FA1] =	sst s2  }
0xb: {  	[smem:$0x3FA2] =	sst s3  }
0xc: {  	[smem:$0x3FA3] =	sst s4  }
0xd: {  	[smem:$0x3FA4] =	sst s5  }
0xe: {  	[smem:$0x3FA5] =	sst s6  }
0xf: {  	[smem:$0x3FA6] =	sst s7  }
0x10: {  	[smem:$0x3FA7] =	sst s8  }
0x11: {  	[smem:$0x3FA8] =	sst s9;
	s0 =	simm.s32 @!p0 $0x0  }
0x12: {  	s1 =	sld [smem:$0x3F8E];
	s0 =	simm.s32 @p0 $0x1  }
0x13: {  	[smem:$0x3FA9] =	sst s0;
	s0 =	simm.s32 @!p1 $0x0  }
0x14: {  	s2 =	sld [smem:$0x3F8D];
	s0 =	simm.s32 @p1 $0x1  }
0x15: {  	[smem:$0x3FAA] =	sst s0;
	s0 =	simm.s32 @!p2 $0x0  }
0x16: {  	s3 =	sld [smem:$0x3FDB];
	s0 =	simm.s32 @p2 $0x1  }
0x17: {  	s4 =	simm.s32 $0x1BF5;
	[smem:$0x3FAC] =	sst s0  }
0x18: {  	s0 =	sld [smem:$0x3F8F];
	_ =	swait.ge [sflag:s4], $0x0  }
0x19: {  	s7 =	sld [smem:$0x3F90]  }
0x1a: {  	s8 =	sadd.s32 $0xFFFFE003, lr  }
0x1b: {  	s9 =	sadd.s32 $0xFFFFFEF7, lr;
	s5 =	simm.s32 $0xFFFFFFFF;
	p2 =	slt.u32 s8, $0xFFFFF086  }
0x1c: {  	p1 =	slt.u32 s9, $0xF7A;
	s5 =	simm.s32 @!p2 $0x0  }
0x1d: {  	s5 =	simm.s32 @p1 $0x1;
	p0 =	seq.s32 s7, s2  }
0x1e: {  	s7 =	smul.u32 @!p0 $0xF7A, s2;
	p2 =	seq.s32 @!p0 s5, $0x0  }
0x1f: {  	s9 =	smul.u32 $0xF7A, s1;
	s8 =	simm.s32 @!p0 $0x1BF5;
	p2 =	por !p2, p0  }
0x20: {  	[sflag:s8] =	ssyncset.s32 @!p0 $0xFFFFF086;
	s6 =	sadd.s32 @!p0 s3, s7;
	s7 =	simm.s32 @!p0 $0x108  }
0x21: {  	s3 =	sadd.s32 s3, s9;
	s6 =	sadd.s32 @!p0 $0x88, s6;
	s7 =	simm.s32 @p2 $0x1082  }
0x22: {  	[simem:s7], [sflag:s8] =	dma.local @!p0 [hbm:s6], $0xF7A  }
0x23: {  	s9 =	sor.u32 $0xD0000000, s2;
	s6 =	simm.s32 $0x108;
	_ =	swait.ge @!p0 [sflag:s8], $0x0  }
0x24: {  	s3 =	sadd.s32 $0x88, s3;
	s6 =	simm.s32 @!p1 $0x1082;
	[sflag:s4] =	ssyncset.s32 $0xFFFFF086  }
0x25: {  	[simem:s6], [sflag:s4] =	dma.local [hbm:s3], $0xF7A  }
0x26: {  	[smem:$0x3F90] =	sst s1;
	(tag) =	ssettag s2;
	_ =	strace s9  }
0x27: {  	s1 =	sld [smem:$0x3FA0]  }
0x28: {  	s2 =	sld [smem:$0x3FA1]  }
0x29: {  	s4 =	sld [smem:$0x3FA3]  }
0x2a: {  	p0 =	seq.s32 s5, $0x0;
	s5 =	sld [smem:$0x3FA4]  }
0x2b: {  	s6 =	sld [smem:$0x3FA5]  }
0x2c: {  	s7 =	sld [smem:$0x3FA6]  }
0x2d: {  	s3 =	simm.s32 $0x108;
	s8 =	sld [smem:$0x3FA7]  }
0x2e: {  	s3 =	simm.s32 @!p0 $0x1082;
	s9 =	sld [smem:$0x3FA8]  }
0x2f: {  	lr =	sadd.s32 s0, s3;
	s0 =	sld [smem:$0x3F9F]  }
0x30: {  	s3 =	sld [smem:$0x3FA2]  }
0x31: {  	[smem:$0x3FAB] =	sst s10  }
0x32: {  	s10 =	sld [smem:$0x3FA9];
	_ =	sdelay $0x3  }
0x33: {  	p0 =	seq.s32 s10, $0x1;
	s10 =	sld [smem:$0x3FAB];
	_ =	sdelay $0x3  }
0x34: {  	[smem:$0x3FAB] =	sst s10  }
0x35: {  	s10 =	sld [smem:$0x3FAA];
	_ =	sdelay $0x3  }
0x36: {  	p1 =	seq.s32 s10, $0x1;
	s10 =	sld [smem:$0x3FAB];
	_ =	sdelay $0x3  }
0x37: {  	[smem:$0x3FAB] =	sst s10  }
0x38: {  	s10 =	sld [smem:$0x3FAC]  }
0x39: {  	_ = 	snop;
	(pc) =	sbr.ind lr, $3  }
0x3a: {  	_ = 	snop  }
0x3b: {  	_ = 	snop  }
0x3c: {  	p2 =	seq.s32 s10, $0x1;
	s10 =	sld [smem:$0x3FAB]  }
0x3d: {  	_ =	shalt  }
0x3e: {  	_ =	shalt  }
0x3f: {  	_ =	shalt  }
0x40: {  	_ =	shalt  }
0x41: {  	_ =	shalt  }
0x42: {  	_ =	shalt  }
0x43: {  	_ =	shalt  }
0x44: {  	_ =	shalt  }
0x45: {  	_ =	shalt  }
0x46: {  	_ =	shalt  }
0x47: {  	_ =	shalt  }
0x48: {  	_ =	shalt  }
0x49: {  	_ =	shalt  }
0x4a: {  	_ =	shalt  }
0x4b: {  	_ =	shalt  }
0x4c: {  	_ =	shalt  }
0x4d: {  	_ =	shalt  }
0x4e: {  	_ =	shalt  }
0x4f: {  	_ =	shalt  }
0x50: {  	_ =	shalt  }
0x51: {  	_ =	shalt  }
0x52: {  	_ =	shalt  }
0x53: {  	_ =	shalt  }
0x54: {  	_ =	shalt  }
0x55: {  	_ =	shalt  }
0x56: {  	_ =	shalt  }
0x57: {  	_ =	shalt  }
0x58: {  	_ =	shalt  }
0x59: {  	_ =	shalt  }
0x5a: {  	_ =	shalt  }
0x5b: {  	_ =	shalt  }
0x5c: {  	_ =	shalt  }
0x5d: {  	_ =	shalt  }
0x5e: {  	_ =	shalt  }
0x5f: {  	_ =	shalt  }
0x60: {  	_ =	shalt  }
0x61: {  	_ =	shalt  }
0x62: {  	_ =	shalt  }
0x63: {  	_ =	shalt  }
0x64: {  	_ =	shalt  }
0x65: {  	_ =	shalt  }
0x66: {  	_ =	shalt  }
0x67: {  	_ =	shalt  }
0x68: {  	_ =	shalt  }
0x69: {  	_ =	shalt  }
0x6a: {  	_ =	shalt  }
0x6b: {  	_ =	shalt  }
0x6c: {  	_ =	shalt  }
0x6d: {  	_ =	shalt  }
0x6e: {  	_ =	shalt  }
0x6f: {  	_ =	shalt  }
0x70: {  	_ =	shalt  }
0x71: {  	_ =	shalt  }
0x72: {  	_ =	shalt  }
0x73: {  	_ =	shalt  }
0x74: {  	_ =	shalt  }
0x75: {  	_ =	shalt  }
0x76: {  	_ =	shalt  }
0x77: {  	_ =	shalt  }
0x78: {  	_ =	shalt  }
0x79: {  	_ =	shalt  }
0x7a: {  	_ =	shalt  }
0x7b: {  	_ =	shalt  }
0x7c: {  	_ =	shalt  }
0x7d: {  	_ =	shalt  }
0x7e: {  	_ =	shalt  }
0x7f: {  	_ =	shalt  }
0x80: {  	_ =	shalt  }
0x81: {  	_ =	shalt  }
0x82: {  	_ =	shalt  }
0x83: {  	_ =	shalt  }
0x84: {  	_ =	shalt  }
0x85: {  	_ =	shalt  }
0x86: {  	_ =	shalt  }
0x87: {  	_ =	shalt  }
.Lfunc_end0:
.L_simem_size_0:
called_computation_lowered:
.L_overlay_start_0:
0x88: {  	s2 =	sld [smem:$0x3FD9]  }
0x89: {  	s3 =	sld [smem:$0x3FFE];
	_ =	sdelay $0x1  }
0x8a: {  	s1 =	srdreg.scid  }
0x8b: {  	s0 =	sand.u32 $0x1, s1  }
0x8c: {  	s16 =	sshll.u32 s0, $0xA;
	s2 =	sadd.s32 s3, s2  }
0x8d: {  	s2 =	sadd.s32 s2, s16  }
0x8e: {  	[smem:$0x3FB7] =	sst s2  }
0x8f: {  	_ = 	snop  }
0x90: {  	(tm) =	ssettm $0x1  }
0x91: {  	s17 =	sld [smem:$0x3FFB];
	_ =	sdelay $0x3  }
0x92: {  	_ =	strace s17  }
0x93: {  	s2 =	sld [smem:$0x3FFC];
	_ =	sdelay $0x3  }
0x94: {  	_ =	strace s2  }
0x95: {  	s2 =	sld [smem:$0x3FFD];
	_ =	sdelay $0x3  }
0x96: {  	_ =	strace s2  }
0x97: {  	_ =	strace $0x8FFFFFFF  }
0x98: {  	s18 =	sld [smem:$0x3FDB];
	_ =	sdelay $0x1  }
0x99: {  	s19 =	simm.s32 $_scs_section_size  }
0x9a: {  	s4 =	simm.s32 $_size__tile_overlayer_lowered;
	s5 =	simm.s32 $_tile_overlayer_lowered  }
0x9b: {  	s22 =	simm.s32 $0x1BFF;
	s21 =	sshll.u32 s5, $0x1;
	s2 =	sadd.s32 s19, s18  }
0x9c: {  	s6 =	simm.s32 $0x0;
	s20 =	sshll.u32 s4, $0x1;
	s4 =	sadd.s32 s21, s2  }
0x9d: {  	[timem:s6], [sflag:s22] =	dma.local [hbm:s4], s20  }
0x9e: {  	_ =	swait.ge [sflag:s22], s20  }
0x9f: {  	s3 =	ssub.s32 $0x0, s20;
	[sflag:s22] =	ssyncset.done $0x0  }
0xa0: {  	[sflag:s22] =	ssyncadd.s32 s3;
	_ =	sdelay $0x1  }
0xa1: {  	s23 =	simm.s32 $0x1B8B  }
0xa2: {  	_ =	swait.ge [sflag:s23], $0x1  }
0xa3: {  	[sflag:s23] =	ssyncset.done $0x0  }
0xa4: {  	s25 =	simm.s32 $0x1B8E;
	s24 =	sld [smem:$0x3FFE];
	[sflag:s23] =	ssyncadd.s32 $0xFFFFFFFF  }
0xa5: {  	s26 =	simm.s32 $execute0_lowered;
	[smem:$0x3FD2] =	sst s25  }
0xa6: {  	s4 =	sshll.u32 s26, $0x1;
	_ =	strace $0x80000046;
	[dreg:$0x1] =	wrdreg $0xFFFFFFFF  }
0xa7: {  	s28 =	simm.s32 $_size_execute0_lowered;
	s2 =	sadd.s32 s2, s4;
	[dreg:$0x0] =	wrdreg $0x0  }
0xa8: {  	s4 =	sshll.u32 s28, $0x1;
	[dreg:$0x2] =	wrdreg s2  }
0xa9: {  	[dreg:$0x3] =	wrdreg s4  }
0xaa: {  	[dreg:$0x4] =	wrdreg $0xC0  }
0xab: {  	_ =	task [dreg:s6], $0x5FFFF  }
0xac: {  	[dreg:$0x1] =	wrdreg $0xFFFFFFFF  }
0xad: {  	[dreg:$0x0] =	wrdreg $0x60  }
0xae: {  	[dreg:$0x2] =	wrdreg s24  }
0xaf: {  	[dreg:$0x3] =	wrdreg $0x82000  }
0xb0: {  	[dreg:$0x4] =	wrdreg $0x1BE000  }
0xb1: {  	[dreg:$0x5] =	wrdreg $0x9  }
0xb2: {  	_ =	task.clear_ibuf [dreg:s6], $0x6FFFF;
	_ =	strace $0x90000046  }
0xb3: {  	s29 =	simm.s32 $0x9;
	_ =	strace $0x80000048  }
0xb4: {  	_ =	swait.ge [sflag:s29], $0x1  }
0xb5: {  	[sflag:s29] =	ssyncadd.s32 $0xFFFFFFFF  }
0xb6: {  	_ =	strace $0x90000048  }
0xb7: {  	_ =	sfence  }
0xb8: {  	s30 =	sld [smem:$0x0];
	_ =	sdelay $0x2  }
0xb9: {  	s31 =	sshll.u32 s1, $0xD;
	s1 =	sshrl.u32 s1, $0x2  }
0xba: {  	s3 =	sand.u32 $0x4000, s31;
	s1 =	sadd.s32 s1, s30  }
0xbb: {  	s0 =	sor.u32 s3, s0;
	s1 =	sshll.u32 s1, $0x11  }
0xbc: {  	s0 =	sor.u32 s1, s0  }
0xbd: {  	s0 =	sadd.s32 $0x8F2B, s0  }
0xbe: {  	[sflag:s0] =	ssyncadd.remote.s32 $0x1  }
0xbf: {  	_ =	sfence.sel $0xFFFF  }
0xc0: {  	[dreg:$0x0] =	wrdreg $0xFFFFFFFF;
	(pc) =	sbr.abs _section_cstart, $3  }
0xc1: {  	[dreg:$0x1] =	wrdreg $0xFFFFFFFF  }
0xc2: {  	_ =	task.clear_ibuf [dreg:s6], $0x2FFFF;
	_ =	strace $0x9FFFFFFF  }
0xc3: {  	(tm) =	ssettm $0x7FFFFFFF  }
tec
execute0_lowered:
.L_overlay_start_1:
0x0: {  	(tag) =	ssettag $0x1  }
0x1: {  	s0 =	rddreg [dreg:$0x0]  }
0x2: {  	s1 =	rddreg [dreg:$0x1];
	s16 =	stileid.u32  }
0x3: {  	s2 =	srdreg.scid;
	s3 =	smul.u32 $0x35, s16  }
0x4: {  	s7 =	rddreg [dreg:$0x2];
	s28 =	simm.s32 $0x2;
	s4 =	smul.u32 $0x69, s16  }
0x5: {  	s29 =	simm.s32 $0x3;
	s30 =	simm.s32 $0x4;
	s5 =	smul.u32 $0x13C00, s16  }
0x6: {  	s31 =	simm.s32 $0x0;
	s2 =	sand.u32 $0x1, s2;
	s25 =	smul.u32 $0x4F000, s16  }
0x7: {  	s13 =	sadd.s32 $0xEA00, s0;
	s14 =	sshrl.u32 s16, $0x3;
	s6 =	smul.u32 $0x13C000, s2  }
0x8: {  	p0 =	seq.s32 s2, $0x0;
	s2 =	ssub.s32 $0x2, s2;
	s14 =	smul.u32 $0x69000, s14  }
0x9: {  	s8 =	sadd.s32 $0x690, s3;
	s3 =	simm.s32 $0x0;
	s11 =	sshrl.u32 s5, $0x3  }
0xa: {  	s26 =	sshrl.u32 s2, $0x1;
	s12 =	sshrl.u32 s25, $0x2;
	s8 =	smov.u32 @p0 s4  }
0xb: {  	[smem:$0x7FF] =	sst s3;
	s4 =	sadd.s32 $0x18800, s0;
	s5 =	sadd.s32 s5, s6  }
0xc: {  	s11 =	sadd.s32 s11, s0;
	s2 =	ssub.s32 s2, s26;
	s17 =	sadd.s32 s12, s1  }
0xd: {  	s12 =	sshll.u32 s16, $0x6;
	s16 =	sshll.u32 s16, $0x7;
	s18 =	sshrl.u32 s14, $0x2  }
0xe: {  	s9 =	sshll.u32 s8, $0x4;
	_ =	strace $0x80000047;
	s5 =	sshrl.u32 s5, $0x3  }
0xf: {  	s15 =	sadd.s32 $0xB4C00, s11;
	s6 =	sor.u32 $0x1C05, s12;
	s19 =	sshll.u32 s8, $0x7  }
0x10: {  	s20 =	sand.u32 $0x380, s16;
	s7 =	sadd.s32 s18, s7;
	s18 =	sshrl.u32 s17, $0x3  }
0x11: {  	s10 =	sadd.s32 s9, s0;
	s0 =	sadd.s32 s5, s0;
	[dreg:$0x4] =	wrdreg s15  }
0x12: {  	s15 =	simm.s32 $0x69;
	s7 =	sadd.s32 s20, s7;
	s9 =	sadd.s32 s13, s9  }
0x13: {  	s23 =	sshrl.u32 s19, $0x3;
	s20 =	simm.s32 $0x1;
	s15 =	simm.s32 @!p0 $0x35  }
0x14: {  	s21 =	sadd.s32 $0x4C00, s10;
	s10 =	sadd.s32 $0x400, s7;
	s11 =	sadd.s32 s13, s23  }
0x15: {  	s23 =	simm.s32 $0x200;
	[dreg:$0x5] =	wrdreg s21;
	s22 =	sshll.u32 s15, $0x7  }
0x16: {  	s11 =	sadd.s32 $0x10, s11;
	s25 =	sshll.u32 s15, $0xC;
	s15 =	smax.u32 s2, $0x1  }
0x17: {  	s2 =	sadd.s32 $0x30, s9;
	s21 =	simm.s32 $0x80;
	s24 =	sadd.s32 $0xFFFFFF80, s22  }
0x18: {  	s26 =	sand.u32 $0x7C000, s25;
	s25 =	simm.s32 $0x4200;
	s14 =	sadd.s32 s24, s19  }
0x19: {  	s12 =	sshll.u32 s24, $0x3;
	s16 =	sadd.s32 $0xFFFFE000, s26;
	s19 =	simm.s32 $0x5  }
0x1a: {  	s24 =	simm.s32 $0x100;
	s26 =	simm.s32 $0x180;
	s14 =	sshrl.u32 s14, $0x3  }
0x1b: {  	s12 =	sadd.s32 s12, s7;
	s13 =	sadd.s32 s13, s14;
	s14 =	sadd.s32 $0xDC400, s0  }
.LBB2_1:
0x1c: {  	s0 =	rddreg [dreg:$0x4]  }
0x1d: {  	[spmem:s18], [sflag:s6] =	dma.local [hbm:s0], $0x2780  }
0x1e: {  	_ =	swait.ge [sflag:s19], $0x2780  }
0x1f: {  	s22 =	sshrl.u32 s7, $0x3;
	[sflag:s19] =	ssyncset.done $0x0  }
0x20: {  	s8 =	simm.s32 $0x10;
	s5 =	rddreg [dreg:$0x5];
	[sflag:s19] =	ssyncadd.s32 $0xFFFFD880  }
0x21: {  	[spmem:s22@s21], [sflag:s6] =	dma.strided [hbm:s5@s8], $0x690, s20, $0x10   }
0x22: {  	_ =	swait.ge [sflag:s19], $0x690  }
0x23: {  	[sflag:s19] =	ssyncset.done $0x0  }
0x24: {  	[sflag:s19] =	ssyncadd.s32 $0xFFFFF970  }
0x25: {  	[bflag:$0x0] =	sbarrier.arrive $0xFFFF  }
0x26: {  	[tilespmem:s3], [sflag:$0x5] =	stream.linear.gather [spmem:s7], $0x80, $0x38;
	[tilespmem:$0x1F280] =	vst v63  }
0x27: {  	_ =	swait.ge [sflag:s19], $0x80  }
0x28: {  	[sflag:s19] =	ssyncset.done $0x0  }
0x29: {  	[sflag:s19] =	ssyncadd.s32 $0xFFFFFF80  }
0x2a: {  	[tilespmem:s23], [sflag:$0x1] =	stream.indirect.gather [hbm4b:s4+s21], $0x80, s3, s21, $0xb8;
	[tilespmem:$0x1F280] =	vst v63  }
0x2b: {  	_ = 	snop  }
0x2c: {  	[tilespmem:s21], [sflag:$0x5] =	stream.linear.gather [hbm4b:s9+s3], $0x80, $0x38;
	[tilespmem:$0x1F280] =	vst v63  }
0x2d: {  	_ =	swait.ge [sflag:s19], $0x80  }
0x2e: {  	[sflag:s19] =	ssyncset.done $0x0  }
0x2f: {  	[sflag:s19] =	ssyncadd.s32 $0xFFFFFF80  }
0x30: {  	_ =	swait.ge [sflag:s20], $0x4000  }
0x31: {  	[sflag:s20] =	ssyncset.done $0x0  }
0x32: {  	[sflag:s20] =	ssyncadd.s32 $0xFFFFC000  }
0x33: {  	[spmem:s1] =	stream.indirect.scatter.add.f32 [tilespmem:s23], [sflag:$0x3], $0x80, s21, s21, $0xb8;
	[tilespmem:$0x1F280] =	vst v63  }
0x34: {  	_ = 	snop  }
0x35: {  	[tilespmem:s24], [sflag:$0x5] =	stream.linear.gather [spmem:s10], $0x80, $0x38;
	[tilespmem:$0x1F280] =	vst v63  }
0x36: {  	_ =	swait.ge [sflag:s19], $0x80  }
0x37: {  	[sflag:s19] =	ssyncset.done $0x0  }
0x38: {  	[sflag:s19] =	ssyncadd.s32 $0xFFFFFF80  }
0x39: {  	[tilespmem:s25], [sflag:$0x2] =	stream.indirect.gather [hbm4b:s4+s21], $0x80, s24, s21, $0xb8;
	[tilespmem:$0x1F280] =	vst v63  }
0x3a: {  	_ = 	snop  }
0x3b: {  	[tilespmem:s26], [sflag:$0x5] =	stream.linear.gather [hbm4b:s11+s3], $0x80, $0x38;
	[tilespmem:$0x1F280] =	vst v63  }
0x3c: {  	_ =	swait.ge [sflag:s19], $0x80  }
0x3d: {  	p1 =	sne.s32 s16, $0x2000;
	[sflag:s19] =	ssyncset.done $0x0  }
.Ltmp0:
0x3e: {  	[sflag:s19] =	ssyncadd.s32 $0xFFFFFF80;
	(pc) =	sbr.rel @!p1 .LBB2_4-.Ltmp0, $4  }
0x3f: {  	_ =	swait.ge [sflag:s28], $0x4000  }
0x40: {  	p0 =	por $0x0, $0x0;
	[sflag:s28] =	ssyncset.done $0x0  }
0x41: {  	s17 =	smov.u32 s2;
	s22 =	simm.s32 $0x0;
	[sflag:s28] =	ssyncadd.s32 $0xFFFFC000  }
0x42: {  	[spmem:s1] =	stream.indirect.scatter.add.f32 [tilespmem:s25], [sflag:$0x4], $0x80, s26, s21, $0xb8;
	[tilespmem:$0x1F280] =	vst v63  }
0x43: {  	s0 =	sadd.s32 $0x0, s7  }
0x44: {  	s17 =	sadd.s32 $0x800, s0  }
0x45: {  	[tilespmem:s3], [sflag:$0x5] =	stream.linear.gather [spmem:s17], $0x80, $0x38;
	[tilespmem:$0x1F280] =	vst v63  }
0x46: {  	_ =	swait.ge [sflag:s19], $0x80  }
0x47: {  	[sflag:s19] =	ssyncset.done $0x0  }
0x48: {  	[sflag:s19] =	ssyncadd.s32 $0xFFFFFF80  }
0x49: {  	_ =	swait.ge [sflag:s29], $0x4000  }
0x4a: {  	[sflag:s29] =	ssyncset.done $0x0  }
0x4b: {  	[sflag:s29] =	ssyncadd.s32 $0xFFFFC000  }
0x4c: {  	[tilespmem:s23], [sflag:$0x1] =	stream.indirect.gather [hbm4b:s4+s21], $0x80, s3, s21, $0xb8;
	[tilespmem:$0x1F280] =	vst v63  }
0x4d: {  	s22 =	sadd.s32 $0xFFFFFFF0, s2  }
0x4e: {  	[tilespmem:s21], [sflag:$0x5] =	stream.linear.gather [hbm4b:s22+s3], $0x80, $0x38;
	[tilespmem:$0x1F280] =	vst v63  }
0x4f: {  	_ =	swait.ge [sflag:s19], $0x80  }
0x50: {  	[sflag:s19] =	ssyncset.done $0x0  }
0x51: {  	[sflag:s19] =	ssyncadd.s32 $0xFFFFFF80  }
0x52: {  	_ =	swait.ge [sflag:s20], $0x4000  }
0x53: {  	[sflag:s20] =	ssyncset.done $0x0  }
0x54: {  	[sflag:s20] =	ssyncadd.s32 $0xFFFFC000  }
0x55: {  	[spmem:s1] =	stream.indirect.scatter.add.f32 [tilespmem:s23], [sflag:$0x3], $0x80, s21, s21, $0xb8;
	[tilespmem:$0x1F280] =	vst v63  }
0x56: {  	s0 =	sadd.s32 $0xC00, s0  }
0x57: {  	[tilespmem:s24], [sflag:$0x5] =	stream.linear.gather [spmem:s0], $0x80, $0x38;
	[tilespmem:$0x1F280] =	vst v63  }
0x58: {  	_ =	swait.ge [sflag:s19], $0x80  }
0x59: {  	[sflag:s19] =	ssyncset.done $0x0  }
0x5a: {  	[sflag:s19] =	ssyncadd.s32 $0xFFFFFF80  }
0x5b: {  	_ =	swait.ge [sflag:s30], $0x4000  }
0x5c: {  	[sflag:s30] =	ssyncset.done $0x0  }
0x5d: {  	[sflag:s30] =	ssyncadd.s32 $0xFFFFC000  }
0x5e: {  	[tilespmem:s25], [sflag:$0x2] =	stream.indirect.gather [hbm4b:s4+s21], $0x80, s24, s21, $0xb8;
	[tilespmem:$0x1F280] =	vst v63  }
0x5f: {  	p1 =	sne.s32 s16, $0x4000  }
0x60: {  	[tilespmem:s26], [sflag:$0x5] =	stream.linear.gather [hbm4b:s2+s3], $0x80, $0x38;
	[tilespmem:$0x1F280] =	vst v63  }
.Ltmp1:
0x61: {  	_ =	swait.ge [sflag:s19], $0x80;
	(pc) =	sbr.rel @!p1 .LBB2_4-.Ltmp1, $4  }
0x62: {  	[sflag:s19] =	ssyncset.done $0x0  }
0x63: {  	[sflag:s19] =	ssyncadd.s32 $0xFFFFFF80  }
0x64: {  	p0 =	por $0x1, $0x1;
	s17 =	sadd.s32 $0x20, s2;
	_ =	swait.ge [sflag:s28], $0x4000  }
0x65: {  	s22 =	simm.s32 $0x800;
	s0 =	simm.s32 $0x4000;
	[sflag:s28] =	ssyncset.done $0x0  }
.LBB2_3:
0x66: {  	s5 =	sadd.s32 s22, s7  }
0x67: {  	[sflag:s28] =	ssyncadd.s32 $0xFFFFC000;
	s22 =	smov.u32 s0;
	s0 =	sadd.s32 $0x2000, s0  }
0x68: {  	[spmem:s1] =	stream.indirect.scatter.add.f32 [tilespmem:s25], [sflag:$0x4], $0x80, s26, s21, $0xb8;
	[tilespmem:$0x1F280] =	vst v63  }
0x69: {  	p1 =	sne.s32 s16, s0;
	s8 =	sadd.s32 $0x800, s5  }
0x6a: {  	[tilespmem:s3], [sflag:$0x5] =	stream.linear.gather [spmem:s8], $0x80, $0x38;
	[tilespmem:$0x1F280] =	vst v63  }
0x6b: {  	_ =	swait.ge [sflag:s19], $0x80  }
0x6c: {  	[sflag:s19] =	ssyncset.done $0x0  }
0x6d: {  	[sflag:s19] =	ssyncadd.s32 $0xFFFFFF80  }
0x6e: {  	_ =	swait.ge [sflag:s29], $0x4000  }
0x6f: {  	[sflag:s29] =	ssyncset.done $0x0  }
0x70: {  	[sflag:s29] =	ssyncadd.s32 $0xFFFFC000  }
0x71: {  	[tilespmem:s23], [sflag:$0x1] =	stream.indirect.gather [hbm4b:s4+s21], $0x80, s3, s21, $0xb8;
	[tilespmem:$0x1F280] =	vst v63  }
0x72: {  	s8 =	sadd.s32 $0xFFFFFFF0, s17  }
0x73: {  	[tilespmem:s21], [sflag:$0x5] =	stream.linear.gather [hbm4b:s8+s3], $0x80, $0x38;
	[tilespmem:$0x1F280] =	vst v63  }
0x74: {  	_ =	swait.ge [sflag:s19], $0x80  }
0x75: {  	[sflag:s19] =	ssyncset.done $0x0  }
0x76: {  	[sflag:s19] =	ssyncadd.s32 $0xFFFFFF80  }
0x77: {  	_ =	swait.ge [sflag:s20], $0x4000  }
0x78: {  	[sflag:s20] =	ssyncset.done $0x0  }
0x79: {  	[sflag:s20] =	ssyncadd.s32 $0xFFFFC000  }
0x7a: {  	[spmem:s1] =	stream.indirect.scatter.add.f32 [tilespmem:s23], [sflag:$0x3], $0x80, s21, s21, $0xb8;
	[tilespmem:$0x1F280] =	vst v63  }
0x7b: {  	s5 =	sadd.s32 $0xC00, s5  }
0x7c: {  	[tilespmem:s24], [sflag:$0x5] =	stream.linear.gather [spmem:s5], $0x80, $0x38;
	[tilespmem:$0x1F280] =	vst v63  }
0x7d: {  	_ =	swait.ge [sflag:s19], $0x80  }
0x7e: {  	[sflag:s19] =	ssyncset.done $0x0  }
0x7f: {  	[sflag:s19] =	ssyncadd.s32 $0xFFFFFF80  }
0x80: {  	_ =	swait.ge [sflag:s30], $0x4000  }
0x81: {  	[sflag:s30] =	ssyncset.done $0x0  }
0x82: {  	[sflag:s30] =	ssyncadd.s32 $0xFFFFC000  }
0x83: {  	[tilespmem:s25], [sflag:$0x2] =	stream.indirect.gather [hbm4b:s4+s21], $0x80, s24, s21, $0xb8;
	[tilespmem:$0x1F280] =	vst v63  }
0x84: {  	_ = 	snop  }
0x85: {  	[tilespmem:s26], [sflag:$0x5] =	stream.linear.gather [hbm4b:s17+s3], $0x80, $0x38;
	[tilespmem:$0x1F280] =	vst v63  }
.Ltmp2:
0x86: {  	_ =	swait.ge [sflag:s19], $0x80;
	(pc) =	sbr.rel @p1 .LBB2_3-.Ltmp2, $4  }
0x87: {  	[sflag:s19] =	ssyncset.done $0x0  }
0x88: {  	[sflag:s19] =	ssyncadd.s32 $0xFFFFFF80  }
0x89: {  	_ =	swait.ge [sflag:s28], $0x4000  }
0x8a: {  	s22 =	sshra.s32 s22, $0x2;
	s17 =	sadd.s32 $0x20, s17;
	[sflag:s28] =	ssyncset.done $0x0  }
.LBB2_4:
0x8b: {  	s0 =	sadd.s32 s22, s7;
	[sflag:s28] =	ssyncadd.s32 @p0 $0xFFFFC000  }
0x8c: {  	[spmem:s1] =	stream.indirect.scatter.add.f32 @p0 [tilespmem:s25], [sflag:$0x4], $0x80, s26, s21, $0xb8;
	[tilespmem:$0x1F280] =	vst v63  }
0x8d: {  	s5 =	sadd.s32 $0x800, s0  }
0x8e: {  	[tilespmem:s3], [sflag:$0x5] =	stream.linear.gather [spmem:s5], $0x80, $0x38;
	[tilespmem:$0x1F280] =	vst v63  }
0x8f: {  	_ =	swait.ge [sflag:s19], $0x80  }
0x90: {  	[sflag:s19] =	ssyncset.done $0x0  }
0x91: {  	[sflag:s19] =	ssyncadd.s32 $0xFFFFFF80  }
0x92: {  	_ =	swait.ge [sflag:s29], $0x4000  }
0x93: {  	[sflag:s29] =	ssyncset.done $0x0  }
0x94: {  	[sflag:s29] =	ssyncadd.s32 $0xFFFFC000  }
0x95: {  	[tilespmem:s23], [sflag:$0x1] =	stream.indirect.gather [hbm4b:s4+s21], $0x80, s3, s21, $0xb8;
	[tilespmem:$0x1F280] =	vst v63  }
0x96: {  	s22 =	sadd.s32 $0xFFFFFFF0, s17  }
0x97: {  	[tilespmem:s21], [sflag:$0x5] =	stream.linear.gather [hbm4b:s22+s3], $0x80, $0x38;
	[tilespmem:$0x1F280] =	vst v63  }
0x98: {  	_ =	swait.ge [sflag:s19], $0x80  }
0x99: {  	[sflag:s19] =	ssyncset.done $0x0  }
0x9a: {  	[sflag:s19] =	ssyncadd.s32 $0xFFFFFF80  }
0x9b: {  	_ =	swait.ge [sflag:s20], $0x4000  }
0x9c: {  	[sflag:s20] =	ssyncset.done $0x0  }
0x9d: {  	[sflag:s20] =	ssyncadd.s32 $0xFFFFC000  }
0x9e: {  	[spmem:s1] =	stream.indirect.scatter.add.f32 [tilespmem:s23], [sflag:$0x3], $0x80, s21, s21, $0xb8;
	[tilespmem:$0x1F280] =	vst v63  }
0x9f: {  	s0 =	sadd.s32 $0xC00, s0  }
0xa0: {  	[tilespmem:s24], [sflag:$0x5] =	stream.linear.gather [spmem:s0], $0x80, $0x38;
	[tilespmem:$0x1F280] =	vst v63  }
0xa1: {  	_ =	swait.ge [sflag:s19], $0x80  }
0xa2: {  	[sflag:s19] =	ssyncset.done $0x0  }
0xa3: {  	[sflag:s19] =	ssyncadd.s32 $0xFFFFFF80  }
0xa4: {  	_ =	swait.ge [sflag:s30], $0x4000  }
0xa5: {  	[sflag:s30] =	ssyncset.done $0x0  }
0xa6: {  	[sflag:s30] =	ssyncadd.s32 $0xFFFFC000  }
0xa7: {  	[tilespmem:s25], [sflag:$0x2] =	stream.indirect.gather [hbm4b:s4+s21], $0x80, s24, s21, $0xb8;
	[tilespmem:$0x1F280] =	vst v63  }
0xa8: {  	_ = 	snop  }
0xa9: {  	[tilespmem:s26], [sflag:$0x5] =	stream.linear.gather [hbm4b:s17+s3], $0x80, $0x38;
	[tilespmem:$0x1F280] =	vst v63  }
0xaa: {  	_ =	swait.ge [sflag:s19], $0x80  }
0xab: {  	[sflag:s19] =	ssyncset.done $0x0  }
0xac: {  	[sflag:s19] =	ssyncadd.s32 $0xFFFFFF80  }
0xad: {  	_ =	swait.ge [sflag:s28], $0x4000  }
0xae: {  	[sflag:s28] =	ssyncset.done $0x0  }
0xaf: {  	[sflag:s28] =	ssyncadd.s32 $0xFFFFC000  }
0xb0: {  	[spmem:s1] =	stream.indirect.scatter.add.f32 [tilespmem:s25], [sflag:$0x4], $0x80, s26, s21, $0xb8;
	[tilespmem:$0x1F280] =	vst v63  }
0xb1: {  	_ = 	snop  }
0xb2: {  	[tilespmem:s3], [sflag:$0x5] =	stream.linear.gather [spmem:s12], $0x80, $0x38;
	[tilespmem:$0x1F280] =	vst v63  }
0xb3: {  	_ =	swait.ge [sflag:s19], $0x80  }
0xb4: {  	[sflag:s19] =	ssyncset.done $0x0  }
0xb5: {  	[sflag:s19] =	ssyncadd.s32 $0xFFFFFF80  }
0xb6: {  	_ =	swait.ge [sflag:s29], $0x4000  }
0xb7: {  	[sflag:s29] =	ssyncset.done $0x0  }
0xb8: {  	[sflag:s29] =	ssyncadd.s32 $0xFFFFC000  }
0xb9: {  	[tilespmem:s23], [sflag:$0x1] =	stream.indirect.gather [hbm4b:s4+s21], $0x80, s3, s21, $0xb8;
	[tilespmem:$0x1F280] =	vst v63  }
0xba: {  	_ = 	snop  }
0xbb: {  	[tilespmem:s21], [sflag:$0x5] =	stream.linear.gather [hbm4b:s13+s3], $0x80, $0x38;
	[tilespmem:$0x1F280] =	vst v63  }
0xbc: {  	_ =	swait.ge [sflag:s19], $0x80  }
0xbd: {  	[sflag:s19] =	ssyncset.done $0x0  }
0xbe: {  	[sflag:s19] =	ssyncadd.s32 $0xFFFFFF80  }
0xbf: {  	_ =	swait.ge [sflag:s20], $0x4000  }
0xc0: {  	[sflag:s20] =	ssyncset.done $0x0  }
0xc1: {  	[sflag:s20] =	ssyncadd.s32 $0xFFFFC000  }
0xc2: {  	[spmem:s1] =	stream.indirect.scatter.add.f32 [tilespmem:s23], [sflag:$0x3], $0x80, s21, s21, $0xb8;
	[tilespmem:$0x1F280] =	vst v63  }
0xc3: {  	_ =	swait.ge [sflag:s29], $0x4000  }
0xc4: {  	[sflag:s29] =	ssyncset.done $0x0  }
0xc5: {  	[sflag:s29] =	ssyncadd.s32 $0xFFFFC000  }
0xc6: {  	_ =	swait.ge [sflag:s30], $0x4000  }
0xc7: {  	s31 =	sadd.s32 $0x1, s31;
	[sflag:s30] =	ssyncset.done $0x0  }
0xc8: {  	p0 =	sne.s32 s31, s15;
	[sflag:s30] =	ssyncadd.s32 $0xFFFFC000  }
.Ltmp3:
0xc9: {  	[bflag:$0x0] =	sbarrier.arrive $0xFFFF;
	(pc) =	sbr.rel @p0 .LBB2_1-.Ltmp3, $4  }
0xca: {  	[hbm:s14], [sflag:s6] =	dma.local [spmem:s18], $0x2780  }
0xcb: {  	_ =	swait.ge [sflag:s19], $0x2780  }
0xcc: {  	[sflag:s19] =	ssyncset.done $0x0  }
0xcd: {  	[sflag:s19] =	ssyncadd.s32 $0xFFFFD880  }
0xce: {  	_ =	sfence.sel $0x180000  }
0xcf: {  	[bflag:$0x0] =	sbarrier.arrive $0xFFFF  }
0xd0: {  	_ =	strace $0x90000047  }
0xd1: {  	s0 =	stileid.u32;
	[bflag:$0x2] =	sbarrier.arrive $0xFFFF  }
0xd2: {  	p0 =	sne.s32 s0, $0x0;
	s0 =	rddreg [dreg:$0x3]  }
0xd3: {  	s0 =	sadd.s32 @!p0 $0x100000, s0  }
0xd4: {  	[sflag:s0] =	ssyncadd.tile.s32 @!p0 $0x1;
	_ =	shalt  }
.Lfunc_end2:
_tile_overlayer_lowered:
.L_overlay_start_2:
0xd5: {  	(tag) =	ssettag $0x2  }
0xd6: {  	s0 =	rddreg [dreg:$0x0];
	s2 =	stileid.u32  }
0xd7: {  	s1 =	rddreg [dreg:$0x1];
	p0 =	sne.s32 s2, $0x0  }
0xd8: {  	s3 =	rddreg [dreg:$0x2];
	[bflag:$0x3] =	sbarrier.arrive $0xFFFF;
	s2 =	simm.s32 @!p0 $0x1C05  }
0xd9: {  	[timem:s3], [sflag:s2] =	dma.local @!p0 [hbm:s0], s1  }
0xda: {  	s0 =	simm.s32 @!p0 $0x5  }
0xdb: {  	_ =	swait.ge @!p0 [sflag:s0], s1  }
0xdc: {  	s1 =	ssub.s32 @!p0 $0x0, s1;
	[sflag:s0] =	ssyncset.done @!p0 $0x0  }
0xdd: {  	[sflag:s0] =	ssyncadd.s32 @!p0 s1  }
0xde: {  	[bflag:$0x3] =	sbarrier.arrive $0xFFFF  }
0xdf: {  	_ =	shalt  }

// kernel: kernel.19.cloned.1.call-start
scs
__scs_entry_jumppad:
0x0: {  	(pc) =	sbr.rel $0x88, $3  }
0x1: {  	(tag) =	ssettag $0x0;
	lr =	simm.s32 $0x1  }
0x2: {  	[smem:$0x3F90] =	sst lr;
	_ =	strace $0xD0000000  }
0x3: {  	_ = 	snop  }
0x4: {  	_ = 	snop  }
0x5: {  	_ = 	snop  }
0x6: {  	_ = 	snop  }
0x7: {  	_ = 	snop  }
__scs_overlays_trampoline_lowered:
0x8: {  	[smem:$0x3F9F] =	sst s0  }
0x9: {  	[smem:$0x3FA0] =	sst s1  }
0xa: {  	[smem:$0x3FA1] =	sst s2  }
0xb: {  	[smem:$0x3FA2] =	sst s3  }
0xc: {  	[smem:$0x3FA3] =	sst s4  }
0xd: {  	[smem:$0x3FA4] =	sst s5  }
0xe: {  	[smem:$0x3FA5] =	sst s6  }
0xf: {  	[smem:$0x3FA6] =	sst s7  }
0x10: {  	[smem:$0x3FA7] =	sst s8  }
0x11: {  	[smem:$0x3FA8] =	sst s9;
	s0 =	simm.s32 @!p0 $0x0  }
0x12: {  	s1 =	sld [smem:$0x3F8E];
	s0 =	simm.s32 @p0 $0x1  }
0x13: {  	[smem:$0x3FA9] =	sst s0;
	s0 =	simm.s32 @!p1 $0x0  }
0x14: {  	s2 =	sld [smem:$0x3F8D];
	s0 =	simm.s32 @p1 $0x1  }
0x15: {  	[smem:$0x3FAA] =	sst s0;
	s0 =	simm.s32 @!p2 $0x0  }
0x16: {  	s3 =	sld [smem:$0x3FDB];
	s0 =	simm.s32 @p2 $0x1  }
0x17: {  	s4 =	simm.s32 $0x1BF5;
	[smem:$0x3FAC] =	sst s0  }
0x18: {  	s0 =	sld [smem:$0x3F8F];
	_ =	swait.ge [sflag:s4], $0x0  }
0x19: {  	s7 =	sld [smem:$0x3F90]  }
0x1a: {  	s8 =	sadd.s32 $0xFFFFE003, lr  }
0x1b: {  	s9 =	sadd.s32 $0xFFFFFEF7, lr;
	s5 =	simm.s32 $0xFFFFFFFF;
	p2 =	slt.u32 s8, $0xFFFFF086  }
0x1c: {  	p1 =	slt.u32 s9, $0xF7A;
	s5 =	simm.s32 @!p2 $0x0  }
0x1d: {  	s5 =	simm.s32 @p1 $0x1;
	p0 =	seq.s32 s7, s2  }
0x1e: {  	s7 =	smul.u32 @!p0 $0xF7A, s2;
	p2 =	seq.s32 @!p0 s5, $0x0  }
0x1f: {  	s9 =	smul.u32 $0xF7A, s1;
	s8 =	simm.s32 @!p0 $0x1BF5;
	p2 =	por !p2, p0  }
0x20: {  	[sflag:s8] =	ssyncset.s32 @!p0 $0xFFFFF086;
	s6 =	sadd.s32 @!p0 s3, s7;
	s7 =	simm.s32 @!p0 $0x108  }
0x21: {  	s3 =	sadd.s32 s3, s9;
	s6 =	sadd.s32 @!p0 $0x88, s6;
	s7 =	simm.s32 @p2 $0x1082  }
0x22: {  	[simem:s7], [sflag:s8] =	dma.local @!p0 [hbm:s6], $0xF7A  }
0x23: {  	s9 =	sor.u32 $0xD0000000, s2;
	s6 =	simm.s32 $0x108;
	_ =	swait.ge @!p0 [sflag:s8], $0x0  }
0x24: {  	s3 =	sadd.s32 $0x88, s3;
	s6 =	simm.s32 @!p1 $0x1082;
	[sflag:s4] =	ssyncset.s32 $0xFFFFF086  }
0x25: {  	[simem:s6], [sflag:s4] =	dma.local [hbm:s3], $0xF7A  }
0x26: {  	[smem:$0x3F90] =	sst s1;
	(tag) =	ssettag s2;
	_ =	strace s9  }
0x27: {  	s1 =	sld [smem:$0x3FA0]  }
0x28: {  	s2 =	sld [smem:$0x3FA1]  }
0x29: {  	s4 =	sld [smem:$0x3FA3]  }
0x2a: {  	p0 =	seq.s32 s5, $0x0;
	s5 =	sld [smem:$0x3FA4]  }
0x2b: {  	s6 =	sld [smem:$0x3FA5]  }
0x2c: {  	s7 =	sld [smem:$0x3FA6]  }
0x2d: {  	s3 =	simm.s32 $0x108;
	s8 =	sld [smem:$0x3FA7]  }
0x2e: {  	s3 =	simm.s32 @!p0 $0x1082;
	s9 =	sld [smem:$0x3FA8]  }
0x2f: {  	lr =	sadd.s32 s0, s3;
	s0 =	sld [smem:$0x3F9F]  }
0x30: {  	s3 =	sld [smem:$0x3FA2]  }
0x31: {  	[smem:$0x3FAB] =	sst s10  }
0x32: {  	s10 =	sld [smem:$0x3FA9];
	_ =	sdelay $0x3  }
0x33: {  	p0 =	seq.s32 s10, $0x1;
	s10 =	sld [smem:$0x3FAB];
	_ =	sdelay $0x3  }
0x34: {  	[smem:$0x3FAB] =	sst s10  }
0x35: {  	s10 =	sld [smem:$0x3FAA];
	_ =	sdelay $0x3  }
0x36: {  	p1 =	seq.s32 s10, $0x1;
	s10 =	sld [smem:$0x3FAB];
	_ =	sdelay $0x3  }
0x37: {  	[smem:$0x3FAB] =	sst s10  }
0x38: {  	s10 =	sld [smem:$0x3FAC]  }
0x39: {  	_ = 	snop;
	(pc) =	sbr.ind lr, $3  }
0x3a: {  	_ = 	snop  }
0x3b: {  	_ = 	snop  }
0x3c: {  	p2 =	seq.s32 s10, $0x1;
	s10 =	sld [smem:$0x3FAB]  }
0x3d: {  	_ =	shalt  }
0x3e: {  	_ =	shalt  }
0x3f: {  	_ =	shalt  }
0x40: {  	_ =	shalt  }
0x41: {  	_ =	shalt  }
0x42: {  	_ =	shalt  }
0x43: {  	_ =	shalt  }
0x44: {  	_ =	shalt  }
0x45: {  	_ =	shalt  }
0x46: {  	_ =	shalt  }
0x47: {  	_ =	shalt  }
0x48: {  	_ =	shalt  }
0x49: {  	_ =	shalt  }
0x4a: {  	_ =	shalt  }
0x4b: {  	_ =	shalt  }
0x4c: {  	_ =	shalt  }
0x4d: {  	_ =	shalt  }
0x4e: {  	_ =	shalt  }
0x4f: {  	_ =	shalt  }
0x50: {  	_ =	shalt  }
0x51: {  	_ =	shalt  }
0x52: {  	_ =	shalt  }
0x53: {  	_ =	shalt  }
0x54: {  	_ =	shalt  }
0x55: {  	_ =	shalt  }
0x56: {  	_ =	shalt  }
0x57: {  	_ =	shalt  }
0x58: {  	_ =	shalt  }
0x59: {  	_ =	shalt  }
0x5a: {  	_ =	shalt  }
0x5b: {  	_ =	shalt  }
0x5c: {  	_ =	shalt  }
0x5d: {  	_ =	shalt  }
0x5e: {  	_ =	shalt  }
0x5f: {  	_ =	shalt  }
0x60: {  	_ =	shalt  }
0x61: {  	_ =	shalt  }
0x62: {  	_ =	shalt  }
0x63: {  	_ =	shalt  }
0x64: {  	_ =	shalt  }
0x65: {  	_ =	shalt  }
0x66: {  	_ =	shalt  }
0x67: {  	_ =	shalt  }
0x68: {  	_ =	shalt  }
0x69: {  	_ =	shalt  }
0x6a: {  	_ =	shalt  }
0x6b: {  	_ =	shalt  }
0x6c: {  	_ =	shalt  }
0x6d: {  	_ =	shalt  }
0x6e: {  	_ =	shalt  }
0x6f: {  	_ =	shalt  }
0x70: {  	_ =	shalt  }
0x71: {  	_ =	shalt  }
0x72: {  	_ =	shalt  }
0x73: {  	_ =	shalt  }
0x74: {  	_ =	shalt  }
0x75: {  	_ =	shalt  }
0x76: {  	_ =	shalt  }
0x77: {  	_ =	shalt  }
0x78: {  	_ =	shalt  }
0x79: {  	_ =	shalt  }
0x7a: {  	_ =	shalt  }
0x7b: {  	_ =	shalt  }
0x7c: {  	_ =	shalt  }
0x7d: {  	_ =	shalt  }
0x7e: {  	_ =	shalt  }
0x7f: {  	_ =	shalt  }
0x80: {  	_ =	shalt  }
0x81: {  	_ =	shalt  }
0x82: {  	_ =	shalt  }
0x83: {  	_ =	shalt  }
0x84: {  	_ =	shalt  }
0x85: {  	_ =	shalt  }
0x86: {  	_ =	shalt  }
0x87: {  	_ =	shalt  }
.Lfunc_end0:
.L_simem_size_0:
called_computation.1_lowered:
.L_overlay_start_0:
0x88: {  	s2 =	sld [smem:$0x3FD9]  }
0x89: {  	s3 =	sld [smem:$0x3FFE];
	_ =	sdelay $0x1  }
0x8a: {  	s1 =	srdreg.scid  }
0x8b: {  	s0 =	sand.u32 $0x1, s1  }
0x8c: {  	s16 =	sshll.u32 s0, $0xA;
	s2 =	sadd.s32 s3, s2  }
0x8d: {  	s2 =	sadd.s32 s2, s16  }
0x8e: {  	[smem:$0x3FB7] =	sst s2  }
0x8f: {  	_ = 	snop  }
0x90: {  	(tm) =	ssettm $0x1  }
0x91: {  	s17 =	sld [smem:$0x3FFB];
	_ =	sdelay $0x3  }
0x92: {  	_ =	strace s17  }
0x93: {  	s2 =	sld [smem:$0x3FFC];
	_ =	sdelay $0x3  }
0x94: {  	_ =	strace s2  }
0x95: {  	s2 =	sld [smem:$0x3FFD];
	_ =	sdelay $0x3  }
0x96: {  	_ =	strace s2  }
0x97: {  	_ =	strace $0x8FFFFFFF  }
0x98: {  	s18 =	sld [smem:$0x3FDB];
	_ =	sdelay $0x1  }
0x99: {  	s19 =	simm.s32 $_scs_section_size  }
0x9a: {  	s4 =	simm.s32 $_size__tile_overlayer_lowered;
	s5 =	simm.s32 $_tile_overlayer_lowered  }
0x9b: {  	s22 =	simm.s32 $0x1BFF;
	s21 =	sshll.u32 s5, $0x1;
	s2 =	sadd.s32 s19, s18  }
0x9c: {  	s6 =	simm.s32 $0x0;
	s20 =	sshll.u32 s4, $0x1;
	s4 =	sadd.s32 s21, s2  }
0x9d: {  	[timem:s6], [sflag:s22] =	dma.local [hbm:s4], s20  }
0x9e: {  	_ =	swait.ge [sflag:s22], s20  }
0x9f: {  	s3 =	ssub.s32 $0x0, s20;
	[sflag:s22] =	ssyncset.done $0x0  }
0xa0: {  	[sflag:s22] =	ssyncadd.s32 s3;
	_ =	sdelay $0x1  }
0xa1: {  	s23 =	simm.s32 $0x1B8B  }
0xa2: {  	_ =	swait.ge [sflag:s23], $0x1  }
0xa3: {  	[sflag:s23] =	ssyncset.done $0x0  }
0xa4: {  	s25 =	simm.s32 $0x1B8E;
	s24 =	sld [smem:$0x3FFE];
	[sflag:s23] =	ssyncadd.s32 $0xFFFFFFFF  }
0xa5: {  	s26 =	simm.s32 $execute0_lowered;
	[smem:$0x3FD2] =	sst s25  }
0xa6: {  	s4 =	sshll.u32 s26, $0x1;
	_ =	strace $0x80000049;
	[dreg:$0x1] =	wrdreg $0xFFFFFFFF  }
0xa7: {  	s28 =	simm.s32 $_size_execute0_lowered;
	s2 =	sadd.s32 s2, s4;
	[dreg:$0x0] =	wrdreg $0x0  }
0xa8: {  	s4 =	sshll.u32 s28, $0x1;
	[dreg:$0x2] =	wrdreg s2  }
0xa9: {  	[dreg:$0x3] =	wrdreg s4  }
0xaa: {  	[dreg:$0x4] =	wrdreg $0xC0  }
0xab: {  	_ =	task [dreg:s6], $0x5FFFF  }
0xac: {  	[dreg:$0x1] =	wrdreg $0xFFFFFFFF  }
0xad: {  	[dreg:$0x0] =	wrdreg $0x60  }
0xae: {  	[dreg:$0x2] =	wrdreg s24  }
0xaf: {  	[dreg:$0x3] =	wrdreg $0x82000  }
0xb0: {  	[dreg:$0x4] =	wrdreg $0x1BE000  }
0xb1: {  	[dreg:$0x5] =	wrdreg $0x9  }
0xb2: {  	_ =	task.clear_ibuf [dreg:s6], $0x6FFFF;
	_ =	strace $0x90000049  }
0xb3: {  	s29 =	simm.s32 $0x9;
	_ =	strace $0x8000004B  }
0xb4: {  	_ =	swait.ge [sflag:s29], $0x1  }
0xb5: {  	[sflag:s29] =	ssyncadd.s32 $0xFFFFFFFF  }
0xb6: {  	_ =	strace $0x9000004B  }
0xb7: {  	_ =	sfence  }
0xb8: {  	s30 =	sld [smem:$0x0];
	_ =	sdelay $0x2  }
0xb9: {  	s31 =	sshll.u32 s1, $0xD;
	s1 =	sshrl.u32 s1, $0x2  }
0xba: {  	s3 =	sand.u32 $0x4000, s31;
	s1 =	sadd.s32 s1, s30  }
0xbb: {  	s0 =	sor.u32 s3, s0;
	s1 =	sshll.u32 s1, $0x11  }
0xbc: {  	s0 =	sor.u32 s1, s0  }
0xbd: {  	s0 =	sadd.s32 $0x8F2B, s0  }
0xbe: {  	[sflag:s0] =	ssyncadd.remote.s32 $0x1  }
0xbf: {  	_ =	sfence.sel $0xFFFF  }
0xc0: {  	[dreg:$0x0] =	wrdreg $0xFFFFFFFF;
	(pc) =	sbr.abs _section_cstart, $3  }
0xc1: {  	[dreg:$0x1] =	wrdreg $0xFFFFFFFF  }
0xc2: {  	_ =	task.clear_ibuf [dreg:s6], $0x2FFFF;
	_ =	strace $0x9FFFFFFF  }
0xc3: {  	(tm) =	ssettm $0x7FFFFFFF  }
tec
execute0_lowered:
.L_overlay_start_1:
0x0: {  	(tag) =	ssettag $0x1  }
0x1: {  	s0 =	rddreg [dreg:$0x0]  }
0x2: {  	s1 =	rddreg [dreg:$0x1];
	s16 =	stileid.u32  }
0x3: {  	s2 =	srdreg.scid;
	s3 =	smul.u32 $0x35, s16  }
0x4: {  	s7 =	rddreg [dreg:$0x2];
	s28 =	simm.s32 $0x2;
	s4 =	smul.u32 $0x69, s16  }
0x5: {  	s29 =	simm.s32 $0x3;
	s30 =	simm.s32 $0x4;
	s5 =	smul.u32 $0x13C00, s16  }
0x6: {  	s31 =	simm.s32 $0x0;
	s2 =	sand.u32 $0x1, s2;
	s25 =	smul.u32 $0x4F000, s16  }
0x7: {  	s13 =	sadd.s32 $0xEA00, s0;
	s14 =	sshrl.u32 s16, $0x3;
	s6 =	smul.u32 $0x13C000, s2  }
0x8: {  	p0 =	seq.s32 s2, $0x0;
	s2 =	ssub.s32 $0x2, s2;
	s14 =	smul.u32 $0x69000, s14  }
0x9: {  	s8 =	sadd.s32 $0x690, s3;
	s3 =	simm.s32 $0x0;
	s11 =	sshrl.u32 s5, $0x3  }
0xa: {  	s26 =	sshrl.u32 s2, $0x1;
	s12 =	sshrl.u32 s25, $0x2;
	s8 =	smov.u32 @p0 s4  }
0xb: {  	[smem:$0x7FF] =	sst s3;
	s4 =	sadd.s32 $0x18800, s0;
	s5 =	sadd.s32 s5, s6  }
0xc: {  	s11 =	sadd.s32 s11, s0;
	s2 =	ssub.s32 s2, s26;
	s17 =	sadd.s32 s12, s1  }
0xd: {  	s12 =	sshll.u32 s16, $0x6;
	s16 =	sshll.u32 s16, $0x7;
	s18 =	sshrl.u32 s14, $0x2  }
0xe: {  	s9 =	sshll.u32 s8, $0x4;
	_ =	strace $0x8000004A;
	s5 =	sshrl.u32 s5, $0x3  }
0xf: {  	s15 =	sadd.s32 $0xB4C00, s11;
	s6 =	sor.u32 $0x1C05, s12;
	s19 =	sshll.u32 s8, $0x7  }
0x10: {  	s20 =	sand.u32 $0x380, s16;
	s7 =	sadd.s32 s18, s7;
	s18 =	sshrl.u32 s17, $0x3  }
0x11: {  	s10 =	sadd.s32 s9, s0;
	s0 =	sadd.s32 s5, s0;
	[dreg:$0x4] =	wrdreg s15  }
0x12: {  	s15 =	simm.s32 $0x69;
	s7 =	sadd.s32 s20, s7;
	s9 =	sadd.s32 s13, s9  }
0x13: {  	s23 =	sshrl.u32 s19, $0x3;
	s20 =	simm.s32 $0x1;
	s15 =	simm.s32 @!p0 $0x35  }
0x14: {  	s21 =	sadd.s32 $0x4C00, s10;
	s10 =	sadd.s32 $0x400, s7;
	s11 =	sadd.s32 s13, s23  }
0x15: {  	s23 =	simm.s32 $0x200;
	[dreg:$0x5] =	wrdreg s21;
	s22 =	sshll.u32 s15, $0x7  }
0x16: {  	s11 =	sadd.s32 $0x10, s11;
	s25 =	sshll.u32 s15, $0xC;
	s15 =	smax.u32 s2, $0x1  }
0x17: {  	s2 =	sadd.s32 $0x30, s9;
	s21 =	simm.s32 $0x80;
	s24 =	sadd.s32 $0xFFFFFF80, s22  }
0x18: {  	s26 =	sand.u32 $0x7C000, s25;
	s25 =	simm.s32 $0x4200;
	s14 =	sadd.s32 s24, s19  }
0x19: {  	s12 =	sshll.u32 s24, $0x3;
	s16 =	sadd.s32 $0xFFFFE000, s26;
	s19 =	simm.s32 $0x5  }
0x1a: {  	s24 =	simm.s32 $0x100;
	s26 =	simm.s32 $0x180;
	s14 =	sshrl.u32 s14, $0x3  }
0x1b: {  	s12 =	sadd.s32 s12, s7;
	s13 =	sadd.s32 s13, s14;
	s14 =	sadd.s32 $0xDC400, s0  }
.LBB2_1:
0x1c: {  	s0 =	rddreg [dreg:$0x4]  }
0x1d: {  	[spmem:s18], [sflag:s6] =	dma.local [hbm:s0], $0x2780  }
0x1e: {  	_ =	swait.ge [sflag:s19], $0x2780  }
0x1f: {  	s22 =	sshrl.u32 s7, $0x3;
	[sflag:s19] =	ssyncset.done $0x0  }
0x20: {  	s8 =	simm.s32 $0x10;
	s5 =	rddreg [dreg:$0x5];
	[sflag:s19] =	ssyncadd.s32 $0xFFFFD880  }
0x21: {  	[spmem:s22@s21], [sflag:s6] =	dma.strided [hbm:s5@s8], $0x690, s20, $0x10   }
0x22: {  	_ =	swait.ge [sflag:s19], $0x690  }
0x23: {  	[sflag:s19] =	ssyncset.done $0x0  }
0x24: {  	[sflag:s19] =	ssyncadd.s32 $0xFFFFF970  }
0x25: {  	[bflag:$0x0] =	sbarrier.arrive $0xFFFF  }
0x26: {  	[tilespmem:s3], [sflag:$0x5] =	stream.linear.gather [spmem:s7], $0x80, $0x38;
	[tilespmem:$0x1F280] =	vst v63  }
0x27: {  	_ =	swait.ge [sflag:s19], $0x80  }
0x28: {  	[sflag:s19] =	ssyncset.done $0x0  }
0x29: {  	[sflag:s19] =	ssyncadd.s32 $0xFFFFFF80  }
0x2a: {  	[tilespmem:s23], [sflag:$0x1] =	stream.indirect.gather [hbm4b:s4+s21], $0x80, s3, s21, $0xb8;
	[tilespmem:$0x1F280] =	vst v63  }
0x2b: {  	_ = 	snop  }
0x2c: {  	[tilespmem:s21], [sflag:$0x5] =	stream.linear.gather [hbm4b:s9+s3], $0x80, $0x38;
	[tilespmem:$0x1F280] =	vst v63  }
0x2d: {  	_ =	swait.ge [sflag:s19], $0x80  }
0x2e: {  	[sflag:s19] =	ssyncset.done $0x0  }
0x2f: {  	[sflag:s19] =	ssyncadd.s32 $0xFFFFFF80  }
0x30: {  	_ =	swait.ge [sflag:s20], $0x4000  }
0x31: {  	[sflag:s20] =	ssyncset.done $0x0  }
0x32: {  	[sflag:s20] =	ssyncadd.s32 $0xFFFFC000  }
0x33: {  	[spmem:s1] =	stream.indirect.scatter.add.f32 [tilespmem:s23], [sflag:$0x3], $0x80, s21, s21, $0xb8;
	[tilespmem:$0x1F280] =	vst v63  }
0x34: {  	_ = 	snop  }
0x35: {  	[tilespmem:s24], [sflag:$0x5] =	stream.linear.gather [spmem:s10], $0x80, $0x38;
	[tilespmem:$0x1F280] =	vst v63  }
0x36: {  	_ =	swait.ge [sflag:s19], $0x80  }
0x37: {  	[sflag:s19] =	ssyncset.done $0x0  }
0x38: {  	[sflag:s19] =	ssyncadd.s32 $0xFFFFFF80  }
0x39: {  	[tilespmem:s25], [sflag:$0x2] =	stream.indirect.gather [hbm4b:s4+s21], $0x80, s24, s21, $0xb8;
	[tilespmem:$0x1F280] =	vst v63  }
0x3a: {  	_ = 	snop  }
0x3b: {  	[tilespmem:s26], [sflag:$0x5] =	stream.linear.gather [hbm4b:s11+s3], $0x80, $0x38;
	[tilespmem:$0x1F280] =	vst v63  }
0x3c: {  	_ =	swait.ge [sflag:s19], $0x80  }
0x3d: {  	p1 =	sne.s32 s16, $0x2000;
	[sflag:s19] =	ssyncset.done $0x0  }
.Ltmp0:
0x3e: {  	[sflag:s19] =	ssyncadd.s32 $0xFFFFFF80;
	(pc) =	sbr.rel @!p1 .LBB2_4-.Ltmp0, $4  }
0x3f: {  	_ =	swait.ge [sflag:s28], $0x4000  }
0x40: {  	p0 =	por $0x0, $0x0;
	[sflag:s28] =	ssyncset.done $0x0  }
0x41: {  	s17 =	smov.u32 s2;
	s22 =	simm.s32 $0x0;
	[sflag:s28] =	ssyncadd.s32 $0xFFFFC000  }
0x42: {  	[spmem:s1] =	stream.indirect.scatter.add.f32 [tilespmem:s25], [sflag:$0x4], $0x80, s26, s21, $0xb8;
	[tilespmem:$0x1F280] =	vst v63  }
0x43: {  	s0 =	sadd.s32 $0x0, s7  }
0x44: {  	s17 =	sadd.s32 $0x800, s0  }
0x45: {  	[tilespmem:s3], [sflag:$0x5] =	stream.linear.gather [spmem:s17], $0x80, $0x38;
	[tilespmem:$0x1F280] =	vst v63  }
0x46: {  	_ =	swait.ge [sflag:s19], $0x80  }
0x47: {  	[sflag:s19] =	ssyncset.done $0x0  }
0x48: {  	[sflag:s19] =	ssyncadd.s32 $0xFFFFFF80  }
0x49: {  	_ =	swait.ge [sflag:s29], $0x4000  }
0x4a: {  	[sflag:s29] =	ssyncset.done $0x0  }
0x4b: {  	[sflag:s29] =	ssyncadd.s32 $0xFFFFC000  }
0x4c: {  	[tilespmem:s23], [sflag:$0x1] =	stream.indirect.gather [hbm4b:s4+s21], $0x80, s3, s21, $0xb8;
	[tilespmem:$0x1F280] =	vst v63  }
0x4d: {  	s22 =	sadd.s32 $0xFFFFFFF0, s2  }
0x4e: {  	[tilespmem:s21], [sflag:$0x5] =	stream.linear.gather [hbm4b:s22+s3], $0x80, $0x38;
	[tilespmem:$0x1F280] =	vst v63  }
0x4f: {  	_ =	swait.ge [sflag:s19], $0x80  }
0x50: {  	[sflag:s19] =	ssyncset.done $0x0  }
0x51: {  	[sflag:s19] =	ssyncadd.s32 $0xFFFFFF80  }
0x52: {  	_ =	swait.ge [sflag:s20], $0x4000  }
0x53: {  	[sflag:s20] =	ssyncset.done $0x0  }
0x54: {  	[sflag:s20] =	ssyncadd.s32 $0xFFFFC000  }
0x55: {  	[spmem:s1] =	stream.indirect.scatter.add.f32 [tilespmem:s23], [sflag:$0x3], $0x80, s21, s21, $0xb8;
	[tilespmem:$0x1F280] =	vst v63  }
0x56: {  	s0 =	sadd.s32 $0xC00, s0  }
0x57: {  	[tilespmem:s24], [sflag:$0x5] =	stream.linear.gather [spmem:s0], $0x80, $0x38;
	[tilespmem:$0x1F280] =	vst v63  }
0x58: {  	_ =	swait.ge [sflag:s19], $0x80  }
0x59: {  	[sflag:s19] =	ssyncset.done $0x0  }
0x5a: {  	[sflag:s19] =	ssyncadd.s32 $0xFFFFFF80  }
0x5b: {  	_ =	swait.ge [sflag:s30], $0x4000  }
0x5c: {  	[sflag:s30] =	ssyncset.done $0x0  }
0x5d: {  	[sflag:s30] =	ssyncadd.s32 $0xFFFFC000  }
0x5e: {  	[tilespmem:s25], [sflag:$0x2] =	stream.indirect.gather [hbm4b:s4+s21], $0x80, s24, s21, $0xb8;
	[tilespmem:$0x1F280] =	vst v63  }
0x5f: {  	p1 =	sne.s32 s16, $0x4000  }
0x60: {  	[tilespmem:s26], [sflag:$0x5] =	stream.linear.gather [hbm4b:s2+s3], $0x80, $0x38;
	[tilespmem:$0x1F280] =	vst v63  }
.Ltmp1:
0x61: {  	_ =	swait.ge [sflag:s19], $0x80;
	(pc) =	sbr.rel @!p1 .LBB2_4-.Ltmp1, $4  }
0x62: {  	[sflag:s19] =	ssyncset.done $0x0  }
0x63: {  	[sflag:s19] =	ssyncadd.s32 $0xFFFFFF80  }
0x64: {  	p0 =	por $0x1, $0x1;
	s17 =	sadd.s32 $0x20, s2;
	_ =	swait.ge [sflag:s28], $0x4000  }
0x65: {  	s22 =	simm.s32 $0x800;
	s0 =	simm.s32 $0x4000;
	[sflag:s28] =	ssyncset.done $0x0  }
.LBB2_3:
0x66: {  	s5 =	sadd.s32 s22, s7  }
0x67: {  	[sflag:s28] =	ssyncadd.s32 $0xFFFFC000;
	s22 =	smov.u32 s0;
	s0 =	sadd.s32 $0x2000, s0  }
0x68: {  	[spmem:s1] =	stream.indirect.scatter.add.f32 [tilespmem:s25], [sflag:$0x4], $0x80, s26, s21, $0xb8;
	[tilespmem:$0x1F280] =	vst v63  }
0x69: {  	p1 =	sne.s32 s16, s0;
	s8 =	sadd.s32 $0x800, s5  }
0x6a: {  	[tilespmem:s3], [sflag:$0x5] =	stream.linear.gather [spmem:s8], $0x80, $0x38;
	[tilespmem:$0x1F280] =	vst v63  }
0x6b: {  	_ =	swait.ge [sflag:s19], $0x80  }
0x6c: {  	[sflag:s19] =	ssyncset.done $0x0  }
0x6d: {  	[sflag:s19] =	ssyncadd.s32 $0xFFFFFF80  }
0x6e: {  	_ =	swait.ge [sflag:s29], $0x4000  }
0x6f: {  	[sflag:s29] =	ssyncset.done $0x0  }
0x70: {  	[sflag:s29] =	ssyncadd.s32 $0xFFFFC000  }
0x71: {  	[tilespmem:s23], [sflag:$0x1] =	stream.indirect.gather [hbm4b:s4+s21], $0x80, s3, s21, $0xb8;
	[tilespmem:$0x1F280] =	vst v63  }
0x72: {  	s8 =	sadd.s32 $0xFFFFFFF0, s17  }
0x73: {  	[tilespmem:s21], [sflag:$0x5] =	stream.linear.gather [hbm4b:s8+s3], $0x80, $0x38;
	[tilespmem:$0x1F280] =	vst v63  }
0x74: {  	_ =	swait.ge [sflag:s19], $0x80  }
0x75: {  	[sflag:s19] =	ssyncset.done $0x0  }
0x76: {  	[sflag:s19] =	ssyncadd.s32 $0xFFFFFF80  }
0x77: {  	_ =	swait.ge [sflag:s20], $0x4000  }
0x78: {  	[sflag:s20] =	ssyncset.done $0x0  }
0x79: {  	[sflag:s20] =	ssyncadd.s32 $0xFFFFC000  }
0x7a: {  	[spmem:s1] =	stream.indirect.scatter.add.f32 [tilespmem:s23], [sflag:$0x3], $0x80, s21, s21, $0xb8;
	[tilespmem:$0x1F280] =	vst v63  }
0x7b: {  	s5 =	sadd.s32 $0xC00, s5  }
0x7c: {  	[tilespmem:s24], [sflag:$0x5] =	stream.linear.gather [spmem:s5], $0x80, $0x38;
	[tilespmem:$0x1F280] =	vst v63  }
0x7d: {  	_ =	swait.ge [sflag:s19], $0x80  }
0x7e: {  	[sflag:s19] =	ssyncset.done $0x0  }
0x7f: {  	[sflag:s19] =	ssyncadd.s32 $0xFFFFFF80  }
0x80: {  	_ =	swait.ge [sflag:s30], $0x4000  }
0x81: {  	[sflag:s30] =	ssyncset.done $0x0  }
0x82: {  	[sflag:s30] =	ssyncadd.s32 $0xFFFFC000  }
0x83: {  	[tilespmem:s25], [sflag:$0x2] =	stream.indirect.gather [hbm4b:s4+s21], $0x80, s24, s21, $0xb8;
	[tilespmem:$0x1F280] =	vst v63  }
0x84: {  	_ = 	snop  }
0x85: {  	[tilespmem:s26], [sflag:$0x5] =	stream.linear.gather [hbm4b:s17+s3], $0x80, $0x38;
	[tilespmem:$0x1F280] =	vst v63  }
.Ltmp2:
0x86: {  	_ =	swait.ge [sflag:s19], $0x80;
	(pc) =	sbr.rel @p1 .LBB2_3-.Ltmp2, $4  }
0x87: {  	[sflag:s19] =	ssyncset.done $0x0  }
0x88: {  	[sflag:s19] =	ssyncadd.s32 $0xFFFFFF80  }
0x89: {  	_ =	swait.ge [sflag:s28], $0x4000  }
0x8a: {  	s22 =	sshra.s32 s22, $0x2;
	s17 =	sadd.s32 $0x20, s17;
	[sflag:s28] =	ssyncset.done $0x0  }
.LBB2_4:
0x8b: {  	s0 =	sadd.s32 s22, s7;
	[sflag:s28] =	ssyncadd.s32 @p0 $0xFFFFC000  }
0x8c: {  	[spmem:s1] =	stream.indirect.scatter.add.f32 @p0 [tilespmem:s25], [sflag:$0x4], $0x80, s26, s21, $0xb8;
	[tilespmem:$0x1F280] =	vst v63  }
0x8d: {  	s5 =	sadd.s32 $0x800, s0  }
0x8e: {  	[tilespmem:s3], [sflag:$0x5] =	stream.linear.gather [spmem:s5], $0x80, $0x38;
	[tilespmem:$0x1F280] =	vst v63  }
0x8f: {  	_ =	swait.ge [sflag:s19], $0x80  }
0x90: {  	[sflag:s19] =	ssyncset.done $0x0  }
0x91: {  	[sflag:s19] =	ssyncadd.s32 $0xFFFFFF80  }
0x92: {  	_ =	swait.ge [sflag:s29], $0x4000  }
0x93: {  	[sflag:s29] =	ssyncset.done $0x0  }
0x94: {  	[sflag:s29] =	ssyncadd.s32 $0xFFFFC000  }
0x95: {  	[tilespmem:s23], [sflag:$0x1] =	stream.indirect.gather [hbm4b:s4+s21], $0x80, s3, s21, $0xb8;
	[tilespmem:$0x1F280] =	vst v63  }
0x96: {  	s22 =	sadd.s32 $0xFFFFFFF0, s17  }
0x97: {  	[tilespmem:s21], [sflag:$0x5] =	stream.linear.gather [hbm4b:s22+s3], $0x80, $0x38;
	[tilespmem:$0x1F280] =	vst v63  }
0x98: {  	_ =	swait.ge [sflag:s19], $0x80  }
0x99: {  	[sflag:s19] =	ssyncset.done $0x0  }
0x9a: {  	[sflag:s19] =	ssyncadd.s32 $0xFFFFFF80  }
0x9b: {  	_ =	swait.ge [sflag:s20], $0x4000  }
0x9c: {  	[sflag:s20] =	ssyncset.done $0x0  }
0x9d: {  	[sflag:s20] =	ssyncadd.s32 $0xFFFFC000  }
0x9e: {  	[spmem:s1] =	stream.indirect.scatter.add.f32 [tilespmem:s23], [sflag:$0x3], $0x80, s21, s21, $0xb8;
	[tilespmem:$0x1F280] =	vst v63  }
0x9f: {  	s0 =	sadd.s32 $0xC00, s0  }
0xa0: {  	[tilespmem:s24], [sflag:$0x5] =	stream.linear.gather [spmem:s0], $0x80, $0x38;
	[tilespmem:$0x1F280] =	vst v63  }
0xa1: {  	_ =	swait.ge [sflag:s19], $0x80  }
0xa2: {  	[sflag:s19] =	ssyncset.done $0x0  }
0xa3: {  	[sflag:s19] =	ssyncadd.s32 $0xFFFFFF80  }
0xa4: {  	_ =	swait.ge [sflag:s30], $0x4000  }
0xa5: {  	[sflag:s30] =	ssyncset.done $0x0  }
0xa6: {  	[sflag:s30] =	ssyncadd.s32 $0xFFFFC000  }
0xa7: {  	[tilespmem:s25], [sflag:$0x2] =	stream.indirect.gather [hbm4b:s4+s21], $0x80, s24, s21, $0xb8;
	[tilespmem:$0x1F280] =	vst v63  }
0xa8: {  	_ = 	snop  }
0xa9: {  	[tilespmem:s26], [sflag:$0x5] =	stream.linear.gather [hbm4b:s17+s3], $0x80, $0x38;
	[tilespmem:$0x1F280] =	vst v63  }
0xaa: {  	_ =	swait.ge [sflag:s19], $0x80  }
0xab: {  	[sflag:s19] =	ssyncset.done $0x0  }
0xac: {  	[sflag:s19] =	ssyncadd.s32 $0xFFFFFF80  }
0xad: {  	_ =	swait.ge [sflag:s28], $0x4000  }
0xae: {  	[sflag:s28] =	ssyncset.done $0x0  }
0xaf: {  	[sflag:s28] =	ssyncadd.s32 $0xFFFFC000  }
0xb0: {  	[spmem:s1] =	stream.indirect.scatter.add.f32 [tilespmem:s25], [sflag:$0x4], $0x80, s26, s21, $0xb8;
	[tilespmem:$0x1F280] =	vst v63  }
0xb1: {  	_ = 	snop  }
0xb2: {  	[tilespmem:s3], [sflag:$0x5] =	stream.linear.gather [spmem:s12], $0x80, $0x38;
	[tilespmem:$0x1F280] =	vst v63  }
0xb3: {  	_ =	swait.ge [sflag:s19], $0x80  }
0xb4: {  	[sflag:s19] =	ssyncset.done $0x0  }
0xb5: {  	[sflag:s19] =	ssyncadd.s32 $0xFFFFFF80  }
0xb6: {  	_ =	swait.ge [sflag:s29], $0x4000  }
0xb7: {  	[sflag:s29] =	ssyncset.done $0x0  }
0xb8: {  	[sflag:s29] =	ssyncadd.s32 $0xFFFFC000  }
0xb9: {  	[tilespmem:s23], [sflag:$0x1] =	stream.indirect.gather [hbm4b:s4+s21], $0x80, s3, s21, $0xb8;
	[tilespmem:$0x1F280] =	vst v63  }
0xba: {  	_ = 	snop  }
0xbb: {  	[tilespmem:s21], [sflag:$0x5] =	stream.linear.gather [hbm4b:s13+s3], $0x80, $0x38;
	[tilespmem:$0x1F280] =	vst v63  }
0xbc: {  	_ =	swait.ge [sflag:s19], $0x80  }
0xbd: {  	[sflag:s19] =	ssyncset.done $0x0  }
0xbe: {  	[sflag:s19] =	ssyncadd.s32 $0xFFFFFF80  }
0xbf: {  	_ =	swait.ge [sflag:s20], $0x4000  }
0xc0: {  	[sflag:s20] =	ssyncset.done $0x0  }
0xc1: {  	[sflag:s20] =	ssyncadd.s32 $0xFFFFC000  }
0xc2: {  	[spmem:s1] =	stream.indirect.scatter.add.f32 [tilespmem:s23], [sflag:$0x3], $0x80, s21, s21, $0xb8;
	[tilespmem:$0x1F280] =	vst v63  }
0xc3: {  	_ =	swait.ge [sflag:s29], $0x4000  }
0xc4: {  	[sflag:s29] =	ssyncset.done $0x0  }
0xc5: {  	[sflag:s29] =	ssyncadd.s32 $0xFFFFC000  }
0xc6: {  	_ =	swait.ge [sflag:s30], $0x4000  }
0xc7: {  	s31 =	sadd.s32 $0x1, s31;
	[sflag:s30] =	ssyncset.done $0x0  }
0xc8: {  	p0 =	sne.s32 s31, s15;
	[sflag:s30] =	ssyncadd.s32 $0xFFFFC000  }
.Ltmp3:
0xc9: {  	[bflag:$0x0] =	sbarrier.arrive $0xFFFF;
	(pc) =	sbr.rel @p0 .LBB2_1-.Ltmp3, $4  }
0xca: {  	[hbm:s14], [sflag:s6] =	dma.local [spmem:s18], $0x2780  }
0xcb: {  	_ =	swait.ge [sflag:s19], $0x2780  }
0xcc: {  	[sflag:s19] =	ssyncset.done $0x0  }
0xcd: {  	[sflag:s19] =	ssyncadd.s32 $0xFFFFD880  }
0xce: {  	_ =	sfence.sel $0x180000  }
0xcf: {  	[bflag:$0x0] =	sbarrier.arrive $0xFFFF  }
0xd0: {  	_ =	strace $0x9000004A  }
0xd1: {  	s0 =	stileid.u32;
	[bflag:$0x2] =	sbarrier.arrive $0xFFFF  }
0xd2: {  	p0 =	sne.s32 s0, $0x0;
	s0 =	rddreg [dreg:$0x3]  }
0xd3: {  	s0 =	sadd.s32 @!p0 $0x100000, s0  }
0xd4: {  	[sflag:s0] =	ssyncadd.tile.s32 @!p0 $0x1;
	_ =	shalt  }
.Lfunc_end2:
_tile_overlayer_lowered:
.L_overlay_start_2:
0xd5: {  	(tag) =	ssettag $0x2  }
0xd6: {  	s0 =	rddreg [dreg:$0x0];
	s2 =	stileid.u32  }
0xd7: {  	s1 =	rddreg [dreg:$0x1];
	p0 =	sne.s32 s2, $0x0  }
0xd8: {  	s3 =	rddreg [dreg:$0x2];
	[bflag:$0x3] =	sbarrier.arrive $0xFFFF;
	s2 =	simm.s32 @!p0 $0x1C05  }
0xd9: {  	[timem:s3], [sflag:s2] =	dma.local @!p0 [hbm:s0], s1  }
0xda: {  	s0 =	simm.s32 @!p0 $0x5  }
0xdb: {  	_ =	swait.ge @!p0 [sflag:s0], s1  }
0xdc: {  	s1 =	ssub.s32 @!p0 $0x0, s1;
	[sflag:s0] =	ssyncset.done @!p0 $0x0  }
0xdd: {  	[sflag:s0] =	ssyncadd.s32 @!p0 s1  }
0xde: {  	[bflag:$0x3] =	sbarrier.arrive $0xFFFF  }
0xdf: {  	_ =	shalt  }

// kernel: kernel.22.cloned.1.call-start
scs
__scs_entry_jumppad:
0x0: {  	(pc) =	sbr.rel $0x88, $3  }
0x1: {  	(tag) =	ssettag $0x0;
	lr =	simm.s32 $0x1  }
0x2: {  	[smem:$0x3F90] =	sst lr;
	_ =	strace $0xD0000000  }
0x3: {  	_ = 	snop  }
0x4: {  	_ = 	snop  }
0x5: {  	_ = 	snop  }
0x6: {  	_ = 	snop  }
0x7: {  	_ = 	snop  }
__scs_overlays_trampoline_lowered:
0x8: {  	[smem:$0x3F9F] =	sst s0  }
0x9: {  	[smem:$0x3FA0] =	sst s1  }
0xa: {  	[smem:$0x3FA1] =	sst s2  }
0xb: {  	[smem:$0x3FA2] =	sst s3  }
0xc: {  	[smem:$0x3FA3] =	sst s4  }
0xd: {  	[smem:$0x3FA4] =	sst s5  }
0xe: {  	[smem:$0x3FA5] =	sst s6  }
0xf: {  	[smem:$0x3FA6] =	sst s7  }
0x10: {  	[smem:$0x3FA7] =	sst s8  }
0x11: {  	[smem:$0x3FA8] =	sst s9;
	s0 =	simm.s32 @!p0 $0x0  }
0x12: {  	s1 =	sld [smem:$0x3F8E];
	s0 =	simm.s32 @p0 $0x1  }
0x13: {  	[smem:$0x3FA9] =	sst s0;
	s0 =	simm.s32 @!p1 $0x0  }
0x14: {  	s2 =	sld [smem:$0x3F8D];
	s0 =	simm.s32 @p1 $0x1  }
0x15: {  	[smem:$0x3FAA] =	sst s0;
	s0 =	simm.s32 @!p2 $0x0  }
0x16: {  	s3 =	sld [smem:$0x3FDB];
	s0 =	simm.s32 @p2 $0x1  }
0x17: {  	s4 =	simm.s32 $0x1BF5;
	[smem:$0x3FAC] =	sst s0  }
0x18: {  	s0 =	sld [smem:$0x3F8F];
	_ =	swait.ge [sflag:s4], $0x0  }
0x19: {  	s7 =	sld [smem:$0x3F90]  }
0x1a: {  	s8 =	sadd.s32 $0xFFFFE003, lr  }
0x1b: {  	s9 =	sadd.s32 $0xFFFFFEF7, lr;
	s5 =	simm.s32 $0xFFFFFFFF;
	p2 =	slt.u32 s8, $0xFFFFF086  }
0x1c: {  	p1 =	slt.u32 s9, $0xF7A;
	s5 =	simm.s32 @!p2 $0x0  }
0x1d: {  	s5 =	simm.s32 @p1 $0x1;
	p0 =	seq.s32 s7, s2  }
0x1e: {  	s7 =	smul.u32 @!p0 $0xF7A, s2;
	p2 =	seq.s32 @!p0 s5, $0x0  }
0x1f: {  	s9 =	smul.u32 $0xF7A, s1;
	s8 =	simm.s32 @!p0 $0x1BF5;
	p2 =	por !p2, p0  }
0x20: {  	[sflag:s8] =	ssyncset.s32 @!p0 $0xFFFFF086;
	s6 =	sadd.s32 @!p0 s3, s7;
	s7 =	simm.s32 @!p0 $0x108  }
0x21: {  	s3 =	sadd.s32 s3, s9;
	s6 =	sadd.s32 @!p0 $0x88, s6;
	s7 =	simm.s32 @p2 $0x1082  }
0x22: {  	[simem:s7], [sflag:s8] =	dma.local @!p0 [hbm:s6], $0xF7A  }
0x23: {  	s9 =	sor.u32 $0xD0000000, s2;
	s6 =	simm.s32 $0x108;
	_ =	swait.ge @!p0 [sflag:s8], $0x0  }
0x24: {  	s3 =	sadd.s32 $0x88, s3;
	s6 =	simm.s32 @!p1 $0x1082;
	[sflag:s4] =	ssyncset.s32 $0xFFFFF086  }
0x25: {  	[simem:s6], [sflag:s4] =	dma.local [hbm:s3], $0xF7A  }
0x26: {  	[smem:$0x3F90] =	sst s1;
	(tag) =	ssettag s2;
	_ =	strace s9  }
0x27: {  	s1 =	sld [smem:$0x3FA0]  }
0x28: {  	s2 =	sld [smem:$0x3FA1]  }
0x29: {  	s4 =	sld [smem:$0x3FA3]  }
0x2a: {  	p0 =	seq.s32 s5, $0x0;
	s5 =	sld [smem:$0x3FA4]  }
0x2b: {  	s6 =	sld [smem:$0x3FA5]  }
0x2c: {  	s7 =	sld [smem:$0x3FA6]  }
0x2d: {  	s3 =	simm.s32 $0x108;
	s8 =	sld [smem:$0x3FA7]  }
0x2e: {  	s3 =	simm.s32 @!p0 $0x1082;
	s9 =	sld [smem:$0x3FA8]  }
0x2f: {  	lr =	sadd.s32 s0, s3;
	s0 =	sld [smem:$0x3F9F]  }
0x30: {  	s3 =	sld [smem:$0x3FA2]  }
0x31: {  	[smem:$0x3FAB] =	sst s10  }
0x32: {  	s10 =	sld [smem:$0x3FA9];
	_ =	sdelay $0x3  }
0x33: {  	p0 =	seq.s32 s10, $0x1;
	s10 =	sld [smem:$0x3FAB];
	_ =	sdelay $0x3  }
0x34: {  	[smem:$0x3FAB] =	sst s10  }
0x35: {  	s10 =	sld [smem:$0x3FAA];
	_ =	sdelay $0x3  }
0x36: {  	p1 =	seq.s32 s10, $0x1;
	s10 =	sld [smem:$0x3FAB];
	_ =	sdelay $0x3  }
0x37: {  	[smem:$0x3FAB] =	sst s10  }
0x38: {  	s10 =	sld [smem:$0x3FAC]  }
0x39: {  	_ = 	snop;
	(pc) =	sbr.ind lr, $3  }
0x3a: {  	_ = 	snop  }
0x3b: {  	_ = 	snop  }
0x3c: {  	p2 =	seq.s32 s10, $0x1;
	s10 =	sld [smem:$0x3FAB]  }
0x3d: {  	_ =	shalt  }
0x3e: {  	_ =	shalt  }
0x3f: {  	_ =	shalt  }
0x40: {  	_ =	shalt  }
0x41: {  	_ =	shalt  }
0x42: {  	_ =	shalt  }
0x43: {  	_ =	shalt  }
0x44: {  	_ =	shalt  }
0x45: {  	_ =	shalt  }
0x46: {  	_ =	shalt  }
0x47: {  	_ =	shalt  }
0x48: {  	_ =	shalt  }
0x49: {  	_ =	shalt  }
0x4a: {  	_ =	shalt  }
0x4b: {  	_ =	shalt  }
0x4c: {  	_ =	shalt  }
0x4d: {  	_ =	shalt  }
0x4e: {  	_ =	shalt  }
0x4f: {  	_ =	shalt  }
0x50: {  	_ =	shalt  }
0x51: {  	_ =	shalt  }
0x52: {  	_ =	shalt  }
0x53: {  	_ =	shalt  }
0x54: {  	_ =	shalt  }
0x55: {  	_ =	shalt  }
0x56: {  	_ =	shalt  }
0x57: {  	_ =	shalt  }
0x58: {  	_ =	shalt  }
0x59: {  	_ =	shalt  }
0x5a: {  	_ =	shalt  }
0x5b: {  	_ =	shalt  }
0x5c: {  	_ =	shalt  }
0x5d: {  	_ =	shalt  }
0x5e: {  	_ =	shalt  }
0x5f: {  	_ =	shalt  }
0x60: {  	_ =	shalt  }
0x61: {  	_ =	shalt  }
0x62: {  	_ =	shalt  }
0x63: {  	_ =	shalt  }
0x64: {  	_ =	shalt  }
0x65: {  	_ =	shalt  }
0x66: {  	_ =	shalt  }
0x67: {  	_ =	shalt  }
0x68: {  	_ =	shalt  }
0x69: {  	_ =	shalt  }
0x6a: {  	_ =	shalt  }
0x6b: {  	_ =	shalt  }
0x6c: {  	_ =	shalt  }
0x6d: {  	_ =	shalt  }
0x6e: {  	_ =	shalt  }
0x6f: {  	_ =	shalt  }
0x70: {  	_ =	shalt  }
0x71: {  	_ =	shalt  }
0x72: {  	_ =	shalt  }
0x73: {  	_ =	shalt  }
0x74: {  	_ =	shalt  }
0x75: {  	_ =	shalt  }
0x76: {  	_ =	shalt  }
0x77: {  	_ =	shalt  }
0x78: {  	_ =	shalt  }
0x79: {  	_ =	shalt  }
0x7a: {  	_ =	shalt  }
0x7b: {  	_ =	shalt  }
0x7c: {  	_ =	shalt  }
0x7d: {  	_ =	shalt  }
0x7e: {  	_ =	shalt  }
0x7f: {  	_ =	shalt  }
0x80: {  	_ =	shalt  }
0x81: {  	_ =	shalt  }
0x82: {  	_ =	shalt  }
0x83: {  	_ =	shalt  }
0x84: {  	_ =	shalt  }
0x85: {  	_ =	shalt  }
0x86: {  	_ =	shalt  }
0x87: {  	_ =	shalt  }
.Lfunc_end0:
.L_simem_size_0:
called_computation.2_lowered:
.L_overlay_start_0:
0x88: {  	s2 =	sld [smem:$0x3FD9]  }
0x89: {  	s3 =	sld [smem:$0x3FFE];
	_ =	sdelay $0x1  }
0x8a: {  	s1 =	srdreg.scid  }
0x8b: {  	s0 =	sand.u32 $0x1, s1  }
0x8c: {  	s16 =	sshll.u32 s0, $0xA;
	s2 =	sadd.s32 s3, s2  }
0x8d: {  	s2 =	sadd.s32 s2, s16  }
0x8e: {  	[smem:$0x3FB7] =	sst s2  }
0x8f: {  	_ = 	snop  }
0x90: {  	(tm) =	ssettm $0x1  }
0x91: {  	s17 =	sld [smem:$0x3FFB];
	_ =	sdelay $0x3  }
0x92: {  	_ =	strace s17  }
0x93: {  	s2 =	sld [smem:$0x3FFC];
	_ =	sdelay $0x3  }
0x94: {  	_ =	strace s2  }
0x95: {  	s2 =	sld [smem:$0x3FFD];
	_ =	sdelay $0x3  }
0x96: {  	_ =	strace s2  }
0x97: {  	_ =	strace $0x8FFFFFFF  }
0x98: {  	s18 =	sld [smem:$0x3FDB];
	_ =	sdelay $0x1  }
0x99: {  	s19 =	simm.s32 $_scs_section_size  }
0x9a: {  	s4 =	simm.s32 $_size__tile_overlayer_lowered;
	s5 =	simm.s32 $_tile_overlayer_lowered  }
0x9b: {  	s22 =	simm.s32 $0x1BFF;
	s21 =	sshll.u32 s5, $0x1;
	s2 =	sadd.s32 s19, s18  }
0x9c: {  	s6 =	simm.s32 $0x0;
	s20 =	sshll.u32 s4, $0x1;
	s4 =	sadd.s32 s21, s2  }
0x9d: {  	[timem:s6], [sflag:s22] =	dma.local [hbm:s4], s20  }
0x9e: {  	_ =	swait.ge [sflag:s22], s20  }
0x9f: {  	s3 =	ssub.s32 $0x0, s20;
	[sflag:s22] =	ssyncset.done $0x0  }
0xa0: {  	[sflag:s22] =	ssyncadd.s32 s3;
	_ =	sdelay $0x1  }
0xa1: {  	s23 =	simm.s32 $0x1B8B  }
0xa2: {  	_ =	swait.ge [sflag:s23], $0x1  }
0xa3: {  	[sflag:s23] =	ssyncset.done $0x0  }
0xa4: {  	s25 =	simm.s32 $0x1B8E;
	s24 =	sld [smem:$0x3FFE];
	[sflag:s23] =	ssyncadd.s32 $0xFFFFFFFF  }
0xa5: {  	s26 =	simm.s32 $execute0_lowered;
	[smem:$0x3FD2] =	sst s25  }
0xa6: {  	s4 =	sshll.u32 s26, $0x1;
	_ =	strace $0x8000004C;
	[dreg:$0x1] =	wrdreg $0xFFFFFFFF  }
0xa7: {  	s28 =	simm.s32 $_size_execute0_lowered;
	s2 =	sadd.s32 s2, s4;
	[dreg:$0x0] =	wrdreg $0x0  }
0xa8: {  	s4 =	sshll.u32 s28, $0x1;
	[dreg:$0x2] =	wrdreg s2  }
0xa9: {  	[dreg:$0x3] =	wrdreg s4  }
0xaa: {  	[dreg:$0x4] =	wrdreg $0xC0  }
0xab: {  	_ =	task [dreg:s6], $0x5FFFF  }
0xac: {  	[dreg:$0x1] =	wrdreg $0xFFFFFFFF  }
0xad: {  	[dreg:$0x0] =	wrdreg $0x60  }
0xae: {  	[dreg:$0x2] =	wrdreg s24  }
0xaf: {  	[dreg:$0x3] =	wrdreg $0x82000  }
0xb0: {  	[dreg:$0x4] =	wrdreg $0x1BE000  }
0xb1: {  	[dreg:$0x5] =	wrdreg $0x9  }
0xb2: {  	_ =	task.clear_ibuf [dreg:s6], $0x6FFFF;
	_ =	strace $0x9000004C  }
0xb3: {  	s29 =	simm.s32 $0x9;
	_ =	strace $0x8000004E  }
0xb4: {  	_ =	swait.ge [sflag:s29], $0x1  }
0xb5: {  	[sflag:s29] =	ssyncadd.s32 $0xFFFFFFFF  }
0xb6: {  	_ =	strace $0x9000004E  }
0xb7: {  	_ =	sfence  }
0xb8: {  	s30 =	sld [smem:$0x0];
	_ =	sdelay $0x2  }
0xb9: {  	s31 =	sshll.u32 s1, $0xD;
	s1 =	sshrl.u32 s1, $0x2  }
0xba: {  	s3 =	sand.u32 $0x4000, s31;
	s1 =	sadd.s32 s1, s30  }
0xbb: {  	s0 =	sor.u32 s3, s0;
	s1 =	sshll.u32 s1, $0x11  }
0xbc: {  	s0 =	sor.u32 s1, s0  }
0xbd: {  	s0 =	sadd.s32 $0x8F2B, s0  }
0xbe: {  	[sflag:s0] =	ssyncadd.remote.s32 $0x1  }
0xbf: {  	_ =	sfence.sel $0xFFFF  }
0xc0: {  	[dreg:$0x0] =	wrdreg $0xFFFFFFFF;
	(pc) =	sbr.abs _section_cstart, $3  }
0xc1: {  	[dreg:$0x1] =	wrdreg $0xFFFFFFFF  }
0xc2: {  	_ =	task.clear_ibuf [dreg:s6], $0x2FFFF;
	_ =	strace $0x9FFFFFFF  }
0xc3: {  	(tm) =	ssettm $0x7FFFFFFF  }
tec
execute0_lowered:
.L_overlay_start_1:
0x0: {  	(tag) =	ssettag $0x1  }
0x1: {  	s0 =	rddreg [dreg:$0x0]  }
0x2: {  	s1 =	rddreg [dreg:$0x1];
	s16 =	stileid.u32  }
0x3: {  	s2 =	srdreg.scid;
	s3 =	smul.u32 $0x35, s16  }
0x4: {  	s7 =	rddreg [dreg:$0x2];
	s28 =	simm.s32 $0x2;
	s4 =	smul.u32 $0x69, s16  }
0x5: {  	s29 =	simm.s32 $0x3;
	s30 =	simm.s32 $0x4;
	s5 =	smul.u32 $0x13C00, s16  }
0x6: {  	s31 =	simm.s32 $0x0;
	s2 =	sand.u32 $0x1, s2;
	s25 =	smul.u32 $0x4F000, s16  }
0x7: {  	s13 =	sadd.s32 $0xEA00, s0;
	s14 =	sshrl.u32 s16, $0x3;
	s6 =	smul.u32 $0x13C000, s2  }
0x8: {  	p0 =	seq.s32 s2, $0x0;
	s2 =	ssub.s32 $0x2, s2;
	s14 =	smul.u32 $0x69000, s14  }
0x9: {  	s8 =	sadd.s32 $0x690, s3;
	s3 =	simm.s32 $0x0;
	s11 =	sshrl.u32 s5, $0x3  }
0xa: {  	s26 =	sshrl.u32 s2, $0x1;
	s12 =	sshrl.u32 s25, $0x2;
	s8 =	smov.u32 @p0 s4  }
0xb: {  	[smem:$0x7FF] =	sst s3;
	s4 =	sadd.s32 $0x18800, s0;
	s5 =	sadd.s32 s5, s6  }
0xc: {  	s11 =	sadd.s32 s11, s0;
	s2 =	ssub.s32 s2, s26;
	s17 =	sadd.s32 s12, s1  }
0xd: {  	s12 =	sshll.u32 s16, $0x6;
	s16 =	sshll.u32 s16, $0x7;
	s18 =	sshrl.u32 s14, $0x2  }
0xe: {  	s9 =	sshll.u32 s8, $0x4;
	_ =	strace $0x8000004D;
	s5 =	sshrl.u32 s5, $0x3  }
0xf: {  	s15 =	sadd.s32 $0xB4C00, s11;
	s6 =	sor.u32 $0x1C05, s12;
	s19 =	sshll.u32 s8, $0x7  }
0x10: {  	s20 =	sand.u32 $0x380, s16;
	s7 =	sadd.s32 s18, s7;
	s18 =	sshrl.u32 s17, $0x3  }
0x11: {  	s10 =	sadd.s32 s9, s0;
	s0 =	sadd.s32 s5, s0;
	[dreg:$0x4] =	wrdreg s15  }
0x12: {  	s15 =	simm.s32 $0x69;
	s7 =	sadd.s32 s20, s7;
	s9 =	sadd.s32 s13, s9  }
0x13: {  	s23 =	sshrl.u32 s19, $0x3;
	s20 =	simm.s32 $0x1;
	s15 =	simm.s32 @!p0 $0x35  }
0x14: {  	s21 =	sadd.s32 $0x4C00, s10;
	s10 =	sadd.s32 $0x400, s7;
	s11 =	sadd.s32 s13, s23  }
0x15: {  	s23 =	simm.s32 $0x200;
	[dreg:$0x5] =	wrdreg s21;
	s22 =	sshll.u32 s15, $0x7  }
0x16: {  	s11 =	sadd.s32 $0x10, s11;
	s25 =	sshll.u32 s15, $0xC;
	s15 =	smax.u32 s2, $0x1  }
0x17: {  	s2 =	sadd.s32 $0x30, s9;
	s21 =	simm.s32 $0x80;
	s24 =	sadd.s32 $0xFFFFFF80, s22  }
0x18: {  	s26 =	sand.u32 $0x7C000, s25;
	s25 =	simm.s32 $0x4200;
	s14 =	sadd.s32 s24, s19  }
0x19: {  	s12 =	sshll.u32 s24, $0x3;
	s16 =	sadd.s32 $0xFFFFE000, s26;
	s19 =	simm.s32 $0x5  }
0x1a: {  	s24 =	simm.s32 $0x100;
	s26 =	simm.s32 $0x180;
	s14 =	sshrl.u32 s14, $0x3  }
0x1b: {  	s12 =	sadd.s32 s12, s7;
	s13 =	sadd.s32 s13, s14;
	s14 =	sadd.s32 $0xDC400, s0  }
.LBB2_1:
0x1c: {  	s0 =	rddreg [dreg:$0x4]  }
0x1d: {  	[spmem:s18], [sflag:s6] =	dma.local [hbm:s0], $0x2780  }
0x1e: {  	_ =	swait.ge [sflag:s19], $0x2780  }
0x1f: {  	s22 =	sshrl.u32 s7, $0x3;
	[sflag:s19] =	ssyncset.done $0x0  }
0x20: {  	s8 =	simm.s32 $0x10;
	s5 =	rddreg [dreg:$0x5];
	[sflag:s19] =	ssyncadd.s32 $0xFFFFD880  }
0x21: {  	[spmem:s22@s21], [sflag:s6] =	dma.strided [hbm:s5@s8], $0x690, s20, $0x10   }
0x22: {  	_ =	swait.ge [sflag:s19], $0x690  }
0x23: {  	[sflag:s19] =	ssyncset.done $0x0  }
0x24: {  	[sflag:s19] =	ssyncadd.s32 $0xFFFFF970  }
0x25: {  	[bflag:$0x0] =	sbarrier.arrive $0xFFFF  }
0x26: {  	[tilespmem:s3], [sflag:$0x5] =	stream.linear.gather [spmem:s7], $0x80, $0x38;
	[tilespmem:$0x1F280] =	vst v63  }
0x27: {  	_ =	swait.ge [sflag:s19], $0x80  }
0x28: {  	[sflag:s19] =	ssyncset.done $0x0  }
0x29: {  	[sflag:s19] =	ssyncadd.s32 $0xFFFFFF80  }
0x2a: {  	[tilespmem:s23], [sflag:$0x1] =	stream.indirect.gather [hbm4b:s4+s21], $0x80, s3, s21, $0xb8;
	[tilespmem:$0x1F280] =	vst v63  }
0x2b: {  	_ = 	snop  }
0x2c: {  	[tilespmem:s21], [sflag:$0x5] =	stream.linear.gather [hbm4b:s9+s3], $0x80, $0x38;
	[tilespmem:$0x1F280] =	vst v63  }
0x2d: {  	_ =	swait.ge [sflag:s19], $0x80  }
0x2e: {  	[sflag:s19] =	ssyncset.done $0x0  }
0x2f: {  	[sflag:s19] =	ssyncadd.s32 $0xFFFFFF80  }
0x30: {  	_ =	swait.ge [sflag:s20], $0x4000  }
0x31: {  	[sflag:s20] =	ssyncset.done $0x0  }
0x32: {  	[sflag:s20] =	ssyncadd.s32 $0xFFFFC000  }
0x33: {  	[spmem:s1] =	stream.indirect.scatter.add.f32 [tilespmem:s23], [sflag:$0x3], $0x80, s21, s21, $0xb8;
	[tilespmem:$0x1F280] =	vst v63  }
0x34: {  	_ = 	snop  }
0x35: {  	[tilespmem:s24], [sflag:$0x5] =	stream.linear.gather [spmem:s10], $0x80, $0x38;
	[tilespmem:$0x1F280] =	vst v63  }
0x36: {  	_ =	swait.ge [sflag:s19], $0x80  }
0x37: {  	[sflag:s19] =	ssyncset.done $0x0  }
0x38: {  	[sflag:s19] =	ssyncadd.s32 $0xFFFFFF80  }
0x39: {  	[tilespmem:s25], [sflag:$0x2] =	stream.indirect.gather [hbm4b:s4+s21], $0x80, s24, s21, $0xb8;
	[tilespmem:$0x1F280] =	vst v63  }
0x3a: {  	_ = 	snop  }
0x3b: {  	[tilespmem:s26], [sflag:$0x5] =	stream.linear.gather [hbm4b:s11+s3], $0x80, $0x38;
	[tilespmem:$0x1F280] =	vst v63  }
0x3c: {  	_ =	swait.ge [sflag:s19], $0x80  }
0x3d: {  	p1 =	sne.s32 s16, $0x2000;
	[sflag:s19] =	ssyncset.done $0x0  }
.Ltmp0:
0x3e: {  	[sflag:s19] =	ssyncadd.s32 $0xFFFFFF80;
	(pc) =	sbr.rel @!p1 .LBB2_4-.Ltmp0, $4  }
0x3f: {  	_ =	swait.ge [sflag:s28], $0x4000  }
0x40: {  	p0 =	por $0x0, $0x0;
	[sflag:s28] =	ssyncset.done $0x0  }
0x41: {  	s17 =	smov.u32 s2;
	s22 =	simm.s32 $0x0;
	[sflag:s28] =	ssyncadd.s32 $0xFFFFC000  }
0x42: {  	[spmem:s1] =	stream.indirect.scatter.add.f32 [tilespmem:s25], [sflag:$0x4], $0x80, s26, s21, $0xb8;
	[tilespmem:$0x1F280] =	vst v63  }
0x43: {  	s0 =	sadd.s32 $0x0, s7  }
0x44: {  	s17 =	sadd.s32 $0x800, s0  }
0x45: {  	[tilespmem:s3], [sflag:$0x5] =	stream.linear.gather [spmem:s17], $0x80, $0x38;
	[tilespmem:$0x1F280] =	vst v63  }
0x46: {  	_ =	swait.ge [sflag:s19], $0x80  }
0x47: {  	[sflag:s19] =	ssyncset.done $0x0  }
0x48: {  	[sflag:s19] =	ssyncadd.s32 $0xFFFFFF80  }
0x49: {  	_ =	swait.ge [sflag:s29], $0x4000  }
0x4a: {  	[sflag:s29] =	ssyncset.done $0x0  }
0x4b: {  	[sflag:s29] =	ssyncadd.s32 $0xFFFFC000  }
0x4c: {  	[tilespmem:s23], [sflag:$0x1] =	stream.indirect.gather [hbm4b:s4+s21], $0x80, s3, s21, $0xb8;
	[tilespmem:$0x1F280] =	vst v63  }
0x4d: {  	s22 =	sadd.s32 $0xFFFFFFF0, s2  }
0x4e: {  	[tilespmem:s21], [sflag:$0x5] =	stream.linear.gather [hbm4b:s22+s3], $0x80, $0x38;
	[tilespmem:$0x1F280] =	vst v63  }
0x4f: {  	_ =	swait.ge [sflag:s19], $0x80  }
0x50: {  	[sflag:s19] =	ssyncset.done $0x0  }
0x51: {  	[sflag:s19] =	ssyncadd.s32 $0xFFFFFF80  }
0x52: {  	_ =	swait.ge [sflag:s20], $0x4000  }
0x53: {  	[sflag:s20] =	ssyncset.done $0x0  }
0x54: {  	[sflag:s20] =	ssyncadd.s32 $0xFFFFC000  }
0x55: {  	[spmem:s1] =	stream.indirect.scatter.add.f32 [tilespmem:s23], [sflag:$0x3], $0x80, s21, s21, $0xb8;
	[tilespmem:$0x1F280] =	vst v63  }
0x56: {  	s0 =	sadd.s32 $0xC00, s0  }
0x57: {  	[tilespmem:s24], [sflag:$0x5] =	stream.linear.gather [spmem:s0], $0x80, $0x38;
	[tilespmem:$0x1F280] =	vst v63  }
0x58: {  	_ =	swait.ge [sflag:s19], $0x80  }
0x59: {  	[sflag:s19] =	ssyncset.done $0x0  }
0x5a: {  	[sflag:s19] =	ssyncadd.s32 $0xFFFFFF80  }
0x5b: {  	_ =	swait.ge [sflag:s30], $0x4000  }
0x5c: {  	[sflag:s30] =	ssyncset.done $0x0  }
0x5d: {  	[sflag:s30] =	ssyncadd.s32 $0xFFFFC000  }
0x5e: {  	[tilespmem:s25], [sflag:$0x2] =	stream.indirect.gather [hbm4b:s4+s21], $0x80, s24, s21, $0xb8;
	[tilespmem:$0x1F280] =	vst v63  }
0x5f: {  	p1 =	sne.s32 s16, $0x4000  }
0x60: {  	[tilespmem:s26], [sflag:$0x5] =	stream.linear.gather [hbm4b:s2+s3], $0x80, $0x38;
	[tilespmem:$0x1F280] =	vst v63  }
.Ltmp1:
0x61: {  	_ =	swait.ge [sflag:s19], $0x80;
	(pc) =	sbr.rel @!p1 .LBB2_4-.Ltmp1, $4  }
0x62: {  	[sflag:s19] =	ssyncset.done $0x0  }
0x63: {  	[sflag:s19] =	ssyncadd.s32 $0xFFFFFF80  }
0x64: {  	p0 =	por $0x1, $0x1;
	s17 =	sadd.s32 $0x20, s2;
	_ =	swait.ge [sflag:s28], $0x4000  }
0x65: {  	s22 =	simm.s32 $0x800;
	s0 =	simm.s32 $0x4000;
	[sflag:s28] =	ssyncset.done $0x0  }
.LBB2_3:
0x66: {  	s5 =	sadd.s32 s22, s7  }
0x67: {  	[sflag:s28] =	ssyncadd.s32 $0xFFFFC000;
	s22 =	smov.u32 s0;
	s0 =	sadd.s32 $0x2000, s0  }
0x68: {  	[spmem:s1] =	stream.indirect.scatter.add.f32 [tilespmem:s25], [sflag:$0x4], $0x80, s26, s21, $0xb8;
	[tilespmem:$0x1F280] =	vst v63  }
0x69: {  	p1 =	sne.s32 s16, s0;
	s8 =	sadd.s32 $0x800, s5  }
0x6a: {  	[tilespmem:s3], [sflag:$0x5] =	stream.linear.gather [spmem:s8], $0x80, $0x38;
	[tilespmem:$0x1F280] =	vst v63  }
0x6b: {  	_ =	swait.ge [sflag:s19], $0x80  }
0x6c: {  	[sflag:s19] =	ssyncset.done $0x0  }
0x6d: {  	[sflag:s19] =	ssyncadd.s32 $0xFFFFFF80  }
0x6e: {  	_ =	swait.ge [sflag:s29], $0x4000  }
0x6f: {  	[sflag:s29] =	ssyncset.done $0x0  }
0x70: {  	[sflag:s29] =	ssyncadd.s32 $0xFFFFC000  }
0x71: {  	[tilespmem:s23], [sflag:$0x1] =	stream.indirect.gather [hbm4b:s4+s21], $0x80, s3, s21, $0xb8;
	[tilespmem:$0x1F280] =	vst v63  }
0x72: {  	s8 =	sadd.s32 $0xFFFFFFF0, s17  }
0x73: {  	[tilespmem:s21], [sflag:$0x5] =	stream.linear.gather [hbm4b:s8+s3], $0x80, $0x38;
	[tilespmem:$0x1F280] =	vst v63  }
0x74: {  	_ =	swait.ge [sflag:s19], $0x80  }
0x75: {  	[sflag:s19] =	ssyncset.done $0x0  }
0x76: {  	[sflag:s19] =	ssyncadd.s32 $0xFFFFFF80  }
0x77: {  	_ =	swait.ge [sflag:s20], $0x4000  }
0x78: {  	[sflag:s20] =	ssyncset.done $0x0  }
0x79: {  	[sflag:s20] =	ssyncadd.s32 $0xFFFFC000  }
0x7a: {  	[spmem:s1] =	stream.indirect.scatter.add.f32 [tilespmem:s23], [sflag:$0x3], $0x80, s21, s21, $0xb8;
	[tilespmem:$0x1F280] =	vst v63  }
0x7b: {  	s5 =	sadd.s32 $0xC00, s5  }
0x7c: {  	[tilespmem:s24], [sflag:$0x5] =	stream.linear.gather [spmem:s5], $0x80, $0x38;
	[tilespmem:$0x1F280] =	vst v63  }
0x7d: {  	_ =	swait.ge [sflag:s19], $0x80  }
0x7e: {  	[sflag:s19] =	ssyncset.done $0x0  }
0x7f: {  	[sflag:s19] =	ssyncadd.s32 $0xFFFFFF80  }
0x80: {  	_ =	swait.ge [sflag:s30], $0x4000  }
0x81: {  	[sflag:s30] =	ssyncset.done $0x0  }
0x82: {  	[sflag:s30] =	ssyncadd.s32 $0xFFFFC000  }
0x83: {  	[tilespmem:s25], [sflag:$0x2] =	stream.indirect.gather [hbm4b:s4+s21], $0x80, s24, s21, $0xb8;
	[tilespmem:$0x1F280] =	vst v63  }
0x84: {  	_ = 	snop  }
0x85: {  	[tilespmem:s26], [sflag:$0x5] =	stream.linear.gather [hbm4b:s17+s3], $0x80, $0x38;
	[tilespmem:$0x1F280] =	vst v63  }
.Ltmp2:
0x86: {  	_ =	swait.ge [sflag:s19], $0x80;
	(pc) =	sbr.rel @p1 .LBB2_3-.Ltmp2, $4  }
0x87: {  	[sflag:s19] =	ssyncset.done $0x0  }
0x88: {  	[sflag:s19] =	ssyncadd.s32 $0xFFFFFF80  }
0x89: {  	_ =	swait.ge [sflag:s28], $0x4000  }
0x8a: {  	s22 =	sshra.s32 s22, $0x2;
	s17 =	sadd.s32 $0x20, s17;
	[sflag:s28] =	ssyncset.done $0x0  }
.LBB2_4:
0x8b: {  	s0 =	sadd.s32 s22, s7;
	[sflag:s28] =	ssyncadd.s32 @p0 $0xFFFFC000  }
0x8c: {  	[spmem:s1] =	stream.indirect.scatter.add.f32 @p0 [tilespmem:s25], [sflag:$0x4], $0x80, s26, s21, $0xb8;
	[tilespmem:$0x1F280] =	vst v63  }
0x8d: {  	s5 =	sadd.s32 $0x800, s0  }
0x8e: {  	[tilespmem:s3], [sflag:$0x5] =	stream.linear.gather [spmem:s5], $0x80, $0x38;
	[tilespmem:$0x1F280] =	vst v63  }
0x8f: {  	_ =	swait.ge [sflag:s19], $0x80  }
0x90: {  	[sflag:s19] =	ssyncset.done $0x0  }
0x91: {  	[sflag:s19] =	ssyncadd.s32 $0xFFFFFF80  }
0x92: {  	_ =	swait.ge [sflag:s29], $0x4000  }
0x93: {  	[sflag:s29] =	ssyncset.done $0x0  }
0x94: {  	[sflag:s29] =	ssyncadd.s32 $0xFFFFC000  }
0x95: {  	[tilespmem:s23], [sflag:$0x1] =	stream.indirect.gather [hbm4b:s4+s21], $0x80, s3, s21, $0xb8;
	[tilespmem:$0x1F280] =	vst v63  }
0x96: {  	s22 =	sadd.s32 $0xFFFFFFF0, s17  }
0x97: {  	[tilespmem:s21], [sflag:$0x5] =	stream.linear.gather [hbm4b:s22+s3], $0x80, $0x38;
	[tilespmem:$0x1F280] =	vst v63  }
0x98: {  	_ =	swait.ge [sflag:s19], $0x80  }
0x99: {  	[sflag:s19] =	ssyncset.done $0x0  }
0x9a: {  	[sflag:s19] =	ssyncadd.s32 $0xFFFFFF80  }
0x9b: {  	_ =	swait.ge [sflag:s20], $0x4000  }
0x9c: {  	[sflag:s20] =	ssyncset.done $0x0  }
0x9d: {  	[sflag:s20] =	ssyncadd.s32 $0xFFFFC000  }
0x9e: {  	[spmem:s1] =	stream.indirect.scatter.add.f32 [tilespmem:s23], [sflag:$0x3], $0x80, s21, s21, $0xb8;
	[tilespmem:$0x1F280] =	vst v63  }
0x9f: {  	s0 =	sadd.s32 $0xC00, s0  }
0xa0: {  	[tilespmem:s24], [sflag:$0x5] =	stream.linear.gather [spmem:s0], $0x80, $0x38;
	[tilespmem:$0x1F280] =	vst v63  }
0xa1: {  	_ =	swait.ge [sflag:s19], $0x80  }
0xa2: {  	[sflag:s19] =	ssyncset.done $0x0  }
0xa3: {  	[sflag:s19] =	ssyncadd.s32 $0xFFFFFF80  }
0xa4: {  	_ =	swait.ge [sflag:s30], $0x4000  }
0xa5: {  	[sflag:s30] =	ssyncset.done $0x0  }
0xa6: {  	[sflag:s30] =	ssyncadd.s32 $0xFFFFC000  }
0xa7: {  	[tilespmem:s25], [sflag:$0x2] =	stream.indirect.gather [hbm4b:s4+s21], $0x80, s24, s21, $0xb8;
	[tilespmem:$0x1F280] =	vst v63  }
0xa8: {  	_ = 	snop  }
0xa9: {  	[tilespmem:s26], [sflag:$0x5] =	stream.linear.gather [hbm4b:s17+s3], $0x80, $0x38;
	[tilespmem:$0x1F280] =	vst v63  }
0xaa: {  	_ =	swait.ge [sflag:s19], $0x80  }
0xab: {  	[sflag:s19] =	ssyncset.done $0x0  }
0xac: {  	[sflag:s19] =	ssyncadd.s32 $0xFFFFFF80  }
0xad: {  	_ =	swait.ge [sflag:s28], $0x4000  }
0xae: {  	[sflag:s28] =	ssyncset.done $0x0  }
0xaf: {  	[sflag:s28] =	ssyncadd.s32 $0xFFFFC000  }
0xb0: {  	[spmem:s1] =	stream.indirect.scatter.add.f32 [tilespmem:s25], [sflag:$0x4], $0x80, s26, s21, $0xb8;
	[tilespmem:$0x1F280] =	vst v63  }
0xb1: {  	_ = 	snop  }
0xb2: {  	[tilespmem:s3], [sflag:$0x5] =	stream.linear.gather [spmem:s12], $0x80, $0x38;
	[tilespmem:$0x1F280] =	vst v63  }
0xb3: {  	_ =	swait.ge [sflag:s19], $0x80  }
0xb4: {  	[sflag:s19] =	ssyncset.done $0x0  }
0xb5: {  	[sflag:s19] =	ssyncadd.s32 $0xFFFFFF80  }
0xb6: {  	_ =	swait.ge [sflag:s29], $0x4000  }
0xb7: {  	[sflag:s29] =	ssyncset.done $0x0  }
0xb8: {  	[sflag:s29] =	ssyncadd.s32 $0xFFFFC000  }
0xb9: {  	[tilespmem:s23], [sflag:$0x1] =	stream.indirect.gather [hbm4b:s4+s21], $0x80, s3, s21, $0xb8;
	[tilespmem:$0x1F280] =	vst v63  }
0xba: {  	_ = 	snop  }
0xbb: {  	[tilespmem:s21], [sflag:$0x5] =	stream.linear.gather [hbm4b:s13+s3], $0x80, $0x38;
	[tilespmem:$0x1F280] =	vst v63  }
0xbc: {  	_ =	swait.ge [sflag:s19], $0x80  }
0xbd: {  	[sflag:s19] =	ssyncset.done $0x0  }
0xbe: {  	[sflag:s19] =	ssyncadd.s32 $0xFFFFFF80  }
0xbf: {  	_ =	swait.ge [sflag:s20], $0x4000  }
0xc0: {  	[sflag:s20] =	ssyncset.done $0x0  }
0xc1: {  	[sflag:s20] =	ssyncadd.s32 $0xFFFFC000  }
0xc2: {  	[spmem:s1] =	stream.indirect.scatter.add.f32 [tilespmem:s23], [sflag:$0x3], $0x80, s21, s21, $0xb8;
	[tilespmem:$0x1F280] =	vst v63  }
0xc3: {  	_ =	swait.ge [sflag:s29], $0x4000  }
0xc4: {  	[sflag:s29] =	ssyncset.done $0x0  }
0xc5: {  	[sflag:s29] =	ssyncadd.s32 $0xFFFFC000  }
0xc6: {  	_ =	swait.ge [sflag:s30], $0x4000  }
0xc7: {  	s31 =	sadd.s32 $0x1, s31;
	[sflag:s30] =	ssyncset.done $0x0  }
0xc8: {  	p0 =	sne.s32 s31, s15;
	[sflag:s30] =	ssyncadd.s32 $0xFFFFC000  }
.Ltmp3:
0xc9: {  	[bflag:$0x0] =	sbarrier.arrive $0xFFFF;
	(pc) =	sbr.rel @p0 .LBB2_1-.Ltmp3, $4  }
0xca: {  	[hbm:s14], [sflag:s6] =	dma.local [spmem:s18], $0x2780  }
0xcb: {  	_ =	swait.ge [sflag:s19], $0x2780  }
0xcc: {  	[sflag:s19] =	ssyncset.done $0x0  }
0xcd: {  	[sflag:s19] =	ssyncadd.s32 $0xFFFFD880  }
0xce: {  	_ =	sfence.sel $0x180000  }
0xcf: {  	[bflag:$0x0] =	sbarrier.arrive $0xFFFF  }
0xd0: {  	_ =	strace $0x9000004D  }
0xd1: {  	s0 =	stileid.u32;
	[bflag:$0x2] =	sbarrier.arrive $0xFFFF  }
0xd2: {  	p0 =	sne.s32 s0, $0x0;
	s0 =	rddreg [dreg:$0x3]  }
0xd3: {  	s0 =	sadd.s32 @!p0 $0x100000, s0  }
0xd4: {  	[sflag:s0] =	ssyncadd.tile.s32 @!p0 $0x1;
	_ =	shalt  }
.Lfunc_end2:
_tile_overlayer_lowered:
.L_overlay_start_2:
0xd5: {  	(tag) =	ssettag $0x2  }
0xd6: {  	s0 =	rddreg [dreg:$0x0];
	s2 =	stileid.u32  }
0xd7: {  	s1 =	rddreg [dreg:$0x1];
	p0 =	sne.s32 s2, $0x0  }
0xd8: {  	s3 =	rddreg [dreg:$0x2];
	[bflag:$0x3] =	sbarrier.arrive $0xFFFF;
	s2 =	simm.s32 @!p0 $0x1C05  }
0xd9: {  	[timem:s3], [sflag:s2] =	dma.local @!p0 [hbm:s0], s1  }
0xda: {  	s0 =	simm.s32 @!p0 $0x5  }
0xdb: {  	_ =	swait.ge @!p0 [sflag:s0], s1  }
0xdc: {  	s1 =	ssub.s32 @!p0 $0x0, s1;
	[sflag:s0] =	ssyncset.done @!p0 $0x0  }
0xdd: {  	[sflag:s0] =	ssyncadd.s32 @!p0 s1  }
0xde: {  	[bflag:$0x3] =	sbarrier.arrive $0xFFFF  }
0xdf: {  	_ =	shalt  }

// kernel: kernel.25.cloned.1.call-start
scs
__scs_entry_jumppad:
0x0: {  	(pc) =	sbr.rel $0x88, $3  }
0x1: {  	(tag) =	ssettag $0x0;
	lr =	simm.s32 $0x1  }
0x2: {  	[smem:$0x3F90] =	sst lr;
	_ =	strace $0xD0000000  }
0x3: {  	_ = 	snop  }
0x4: {  	_ = 	snop  }
0x5: {  	_ = 	snop  }
0x6: {  	_ = 	snop  }
0x7: {  	_ = 	snop  }
__scs_overlays_trampoline_lowered:
0x8: {  	[smem:$0x3F9F] =	sst s0  }
0x9: {  	[smem:$0x3FA0] =	sst s1  }
0xa: {  	[smem:$0x3FA1] =	sst s2  }
0xb: {  	[smem:$0x3FA2] =	sst s3  }
0xc: {  	[smem:$0x3FA3] =	sst s4  }
0xd: {  	[smem:$0x3FA4] =	sst s5  }
0xe: {  	[smem:$0x3FA5] =	sst s6  }
0xf: {  	[smem:$0x3FA6] =	sst s7  }
0x10: {  	[smem:$0x3FA7] =	sst s8  }
0x11: {  	[smem:$0x3FA8] =	sst s9;
	s0 =	simm.s32 @!p0 $0x0  }
0x12: {  	s1 =	sld [smem:$0x3F8E];
	s0 =	simm.s32 @p0 $0x1  }
0x13: {  	[smem:$0x3FA9] =	sst s0;
	s0 =	simm.s32 @!p1 $0x0  }
0x14: {  	s2 =	sld [smem:$0x3F8D];
	s0 =	simm.s32 @p1 $0x1  }
0x15: {  	[smem:$0x3FAA] =	sst s0;
	s0 =	simm.s32 @!p2 $0x0  }
0x16: {  	s3 =	sld [smem:$0x3FDB];
	s0 =	simm.s32 @p2 $0x1  }
0x17: {  	s4 =	simm.s32 $0x1BF5;
	[smem:$0x3FAC] =	sst s0  }
0x18: {  	s0 =	sld [smem:$0x3F8F];
	_ =	swait.ge [sflag:s4], $0x0  }
0x19: {  	s7 =	sld [smem:$0x3F90]  }
0x1a: {  	s8 =	sadd.s32 $0xFFFFE003, lr  }
0x1b: {  	s9 =	sadd.s32 $0xFFFFFEF7, lr;
	s5 =	simm.s32 $0xFFFFFFFF;
	p2 =	slt.u32 s8, $0xFFFFF086  }
0x1c: {  	p1 =	slt.u32 s9, $0xF7A;
	s5 =	simm.s32 @!p2 $0x0  }
0x1d: {  	s5 =	simm.s32 @p1 $0x1;
	p0 =	seq.s32 s7, s2  }
0x1e: {  	s7 =	smul.u32 @!p0 $0xF7A, s2;
	p2 =	seq.s32 @!p0 s5, $0x0  }
0x1f: {  	s9 =	smul.u32 $0xF7A, s1;
	s8 =	simm.s32 @!p0 $0x1BF5;
	p2 =	por !p2, p0  }
0x20: {  	[sflag:s8] =	ssyncset.s32 @!p0 $0xFFFFF086;
	s6 =	sadd.s32 @!p0 s3, s7;
	s7 =	simm.s32 @!p0 $0x108  }
0x21: {  	s3 =	sadd.s32 s3, s9;
	s6 =	sadd.s32 @!p0 $0x88, s6;
	s7 =	simm.s32 @p2 $0x1082  }
0x22: {  	[simem:s7], [sflag:s8] =	dma.local @!p0 [hbm:s6], $0xF7A  }
0x23: {  	s9 =	sor.u32 $0xD0000000, s2;
	s6 =	simm.s32 $0x108;
	_ =	swait.ge @!p0 [sflag:s8], $0x0  }
0x24: {  	s3 =	sadd.s32 $0x88, s3;
	s6 =	simm.s32 @!p1 $0x1082;
	[sflag:s4] =	ssyncset.s32 $0xFFFFF086  }
0x25: {  	[simem:s6], [sflag:s4] =	dma.local [hbm:s3], $0xF7A  }
0x26: {  	[smem:$0x3F90] =	sst s1;
	(tag) =	ssettag s2;
	_ =	strace s9  }
0x27: {  	s1 =	sld [smem:$0x3FA0]  }
0x28: {  	s2 =	sld [smem:$0x3FA1]  }
0x29: {  	s4 =	sld [smem:$0x3FA3]  }
0x2a: {  	p0 =	seq.s32 s5, $0x0;
	s5 =	sld [smem:$0x3FA4]  }
0x2b: {  	s6 =	sld [smem:$0x3FA5]  }
0x2c: {  	s7 =	sld [smem:$0x3FA6]  }
0x2d: {  	s3 =	simm.s32 $0x108;
	s8 =	sld [smem:$0x3FA7]  }
0x2e: {  	s3 =	simm.s32 @!p0 $0x1082;
	s9 =	sld [smem:$0x3FA8]  }
0x2f: {  	lr =	sadd.s32 s0, s3;
	s0 =	sld [smem:$0x3F9F]  }
0x30: {  	s3 =	sld [smem:$0x3FA2]  }
0x31: {  	[smem:$0x3FAB] =	sst s10  }
0x32: {  	s10 =	sld [smem:$0x3FA9];
	_ =	sdelay $0x3  }
0x33: {  	p0 =	seq.s32 s10, $0x1;
	s10 =	sld [smem:$0x3FAB];
	_ =	sdelay $0x3  }
0x34: {  	[smem:$0x3FAB] =	sst s10  }
0x35: {  	s10 =	sld [smem:$0x3FAA];
	_ =	sdelay $0x3  }
0x36: {  	p1 =	seq.s32 s10, $0x1;
	s10 =	sld [smem:$0x3FAB];
	_ =	sdelay $0x3  }
0x37: {  	[smem:$0x3FAB] =	sst s10  }
0x38: {  	s10 =	sld [smem:$0x3FAC]  }
0x39: {  	_ = 	snop;
	(pc) =	sbr.ind lr, $3  }
0x3a: {  	_ = 	snop  }
0x3b: {  	_ = 	snop  }
0x3c: {  	p2 =	seq.s32 s10, $0x1;
	s10 =	sld [smem:$0x3FAB]  }
0x3d: {  	_ =	shalt  }
0x3e: {  	_ =	shalt  }
0x3f: {  	_ =	shalt  }
0x40: {  	_ =	shalt  }
0x41: {  	_ =	shalt  }
0x42: {  	_ =	shalt  }
0x43: {  	_ =	shalt  }
0x44: {  	_ =	shalt  }
0x45: {  	_ =	shalt  }
0x46: {  	_ =	shalt  }
0x47: {  	_ =	shalt  }
0x48: {  	_ =	shalt  }
0x49: {  	_ =	shalt  }
0x4a: {  	_ =	shalt  }
0x4b: {  	_ =	shalt  }
0x4c: {  	_ =	shalt  }
0x4d: {  	_ =	shalt  }
0x4e: {  	_ =	shalt  }
0x4f: {  	_ =	shalt  }
0x50: {  	_ =	shalt  }
0x51: {  	_ =	shalt  }
0x52: {  	_ =	shalt  }
0x53: {  	_ =	shalt  }
0x54: {  	_ =	shalt  }
0x55: {  	_ =	shalt  }
0x56: {  	_ =	shalt  }
0x57: {  	_ =	shalt  }
0x58: {  	_ =	shalt  }
0x59: {  	_ =	shalt  }
0x5a: {  	_ =	shalt  }
0x5b: {  	_ =	shalt  }
0x5c: {  	_ =	shalt  }
0x5d: {  	_ =	shalt  }
0x5e: {  	_ =	shalt  }
0x5f: {  	_ =	shalt  }
0x60: {  	_ =	shalt  }
0x61: {  	_ =	shalt  }
0x62: {  	_ =	shalt  }
0x63: {  	_ =	shalt  }
0x64: {  	_ =	shalt  }
0x65: {  	_ =	shalt  }
0x66: {  	_ =	shalt  }
0x67: {  	_ =	shalt  }
0x68: {  	_ =	shalt  }
0x69: {  	_ =	shalt  }
0x6a: {  	_ =	shalt  }
0x6b: {  	_ =	shalt  }
0x6c: {  	_ =	shalt  }
0x6d: {  	_ =	shalt  }
0x6e: {  	_ =	shalt  }
0x6f: {  	_ =	shalt  }
0x70: {  	_ =	shalt  }
0x71: {  	_ =	shalt  }
0x72: {  	_ =	shalt  }
0x73: {  	_ =	shalt  }
0x74: {  	_ =	shalt  }
0x75: {  	_ =	shalt  }
0x76: {  	_ =	shalt  }
0x77: {  	_ =	shalt  }
0x78: {  	_ =	shalt  }
0x79: {  	_ =	shalt  }
0x7a: {  	_ =	shalt  }
0x7b: {  	_ =	shalt  }
0x7c: {  	_ =	shalt  }
0x7d: {  	_ =	shalt  }
0x7e: {  	_ =	shalt  }
0x7f: {  	_ =	shalt  }
0x80: {  	_ =	shalt  }
0x81: {  	_ =	shalt  }
0x82: {  	_ =	shalt  }
0x83: {  	_ =	shalt  }
0x84: {  	_ =	shalt  }
0x85: {  	_ =	shalt  }
0x86: {  	_ =	shalt  }
0x87: {  	_ =	shalt  }
.Lfunc_end0:
.L_simem_size_0:
called_computation.3_lowered:
.L_overlay_start_0:
0x88: {  	s2 =	sld [smem:$0x3FD9]  }
0x89: {  	s3 =	sld [smem:$0x3FFE];
	_ =	sdelay $0x1  }
0x8a: {  	s1 =	srdreg.scid  }
0x8b: {  	s0 =	sand.u32 $0x1, s1  }
0x8c: {  	s16 =	sshll.u32 s0, $0xA;
	s2 =	sadd.s32 s3, s2  }
0x8d: {  	s2 =	sadd.s32 s2, s16  }
0x8e: {  	[smem:$0x3FB7] =	sst s2  }
0x8f: {  	_ = 	snop  }
0x90: {  	(tm) =	ssettm $0x1  }
0x91: {  	s17 =	sld [smem:$0x3FFB];
	_ =	sdelay $0x3  }
0x92: {  	_ =	strace s17  }
0x93: {  	s2 =	sld [smem:$0x3FFC];
	_ =	sdelay $0x3  }
0x94: {  	_ =	strace s2  }
0x95: {  	s2 =	sld [smem:$0x3FFD];
	_ =	sdelay $0x3  }
0x96: {  	_ =	strace s2  }
0x97: {  	_ =	strace $0x8FFFFFFF  }
0x98: {  	s18 =	sld [smem:$0x3FDB];
	_ =	sdelay $0x1  }
0x99: {  	s19 =	simm.s32 $_scs_section_size  }
0x9a: {  	s4 =	simm.s32 $_size__tile_overlayer_lowered;
	s5 =	simm.s32 $_tile_overlayer_lowered  }
0x9b: {  	s22 =	simm.s32 $0x1BFF;
	s21 =	sshll.u32 s5, $0x1;
	s2 =	sadd.s32 s19, s18  }
0x9c: {  	s6 =	simm.s32 $0x0;
	s20 =	sshll.u32 s4, $0x1;
	s4 =	sadd.s32 s21, s2  }
0x9d: {  	[timem:s6], [sflag:s22] =	dma.local [hbm:s4], s20  }
0x9e: {  	_ =	swait.ge [sflag:s22], s20  }
0x9f: {  	s3 =	ssub.s32 $0x0, s20;
	[sflag:s22] =	ssyncset.done $0x0  }
0xa0: {  	[sflag:s22] =	ssyncadd.s32 s3;
	_ =	sdelay $0x1  }
0xa1: {  	s23 =	simm.s32 $0x1B8B  }
0xa2: {  	_ =	swait.ge [sflag:s23], $0x1  }
0xa3: {  	[sflag:s23] =	ssyncset.done $0x0  }
0xa4: {  	s25 =	simm.s32 $0x1B8E;
	s24 =	sld [smem:$0x3FFE];
	[sflag:s23] =	ssyncadd.s32 $0xFFFFFFFF  }
0xa5: {  	s26 =	simm.s32 $execute0_lowered;
	[smem:$0x3FD2] =	sst s25  }
0xa6: {  	s4 =	sshll.u32 s26, $0x1;
	_ =	strace $0x8000004F;
	[dreg:$0x1] =	wrdreg $0xFFFFFFFF  }
0xa7: {  	s28 =	simm.s32 $_size_execute0_lowered;
	s2 =	sadd.s32 s2, s4;
	[dreg:$0x0] =	wrdreg $0x0  }
0xa8: {  	s4 =	sshll.u32 s28, $0x1;
	[dreg:$0x2] =	wrdreg s2  }
0xa9: {  	[dreg:$0x3] =	wrdreg s4  }
0xaa: {  	[dreg:$0x4] =	wrdreg $0xC0  }
0xab: {  	_ =	task [dreg:s6], $0x5FFFF  }
0xac: {  	[dreg:$0x1] =	wrdreg $0xFFFFFFFF  }
0xad: {  	[dreg:$0x0] =	wrdreg $0x60  }
0xae: {  	[dreg:$0x2] =	wrdreg s24  }
0xaf: {  	[dreg:$0x3] =	wrdreg $0x82000  }
0xb0: {  	[dreg:$0x4] =	wrdreg $0x1BE000  }
0xb1: {  	[dreg:$0x5] =	wrdreg $0x9  }
0xb2: {  	_ =	task.clear_ibuf [dreg:s6], $0x6FFFF;
	_ =	strace $0x9000004F  }
0xb3: {  	s29 =	simm.s32 $0x9;
	_ =	strace $0x80000051  }
0xb4: {  	_ =	swait.ge [sflag:s29], $0x1  }
0xb5: {  	[sflag:s29] =	ssyncadd.s32 $0xFFFFFFFF  }
0xb6: {  	_ =	strace $0x90000051  }
0xb7: {  	_ =	sfence  }
0xb8: {  	s30 =	sld [smem:$0x0];
	_ =	sdelay $0x2  }
0xb9: {  	s31 =	sshll.u32 s1, $0xD;
	s1 =	sshrl.u32 s1, $0x2  }
0xba: {  	s3 =	sand.u32 $0x4000, s31;
	s1 =	sadd.s32 s1, s30  }
0xbb: {  	s0 =	sor.u32 s3, s0;
	s1 =	sshll.u32 s1, $0x11  }
0xbc: {  	s0 =	sor.u32 s1, s0  }
0xbd: {  	s0 =	sadd.s32 $0x8F2B, s0  }
0xbe: {  	[sflag:s0] =	ssyncadd.remote.s32 $0x1  }
0xbf: {  	_ =	sfence.sel $0xFFFF  }
0xc0: {  	[dreg:$0x0] =	wrdreg $0xFFFFFFFF;
	(pc) =	sbr.abs _section_cstart, $3  }
0xc1: {  	[dreg:$0x1] =	wrdreg $0xFFFFFFFF  }
0xc2: {  	_ =	task.clear_ibuf [dreg:s6], $0x2FFFF;
	_ =	strace $0x9FFFFFFF  }
0xc3: {  	(tm) =	ssettm $0x7FFFFFFF  }
tec
execute0_lowered:
.L_overlay_start_1:
0x0: {  	(tag) =	ssettag $0x1  }
0x1: {  	s0 =	rddreg [dreg:$0x0]  }
0x2: {  	s1 =	rddreg [dreg:$0x1];
	s16 =	stileid.u32  }
0x3: {  	s2 =	srdreg.scid;
	s3 =	smul.u32 $0x35, s16  }
0x4: {  	s7 =	rddreg [dreg:$0x2];
	s28 =	simm.s32 $0x2;
	s4 =	smul.u32 $0x69, s16  }
0x5: {  	s29 =	simm.s32 $0x3;
	s30 =	simm.s32 $0x4;
	s5 =	smul.u32 $0x13C00, s16  }
0x6: {  	s31 =	simm.s32 $0x0;
	s2 =	sand.u32 $0x1, s2;
	s25 =	smul.u32 $0x4F000, s16  }
0x7: {  	s13 =	sadd.s32 $0xEA00, s0;
	s14 =	sshrl.u32 s16, $0x3;
	s6 =	smul.u32 $0x13C000, s2  }
0x8: {  	p0 =	seq.s32 s2, $0x0;
	s2 =	ssub.s32 $0x2, s2;
	s14 =	smul.u32 $0x69000, s14  }
0x9: {  	s8 =	sadd.s32 $0x690, s3;
	s3 =	simm.s32 $0x0;
	s11 =	sshrl.u32 s5, $0x3  }
0xa: {  	s26 =	sshrl.u32 s2, $0x1;
	s12 =	sshrl.u32 s25, $0x2;
	s8 =	smov.u32 @p0 s4  }
0xb: {  	[smem:$0x7FF] =	sst s3;
	s4 =	sadd.s32 $0x18800, s0;
	s5 =	sadd.s32 s5, s6  }
0xc: {  	s11 =	sadd.s32 s11, s0;
	s2 =	ssub.s32 s2, s26;
	s17 =	sadd.s32 s12, s1  }
0xd: {  	s12 =	sshll.u32 s16, $0x6;
	s16 =	sshll.u32 s16, $0x7;
	s18 =	sshrl.u32 s14, $0x2  }
0xe: {  	s9 =	sshll.u32 s8, $0x4;
	_ =	strace $0x80000050;
	s5 =	sshrl.u32 s5, $0x3  }
0xf: {  	s15 =	sadd.s32 $0xB4C00, s11;
	s6 =	sor.u32 $0x1C05, s12;
	s19 =	sshll.u32 s8, $0x7  }
0x10: {  	s20 =	sand.u32 $0x380, s16;
	s7 =	sadd.s32 s18, s7;
	s18 =	sshrl.u32 s17, $0x3  }
0x11: {  	s10 =	sadd.s32 s9, s0;
	s0 =	sadd.s32 s5, s0;
	[dreg:$0x4] =	wrdreg s15  }
0x12: {  	s15 =	simm.s32 $0x69;
	s7 =	sadd.s32 s20, s7;
	s9 =	sadd.s32 s13, s9  }
0x13: {  	s23 =	sshrl.u32 s19, $0x3;
	s20 =	simm.s32 $0x1;
	s15 =	simm.s32 @!p0 $0x35  }
0x14: {  	s21 =	sadd.s32 $0x4C00, s10;
	s10 =	sadd.s32 $0x400, s7;
	s11 =	sadd.s32 s13, s23  }
0x15: {  	s23 =	simm.s32 $0x200;
	[dreg:$0x5] =	wrdreg s21;
	s22 =	sshll.u32 s15, $0x7  }
0x16: {  	s11 =	sadd.s32 $0x10, s11;
	s25 =	sshll.u32 s15, $0xC;
	s15 =	smax.u32 s2, $0x1  }
0x17: {  	s2 =	sadd.s32 $0x30, s9;
	s21 =	simm.s32 $0x80;
	s24 =	sadd.s32 $0xFFFFFF80, s22  }
0x18: {  	s26 =	sand.u32 $0x7C000, s25;
	s25 =	simm.s32 $0x4200;
	s14 =	sadd.s32 s24, s19  }
0x19: {  	s12 =	sshll.u32 s24, $0x3;
	s16 =	sadd.s32 $0xFFFFE000, s26;
	s19 =	simm.s32 $0x5  }
0x1a: {  	s24 =	simm.s32 $0x100;
	s26 =	simm.s32 $0x180;
	s14 =	sshrl.u32 s14, $0x3  }
0x1b: {  	s12 =	sadd.s32 s12, s7;
	s13 =	sadd.s32 s13, s14;
	s14 =	sadd.s32 $0xDC400, s0  }
.LBB2_1:
0x1c: {  	s0 =	rddreg [dreg:$0x4]  }
0x1d: {  	[spmem:s18], [sflag:s6] =	dma.local [hbm:s0], $0x2780  }
0x1e: {  	_ =	swait.ge [sflag:s19], $0x2780  }
0x1f: {  	s22 =	sshrl.u32 s7, $0x3;
	[sflag:s19] =	ssyncset.done $0x0  }
0x20: {  	s8 =	simm.s32 $0x10;
	s5 =	rddreg [dreg:$0x5];
	[sflag:s19] =	ssyncadd.s32 $0xFFFFD880  }
0x21: {  	[spmem:s22@s21], [sflag:s6] =	dma.strided [hbm:s5@s8], $0x690, s20, $0x10   }
0x22: {  	_ =	swait.ge [sflag:s19], $0x690  }
0x23: {  	[sflag:s19] =	ssyncset.done $0x0  }
0x24: {  	[sflag:s19] =	ssyncadd.s32 $0xFFFFF970  }
0x25: {  	[bflag:$0x0] =	sbarrier.arrive $0xFFFF  }
0x26: {  	[tilespmem:s3], [sflag:$0x5] =	stream.linear.gather [spmem:s7], $0x80, $0x38;
	[tilespmem:$0x1F280] =	vst v63  }
0x27: {  	_ =	swait.ge [sflag:s19], $0x80  }
0x28: {  	[sflag:s19] =	ssyncset.done $0x0  }
0x29: {  	[sflag:s19] =	ssyncadd.s32 $0xFFFFFF80  }
0x2a: {  	[tilespmem:s23], [sflag:$0x1] =	stream.indirect.gather [hbm4b:s4+s21], $0x80, s3, s21, $0xb8;
	[tilespmem:$0x1F280] =	vst v63  }
0x2b: {  	_ = 	snop  }
0x2c: {  	[tilespmem:s21], [sflag:$0x5] =	stream.linear.gather [hbm4b:s9+s3], $0x80, $0x38;
	[tilespmem:$0x1F280] =	vst v63  }
0x2d: {  	_ =	swait.ge [sflag:s19], $0x80  }
0x2e: {  	[sflag:s19] =	ssyncset.done $0x0  }
0x2f: {  	[sflag:s19] =	ssyncadd.s32 $0xFFFFFF80  }
0x30: {  	_ =	swait.ge [sflag:s20], $0x4000  }
0x31: {  	[sflag:s20] =	ssyncset.done $0x0  }
0x32: {  	[sflag:s20] =	ssyncadd.s32 $0xFFFFC000  }
0x33: {  	[spmem:s1] =	stream.indirect.scatter.add.f32 [tilespmem:s23], [sflag:$0x3], $0x80, s21, s21, $0xb8;
	[tilespmem:$0x1F280] =	vst v63  }
0x34: {  	_ = 	snop  }
0x35: {  	[tilespmem:s24], [sflag:$0x5] =	stream.linear.gather [spmem:s10], $0x80, $0x38;
	[tilespmem:$0x1F280] =	vst v63  }
0x36: {  	_ =	swait.ge [sflag:s19], $0x80  }
0x37: {  	[sflag:s19] =	ssyncset.done $0x0  }
0x38: {  	[sflag:s19] =	ssyncadd.s32 $0xFFFFFF80  }
0x39: {  	[tilespmem:s25], [sflag:$0x2] =	stream.indirect.gather [hbm4b:s4+s21], $0x80, s24, s21, $0xb8;
	[tilespmem:$0x1F280] =	vst v63  }
0x3a: {  	_ = 	snop  }
0x3b: {  	[tilespmem:s26], [sflag:$0x5] =	stream.linear.gather [hbm4b:s11+s3], $0x80, $0x38;
	[tilespmem:$0x1F280] =	vst v63  }
0x3c: {  	_ =	swait.ge [sflag:s19], $0x80  }
0x3d: {  	p1 =	sne.s32 s16, $0x2000;
	[sflag:s19] =	ssyncset.done $0x0  }
.Ltmp0:
0x3e: {  	[sflag:s19] =	ssyncadd.s32 $0xFFFFFF80;
	(pc) =	sbr.rel @!p1 .LBB2_4-.Ltmp0, $4  }
0x3f: {  	_ =	swait.ge [sflag:s28], $0x4000  }
0x40: {  	p0 =	por $0x0, $0x0;
	[sflag:s28] =	ssyncset.done $0x0  }
0x41: {  	s17 =	smov.u32 s2;
	s22 =	simm.s32 $0x0;
	[sflag:s28] =	ssyncadd.s32 $0xFFFFC000  }
0x42: {  	[spmem:s1] =	stream.indirect.scatter.add.f32 [tilespmem:s25], [sflag:$0x4], $0x80, s26, s21, $0xb8;
	[tilespmem:$0x1F280] =	vst v63  }
0x43: {  	s0 =	sadd.s32 $0x0, s7  }
0x44: {  	s17 =	sadd.s32 $0x800, s0  }
0x45: {  	[tilespmem:s3], [sflag:$0x5] =	stream.linear.gather [spmem:s17], $0x80, $0x38;
	[tilespmem:$0x1F280] =	vst v63  }
0x46: {  	_ =	swait.ge [sflag:s19], $0x80  }
0x47: {  	[sflag:s19] =	ssyncset.done $0x0  }
0x48: {  	[sflag:s19] =	ssyncadd.s32 $0xFFFFFF80  }
0x49: {  	_ =	swait.ge [sflag:s29], $0x4000  }
0x4a: {  	[sflag:s29] =	ssyncset.done $0x0  }
0x4b: {  	[sflag:s29] =	ssyncadd.s32 $0xFFFFC000  }
0x4c: {  	[tilespmem:s23], [sflag:$0x1] =	stream.indirect.gather [hbm4b:s4+s21], $0x80, s3, s21, $0xb8;
	[tilespmem:$0x1F280] =	vst v63  }
0x4d: {  	s22 =	sadd.s32 $0xFFFFFFF0, s2  }
0x4e: {  	[tilespmem:s21], [sflag:$0x5] =	stream.linear.gather [hbm4b:s22+s3], $0x80, $0x38;
	[tilespmem:$0x1F280] =	vst v63  }
0x4f: {  	_ =	swait.ge [sflag:s19], $0x80  }
0x50: {  	[sflag:s19] =	ssyncset.done $0x0  }
0x51: {  	[sflag:s19] =	ssyncadd.s32 $0xFFFFFF80  }
0x52: {  	_ =	swait.ge [sflag:s20], $0x4000  }
0x53: {  	[sflag:s20] =	ssyncset.done $0x0  }
0x54: {  	[sflag:s20] =	ssyncadd.s32 $0xFFFFC000  }
0x55: {  	[spmem:s1] =	stream.indirect.scatter.add.f32 [tilespmem:s23], [sflag:$0x3], $0x80, s21, s21, $0xb8;
	[tilespmem:$0x1F280] =	vst v63  }
0x56: {  	s0 =	sadd.s32 $0xC00, s0  }
0x57: {  	[tilespmem:s24], [sflag:$0x5] =	stream.linear.gather [spmem:s0], $0x80, $0x38;
	[tilespmem:$0x1F280] =	vst v63  }
0x58: {  	_ =	swait.ge [sflag:s19], $0x80  }
0x59: {  	[sflag:s19] =	ssyncset.done $0x0  }
0x5a: {  	[sflag:s19] =	ssyncadd.s32 $0xFFFFFF80  }
0x5b: {  	_ =	swait.ge [sflag:s30], $0x4000  }
0x5c: {  	[sflag:s30] =	ssyncset.done $0x0  }
0x5d: {  	[sflag:s30] =	ssyncadd.s32 $0xFFFFC000  }
0x5e: {  	[tilespmem:s25], [sflag:$0x2] =	stream.indirect.gather [hbm4b:s4+s21], $0x80, s24, s21, $0xb8;
	[tilespmem:$0x1F280] =	vst v63  }
0x5f: {  	p1 =	sne.s32 s16, $0x4000  }
0x60: {  	[tilespmem:s26], [sflag:$0x5] =	stream.linear.gather [hbm4b:s2+s3], $0x80, $0x38;
	[tilespmem:$0x1F280] =	vst v63  }
.Ltmp1:
0x61: {  	_ =	swait.ge [sflag:s19], $0x80;
	(pc) =	sbr.rel @!p1 .LBB2_4-.Ltmp1, $4  }
0x62: {  	[sflag:s19] =	ssyncset.done $0x0  }
0x63: {  	[sflag:s19] =	ssyncadd.s32 $0xFFFFFF80  }
0x64: {  	p0 =	por $0x1, $0x1;
	s17 =	sadd.s32 $0x20, s2;
	_ =	swait.ge [sflag:s28], $0x4000  }
0x65: {  	s22 =	simm.s32 $0x800;
	s0 =	simm.s32 $0x4000;
	[sflag:s28] =	ssyncset.done $0x0  }
.LBB2_3:
0x66: {  	s5 =	sadd.s32 s22, s7  }
0x67: {  	[sflag:s28] =	ssyncadd.s32 $0xFFFFC000;
	s22 =	smov.u32 s0;
	s0 =	sadd.s32 $0x2000, s0  }
0x68: {  	[spmem:s1] =	stream.indirect.scatter.add.f32 [tilespmem:s25], [sflag:$0x4], $0x80, s26, s21, $0xb8;
	[tilespmem:$0x1F280] =	vst v63  }
0x69: {  	p1 =	sne.s32 s16, s0;
	s8 =	sadd.s32 $0x800, s5  }
0x6a: {  	[tilespmem:s3], [sflag:$0x5] =	stream.linear.gather [spmem:s8], $0x80, $0x38;
	[tilespmem:$0x1F280] =	vst v63  }
0x6b: {  	_ =	swait.ge [sflag:s19], $0x80  }
0x6c: {  	[sflag:s19] =	ssyncset.done $0x0  }
0x6d: {  	[sflag:s19] =	ssyncadd.s32 $0xFFFFFF80  }
0x6e: {  	_ =	swait.ge [sflag:s29], $0x4000  }
0x6f: {  	[sflag:s29] =	ssyncset.done $0x0  }
0x70: {  	[sflag:s29] =	ssyncadd.s32 $0xFFFFC000  }
0x71: {  	[tilespmem:s23], [sflag:$0x1] =	stream.indirect.gather [hbm4b:s4+s21], $0x80, s3, s21, $0xb8;
	[tilespmem:$0x1F280] =	vst v63  }
0x72: {  	s8 =	sadd.s32 $0xFFFFFFF0, s17  }
0x73: {  	[tilespmem:s21], [sflag:$0x5] =	stream.linear.gather [hbm4b:s8+s3], $0x80, $0x38;
	[tilespmem:$0x1F280] =	vst v63  }
0x74: {  	_ =	swait.ge [sflag:s19], $0x80  }
0x75: {  	[sflag:s19] =	ssyncset.done $0x0  }
0x76: {  	[sflag:s19] =	ssyncadd.s32 $0xFFFFFF80  }
0x77: {  	_ =	swait.ge [sflag:s20], $0x4000  }
0x78: {  	[sflag:s20] =	ssyncset.done $0x0  }
0x79: {  	[sflag:s20] =	ssyncadd.s32 $0xFFFFC000  }
0x7a: {  	[spmem:s1] =	stream.indirect.scatter.add.f32 [tilespmem:s23], [sflag:$0x3], $0x80, s21, s21, $0xb8;
	[tilespmem:$0x1F280] =	vst v63  }
0x7b: {  	s5 =	sadd.s32 $0xC00, s5  }
0x7c: {  	[tilespmem:s24], [sflag:$0x5] =	stream.linear.gather [spmem:s5], $0x80, $0x38;
	[tilespmem:$0x1F280] =	vst v63  }
0x7d: {  	_ =	swait.ge [sflag:s19], $0x80  }
0x7e: {  	[sflag:s19] =	ssyncset.done $0x0  }
0x7f: {  	[sflag:s19] =	ssyncadd.s32 $0xFFFFFF80  }
0x80: {  	_ =	swait.ge [sflag:s30], $0x4000  }
0x81: {  	[sflag:s30] =	ssyncset.done $0x0  }
0x82: {  	[sflag:s30] =	ssyncadd.s32 $0xFFFFC000  }
0x83: {  	[tilespmem:s25], [sflag:$0x2] =	stream.indirect.gather [hbm4b:s4+s21], $0x80, s24, s21, $0xb8;
	[tilespmem:$0x1F280] =	vst v63  }
0x84: {  	_ = 	snop  }
0x85: {  	[tilespmem:s26], [sflag:$0x5] =	stream.linear.gather [hbm4b:s17+s3], $0x80, $0x38;
	[tilespmem:$0x1F280] =	vst v63  }
.Ltmp2:
0x86: {  	_ =	swait.ge [sflag:s19], $0x80;
	(pc) =	sbr.rel @p1 .LBB2_3-.Ltmp2, $4  }
0x87: {  	[sflag:s19] =	ssyncset.done $0x0  }
0x88: {  	[sflag:s19] =	ssyncadd.s32 $0xFFFFFF80  }
0x89: {  	_ =	swait.ge [sflag:s28], $0x4000  }
0x8a: {  	s22 =	sshra.s32 s22, $0x2;
	s17 =	sadd.s32 $0x20, s17;
	[sflag:s28] =	ssyncset.done $0x0  }
.LBB2_4:
0x8b: {  	s0 =	sadd.s32 s22, s7;
	[sflag:s28] =	ssyncadd.s32 @p0 $0xFFFFC000  }
0x8c: {  	[spmem:s1] =	stream.indirect.scatter.add.f32 @p0 [tilespmem:s25], [sflag:$0x4], $0x80, s26, s21, $0xb8;
	[tilespmem:$0x1F280] =	vst v63  }
0x8d: {  	s5 =	sadd.s32 $0x800, s0  }
0x8e: {  	[tilespmem:s3], [sflag:$0x5] =	stream.linear.gather [spmem:s5], $0x80, $0x38;
	[tilespmem:$0x1F280] =	vst v63  }
0x8f: {  	_ =	swait.ge [sflag:s19], $0x80  }
0x90: {  	[sflag:s19] =	ssyncset.done $0x0  }
0x91: {  	[sflag:s19] =	ssyncadd.s32 $0xFFFFFF80  }
0x92: {  	_ =	swait.ge [sflag:s29], $0x4000  }
0x93: {  	[sflag:s29] =	ssyncset.done $0x0  }
0x94: {  	[sflag:s29] =	ssyncadd.s32 $0xFFFFC000  }
0x95: {  	[tilespmem:s23], [sflag:$0x1] =	stream.indirect.gather [hbm4b:s4+s21], $0x80, s3, s21, $0xb8;
	[tilespmem:$0x1F280] =	vst v63  }
0x96: {  	s22 =	sadd.s32 $0xFFFFFFF0, s17  }
0x97: {  	[tilespmem:s21], [sflag:$0x5] =	stream.linear.gather [hbm4b:s22+s3], $0x80, $0x38;
	[tilespmem:$0x1F280] =	vst v63  }
0x98: {  	_ =	swait.ge [sflag:s19], $0x80  }
0x99: {  	[sflag:s19] =	ssyncset.done $0x0  }
0x9a: {  	[sflag:s19] =	ssyncadd.s32 $0xFFFFFF80  }
0x9b: {  	_ =	swait.ge [sflag:s20], $0x4000  }
0x9c: {  	[sflag:s20] =	ssyncset.done $0x0  }
0x9d: {  	[sflag:s20] =	ssyncadd.s32 $0xFFFFC000  }
0x9e: {  	[spmem:s1] =	stream.indirect.scatter.add.f32 [tilespmem:s23], [sflag:$0x3], $0x80, s21, s21, $0xb8;
	[tilespmem:$0x1F280] =	vst v63  }
0x9f: {  	s0 =	sadd.s32 $0xC00, s0  }
0xa0: {  	[tilespmem:s24], [sflag:$0x5] =	stream.linear.gather [spmem:s0], $0x80, $0x38;
	[tilespmem:$0x1F280] =	vst v63  }
0xa1: {  	_ =	swait.ge [sflag:s19], $0x80  }
0xa2: {  	[sflag:s19] =	ssyncset.done $0x0  }
0xa3: {  	[sflag:s19] =	ssyncadd.s32 $0xFFFFFF80  }
0xa4: {  	_ =	swait.ge [sflag:s30], $0x4000  }
0xa5: {  	[sflag:s30] =	ssyncset.done $0x0  }
0xa6: {  	[sflag:s30] =	ssyncadd.s32 $0xFFFFC000  }
0xa7: {  	[tilespmem:s25], [sflag:$0x2] =	stream.indirect.gather [hbm4b:s4+s21], $0x80, s24, s21, $0xb8;
	[tilespmem:$0x1F280] =	vst v63  }
0xa8: {  	_ = 	snop  }
0xa9: {  	[tilespmem:s26], [sflag:$0x5] =	stream.linear.gather [hbm4b:s17+s3], $0x80, $0x38;
	[tilespmem:$0x1F280] =	vst v63  }
0xaa: {  	_ =	swait.ge [sflag:s19], $0x80  }
0xab: {  	[sflag:s19] =	ssyncset.done $0x0  }
0xac: {  	[sflag:s19] =	ssyncadd.s32 $0xFFFFFF80  }
0xad: {  	_ =	swait.ge [sflag:s28], $0x4000  }
0xae: {  	[sflag:s28] =	ssyncset.done $0x0  }
0xaf: {  	[sflag:s28] =	ssyncadd.s32 $0xFFFFC000  }
0xb0: {  	[spmem:s1] =	stream.indirect.scatter.add.f32 [tilespmem:s25], [sflag:$0x4], $0x80, s26, s21, $0xb8;
	[tilespmem:$0x1F280] =	vst v63  }
0xb1: {  	_ = 	snop  }
0xb2: {  	[tilespmem:s3], [sflag:$0x5] =	stream.linear.gather [spmem:s12], $0x80, $0x38;
	[tilespmem:$0x1F280] =	vst v63  }
0xb3: {  	_ =	swait.ge [sflag:s19], $0x80  }
0xb4: {  	[sflag:s19] =	ssyncset.done $0x0  }
0xb5: {  	[sflag:s19] =	ssyncadd.s32 $0xFFFFFF80  }
0xb6: {  	_ =	swait.ge [sflag:s29], $0x4000  }
0xb7: {  	[sflag:s29] =	ssyncset.done $0x0  }
0xb8: {  	[sflag:s29] =	ssyncadd.s32 $0xFFFFC000  }
0xb9: {  	[tilespmem:s23], [sflag:$0x1] =	stream.indirect.gather [hbm4b:s4+s21], $0x80, s3, s21, $0xb8;
	[tilespmem:$0x1F280] =	vst v63  }
0xba: {  	_ = 	snop  }
0xbb: {  	[tilespmem:s21], [sflag:$0x5] =	stream.linear.gather [hbm4b:s13+s3], $0x80, $0x38;
	[tilespmem:$0x1F280] =	vst v63  }
0xbc: {  	_ =	swait.ge [sflag:s19], $0x80  }
0xbd: {  	[sflag:s19] =	ssyncset.done $0x0  }
0xbe: {  	[sflag:s19] =	ssyncadd.s32 $0xFFFFFF80  }
0xbf: {  	_ =	swait.ge [sflag:s20], $0x4000  }
0xc0: {  	[sflag:s20] =	ssyncset.done $0x0  }
0xc1: {  	[sflag:s20] =	ssyncadd.s32 $0xFFFFC000  }
0xc2: {  	[spmem:s1] =	stream.indirect.scatter.add.f32 [tilespmem:s23], [sflag:$0x3], $0x80, s21, s21, $0xb8;
	[tilespmem:$0x1F280] =	vst v63  }
0xc3: {  	_ =	swait.ge [sflag:s29], $0x4000  }
0xc4: {  	[sflag:s29] =	ssyncset.done $0x0  }
0xc5: {  	[sflag:s29] =	ssyncadd.s32 $0xFFFFC000  }
0xc6: {  	_ =	swait.ge [sflag:s30], $0x4000  }
0xc7: {  	s31 =	sadd.s32 $0x1, s31;
	[sflag:s30] =	ssyncset.done $0x0  }
0xc8: {  	p0 =	sne.s32 s31, s15;
	[sflag:s30] =	ssyncadd.s32 $0xFFFFC000  }
.Ltmp3:
0xc9: {  	[bflag:$0x0] =	sbarrier.arrive $0xFFFF;
	(pc) =	sbr.rel @p0 .LBB2_1-.Ltmp3, $4  }
0xca: {  	[hbm:s14], [sflag:s6] =	dma.local [spmem:s18], $0x2780  }
0xcb: {  	_ =	swait.ge [sflag:s19], $0x2780  }
0xcc: {  	[sflag:s19] =	ssyncset.done $0x0  }
0xcd: {  	[sflag:s19] =	ssyncadd.s32 $0xFFFFD880  }
0xce: {  	_ =	sfence.sel $0x180000  }
0xcf: {  	[bflag:$0x0] =	sbarrier.arrive $0xFFFF  }
0xd0: {  	_ =	strace $0x90000050  }
0xd1: {  	s0 =	stileid.u32;
	[bflag:$0x2] =	sbarrier.arrive $0xFFFF  }
0xd2: {  	p0 =	sne.s32 s0, $0x0;
	s0 =	rddreg [dreg:$0x3]  }
0xd3: {  	s0 =	sadd.s32 @!p0 $0x100000, s0  }
0xd4: {  	[sflag:s0] =	ssyncadd.tile.s32 @!p0 $0x1;
	_ =	shalt  }
.Lfunc_end2:
_tile_overlayer_lowered:
.L_overlay_start_2:
0xd5: {  	(tag) =	ssettag $0x2  }
0xd6: {  	s0 =	rddreg [dreg:$0x0];
	s2 =	stileid.u32  }
0xd7: {  	s1 =	rddreg [dreg:$0x1];
	p0 =	sne.s32 s2, $0x0  }
0xd8: {  	s3 =	rddreg [dreg:$0x2];
	[bflag:$0x3] =	sbarrier.arrive $0xFFFF;
	s2 =	simm.s32 @!p0 $0x1C05  }
0xd9: {  	[timem:s3], [sflag:s2] =	dma.local @!p0 [hbm:s0], s1  }
0xda: {  	s0 =	simm.s32 @!p0 $0x5  }
0xdb: {  	_ =	swait.ge @!p0 [sflag:s0], s1  }
0xdc: {  	s1 =	ssub.s32 @!p0 $0x0, s1;
	[sflag:s0] =	ssyncset.done @!p0 $0x0  }
0xdd: {  	[sflag:s0] =	ssyncadd.s32 @!p0 s1  }
0xde: {  	[bflag:$0x3] =	sbarrier.arrive $0xFFFF  }
0xdf: {  	_ =	shalt  }

// kernel: kernel.28.cloned.1.call-start
scs
__scs_entry_jumppad:
0x0: {  	(pc) =	sbr.rel $0x88, $3  }
0x1: {  	(tag) =	ssettag $0x0;
	lr =	simm.s32 $0x1  }
0x2: {  	[smem:$0x3F90] =	sst lr;
	_ =	strace $0xD0000000  }
0x3: {  	_ = 	snop  }
0x4: {  	_ = 	snop  }
0x5: {  	_ = 	snop  }
0x6: {  	_ = 	snop  }
0x7: {  	_ = 	snop  }
__scs_overlays_trampoline_lowered:
0x8: {  	[smem:$0x3F9F] =	sst s0  }
0x9: {  	[smem:$0x3FA0] =	sst s1  }
0xa: {  	[smem:$0x3FA1] =	sst s2  }
0xb: {  	[smem:$0x3FA2] =	sst s3  }
0xc: {  	[smem:$0x3FA3] =	sst s4  }
0xd: {  	[smem:$0x3FA4] =	sst s5  }
0xe: {  	[smem:$0x3FA5] =	sst s6  }
0xf: {  	[smem:$0x3FA6] =	sst s7  }
0x10: {  	[smem:$0x3FA7] =	sst s8  }
0x11: {  	[smem:$0x3FA8] =	sst s9;
	s0 =	simm.s32 @!p0 $0x0  }
0x12: {  	s1 =	sld [smem:$0x3F8E];
	s0 =	simm.s32 @p0 $0x1  }
0x13: {  	[smem:$0x3FA9] =	sst s0;
	s0 =	simm.s32 @!p1 $0x0  }
0x14: {  	s2 =	sld [smem:$0x3F8D];
	s0 =	simm.s32 @p1 $0x1  }
0x15: {  	[smem:$0x3FAA] =	sst s0;
	s0 =	simm.s32 @!p2 $0x0  }
0x16: {  	s3 =	sld [smem:$0x3FDB];
	s0 =	simm.s32 @p2 $0x1  }
0x17: {  	s4 =	simm.s32 $0x1BF5;
	[smem:$0x3FAC] =	sst s0  }
0x18: {  	s0 =	sld [smem:$0x3F8F];
	_ =	swait.ge [sflag:s4], $0x0  }
0x19: {  	s7 =	sld [smem:$0x3F90]  }
0x1a: {  	s8 =	sadd.s32 $0xFFFFE003, lr  }
0x1b: {  	s9 =	sadd.s32 $0xFFFFFEF7, lr;
	s5 =	simm.s32 $0xFFFFFFFF;
	p2 =	slt.u32 s8, $0xFFFFF086  }
0x1c: {  	p1 =	slt.u32 s9, $0xF7A;
	s5 =	simm.s32 @!p2 $0x0  }
0x1d: {  	s5 =	simm.s32 @p1 $0x1;
	p0 =	seq.s32 s7, s2  }
0x1e: {  	s7 =	smul.u32 @!p0 $0xF7A, s2;
	p2 =	seq.s32 @!p0 s5, $0x0  }
0x1f: {  	s9 =	smul.u32 $0xF7A, s1;
	s8 =	simm.s32 @!p0 $0x1BF5;
	p2 =	por !p2, p0  }
0x20: {  	[sflag:s8] =	ssyncset.s32 @!p0 $0xFFFFF086;
	s6 =	sadd.s32 @!p0 s3, s7;
	s7 =	simm.s32 @!p0 $0x108  }
0x21: {  	s3 =	sadd.s32 s3, s9;
	s6 =	sadd.s32 @!p0 $0x88, s6;
	s7 =	simm.s32 @p2 $0x1082  }
0x22: {  	[simem:s7], [sflag:s8] =	dma.local @!p0 [hbm:s6], $0xF7A  }
0x23: {  	s9 =	sor.u32 $0xD0000000, s2;
	s6 =	simm.s32 $0x108;
	_ =	swait.ge @!p0 [sflag:s8], $0x0  }
0x24: {  	s3 =	sadd.s32 $0x88, s3;
	s6 =	simm.s32 @!p1 $0x1082;
	[sflag:s4] =	ssyncset.s32 $0xFFFFF086  }
0x25: {  	[simem:s6], [sflag:s4] =	dma.local [hbm:s3], $0xF7A  }
0x26: {  	[smem:$0x3F90] =	sst s1;
	(tag) =	ssettag s2;
	_ =	strace s9  }
0x27: {  	s1 =	sld [smem:$0x3FA0]  }
0x28: {  	s2 =	sld [smem:$0x3FA1]  }
0x29: {  	s4 =	sld [smem:$0x3FA3]  }
0x2a: {  	p0 =	seq.s32 s5, $0x0;
	s5 =	sld [smem:$0x3FA4]  }
0x2b: {  	s6 =	sld [smem:$0x3FA5]  }
0x2c: {  	s7 =	sld [smem:$0x3FA6]  }
0x2d: {  	s3 =	simm.s32 $0x108;
	s8 =	sld [smem:$0x3FA7]  }
0x2e: {  	s3 =	simm.s32 @!p0 $0x1082;
	s9 =	sld [smem:$0x3FA8]  }
0x2f: {  	lr =	sadd.s32 s0, s3;
	s0 =	sld [smem:$0x3F9F]  }
0x30: {  	s3 =	sld [smem:$0x3FA2]  }
0x31: {  	[smem:$0x3FAB] =	sst s10  }
0x32: {  	s10 =	sld [smem:$0x3FA9];
	_ =	sdelay $0x3  }
0x33: {  	p0 =	seq.s32 s10, $0x1;
	s10 =	sld [smem:$0x3FAB];
	_ =	sdelay $0x3  }
0x34: {  	[smem:$0x3FAB] =	sst s10  }
0x35: {  	s10 =	sld [smem:$0x3FAA];
	_ =	sdelay $0x3  }
0x36: {  	p1 =	seq.s32 s10, $0x1;
	s10 =	sld [smem:$0x3FAB];
	_ =	sdelay $0x3  }
0x37: {  	[smem:$0x3FAB] =	sst s10  }
0x38: {  	s10 =	sld [smem:$0x3FAC]  }
0x39: {  	_ = 	snop;
	(pc) =	sbr.ind lr, $3  }
0x3a: {  	_ = 	snop  }
0x3b: {  	_ = 	snop  }
0x3c: {  	p2 =	seq.s32 s10, $0x1;
	s10 =	sld [smem:$0x3FAB]  }
0x3d: {  	_ =	shalt  }
0x3e: {  	_ =	shalt  }
0x3f: {  	_ =	shalt  }
0x40: {  	_ =	shalt  }
0x41: {  	_ =	shalt  }
0x42: {  	_ =	shalt  }
0x43: {  	_ =	shalt  }
0x44: {  	_ =	shalt  }
0x45: {  	_ =	shalt  }
0x46: {  	_ =	shalt  }
0x47: {  	_ =	shalt  }
0x48: {  	_ =	shalt  }
0x49: {  	_ =	shalt  }
0x4a: {  	_ =	shalt  }
0x4b: {  	_ =	shalt  }
0x4c: {  	_ =	shalt  }
0x4d: {  	_ =	shalt  }
0x4e: {  	_ =	shalt  }
0x4f: {  	_ =	shalt  }
0x50: {  	_ =	shalt  }
0x51: {  	_ =	shalt  }
0x52: {  	_ =	shalt  }
0x53: {  	_ =	shalt  }
0x54: {  	_ =	shalt  }
0x55: {  	_ =	shalt  }
0x56: {  	_ =	shalt  }
0x57: {  	_ =	shalt  }
0x58: {  	_ =	shalt  }
0x59: {  	_ =	shalt  }
0x5a: {  	_ =	shalt  }
0x5b: {  	_ =	shalt  }
0x5c: {  	_ =	shalt  }
0x5d: {  	_ =	shalt  }
0x5e: {  	_ =	shalt  }
0x5f: {  	_ =	shalt  }
0x60: {  	_ =	shalt  }
0x61: {  	_ =	shalt  }
0x62: {  	_ =	shalt  }
0x63: {  	_ =	shalt  }
0x64: {  	_ =	shalt  }
0x65: {  	_ =	shalt  }
0x66: {  	_ =	shalt  }
0x67: {  	_ =	shalt  }
0x68: {  	_ =	shalt  }
0x69: {  	_ =	shalt  }
0x6a: {  	_ =	shalt  }
0x6b: {  	_ =	shalt  }
0x6c: {  	_ =	shalt  }
0x6d: {  	_ =	shalt  }
0x6e: {  	_ =	shalt  }
0x6f: {  	_ =	shalt  }
0x70: {  	_ =	shalt  }
0x71: {  	_ =	shalt  }
0x72: {  	_ =	shalt  }
0x73: {  	_ =	shalt  }
0x74: {  	_ =	shalt  }
0x75: {  	_ =	shalt  }
0x76: {  	_ =	shalt  }
0x77: {  	_ =	shalt  }
0x78: {  	_ =	shalt  }
0x79: {  	_ =	shalt  }
0x7a: {  	_ =	shalt  }
0x7b: {  	_ =	shalt  }
0x7c: {  	_ =	shalt  }
0x7d: {  	_ =	shalt  }
0x7e: {  	_ =	shalt  }
0x7f: {  	_ =	shalt  }
0x80: {  	_ =	shalt  }
0x81: {  	_ =	shalt  }
0x82: {  	_ =	shalt  }
0x83: {  	_ =	shalt  }
0x84: {  	_ =	shalt  }
0x85: {  	_ =	shalt  }
0x86: {  	_ =	shalt  }
0x87: {  	_ =	shalt  }
.Lfunc_end0:
.L_simem_size_0:
called_computation.4_lowered:
.L_overlay_start_0:
0x88: {  	s2 =	sld [smem:$0x3FD9]  }
0x89: {  	s3 =	sld [smem:$0x3FFE];
	_ =	sdelay $0x1  }
0x8a: {  	s1 =	srdreg.scid  }
0x8b: {  	s0 =	sand.u32 $0x1, s1  }
0x8c: {  	s16 =	sshll.u32 s0, $0xA;
	s2 =	sadd.s32 s3, s2  }
0x8d: {  	s2 =	sadd.s32 s2, s16  }
0x8e: {  	[smem:$0x3FB7] =	sst s2  }
0x8f: {  	_ = 	snop  }
0x90: {  	(tm) =	ssettm $0x1  }
0x91: {  	s17 =	sld [smem:$0x3FFB];
	_ =	sdelay $0x3  }
0x92: {  	_ =	strace s17  }
0x93: {  	s2 =	sld [smem:$0x3FFC];
	_ =	sdelay $0x3  }
0x94: {  	_ =	strace s2  }
0x95: {  	s2 =	sld [smem:$0x3FFD];
	_ =	sdelay $0x3  }
0x96: {  	_ =	strace s2  }
0x97: {  	_ =	strace $0x8FFFFFFF  }
0x98: {  	s18 =	sld [smem:$0x3FDB];
	_ =	sdelay $0x1  }
0x99: {  	s19 =	simm.s32 $_scs_section_size  }
0x9a: {  	s4 =	simm.s32 $_size__tile_overlayer_lowered;
	s5 =	simm.s32 $_tile_overlayer_lowered  }
0x9b: {  	s22 =	simm.s32 $0x1BFF;
	s21 =	sshll.u32 s5, $0x1;
	s2 =	sadd.s32 s19, s18  }
0x9c: {  	s6 =	simm.s32 $0x0;
	s20 =	sshll.u32 s4, $0x1;
	s4 =	sadd.s32 s21, s2  }
0x9d: {  	[timem:s6], [sflag:s22] =	dma.local [hbm:s4], s20  }
0x9e: {  	_ =	swait.ge [sflag:s22], s20  }
0x9f: {  	s3 =	ssub.s32 $0x0, s20;
	[sflag:s22] =	ssyncset.done $0x0  }
0xa0: {  	[sflag:s22] =	ssyncadd.s32 s3;
	_ =	sdelay $0x1  }
0xa1: {  	s23 =	simm.s32 $0x1B8B  }
0xa2: {  	_ =	swait.ge [sflag:s23], $0x1  }
0xa3: {  	[sflag:s23] =	ssyncset.done $0x0  }
0xa4: {  	s25 =	simm.s32 $0x1B8E;
	s24 =	sld [smem:$0x3FFE];
	[sflag:s23] =	ssyncadd.s32 $0xFFFFFFFF  }
0xa5: {  	s26 =	simm.s32 $execute0_lowered;
	[smem:$0x3FD2] =	sst s25  }
0xa6: {  	s4 =	sshll.u32 s26, $0x1;
	_ =	strace $0x80000052;
	[dreg:$0x1] =	wrdreg $0xFFFFFFFF  }
0xa7: {  	s28 =	simm.s32 $_size_execute0_lowered;
	s2 =	sadd.s32 s2, s4;
	[dreg:$0x0] =	wrdreg $0x0  }
0xa8: {  	s4 =	sshll.u32 s28, $0x1;
	[dreg:$0x2] =	wrdreg s2  }
0xa9: {  	[dreg:$0x3] =	wrdreg s4  }
0xaa: {  	[dreg:$0x4] =	wrdreg $0xC0  }
0xab: {  	_ =	task [dreg:s6], $0x5FFFF  }
0xac: {  	[dreg:$0x1] =	wrdreg $0xFFFFFFFF  }
0xad: {  	[dreg:$0x0] =	wrdreg $0x60  }
0xae: {  	[dreg:$0x2] =	wrdreg s24  }
0xaf: {  	[dreg:$0x3] =	wrdreg $0x82000  }
0xb0: {  	[dreg:$0x4] =	wrdreg $0x1BE000  }
0xb1: {  	[dreg:$0x5] =	wrdreg $0x9  }
0xb2: {  	_ =	task.clear_ibuf [dreg:s6], $0x6FFFF;
	_ =	strace $0x90000052  }
0xb3: {  	s29 =	simm.s32 $0x9;
	_ =	strace $0x80000054  }
0xb4: {  	_ =	swait.ge [sflag:s29], $0x1  }
0xb5: {  	[sflag:s29] =	ssyncadd.s32 $0xFFFFFFFF  }
0xb6: {  	_ =	strace $0x90000054  }
0xb7: {  	_ =	sfence  }
0xb8: {  	s30 =	sld [smem:$0x0];
	_ =	sdelay $0x2  }
0xb9: {  	s31 =	sshll.u32 s1, $0xD;
	s1 =	sshrl.u32 s1, $0x2  }
0xba: {  	s3 =	sand.u32 $0x4000, s31;
	s1 =	sadd.s32 s1, s30  }
0xbb: {  	s0 =	sor.u32 s3, s0;
	s1 =	sshll.u32 s1, $0x11  }
0xbc: {  	s0 =	sor.u32 s1, s0  }
0xbd: {  	s0 =	sadd.s32 $0x8F2B, s0  }
0xbe: {  	[sflag:s0] =	ssyncadd.remote.s32 $0x1  }
0xbf: {  	_ =	sfence.sel $0xFFFF  }
0xc0: {  	[dreg:$0x0] =	wrdreg $0xFFFFFFFF;
	(pc) =	sbr.abs _section_cstart, $3  }
0xc1: {  	[dreg:$0x1] =	wrdreg $0xFFFFFFFF  }
0xc2: {  	_ =	task.clear_ibuf [dreg:s6], $0x2FFFF;
	_ =	strace $0x9FFFFFFF  }
0xc3: {  	(tm) =	ssettm $0x7FFFFFFF  }
tec
execute0_lowered:
.L_overlay_start_1:
0x0: {  	(tag) =	ssettag $0x1  }
0x1: {  	s0 =	rddreg [dreg:$0x0]  }
0x2: {  	s1 =	rddreg [dreg:$0x1];
	s16 =	stileid.u32  }
0x3: {  	s2 =	srdreg.scid;
	s3 =	smul.u32 $0x35, s16  }
0x4: {  	s7 =	rddreg [dreg:$0x2];
	s28 =	simm.s32 $0x2;
	s4 =	smul.u32 $0x69, s16  }
0x5: {  	s29 =	simm.s32 $0x3;
	s30 =	simm.s32 $0x4;
	s5 =	smul.u32 $0x13C00, s16  }
0x6: {  	s31 =	simm.s32 $0x0;
	s2 =	sand.u32 $0x1, s2;
	s25 =	smul.u32 $0x4F000, s16  }
0x7: {  	s13 =	sadd.s32 $0xEA00, s0;
	s14 =	sshrl.u32 s16, $0x3;
	s6 =	smul.u32 $0x13C000, s2  }
0x8: {  	p0 =	seq.s32 s2, $0x0;
	s2 =	ssub.s32 $0x2, s2;
	s14 =	smul.u32 $0x69000, s14  }
0x9: {  	s8 =	sadd.s32 $0x690, s3;
	s3 =	simm.s32 $0x0;
	s11 =	sshrl.u32 s5, $0x3  }
0xa: {  	s26 =	sshrl.u32 s2, $0x1;
	s12 =	sshrl.u32 s25, $0x2;
	s8 =	smov.u32 @p0 s4  }
0xb: {  	[smem:$0x7FF] =	sst s3;
	s4 =	sadd.s32 $0x18800, s0;
	s5 =	sadd.s32 s5, s6  }
0xc: {  	s11 =	sadd.s32 s11, s0;
	s2 =	ssub.s32 s2, s26;
	s17 =	sadd.s32 s12, s1  }
0xd: {  	s12 =	sshll.u32 s16, $0x6;
	s16 =	sshll.u32 s16, $0x7;
	s18 =	sshrl.u32 s14, $0x2  }
0xe: {  	s9 =	sshll.u32 s8, $0x4;
	_ =	strace $0x80000053;
	s5 =	sshrl.u32 s5, $0x3  }
0xf: {  	s15 =	sadd.s32 $0xB4C00, s11;
	s6 =	sor.u32 $0x1C05, s12;
	s19 =	sshll.u32 s8, $0x7  }
0x10: {  	s20 =	sand.u32 $0x380, s16;
	s7 =	sadd.s32 s18, s7;
	s18 =	sshrl.u32 s17, $0x3  }
0x11: {  	s10 =	sadd.s32 s9, s0;
	s0 =	sadd.s32 s5, s0;
	[dreg:$0x4] =	wrdreg s15  }
0x12: {  	s15 =	simm.s32 $0x69;
	s7 =	sadd.s32 s20, s7;
	s9 =	sadd.s32 s13, s9  }
0x13: {  	s23 =	sshrl.u32 s19, $0x3;
	s20 =	simm.s32 $0x1;
	s15 =	simm.s32 @!p0 $0x35  }
0x14: {  	s21 =	sadd.s32 $0x4C00, s10;
	s10 =	sadd.s32 $0x400, s7;
	s11 =	sadd.s32 s13, s23  }
0x15: {  	s23 =	simm.s32 $0x200;
	[dreg:$0x5] =	wrdreg s21;
	s22 =	sshll.u32 s15, $0x7  }
0x16: {  	s11 =	sadd.s32 $0x10, s11;
	s25 =	sshll.u32 s15, $0xC;
	s15 =	smax.u32 s2, $0x1  }
0x17: {  	s2 =	sadd.s32 $0x30, s9;
	s21 =	simm.s32 $0x80;
	s24 =	sadd.s32 $0xFFFFFF80, s22  }
0x18: {  	s26 =	sand.u32 $0x7C000, s25;
	s25 =	simm.s32 $0x4200;
	s14 =	sadd.s32 s24, s19  }
0x19: {  	s12 =	sshll.u32 s24, $0x3;
	s16 =	sadd.s32 $0xFFFFE000, s26;
	s19 =	simm.s32 $0x5  }
0x1a: {  	s24 =	simm.s32 $0x100;
	s26 =	simm.s32 $0x180;
	s14 =	sshrl.u32 s14, $0x3  }
0x1b: {  	s12 =	sadd.s32 s12, s7;
	s13 =	sadd.s32 s13, s14;
	s14 =	sadd.s32 $0xDC400, s0  }
.LBB2_1:
0x1c: {  	s0 =	rddreg [dreg:$0x4]  }
0x1d: {  	[spmem:s18], [sflag:s6] =	dma.local [hbm:s0], $0x2780  }
0x1e: {  	_ =	swait.ge [sflag:s19], $0x2780  }
0x1f: {  	s22 =	sshrl.u32 s7, $0x3;
	[sflag:s19] =	ssyncset.done $0x0  }
0x20: {  	s8 =	simm.s32 $0x10;
	s5 =	rddreg [dreg:$0x5];
	[sflag:s19] =	ssyncadd.s32 $0xFFFFD880  }
0x21: {  	[spmem:s22@s21], [sflag:s6] =	dma.strided [hbm:s5@s8], $0x690, s20, $0x10   }
0x22: {  	_ =	swait.ge [sflag:s19], $0x690  }
0x23: {  	[sflag:s19] =	ssyncset.done $0x0  }
0x24: {  	[sflag:s19] =	ssyncadd.s32 $0xFFFFF970  }
0x25: {  	[bflag:$0x0] =	sbarrier.arrive $0xFFFF  }
0x26: {  	[tilespmem:s3], [sflag:$0x5] =	stream.linear.gather [spmem:s7], $0x80, $0x38;
	[tilespmem:$0x1F280] =	vst v63  }
0x27: {  	_ =	swait.ge [sflag:s19], $0x80  }
0x28: {  	[sflag:s19] =	ssyncset.done $0x0  }
0x29: {  	[sflag:s19] =	ssyncadd.s32 $0xFFFFFF80  }
0x2a: {  	[tilespmem:s23], [sflag:$0x1] =	stream.indirect.gather [hbm4b:s4+s21], $0x80, s3, s21, $0xb8;
	[tilespmem:$0x1F280] =	vst v63  }
0x2b: {  	_ = 	snop  }
0x2c: {  	[tilespmem:s21], [sflag:$0x5] =	stream.linear.gather [hbm4b:s9+s3], $0x80, $0x38;
	[tilespmem:$0x1F280] =	vst v63  }
0x2d: {  	_ =	swait.ge [sflag:s19], $0x80  }
0x2e: {  	[sflag:s19] =	ssyncset.done $0x0  }
0x2f: {  	[sflag:s19] =	ssyncadd.s32 $0xFFFFFF80  }
0x30: {  	_ =	swait.ge [sflag:s20], $0x4000  }
0x31: {  	[sflag:s20] =	ssyncset.done $0x0  }
0x32: {  	[sflag:s20] =	ssyncadd.s32 $0xFFFFC000  }
0x33: {  	[spmem:s1] =	stream.indirect.scatter.add.f32 [tilespmem:s23], [sflag:$0x3], $0x80, s21, s21, $0xb8;
	[tilespmem:$0x1F280] =	vst v63  }
0x34: {  	_ = 	snop  }
0x35: {  	[tilespmem:s24], [sflag:$0x5] =	stream.linear.gather [spmem:s10], $0x80, $0x38;
	[tilespmem:$0x1F280] =	vst v63  }
0x36: {  	_ =	swait.ge [sflag:s19], $0x80  }
0x37: {  	[sflag:s19] =	ssyncset.done $0x0  }
0x38: {  	[sflag:s19] =	ssyncadd.s32 $0xFFFFFF80  }
0x39: {  	[tilespmem:s25], [sflag:$0x2] =	stream.indirect.gather [hbm4b:s4+s21], $0x80, s24, s21, $0xb8;
	[tilespmem:$0x1F280] =	vst v63  }
0x3a: {  	_ = 	snop  }
0x3b: {  	[tilespmem:s26], [sflag:$0x5] =	stream.linear.gather [hbm4b:s11+s3], $0x80, $0x38;
	[tilespmem:$0x1F280] =	vst v63  }
0x3c: {  	_ =	swait.ge [sflag:s19], $0x80  }
0x3d: {  	p1 =	sne.s32 s16, $0x2000;
	[sflag:s19] =	ssyncset.done $0x0  }
.Ltmp0:
0x3e: {  	[sflag:s19] =	ssyncadd.s32 $0xFFFFFF80;
	(pc) =	sbr.rel @!p1 .LBB2_4-.Ltmp0, $4  }
0x3f: {  	_ =	swait.ge [sflag:s28], $0x4000  }
0x40: {  	p0 =	por $0x0, $0x0;
	[sflag:s28] =	ssyncset.done $0x0  }
0x41: {  	s17 =	smov.u32 s2;
	s22 =	simm.s32 $0x0;
	[sflag:s28] =	ssyncadd.s32 $0xFFFFC000  }
0x42: {  	[spmem:s1] =	stream.indirect.scatter.add.f32 [tilespmem:s25], [sflag:$0x4], $0x80, s26, s21, $0xb8;
	[tilespmem:$0x1F280] =	vst v63  }
0x43: {  	s0 =	sadd.s32 $0x0, s7  }
0x44: {  	s17 =	sadd.s32 $0x800, s0  }
0x45: {  	[tilespmem:s3], [sflag:$0x5] =	stream.linear.gather [spmem:s17], $0x80, $0x38;
	[tilespmem:$0x1F280] =	vst v63  }
0x46: {  	_ =	swait.ge [sflag:s19], $0x80  }
0x47: {  	[sflag:s19] =	ssyncset.done $0x0  }
0x48: {  	[sflag:s19] =	ssyncadd.s32 $0xFFFFFF80  }
0x49: {  	_ =	swait.ge [sflag:s29], $0x4000  }
0x4a: {  	[sflag:s29] =	ssyncset.done $0x0  }
0x4b: {  	[sflag:s29] =	ssyncadd.s32 $0xFFFFC000  }
0x4c: {  	[tilespmem:s23], [sflag:$0x1] =	stream.indirect.gather [hbm4b:s4+s21], $0x80, s3, s21, $0xb8;
	[tilespmem:$0x1F280] =	vst v63  }
0x4d: {  	s22 =	sadd.s32 $0xFFFFFFF0, s2  }
0x4e: {  	[tilespmem:s21], [sflag:$0x5] =	stream.linear.gather [hbm4b:s22+s3], $0x80, $0x38;
	[tilespmem:$0x1F280] =	vst v63  }
0x4f: {  	_ =	swait.ge [sflag:s19], $0x80  }
0x50: {  	[sflag:s19] =	ssyncset.done $0x0  }
0x51: {  	[sflag:s19] =	ssyncadd.s32 $0xFFFFFF80  }
0x52: {  	_ =	swait.ge [sflag:s20], $0x4000  }
0x53: {  	[sflag:s20] =	ssyncset.done $0x0  }
0x54: {  	[sflag:s20] =	ssyncadd.s32 $0xFFFFC000  }
0x55: {  	[spmem:s1] =	stream.indirect.scatter.add.f32 [tilespmem:s23], [sflag:$0x3], $0x80, s21, s21, $0xb8;
	[tilespmem:$0x1F280] =	vst v63  }
0x56: {  	s0 =	sadd.s32 $0xC00, s0  }
0x57: {  	[tilespmem:s24], [sflag:$0x5] =	stream.linear.gather [spmem:s0], $0x80, $0x38;
	[tilespmem:$0x1F280] =	vst v63  }
0x58: {  	_ =	swait.ge [sflag:s19], $0x80  }
0x59: {  	[sflag:s19] =	ssyncset.done $0x0  }
0x5a: {  	[sflag:s19] =	ssyncadd.s32 $0xFFFFFF80  }
0x5b: {  	_ =	swait.ge [sflag:s30], $0x4000  }
0x5c: {  	[sflag:s30] =	ssyncset.done $0x0  }
0x5d: {  	[sflag:s30] =	ssyncadd.s32 $0xFFFFC000  }
0x5e: {  	[tilespmem:s25], [sflag:$0x2] =	stream.indirect.gather [hbm4b:s4+s21], $0x80, s24, s21, $0xb8;
	[tilespmem:$0x1F280] =	vst v63  }
0x5f: {  	p1 =	sne.s32 s16, $0x4000  }
0x60: {  	[tilespmem:s26], [sflag:$0x5] =	stream.linear.gather [hbm4b:s2+s3], $0x80, $0x38;
	[tilespmem:$0x1F280] =	vst v63  }
.Ltmp1:
0x61: {  	_ =	swait.ge [sflag:s19], $0x80;
	(pc) =	sbr.rel @!p1 .LBB2_4-.Ltmp1, $4  }
0x62: {  	[sflag:s19] =	ssyncset.done $0x0  }
0x63: {  	[sflag:s19] =	ssyncadd.s32 $0xFFFFFF80  }
0x64: {  	p0 =	por $0x1, $0x1;
	s17 =	sadd.s32 $0x20, s2;
	_ =	swait.ge [sflag:s28], $0x4000  }
0x65: {  	s22 =	simm.s32 $0x800;
	s0 =	simm.s32 $0x4000;
	[sflag:s28] =	ssyncset.done $0x0  }
.LBB2_3:
0x66: {  	s5 =	sadd.s32 s22, s7  }
0x67: {  	[sflag:s28] =	ssyncadd.s32 $0xFFFFC000;
	s22 =	smov.u32 s0;
	s0 =	sadd.s32 $0x2000, s0  }
0x68: {  	[spmem:s1] =	stream.indirect.scatter.add.f32 [tilespmem:s25], [sflag:$0x4], $0x80, s26, s21, $0xb8;
	[tilespmem:$0x1F280] =	vst v63  }
0x69: {  	p1 =	sne.s32 s16, s0;
	s8 =	sadd.s32 $0x800, s5  }
0x6a: {  	[tilespmem:s3], [sflag:$0x5] =	stream.linear.gather [spmem:s8], $0x80, $0x38;
	[tilespmem:$0x1F280] =	vst v63  }
0x6b: {  	_ =	swait.ge [sflag:s19], $0x80  }
0x6c: {  	[sflag:s19] =	ssyncset.done $0x0  }
0x6d: {  	[sflag:s19] =	ssyncadd.s32 $0xFFFFFF80  }
0x6e: {  	_ =	swait.ge [sflag:s29], $0x4000  }
0x6f: {  	[sflag:s29] =	ssyncset.done $0x0  }
0x70: {  	[sflag:s29] =	ssyncadd.s32 $0xFFFFC000  }
0x71: {  	[tilespmem:s23], [sflag:$0x1] =	stream.indirect.gather [hbm4b:s4+s21], $0x80, s3, s21, $0xb8;
	[tilespmem:$0x1F280] =	vst v63  }
0x72: {  	s8 =	sadd.s32 $0xFFFFFFF0, s17  }
0x73: {  	[tilespmem:s21], [sflag:$0x5] =	stream.linear.gather [hbm4b:s8+s3], $0x80, $0x38;
	[tilespmem:$0x1F280] =	vst v63  }
0x74: {  	_ =	swait.ge [sflag:s19], $0x80  }
0x75: {  	[sflag:s19] =	ssyncset.done $0x0  }
0x76: {  	[sflag:s19] =	ssyncadd.s32 $0xFFFFFF80  }
0x77: {  	_ =	swait.ge [sflag:s20], $0x4000  }
0x78: {  	[sflag:s20] =	ssyncset.done $0x0  }
0x79: {  	[sflag:s20] =	ssyncadd.s32 $0xFFFFC000  }
0x7a: {  	[spmem:s1] =	stream.indirect.scatter.add.f32 [tilespmem:s23], [sflag:$0x3], $0x80, s21, s21, $0xb8;
	[tilespmem:$0x1F280] =	vst v63  }
0x7b: {  	s5 =	sadd.s32 $0xC00, s5  }
0x7c: {  	[tilespmem:s24], [sflag:$0x5] =	stream.linear.gather [spmem:s5], $0x80, $0x38;
	[tilespmem:$0x1F280] =	vst v63  }
0x7d: {  	_ =	swait.ge [sflag:s19], $0x80  }
0x7e: {  	[sflag:s19] =	ssyncset.done $0x0  }
0x7f: {  	[sflag:s19] =	ssyncadd.s32 $0xFFFFFF80  }
0x80: {  	_ =	swait.ge [sflag:s30], $0x4000  }
0x81: {  	[sflag:s30] =	ssyncset.done $0x0  }
0x82: {  	[sflag:s30] =	ssyncadd.s32 $0xFFFFC000  }
0x83: {  	[tilespmem:s25], [sflag:$0x2] =	stream.indirect.gather [hbm4b:s4+s21], $0x80, s24, s21, $0xb8;
	[tilespmem:$0x1F280] =	vst v63  }
0x84: {  	_ = 	snop  }
0x85: {  	[tilespmem:s26], [sflag:$0x5] =	stream.linear.gather [hbm4b:s17+s3], $0x80, $0x38;
	[tilespmem:$0x1F280] =	vst v63  }
.Ltmp2:
0x86: {  	_ =	swait.ge [sflag:s19], $0x80;
	(pc) =	sbr.rel @p1 .LBB2_3-.Ltmp2, $4  }
0x87: {  	[sflag:s19] =	ssyncset.done $0x0  }
0x88: {  	[sflag:s19] =	ssyncadd.s32 $0xFFFFFF80  }
0x89: {  	_ =	swait.ge [sflag:s28], $0x4000  }
0x8a: {  	s22 =	sshra.s32 s22, $0x2;
	s17 =	sadd.s32 $0x20, s17;
	[sflag:s28] =	ssyncset.done $0x0  }
.LBB2_4:
0x8b: {  	s0 =	sadd.s32 s22, s7;
	[sflag:s28] =	ssyncadd.s32 @p0 $0xFFFFC000  }
0x8c: {  	[spmem:s1] =	stream.indirect.scatter.add.f32 @p0 [tilespmem:s25], [sflag:$0x4], $0x80, s26, s21, $0xb8;
	[tilespmem:$0x1F280] =	vst v63  }
0x8d: {  	s5 =	sadd.s32 $0x800, s0  }
0x8e: {  	[tilespmem:s3], [sflag:$0x5] =	stream.linear.gather [spmem:s5], $0x80, $0x38;
	[tilespmem:$0x1F280] =	vst v63  }
0x8f: {  	_ =	swait.ge [sflag:s19], $0x80  }
0x90: {  	[sflag:s19] =	ssyncset.done $0x0  }
0x91: {  	[sflag:s19] =	ssyncadd.s32 $0xFFFFFF80  }
0x92: {  	_ =	swait.ge [sflag:s29], $0x4000  }
0x93: {  	[sflag:s29] =	ssyncset.done $0x0  }
0x94: {  	[sflag:s29] =	ssyncadd.s32 $0xFFFFC000  }
0x95: {  	[tilespmem:s23], [sflag:$0x1] =	stream.indirect.gather [hbm4b:s4+s21], $0x80, s3, s21, $0xb8;
	[tilespmem:$0x1F280] =	vst v63  }
0x96: {  	s22 =	sadd.s32 $0xFFFFFFF0, s17  }
0x97: {  	[tilespmem:s21], [sflag:$0x5] =	stream.linear.gather [hbm4b:s22+s3], $0x80, $0x38;
	[tilespmem:$0x1F280] =	vst v63  }
0x98: {  	_ =	swait.ge [sflag:s19], $0x80  }
0x99: {  	[sflag:s19] =	ssyncset.done $0x0  }
0x9a: {  	[sflag:s19] =	ssyncadd.s32 $0xFFFFFF80  }
0x9b: {  	_ =	swait.ge [sflag:s20], $0x4000  }
0x9c: {  	[sflag:s20] =	ssyncset.done $0x0  }
0x9d: {  	[sflag:s20] =	ssyncadd.s32 $0xFFFFC000  }
0x9e: {  	[spmem:s1] =	stream.indirect.scatter.add.f32 [tilespmem:s23], [sflag:$0x3], $0x80, s21, s21, $0xb8;
	[tilespmem:$0x1F280] =	vst v63  }
0x9f: {  	s0 =	sadd.s32 $0xC00, s0  }
0xa0: {  	[tilespmem:s24], [sflag:$0x5] =	stream.linear.gather [spmem:s0], $0x80, $0x38;
	[tilespmem:$0x1F280] =	vst v63  }
0xa1: {  	_ =	swait.ge [sflag:s19], $0x80  }
0xa2: {  	[sflag:s19] =	ssyncset.done $0x0  }
0xa3: {  	[sflag:s19] =	ssyncadd.s32 $0xFFFFFF80  }
0xa4: {  	_ =	swait.ge [sflag:s30], $0x4000  }
0xa5: {  	[sflag:s30] =	ssyncset.done $0x0  }
0xa6: {  	[sflag:s30] =	ssyncadd.s32 $0xFFFFC000  }
0xa7: {  	[tilespmem:s25], [sflag:$0x2] =	stream.indirect.gather [hbm4b:s4+s21], $0x80, s24, s21, $0xb8;
	[tilespmem:$0x1F280] =	vst v63  }
0xa8: {  	_ = 	snop  }
0xa9: {  	[tilespmem:s26], [sflag:$0x5] =	stream.linear.gather [hbm4b:s17+s3], $0x80, $0x38;
	[tilespmem:$0x1F280] =	vst v63  }
0xaa: {  	_ =	swait.ge [sflag:s19], $0x80  }
0xab: {  	[sflag:s19] =	ssyncset.done $0x0  }
0xac: {  	[sflag:s19] =	ssyncadd.s32 $0xFFFFFF80  }
0xad: {  	_ =	swait.ge [sflag:s28], $0x4000  }
0xae: {  	[sflag:s28] =	ssyncset.done $0x0  }
0xaf: {  	[sflag:s28] =	ssyncadd.s32 $0xFFFFC000  }
0xb0: {  	[spmem:s1] =	stream.indirect.scatter.add.f32 [tilespmem:s25], [sflag:$0x4], $0x80, s26, s21, $0xb8;
	[tilespmem:$0x1F280] =	vst v63  }
0xb1: {  	_ = 	snop  }
0xb2: {  	[tilespmem:s3], [sflag:$0x5] =	stream.linear.gather [spmem:s12], $0x80, $0x38;
	[tilespmem:$0x1F280] =	vst v63  }
0xb3: {  	_ =	swait.ge [sflag:s19], $0x80  }
0xb4: {  	[sflag:s19] =	ssyncset.done $0x0  }
0xb5: {  	[sflag:s19] =	ssyncadd.s32 $0xFFFFFF80  }
0xb6: {  	_ =	swait.ge [sflag:s29], $0x4000  }
0xb7: {  	[sflag:s29] =	ssyncset.done $0x0  }
0xb8: {  	[sflag:s29] =	ssyncadd.s32 $0xFFFFC000  }
0xb9: {  	[tilespmem:s23], [sflag:$0x1] =	stream.indirect.gather [hbm4b:s4+s21], $0x80, s3, s21, $0xb8;
	[tilespmem:$0x1F280] =	vst v63  }
0xba: {  	_ = 	snop  }
0xbb: {  	[tilespmem:s21], [sflag:$0x5] =	stream.linear.gather [hbm4b:s13+s3], $0x80, $0x38;
	[tilespmem:$0x1F280] =	vst v63  }
0xbc: {  	_ =	swait.ge [sflag:s19], $0x80  }
0xbd: {  	[sflag:s19] =	ssyncset.done $0x0  }
0xbe: {  	[sflag:s19] =	ssyncadd.s32 $0xFFFFFF80  }
0xbf: {  	_ =	swait.ge [sflag:s20], $0x4000  }
0xc0: {  	[sflag:s20] =	ssyncset.done $0x0  }
0xc1: {  	[sflag:s20] =	ssyncadd.s32 $0xFFFFC000  }
0xc2: {  	[spmem:s1] =	stream.indirect.scatter.add.f32 [tilespmem:s23], [sflag:$0x3], $0x80, s21, s21, $0xb8;
	[tilespmem:$0x1F280] =	vst v63  }
0xc3: {  	_ =	swait.ge [sflag:s29], $0x4000  }
0xc4: {  	[sflag:s29] =	ssyncset.done $0x0  }
0xc5: {  	[sflag:s29] =	ssyncadd.s32 $0xFFFFC000  }
0xc6: {  	_ =	swait.ge [sflag:s30], $0x4000  }
0xc7: {  	s31 =	sadd.s32 $0x1, s31;
	[sflag:s30] =	ssyncset.done $0x0  }
0xc8: {  	p0 =	sne.s32 s31, s15;
	[sflag:s30] =	ssyncadd.s32 $0xFFFFC000  }
.Ltmp3:
0xc9: {  	[bflag:$0x0] =	sbarrier.arrive $0xFFFF;
	(pc) =	sbr.rel @p0 .LBB2_1-.Ltmp3, $4  }
0xca: {  	[hbm:s14], [sflag:s6] =	dma.local [spmem:s18], $0x2780  }
0xcb: {  	_ =	swait.ge [sflag:s19], $0x2780  }
0xcc: {  	[sflag:s19] =	ssyncset.done $0x0  }
0xcd: {  	[sflag:s19] =	ssyncadd.s32 $0xFFFFD880  }
0xce: {  	_ =	sfence.sel $0x180000  }
0xcf: {  	[bflag:$0x0] =	sbarrier.arrive $0xFFFF  }
0xd0: {  	_ =	strace $0x90000053  }
0xd1: {  	s0 =	stileid.u32;
	[bflag:$0x2] =	sbarrier.arrive $0xFFFF  }
0xd2: {  	p0 =	sne.s32 s0, $0x0;
	s0 =	rddreg [dreg:$0x3]  }
0xd3: {  	s0 =	sadd.s32 @!p0 $0x100000, s0  }
0xd4: {  	[sflag:s0] =	ssyncadd.tile.s32 @!p0 $0x1;
	_ =	shalt  }
.Lfunc_end2:
_tile_overlayer_lowered:
.L_overlay_start_2:
0xd5: {  	(tag) =	ssettag $0x2  }
0xd6: {  	s0 =	rddreg [dreg:$0x0];
	s2 =	stileid.u32  }
0xd7: {  	s1 =	rddreg [dreg:$0x1];
	p0 =	sne.s32 s2, $0x0  }
0xd8: {  	s3 =	rddreg [dreg:$0x2];
	[bflag:$0x3] =	sbarrier.arrive $0xFFFF;
	s2 =	simm.s32 @!p0 $0x1C05  }
0xd9: {  	[timem:s3], [sflag:s2] =	dma.local @!p0 [hbm:s0], s1  }
0xda: {  	s0 =	simm.s32 @!p0 $0x5  }
0xdb: {  	_ =	swait.ge @!p0 [sflag:s0], s1  }
0xdc: {  	s1 =	ssub.s32 @!p0 $0x0, s1;
	[sflag:s0] =	ssyncset.done @!p0 $0x0  }
0xdd: {  	[sflag:s0] =	ssyncadd.s32 @!p0 s1  }
0xde: {  	[bflag:$0x3] =	sbarrier.arrive $0xFFFF  }
0xdf: {  	_ =	shalt  }

// kernel: kernel.31.cloned.1.call-start
scs
__scs_entry_jumppad:
0x0: {  	(pc) =	sbr.rel $0x88, $3  }
0x1: {  	(tag) =	ssettag $0x0;
	lr =	simm.s32 $0x1  }
0x2: {  	[smem:$0x3F90] =	sst lr;
	_ =	strace $0xD0000000  }
0x3: {  	_ = 	snop  }
0x4: {  	_ = 	snop  }
0x5: {  	_ = 	snop  }
0x6: {  	_ = 	snop  }
0x7: {  	_ = 	snop  }
__scs_overlays_trampoline_lowered:
0x8: {  	[smem:$0x3F9F] =	sst s0  }
0x9: {  	[smem:$0x3FA0] =	sst s1  }
0xa: {  	[smem:$0x3FA1] =	sst s2  }
0xb: {  	[smem:$0x3FA2] =	sst s3  }
0xc: {  	[smem:$0x3FA3] =	sst s4  }
0xd: {  	[smem:$0x3FA4] =	sst s5  }
0xe: {  	[smem:$0x3FA5] =	sst s6  }
0xf: {  	[smem:$0x3FA6] =	sst s7  }
0x10: {  	[smem:$0x3FA7] =	sst s8  }
0x11: {  	[smem:$0x3FA8] =	sst s9;
	s0 =	simm.s32 @!p0 $0x0  }
0x12: {  	s1 =	sld [smem:$0x3F8E];
	s0 =	simm.s32 @p0 $0x1  }
0x13: {  	[smem:$0x3FA9] =	sst s0;
	s0 =	simm.s32 @!p1 $0x0  }
0x14: {  	s2 =	sld [smem:$0x3F8D];
	s0 =	simm.s32 @p1 $0x1  }
0x15: {  	[smem:$0x3FAA] =	sst s0;
	s0 =	simm.s32 @!p2 $0x0  }
0x16: {  	s3 =	sld [smem:$0x3FDB];
	s0 =	simm.s32 @p2 $0x1  }
0x17: {  	s4 =	simm.s32 $0x1BF5;
	[smem:$0x3FAC] =	sst s0  }
0x18: {  	s0 =	sld [smem:$0x3F8F];
	_ =	swait.ge [sflag:s4], $0x0  }
0x19: {  	s7 =	sld [smem:$0x3F90]  }
0x1a: {  	s8 =	sadd.s32 $0xFFFFE003, lr  }
0x1b: {  	s9 =	sadd.s32 $0xFFFFFEF7, lr;
	s5 =	simm.s32 $0xFFFFFFFF;
	p2 =	slt.u32 s8, $0xFFFFF086  }
0x1c: {  	p1 =	slt.u32 s9, $0xF7A;
	s5 =	simm.s32 @!p2 $0x0  }
0x1d: {  	s5 =	simm.s32 @p1 $0x1;
	p0 =	seq.s32 s7, s2  }
0x1e: {  	s7 =	smul.u32 @!p0 $0xF7A, s2;
	p2 =	seq.s32 @!p0 s5, $0x0  }
0x1f: {  	s9 =	smul.u32 $0xF7A, s1;
	s8 =	simm.s32 @!p0 $0x1BF5;
	p2 =	por !p2, p0  }
0x20: {  	[sflag:s8] =	ssyncset.s32 @!p0 $0xFFFFF086;
	s6 =	sadd.s32 @!p0 s3, s7;
	s7 =	simm.s32 @!p0 $0x108  }
0x21: {  	s3 =	sadd.s32 s3, s9;
	s6 =	sadd.s32 @!p0 $0x88, s6;
	s7 =	simm.s32 @p2 $0x1082  }
0x22: {  	[simem:s7], [sflag:s8] =	dma.local @!p0 [hbm:s6], $0xF7A  }
0x23: {  	s9 =	sor.u32 $0xD0000000, s2;
	s6 =	simm.s32 $0x108;
	_ =	swait.ge @!p0 [sflag:s8], $0x0  }
0x24: {  	s3 =	sadd.s32 $0x88, s3;
	s6 =	simm.s32 @!p1 $0x1082;
	[sflag:s4] =	ssyncset.s32 $0xFFFFF086  }
0x25: {  	[simem:s6], [sflag:s4] =	dma.local [hbm:s3], $0xF7A  }
0x26: {  	[smem:$0x3F90] =	sst s1;
	(tag) =	ssettag s2;
	_ =	strace s9  }
0x27: {  	s1 =	sld [smem:$0x3FA0]  }
0x28: {  	s2 =	sld [smem:$0x3FA1]  }
0x29: {  	s4 =	sld [smem:$0x3FA3]  }
0x2a: {  	p0 =	seq.s32 s5, $0x0;
	s5 =	sld [smem:$0x3FA4]  }
0x2b: {  	s6 =	sld [smem:$0x3FA5]  }
0x2c: {  	s7 =	sld [smem:$0x3FA6]  }
0x2d: {  	s3 =	simm.s32 $0x108;
	s8 =	sld [smem:$0x3FA7]  }
0x2e: {  	s3 =	simm.s32 @!p0 $0x1082;
	s9 =	sld [smem:$0x3FA8]  }
0x2f: {  	lr =	sadd.s32 s0, s3;
	s0 =	sld [smem:$0x3F9F]  }
0x30: {  	s3 =	sld [smem:$0x3FA2]  }
0x31: {  	[smem:$0x3FAB] =	sst s10  }
0x32: {  	s10 =	sld [smem:$0x3FA9];
	_ =	sdelay $0x3  }
0x33: {  	p0 =	seq.s32 s10, $0x1;
	s10 =	sld [smem:$0x3FAB];
	_ =	sdelay $0x3  }
0x34: {  	[smem:$0x3FAB] =	sst s10  }
0x35: {  	s10 =	sld [smem:$0x3FAA];
	_ =	sdelay $0x3  }
0x36: {  	p1 =	seq.s32 s10, $0x1;
	s10 =	sld [smem:$0x3FAB];
	_ =	sdelay $0x3  }
0x37: {  	[smem:$0x3FAB] =	sst s10  }
0x38: {  	s10 =	sld [smem:$0x3FAC]  }
0x39: {  	_ = 	snop;
	(pc) =	sbr.ind lr, $3  }
0x3a: {  	_ = 	snop  }
0x3b: {  	_ = 	snop  }
0x3c: {  	p2 =	seq.s32 s10, $0x1;
	s10 =	sld [smem:$0x3FAB]  }
0x3d: {  	_ =	shalt  }
0x3e: {  	_ =	shalt  }
0x3f: {  	_ =	shalt  }
0x40: {  	_ =	shalt  }
0x41: {  	_ =	shalt  }
0x42: {  	_ =	shalt  }
0x43: {  	_ =	shalt  }
0x44: {  	_ =	shalt  }
0x45: {  	_ =	shalt  }
0x46: {  	_ =	shalt  }
0x47: {  	_ =	shalt  }
0x48: {  	_ =	shalt  }
0x49: {  	_ =	shalt  }
0x4a: {  	_ =	shalt  }
0x4b: {  	_ =	shalt  }
0x4c: {  	_ =	shalt  }
0x4d: {  	_ =	shalt  }
0x4e: {  	_ =	shalt  }
0x4f: {  	_ =	shalt  }
0x50: {  	_ =	shalt  }
0x51: {  	_ =	shalt  }
0x52: {  	_ =	shalt  }
0x53: {  	_ =	shalt  }
0x54: {  	_ =	shalt  }
0x55: {  	_ =	shalt  }
0x56: {  	_ =	shalt  }
0x57: {  	_ =	shalt  }
0x58: {  	_ =	shalt  }
0x59: {  	_ =	shalt  }
0x5a: {  	_ =	shalt  }
0x5b: {  	_ =	shalt  }
0x5c: {  	_ =	shalt  }
0x5d: {  	_ =	shalt  }
0x5e: {  	_ =	shalt  }
0x5f: {  	_ =	shalt  }
0x60: {  	_ =	shalt  }
0x61: {  	_ =	shalt  }
0x62: {  	_ =	shalt  }
0x63: {  	_ =	shalt  }
0x64: {  	_ =	shalt  }
0x65: {  	_ =	shalt  }
0x66: {  	_ =	shalt  }
0x67: {  	_ =	shalt  }
0x68: {  	_ =	shalt  }
0x69: {  	_ =	shalt  }
0x6a: {  	_ =	shalt  }
0x6b: {  	_ =	shalt  }
0x6c: {  	_ =	shalt  }
0x6d: {  	_ =	shalt  }
0x6e: {  	_ =	shalt  }
0x6f: {  	_ =	shalt  }
0x70: {  	_ =	shalt  }
0x71: {  	_ =	shalt  }
0x72: {  	_ =	shalt  }
0x73: {  	_ =	shalt  }
0x74: {  	_ =	shalt  }
0x75: {  	_ =	shalt  }
0x76: {  	_ =	shalt  }
0x77: {  	_ =	shalt  }
0x78: {  	_ =	shalt  }
0x79: {  	_ =	shalt  }
0x7a: {  	_ =	shalt  }
0x7b: {  	_ =	shalt  }
0x7c: {  	_ =	shalt  }
0x7d: {  	_ =	shalt  }
0x7e: {  	_ =	shalt  }
0x7f: {  	_ =	shalt  }
0x80: {  	_ =	shalt  }
0x81: {  	_ =	shalt  }
0x82: {  	_ =	shalt  }
0x83: {  	_ =	shalt  }
0x84: {  	_ =	shalt  }
0x85: {  	_ =	shalt  }
0x86: {  	_ =	shalt  }
0x87: {  	_ =	shalt  }
.Lfunc_end0:
.L_simem_size_0:
called_computation.5_lowered:
.L_overlay_start_0:
0x88: {  	s2 =	sld [smem:$0x3FD9]  }
0x89: {  	s3 =	sld [smem:$0x3FFE];
	_ =	sdelay $0x1  }
0x8a: {  	s1 =	srdreg.scid  }
0x8b: {  	s0 =	sand.u32 $0x1, s1  }
0x8c: {  	s16 =	sshll.u32 s0, $0xA;
	s2 =	sadd.s32 s3, s2  }
0x8d: {  	s2 =	sadd.s32 s2, s16  }
0x8e: {  	[smem:$0x3FB7] =	sst s2  }
0x8f: {  	_ = 	snop  }
0x90: {  	(tm) =	ssettm $0x1  }
0x91: {  	s17 =	sld [smem:$0x3FFB];
	_ =	sdelay $0x3  }
0x92: {  	_ =	strace s17  }
0x93: {  	s2 =	sld [smem:$0x3FFC];
	_ =	sdelay $0x3  }
0x94: {  	_ =	strace s2  }
0x95: {  	s2 =	sld [smem:$0x3FFD];
	_ =	sdelay $0x3  }
0x96: {  	_ =	strace s2  }
0x97: {  	_ =	strace $0x8FFFFFFF  }
0x98: {  	s18 =	sld [smem:$0x3FDB];
	_ =	sdelay $0x1  }
0x99: {  	s19 =	simm.s32 $_scs_section_size  }
0x9a: {  	s4 =	simm.s32 $_size__tile_overlayer_lowered;
	s5 =	simm.s32 $_tile_overlayer_lowered  }
0x9b: {  	s22 =	simm.s32 $0x1BFF;
	s21 =	sshll.u32 s5, $0x1;
	s2 =	sadd.s32 s19, s18  }
0x9c: {  	s6 =	simm.s32 $0x0;
	s20 =	sshll.u32 s4, $0x1;
	s4 =	sadd.s32 s21, s2  }
0x9d: {  	[timem:s6], [sflag:s22] =	dma.local [hbm:s4], s20  }
0x9e: {  	_ =	swait.ge [sflag:s22], s20  }
0x9f: {  	s3 =	ssub.s32 $0x0, s20;
	[sflag:s22] =	ssyncset.done $0x0  }
0xa0: {  	[sflag:s22] =	ssyncadd.s32 s3;
	_ =	sdelay $0x1  }
0xa1: {  	s23 =	simm.s32 $0x1B8B  }
0xa2: {  	_ =	swait.ge [sflag:s23], $0x1  }
0xa3: {  	[sflag:s23] =	ssyncset.done $0x0  }
0xa4: {  	s25 =	simm.s32 $0x1B8E;
	s24 =	sld [smem:$0x3FFE];
	[sflag:s23] =	ssyncadd.s32 $0xFFFFFFFF  }
0xa5: {  	s26 =	simm.s32 $execute0_lowered;
	[smem:$0x3FD2] =	sst s25  }
0xa6: {  	s4 =	sshll.u32 s26, $0x1;
	_ =	strace $0x80000055;
	[dreg:$0x1] =	wrdreg $0xFFFFFFFF  }
0xa7: {  	s28 =	simm.s32 $_size_execute0_lowered;
	s2 =	sadd.s32 s2, s4;
	[dreg:$0x0] =	wrdreg $0x0  }
0xa8: {  	s4 =	sshll.u32 s28, $0x1;
	[dreg:$0x2] =	wrdreg s2  }
0xa9: {  	[dreg:$0x3] =	wrdreg s4  }
0xaa: {  	[dreg:$0x4] =	wrdreg $0xC0  }
0xab: {  	_ =	task [dreg:s6], $0x5FFFF  }
0xac: {  	[dreg:$0x1] =	wrdreg $0xFFFFFFFF  }
0xad: {  	[dreg:$0x0] =	wrdreg $0x60  }
0xae: {  	[dreg:$0x2] =	wrdreg s24  }
0xaf: {  	[dreg:$0x3] =	wrdreg $0x82000  }
0xb0: {  	[dreg:$0x4] =	wrdreg $0x1BE000  }
0xb1: {  	[dreg:$0x5] =	wrdreg $0x9  }
0xb2: {  	_ =	task.clear_ibuf [dreg:s6], $0x6FFFF;
	_ =	strace $0x90000055  }
0xb3: {  	s29 =	simm.s32 $0x9;
	_ =	strace $0x80000057  }
0xb4: {  	_ =	swait.ge [sflag:s29], $0x1  }
0xb5: {  	[sflag:s29] =	ssyncadd.s32 $0xFFFFFFFF  }
0xb6: {  	_ =	strace $0x90000057  }
0xb7: {  	_ =	sfence  }
0xb8: {  	s30 =	sld [smem:$0x0];
	_ =	sdelay $0x2  }
0xb9: {  	s31 =	sshll.u32 s1, $0xD;
	s1 =	sshrl.u32 s1, $0x2  }
0xba: {  	s3 =	sand.u32 $0x4000, s31;
	s1 =	sadd.s32 s1, s30  }
0xbb: {  	s0 =	sor.u32 s3, s0;
	s1 =	sshll.u32 s1, $0x11  }
0xbc: {  	s0 =	sor.u32 s1, s0  }
0xbd: {  	s0 =	sadd.s32 $0x8F2B, s0  }
0xbe: {  	[sflag:s0] =	ssyncadd.remote.s32 $0x1  }
0xbf: {  	_ =	sfence.sel $0xFFFF  }
0xc0: {  	[dreg:$0x0] =	wrdreg $0xFFFFFFFF;
	(pc) =	sbr.abs _section_cstart, $3  }
0xc1: {  	[dreg:$0x1] =	wrdreg $0xFFFFFFFF  }
0xc2: {  	_ =	task.clear_ibuf [dreg:s6], $0x2FFFF;
	_ =	strace $0x9FFFFFFF  }
0xc3: {  	(tm) =	ssettm $0x7FFFFFFF  }
tec
execute0_lowered:
.L_overlay_start_1:
0x0: {  	(tag) =	ssettag $0x1  }
0x1: {  	s0 =	rddreg [dreg:$0x0]  }
0x2: {  	s1 =	rddreg [dreg:$0x1];
	s16 =	stileid.u32  }
0x3: {  	s2 =	srdreg.scid;
	s3 =	smul.u32 $0x35, s16  }
0x4: {  	s7 =	rddreg [dreg:$0x2];
	s28 =	simm.s32 $0x2;
	s4 =	smul.u32 $0x69, s16  }
0x5: {  	s29 =	simm.s32 $0x3;
	s30 =	simm.s32 $0x4;
	s5 =	smul.u32 $0x13C00, s16  }
0x6: {  	s31 =	simm.s32 $0x0;
	s2 =	sand.u32 $0x1, s2;
	s25 =	smul.u32 $0x4F000, s16  }
0x7: {  	s13 =	sadd.s32 $0xEA00, s0;
	s14 =	sshrl.u32 s16, $0x3;
	s6 =	smul.u32 $0x13C000, s2  }
0x8: {  	p0 =	seq.s32 s2, $0x0;
	s2 =	ssub.s32 $0x2, s2;
	s14 =	smul.u32 $0x69000, s14  }
0x9: {  	s8 =	sadd.s32 $0x690, s3;
	s3 =	simm.s32 $0x0;
	s11 =	sshrl.u32 s5, $0x3  }
0xa: {  	s26 =	sshrl.u32 s2, $0x1;
	s12 =	sshrl.u32 s25, $0x2;
	s8 =	smov.u32 @p0 s4  }
0xb: {  	[smem:$0x7FF] =	sst s3;
	s4 =	sadd.s32 $0x18800, s0;
	s5 =	sadd.s32 s5, s6  }
0xc: {  	s11 =	sadd.s32 s11, s0;
	s2 =	ssub.s32 s2, s26;
	s17 =	sadd.s32 s12, s1  }
0xd: {  	s12 =	sshll.u32 s16, $0x6;
	s16 =	sshll.u32 s16, $0x7;
	s18 =	sshrl.u32 s14, $0x2  }
0xe: {  	s9 =	sshll.u32 s8, $0x4;
	_ =	strace $0x80000056;
	s5 =	sshrl.u32 s5, $0x3  }
0xf: {  	s15 =	sadd.s32 $0xB4C00, s11;
	s6 =	sor.u32 $0x1C05, s12;
	s19 =	sshll.u32 s8, $0x7  }
0x10: {  	s20 =	sand.u32 $0x380, s16;
	s7 =	sadd.s32 s18, s7;
	s18 =	sshrl.u32 s17, $0x3  }
0x11: {  	s10 =	sadd.s32 s9, s0;
	s0 =	sadd.s32 s5, s0;
	[dreg:$0x4] =	wrdreg s15  }
0x12: {  	s15 =	simm.s32 $0x69;
	s7 =	sadd.s32 s20, s7;
	s9 =	sadd.s32 s13, s9  }
0x13: {  	s23 =	sshrl.u32 s19, $0x3;
	s20 =	simm.s32 $0x1;
	s15 =	simm.s32 @!p0 $0x35  }
0x14: {  	s21 =	sadd.s32 $0x4C00, s10;
	s10 =	sadd.s32 $0x400, s7;
	s11 =	sadd.s32 s13, s23  }
0x15: {  	s23 =	simm.s32 $0x200;
	[dreg:$0x5] =	wrdreg s21;
	s22 =	sshll.u32 s15, $0x7  }
0x16: {  	s11 =	sadd.s32 $0x10, s11;
	s25 =	sshll.u32 s15, $0xC;
	s15 =	smax.u32 s2, $0x1  }
0x17: {  	s2 =	sadd.s32 $0x30, s9;
	s21 =	simm.s32 $0x80;
	s24 =	sadd.s32 $0xFFFFFF80, s22  }
0x18: {  	s26 =	sand.u32 $0x7C000, s25;
	s25 =	simm.s32 $0x4200;
	s14 =	sadd.s32 s24, s19  }
0x19: {  	s12 =	sshll.u32 s24, $0x3;
	s16 =	sadd.s32 $0xFFFFE000, s26;
	s19 =	simm.s32 $0x5  }
0x1a: {  	s24 =	simm.s32 $0x100;
	s26 =	simm.s32 $0x180;
	s14 =	sshrl.u32 s14, $0x3  }
0x1b: {  	s12 =	sadd.s32 s12, s7;
	s13 =	sadd.s32 s13, s14;
	s14 =	sadd.s32 $0xDC400, s0  }
.LBB2_1:
0x1c: {  	s0 =	rddreg [dreg:$0x4]  }
0x1d: {  	[spmem:s18], [sflag:s6] =	dma.local [hbm:s0], $0x2780  }
0x1e: {  	_ =	swait.ge [sflag:s19], $0x2780  }
0x1f: {  	s22 =	sshrl.u32 s7, $0x3;
	[sflag:s19] =	ssyncset.done $0x0  }
0x20: {  	s8 =	simm.s32 $0x10;
	s5 =	rddreg [dreg:$0x5];
	[sflag:s19] =	ssyncadd.s32 $0xFFFFD880  }
0x21: {  	[spmem:s22@s21], [sflag:s6] =	dma.strided [hbm:s5@s8], $0x690, s20, $0x10   }
0x22: {  	_ =	swait.ge [sflag:s19], $0x690  }
0x23: {  	[sflag:s19] =	ssyncset.done $0x0  }
0x24: {  	[sflag:s19] =	ssyncadd.s32 $0xFFFFF970  }
0x25: {  	[bflag:$0x0] =	sbarrier.arrive $0xFFFF  }
0x26: {  	[tilespmem:s3], [sflag:$0x5] =	stream.linear.gather [spmem:s7], $0x80, $0x38;
	[tilespmem:$0x1F280] =	vst v63  }
0x27: {  	_ =	swait.ge [sflag:s19], $0x80  }
0x28: {  	[sflag:s19] =	ssyncset.done $0x0  }
0x29: {  	[sflag:s19] =	ssyncadd.s32 $0xFFFFFF80  }
0x2a: {  	[tilespmem:s23], [sflag:$0x1] =	stream.indirect.gather [hbm4b:s4+s21], $0x80, s3, s21, $0xb8;
	[tilespmem:$0x1F280] =	vst v63  }
0x2b: {  	_ = 	snop  }
0x2c: {  	[tilespmem:s21], [sflag:$0x5] =	stream.linear.gather [hbm4b:s9+s3], $0x80, $0x38;
	[tilespmem:$0x1F280] =	vst v63  }
0x2d: {  	_ =	swait.ge [sflag:s19], $0x80  }
0x2e: {  	[sflag:s19] =	ssyncset.done $0x0  }
0x2f: {  	[sflag:s19] =	ssyncadd.s32 $0xFFFFFF80  }
0x30: {  	_ =	swait.ge [sflag:s20], $0x4000  }
0x31: {  	[sflag:s20] =	ssyncset.done $0x0  }
0x32: {  	[sflag:s20] =	ssyncadd.s32 $0xFFFFC000  }
0x33: {  	[spmem:s1] =	stream.indirect.scatter.add.f32 [tilespmem:s23], [sflag:$0x3], $0x80, s21, s21, $0xb8;
	[tilespmem:$0x1F280] =	vst v63  }
0x34: {  	_ = 	snop  }
0x35: {  	[tilespmem:s24], [sflag:$0x5] =	stream.linear.gather [spmem:s10], $0x80, $0x38;
	[tilespmem:$0x1F280] =	vst v63  }
0x36: {  	_ =	swait.ge [sflag:s19], $0x80  }
0x37: {  	[sflag:s19] =	ssyncset.done $0x0  }
0x38: {  	[sflag:s19] =	ssyncadd.s32 $0xFFFFFF80  }
0x39: {  	[tilespmem:s25], [sflag:$0x2] =	stream.indirect.gather [hbm4b:s4+s21], $0x80, s24, s21, $0xb8;
	[tilespmem:$0x1F280] =	vst v63  }
0x3a: {  	_ = 	snop  }
0x3b: {  	[tilespmem:s26], [sflag:$0x5] =	stream.linear.gather [hbm4b:s11+s3], $0x80, $0x38;
	[tilespmem:$0x1F280] =	vst v63  }
0x3c: {  	_ =	swait.ge [sflag:s19], $0x80  }
0x3d: {  	p1 =	sne.s32 s16, $0x2000;
	[sflag:s19] =	ssyncset.done $0x0  }
.Ltmp0:
0x3e: {  	[sflag:s19] =	ssyncadd.s32 $0xFFFFFF80;
	(pc) =	sbr.rel @!p1 .LBB2_4-.Ltmp0, $4  }
0x3f: {  	_ =	swait.ge [sflag:s28], $0x4000  }
0x40: {  	p0 =	por $0x0, $0x0;
	[sflag:s28] =	ssyncset.done $0x0  }
0x41: {  	s17 =	smov.u32 s2;
	s22 =	simm.s32 $0x0;
	[sflag:s28] =	ssyncadd.s32 $0xFFFFC000  }
0x42: {  	[spmem:s1] =	stream.indirect.scatter.add.f32 [tilespmem:s25], [sflag:$0x4], $0x80, s26, s21, $0xb8;
	[tilespmem:$0x1F280] =	vst v63  }
0x43: {  	s0 =	sadd.s32 $0x0, s7  }
0x44: {  	s17 =	sadd.s32 $0x800, s0  }
0x45: {  	[tilespmem:s3], [sflag:$0x5] =	stream.linear.gather [spmem:s17], $0x80, $0x38;
	[tilespmem:$0x1F280] =	vst v63  }
0x46: {  	_ =	swait.ge [sflag:s19], $0x80  }
0x47: {  	[sflag:s19] =	ssyncset.done $0x0  }
0x48: {  	[sflag:s19] =	ssyncadd.s32 $0xFFFFFF80  }
0x49: {  	_ =	swait.ge [sflag:s29], $0x4000  }
0x4a: {  	[sflag:s29] =	ssyncset.done $0x0  }
0x4b: {  	[sflag:s29] =	ssyncadd.s32 $0xFFFFC000  }
0x4c: {  	[tilespmem:s23], [sflag:$0x1] =	stream.indirect.gather [hbm4b:s4+s21], $0x80, s3, s21, $0xb8;
	[tilespmem:$0x1F280] =	vst v63  }
0x4d: {  	s22 =	sadd.s32 $0xFFFFFFF0, s2  }
0x4e: {  	[tilespmem:s21], [sflag:$0x5] =	stream.linear.gather [hbm4b:s22+s3], $0x80, $0x38;
	[tilespmem:$0x1F280] =	vst v63  }
0x4f: {  	_ =	swait.ge [sflag:s19], $0x80  }
0x50: {  	[sflag:s19] =	ssyncset.done $0x0  }
0x51: {  	[sflag:s19] =	ssyncadd.s32 $0xFFFFFF80  }
0x52: {  	_ =	swait.ge [sflag:s20], $0x4000  }
0x53: {  	[sflag:s20] =	ssyncset.done $0x0  }
0x54: {  	[sflag:s20] =	ssyncadd.s32 $0xFFFFC000  }
0x55: {  	[spmem:s1] =	stream.indirect.scatter.add.f32 [tilespmem:s23], [sflag:$0x3], $0x80, s21, s21, $0xb8;
	[tilespmem:$0x1F280] =	vst v63  }
0x56: {  	s0 =	sadd.s32 $0xC00, s0  }
0x57: {  	[tilespmem:s24], [sflag:$0x5] =	stream.linear.gather [spmem:s0], $0x80, $0x38;
	[tilespmem:$0x1F280] =	vst v63  }
0x58: {  	_ =	swait.ge [sflag:s19], $0x80  }
0x59: {  	[sflag:s19] =	ssyncset.done $0x0  }
0x5a: {  	[sflag:s19] =	ssyncadd.s32 $0xFFFFFF80  }
0x5b: {  	_ =	swait.ge [sflag:s30], $0x4000  }
0x5c: {  	[sflag:s30] =	ssyncset.done $0x0  }
0x5d: {  	[sflag:s30] =	ssyncadd.s32 $0xFFFFC000  }
0x5e: {  	[tilespmem:s25], [sflag:$0x2] =	stream.indirect.gather [hbm4b:s4+s21], $0x80, s24, s21, $0xb8;
	[tilespmem:$0x1F280] =	vst v63  }
0x5f: {  	p1 =	sne.s32 s16, $0x4000  }
0x60: {  	[tilespmem:s26], [sflag:$0x5] =	stream.linear.gather [hbm4b:s2+s3], $0x80, $0x38;
	[tilespmem:$0x1F280] =	vst v63  }
.Ltmp1:
0x61: {  	_ =	swait.ge [sflag:s19], $0x80;
	(pc) =	sbr.rel @!p1 .LBB2_4-.Ltmp1, $4  }
0x62: {  	[sflag:s19] =	ssyncset.done $0x0  }
0x63: {  	[sflag:s19] =	ssyncadd.s32 $0xFFFFFF80  }
0x64: {  	p0 =	por $0x1, $0x1;
	s17 =	sadd.s32 $0x20, s2;
	_ =	swait.ge [sflag:s28], $0x4000  }
0x65: {  	s22 =	simm.s32 $0x800;
	s0 =	simm.s32 $0x4000;
	[sflag:s28] =	ssyncset.done $0x0  }
.LBB2_3:
0x66: {  	s5 =	sadd.s32 s22, s7  }
0x67: {  	[sflag:s28] =	ssyncadd.s32 $0xFFFFC000;
	s22 =	smov.u32 s0;
	s0 =	sadd.s32 $0x2000, s0  }
0x68: {  	[spmem:s1] =	stream.indirect.scatter.add.f32 [tilespmem:s25], [sflag:$0x4], $0x80, s26, s21, $0xb8;
	[tilespmem:$0x1F280] =	vst v63  }
0x69: {  	p1 =	sne.s32 s16, s0;
	s8 =	sadd.s32 $0x800, s5  }
0x6a: {  	[tilespmem:s3], [sflag:$0x5] =	stream.linear.gather [spmem:s8], $0x80, $0x38;
	[tilespmem:$0x1F280] =	vst v63  }
0x6b: {  	_ =	swait.ge [sflag:s19], $0x80  }
0x6c: {  	[sflag:s19] =	ssyncset.done $0x0  }
0x6d: {  	[sflag:s19] =	ssyncadd.s32 $0xFFFFFF80  }
0x6e: {  	_ =	swait.ge [sflag:s29], $0x4000  }
0x6f: {  	[sflag:s29] =	ssyncset.done $0x0  }
0x70: {  	[sflag:s29] =	ssyncadd.s32 $0xFFFFC000  }
0x71: {  	[tilespmem:s23], [sflag:$0x1] =	stream.indirect.gather [hbm4b:s4+s21], $0x80, s3, s21, $0xb8;
	[tilespmem:$0x1F280] =	vst v63  }
0x72: {  	s8 =	sadd.s32 $0xFFFFFFF0, s17  }
0x73: {  	[tilespmem:s21], [sflag:$0x5] =	stream.linear.gather [hbm4b:s8+s3], $0x80, $0x38;
	[tilespmem:$0x1F280] =	vst v63  }
0x74: {  	_ =	swait.ge [sflag:s19], $0x80  }
0x75: {  	[sflag:s19] =	ssyncset.done $0x0  }
0x76: {  	[sflag:s19] =	ssyncadd.s32 $0xFFFFFF80  }
0x77: {  	_ =	swait.ge [sflag:s20], $0x4000  }
0x78: {  	[sflag:s20] =	ssyncset.done $0x0  }
0x79: {  	[sflag:s20] =	ssyncadd.s32 $0xFFFFC000  }
0x7a: {  	[spmem:s1] =	stream.indirect.scatter.add.f32 [tilespmem:s23], [sflag:$0x3], $0x80, s21, s21, $0xb8;
	[tilespmem:$0x1F280] =	vst v63  }
0x7b: {  	s5 =	sadd.s32 $0xC00, s5  }
0x7c: {  	[tilespmem:s24], [sflag:$0x5] =	stream.linear.gather [spmem:s5], $0x80, $0x38;
	[tilespmem:$0x1F280] =	vst v63  }
0x7d: {  	_ =	swait.ge [sflag:s19], $0x80  }
0x7e: {  	[sflag:s19] =	ssyncset.done $0x0  }
0x7f: {  	[sflag:s19] =	ssyncadd.s32 $0xFFFFFF80  }
0x80: {  	_ =	swait.ge [sflag:s30], $0x4000  }
0x81: {  	[sflag:s30] =	ssyncset.done $0x0  }
0x82: {  	[sflag:s30] =	ssyncadd.s32 $0xFFFFC000  }
0x83: {  	[tilespmem:s25], [sflag:$0x2] =	stream.indirect.gather [hbm4b:s4+s21], $0x80, s24, s21, $0xb8;
	[tilespmem:$0x1F280] =	vst v63  }
0x84: {  	_ = 	snop  }
0x85: {  	[tilespmem:s26], [sflag:$0x5] =	stream.linear.gather [hbm4b:s17+s3], $0x80, $0x38;
	[tilespmem:$0x1F280] =	vst v63  }
.Ltmp2:
0x86: {  	_ =	swait.ge [sflag:s19], $0x80;
	(pc) =	sbr.rel @p1 .LBB2_3-.Ltmp2, $4  }
0x87: {  	[sflag:s19] =	ssyncset.done $0x0  }
0x88: {  	[sflag:s19] =	ssyncadd.s32 $0xFFFFFF80  }
0x89: {  	_ =	swait.ge [sflag:s28], $0x4000  }
0x8a: {  	s22 =	sshra.s32 s22, $0x2;
	s17 =	sadd.s32 $0x20, s17;
	[sflag:s28] =	ssyncset.done $0x0  }
.LBB2_4:
0x8b: {  	s0 =	sadd.s32 s22, s7;
	[sflag:s28] =	ssyncadd.s32 @p0 $0xFFFFC000  }
0x8c: {  	[spmem:s1] =	stream.indirect.scatter.add.f32 @p0 [tilespmem:s25], [sflag:$0x4], $0x80, s26, s21, $0xb8;
	[tilespmem:$0x1F280] =	vst v63  }
0x8d: {  	s5 =	sadd.s32 $0x800, s0  }
0x8e: {  	[tilespmem:s3], [sflag:$0x5] =	stream.linear.gather [spmem:s5], $0x80, $0x38;
	[tilespmem:$0x1F280] =	vst v63  }
0x8f: {  	_ =	swait.ge [sflag:s19], $0x80  }
0x90: {  	[sflag:s19] =	ssyncset.done $0x0  }
0x91: {  	[sflag:s19] =	ssyncadd.s32 $0xFFFFFF80  }
0x92: {  	_ =	swait.ge [sflag:s29], $0x4000  }
0x93: {  	[sflag:s29] =	ssyncset.done $0x0  }
0x94: {  	[sflag:s29] =	ssyncadd.s32 $0xFFFFC000  }
0x95: {  	[tilespmem:s23], [sflag:$0x1] =	stream.indirect.gather [hbm4b:s4+s21], $0x80, s3, s21, $0xb8;
	[tilespmem:$0x1F280] =	vst v63  }
0x96: {  	s22 =	sadd.s32 $0xFFFFFFF0, s17  }
0x97: {  	[tilespmem:s21], [sflag:$0x5] =	stream.linear.gather [hbm4b:s22+s3], $0x80, $0x38;
	[tilespmem:$0x1F280] =	vst v63  }
0x98: {  	_ =	swait.ge [sflag:s19], $0x80  }
0x99: {  	[sflag:s19] =	ssyncset.done $0x0  }
0x9a: {  	[sflag:s19] =	ssyncadd.s32 $0xFFFFFF80  }
0x9b: {  	_ =	swait.ge [sflag:s20], $0x4000  }
0x9c: {  	[sflag:s20] =	ssyncset.done $0x0  }
0x9d: {  	[sflag:s20] =	ssyncadd.s32 $0xFFFFC000  }
0x9e: {  	[spmem:s1] =	stream.indirect.scatter.add.f32 [tilespmem:s23], [sflag:$0x3], $0x80, s21, s21, $0xb8;
	[tilespmem:$0x1F280] =	vst v63  }
0x9f: {  	s0 =	sadd.s32 $0xC00, s0  }
0xa0: {  	[tilespmem:s24], [sflag:$0x5] =	stream.linear.gather [spmem:s0], $0x80, $0x38;
	[tilespmem:$0x1F280] =	vst v63  }
0xa1: {  	_ =	swait.ge [sflag:s19], $0x80  }
0xa2: {  	[sflag:s19] =	ssyncset.done $0x0  }
0xa3: {  	[sflag:s19] =	ssyncadd.s32 $0xFFFFFF80  }
0xa4: {  	_ =	swait.ge [sflag:s30], $0x4000  }
0xa5: {  	[sflag:s30] =	ssyncset.done $0x0  }
0xa6: {  	[sflag:s30] =	ssyncadd.s32 $0xFFFFC000  }
0xa7: {  	[tilespmem:s25], [sflag:$0x2] =	stream.indirect.gather [hbm4b:s4+s21], $0x80, s24, s21, $0xb8;
	[tilespmem:$0x1F280] =	vst v63  }
0xa8: {  	_ = 	snop  }
0xa9: {  	[tilespmem:s26], [sflag:$0x5] =	stream.linear.gather [hbm4b:s17+s3], $0x80, $0x38;
	[tilespmem:$0x1F280] =	vst v63  }
0xaa: {  	_ =	swait.ge [sflag:s19], $0x80  }
0xab: {  	[sflag:s19] =	ssyncset.done $0x0  }
0xac: {  	[sflag:s19] =	ssyncadd.s32 $0xFFFFFF80  }
0xad: {  	_ =	swait.ge [sflag:s28], $0x4000  }
0xae: {  	[sflag:s28] =	ssyncset.done $0x0  }
0xaf: {  	[sflag:s28] =	ssyncadd.s32 $0xFFFFC000  }
0xb0: {  	[spmem:s1] =	stream.indirect.scatter.add.f32 [tilespmem:s25], [sflag:$0x4], $0x80, s26, s21, $0xb8;
	[tilespmem:$0x1F280] =	vst v63  }
0xb1: {  	_ = 	snop  }
0xb2: {  	[tilespmem:s3], [sflag:$0x5] =	stream.linear.gather [spmem:s12], $0x80, $0x38;
	[tilespmem:$0x1F280] =	vst v63  }
0xb3: {  	_ =	swait.ge [sflag:s19], $0x80  }
0xb4: {  	[sflag:s19] =	ssyncset.done $0x0  }
0xb5: {  	[sflag:s19] =	ssyncadd.s32 $0xFFFFFF80  }
0xb6: {  	_ =	swait.ge [sflag:s29], $0x4000  }
0xb7: {  	[sflag:s29] =	ssyncset.done $0x0  }
0xb8: {  	[sflag:s29] =	ssyncadd.s32 $0xFFFFC000  }
0xb9: {  	[tilespmem:s23], [sflag:$0x1] =	stream.indirect.gather [hbm4b:s4+s21], $0x80, s3, s21, $0xb8;
	[tilespmem:$0x1F280] =	vst v63  }
0xba: {  	_ = 	snop  }
0xbb: {  	[tilespmem:s21], [sflag:$0x5] =	stream.linear.gather [hbm4b:s13+s3], $0x80, $0x38;
	[tilespmem:$0x1F280] =	vst v63  }
0xbc: {  	_ =	swait.ge [sflag:s19], $0x80  }
0xbd: {  	[sflag:s19] =	ssyncset.done $0x0  }
0xbe: {  	[sflag:s19] =	ssyncadd.s32 $0xFFFFFF80  }
0xbf: {  	_ =	swait.ge [sflag:s20], $0x4000  }
0xc0: {  	[sflag:s20] =	ssyncset.done $0x0  }
0xc1: {  	[sflag:s20] =	ssyncadd.s32 $0xFFFFC000  }
0xc2: {  	[spmem:s1] =	stream.indirect.scatter.add.f32 [tilespmem:s23], [sflag:$0x3], $0x80, s21, s21, $0xb8;
	[tilespmem:$0x1F280] =	vst v63  }
0xc3: {  	_ =	swait.ge [sflag:s29], $0x4000  }
0xc4: {  	[sflag:s29] =	ssyncset.done $0x0  }
0xc5: {  	[sflag:s29] =	ssyncadd.s32 $0xFFFFC000  }
0xc6: {  	_ =	swait.ge [sflag:s30], $0x4000  }
0xc7: {  	s31 =	sadd.s32 $0x1, s31;
	[sflag:s30] =	ssyncset.done $0x0  }
0xc8: {  	p0 =	sne.s32 s31, s15;
	[sflag:s30] =	ssyncadd.s32 $0xFFFFC000  }
.Ltmp3:
0xc9: {  	[bflag:$0x0] =	sbarrier.arrive $0xFFFF;
	(pc) =	sbr.rel @p0 .LBB2_1-.Ltmp3, $4  }
0xca: {  	[hbm:s14], [sflag:s6] =	dma.local [spmem:s18], $0x2780  }
0xcb: {  	_ =	swait.ge [sflag:s19], $0x2780  }
0xcc: {  	[sflag:s19] =	ssyncset.done $0x0  }
0xcd: {  	[sflag:s19] =	ssyncadd.s32 $0xFFFFD880  }
0xce: {  	_ =	sfence.sel $0x180000  }
0xcf: {  	[bflag:$0x0] =	sbarrier.arrive $0xFFFF  }
0xd0: {  	_ =	strace $0x90000056  }
0xd1: {  	s0 =	stileid.u32;
	[bflag:$0x2] =	sbarrier.arrive $0xFFFF  }
0xd2: {  	p0 =	sne.s32 s0, $0x0;
	s0 =	rddreg [dreg:$0x3]  }
0xd3: {  	s0 =	sadd.s32 @!p0 $0x100000, s0  }
0xd4: {  	[sflag:s0] =	ssyncadd.tile.s32 @!p0 $0x1;
	_ =	shalt  }
.Lfunc_end2:
_tile_overlayer_lowered:
.L_overlay_start_2:
0xd5: {  	(tag) =	ssettag $0x2  }
0xd6: {  	s0 =	rddreg [dreg:$0x0];
	s2 =	stileid.u32  }
0xd7: {  	s1 =	rddreg [dreg:$0x1];
	p0 =	sne.s32 s2, $0x0  }
0xd8: {  	s3 =	rddreg [dreg:$0x2];
	[bflag:$0x3] =	sbarrier.arrive $0xFFFF;
	s2 =	simm.s32 @!p0 $0x1C05  }
0xd9: {  	[timem:s3], [sflag:s2] =	dma.local @!p0 [hbm:s0], s1  }
0xda: {  	s0 =	simm.s32 @!p0 $0x5  }
0xdb: {  	_ =	swait.ge @!p0 [sflag:s0], s1  }
0xdc: {  	s1 =	ssub.s32 @!p0 $0x0, s1;
	[sflag:s0] =	ssyncset.done @!p0 $0x0  }
0xdd: {  	[sflag:s0] =	ssyncadd.s32 @!p0 s1  }
0xde: {  	[bflag:$0x3] =	sbarrier.arrive $0xFFFF  }
0xdf: {  	_ =	shalt  }

</sc_bundles>
